<compile_context>
chip_gen: v7x
topology: tpu7x:2x2x1
jax: 0.10.2.dev20260603
libtpu: 0.0.44.dev20260713+nightly
codegen_flags: <defaults>
</compile_context>

<pallas_src>
import functools

import jax
import jax.numpy as jnp
import numpy as np
from jax import lax
from jax.experimental import pallas as pl
from jax.experimental.pallas import tpu as pltpu
from jax.experimental.pallas import tpu_sc as plsc

B, DIM, H, W = 16, 2, 512, 512
HW = H * W
M = 500
MP = 512
CH = 128
NCH = MP // CH
L = 16

_LT_THRESH = np.float32(1.0 / 9.0)
_LIN_OFF = np.float32(0.5 / 9.0)

_mesh = plsc.VectorSubcoreMesh(core_axis_name="c", subcore_axis_name="s",
                               num_cores=1)


@functools.partial(
    pl.kernel,
    mesh=_mesh,
    compiler_params=pltpu.CompilerParams(skip_device_barrier=True),
    out_type=(jax.ShapeDtypeStruct((L,), jnp.float32),
              jax.ShapeDtypeStruct((L, 3 * L), jnp.float32)),
    scratch_types=[
        pltpu.VMEM((NCH, CH), jnp.int32),
        pltpu.VMEM((NCH, CH), jnp.int32),
        pltpu.VMEM((NCH, CH), jnp.int32),
        pltpu.VMEM((NCH, CH), jnp.float32),
        pltpu.VMEM((NCH, CH), jnp.float32),
        pltpu.VMEM((NCH, CH), jnp.float32),
        pltpu.VMEM((NCH, CH), jnp.float32),
        pltpu.VMEM((NCH, CH), jnp.float32),
        pltpu.VMEM((3 * L,), jnp.float32),
        pltpu.VMEM((L, 3 * L), jnp.float32),
        pltpu.VMEM((L,), jnp.float32),
        pltpu.SemaphoreType.DMA,
    ],
)
def _smooth_reg_loss_sc(feat_hbm, ind_hbm, tgt_hbm, msk_hbm, out_hbm, exch_hbm,
                        idx_v, a0_v, a1_v, p0_v, p1_v, t0_v, t1_v, mk_v,
                        part_v, all_v, out_v, sem):
    w = lax.axis_index("s")

    pltpu.sync_copy(ind_hbm.at[w], idx_v)
    pltpu.sync_copy(tgt_hbm.at[w, 0], t0_v)
    pltpu.sync_copy(tgt_hbm.at[w, 1], t1_v)
    pltpu.sync_copy(msk_hbm.at[w], mk_v)

    base0 = w * (DIM * HW)
    base1 = base0 + HW
    for r in range(NCH):
        for k in range(CH // L):
            sl = pl.ds(k * L, L)
            v = idx_v[r, sl]
            phys = ((v & -4096)
                    + ((v >> 7) & 3) * 1024
                    + ((v >> 9) & 7) * 128
                    + (v & 127))
            a0_v[r, sl] = phys + base0
            a1_v[r, sl] = phys + base1

    copies = []
    for r in range(NCH):
        copies.append(pltpu.async_copy(feat_hbm.at[a0_v.at[r]], p0_v.at[r], sem))
        copies.append(pltpu.async_copy(feat_hbm.at[a1_v.at[r]], p1_v.at[r], sem))
    for c in copies:
        c.wait()

    acc0 = jnp.zeros((L,), jnp.float32)
    acc1 = jnp.zeros((L,), jnp.float32)
    accn = jnp.zeros((L,), jnp.float32)
    for r in range(NCH):
        for k in range(CH // L):
            sl = pl.ds(k * L, L)
            mk = mk_v[r, sl]
            accn = accn + mk

            t0 = t0_v[r, sl]
            m0 = jnp.where(t0 == t0, mk, 0.0)
            d0 = jnp.abs(p0_v[r, sl] * m0 - t0 * m0)
            s0 = d0 * 3.0
            acc0 = acc0 + jnp.where(d0 <= _LT_THRESH, 0.5 * (s0 * s0),
                                    d0 - _LIN_OFF)

            t1 = t1_v[r, sl]
            m1 = jnp.where(t1 == t1, mk, 0.0)
            d1 = jnp.abs(p1_v[r, sl] * m1 - t1 * m1)
            s1 = d1 * 3.0
            acc1 = acc1 + jnp.where(d1 <= _LT_THRESH, 0.5 * (s1 * s1),
                                    d1 - _LIN_OFF)

    part_v[pl.ds(0, L)] = acc0
    part_v[pl.ds(L, L)] = acc1
    part_v[pl.ds(2 * L, L)] = accn
    pltpu.sync_copy(part_v, exch_hbm.at[w])
    plsc.subcore_barrier()

    @pl.when(w == 0)
    def _finalize():
        pltpu.sync_copy(exch_hbm, all_v)
        r0 = jnp.zeros((L,), jnp.float32)
        r1 = jnp.zeros((L,), jnp.float32)
        rn = jnp.zeros((L,), jnp.float32)
        for i in range(L):
            r0 = r0 + all_v[i, pl.ds(0, L)]
            r1 = r1 + all_v[i, pl.ds(L, L)]
            rn = rn + all_v[i, pl.ds(2 * L, L)]
        lane = lax.broadcasted_iota(jnp.int32, (L,), 0)
        dnums = lax.GatherDimensionNumbers(
            offset_dims=(), collapsed_slice_dims=(0,), start_index_map=(0,))

        def lane_sum(v):
            for s in (8, 4, 2, 1):
                perm = lax.gather(
                    v, (lane ^ s)[:, None], dnums, slice_sizes=(1,),
                    mode=lax.GatherScatterMode.PROMISE_IN_BOUNDS)
                v = v + perm
            return v

        denom = lane_sum(rn) + 1e-4
        l0 = lane_sum(r0) / denom
        l1 = lane_sum(r1) / denom
        out_v[...] = jnp.where(lane == 0, l0, jnp.where(lane == 1, l1, 0.0))
        pltpu.sync_copy(out_v, out_hbm)


def kernel(output, mask, ind, target, sin_loss):
    assert output.shape == (B, DIM, H, W)
    assert ind.shape == (B, M) and target.shape == (B, M, DIM)

    v6 = output.reshape(B, DIM, H // 8, 8, W // 128, 128)
    feat = jnp.transpose(v6, (0, 1, 2, 4, 3, 5)).reshape(B * DIM * HW)

    ind_p = jnp.pad(ind.astype(jnp.int32), ((0, 0), (0, MP - M))
                    ).reshape(B, NCH, CH)
    msk_p = jnp.pad(mask.astype(jnp.float32), ((0, 0), (0, MP - M))
                    ).reshape(B, NCH, CH)
    tgt_p = jnp.pad(jnp.transpose(target, (0, 2, 1)),
                    ((0, 0), (0, 0), (0, MP - M))).reshape(B, DIM, NCH, CH)

    out16, _ = _smooth_reg_loss_sc(feat, ind_p, tgt_p, msk_p)
    scale = 1.0 - jnp.asarray(sin_loss, jnp.float32)
    return out16[:DIM] * scale

# --- scband reference (transcript-rebuilt; emitter-appended) ---
"""Pipeline reference for scband-center-net-smooth-reg-loss-45896020525956 (READ-ONLY COPY).

The authoritative reference and input builder live on the scoring server;
editing this copy changes nothing except your own understanding.
"""

import jax, jax.numpy as jnp
import numpy as np


def setup_inputs(seed: int = 0) -> dict:
    key = jax.random.key(seed)
    k1, k2, k3 = jax.random.split(key, 3)
    B, dim, H, W = 16, 2, 512, 512
    M = 500
    output = jax.random.normal(k1, (B, dim, H, W), dtype=jnp.float32)
    mask = jnp.ones((B, M), dtype=jnp.float32)
    ind = jax.random.randint(k2, (B, M), 0, H * W)
    target = jax.random.normal(k3, (B, M, dim), dtype=jnp.float32)
    return {"output": output, "mask": mask, "ind": ind, "target": target, "sin_loss": False}


def reference(output, mask, ind, target, sin_loss):
    B, dim, H, W = output.shape
    # _transpose_and_gather_feat: permute to (B, H, W, dim), flatten spatial, gather by ind
    feat = jnp.transpose(output, (0, 2, 3, 1)).reshape(B, H * W, dim)
    pred = jnp.take_along_axis(feat, ind[:, :, None], axis=1)  # (B, M, dim)
    # _smooth_reg_loss
    sigma = 3
    num = jnp.sum(mask.astype(jnp.float32))
    m = jnp.broadcast_to(mask[:, :, None].astype(jnp.float32), target.shape)
    isnotnan = (~jnp.isnan(target)).astype(jnp.float32)
    m = m * isnotnan
    regr = pred * m
    gt_regr = target * m
    abs_diff = jnp.abs(regr - gt_regr)
    abs_diff_lt_1 = (abs_diff <= 1.0 / sigma ** 2).astype(abs_diff.dtype)
    loss = abs_diff_lt_1 * 0.5 * jnp.power(abs_diff * sigma, 2) + (abs_diff - 0.5 / sigma ** 2) * (1.0 - abs_diff_lt_1)
    loss = jnp.transpose(loss, (2, 1, 0))  # torch .transpose(2, 0): (dim, M, B)
    loss = jnp.sum(loss, axis=2)
    loss = jnp.sum(loss, axis=1)
    loss = loss / (num + 0.0001)
    loss = loss * (1.0 - jnp.asarray(sin_loss, dtype=jnp.float32))
    return loss

if __name__ == "__main__":
    import jax
    _d = setup_inputs()
    print(jax.jit(kernel)(*tuple(_d.values())))

</pallas_src>

<mosaic_0001>
#map = affine_map<(d0, d1) -> (0)>
#map1 = affine_map<(d0, d1) -> (0, 0, 0)>
#map2 = affine_map<(d0, d1) -> (0, 0, 0, 0)>
#map3 = affine_map<(d0, d1) -> (0, 0)>
module attributes {stable_mosaic.version = 14 : i64} {
  func.func @_smooth_reg_loss_sc(%arg0: i32, %arg1: i32, %arg2: memref<8388608xf32, #tpu.memory_space<hbm>>, %arg3: memref<16x4x128xi32, #tpu.memory_space<hbm>>, %arg4: memref<16x2x4x128xf32, #tpu.memory_space<hbm>>, %arg5: memref<16x4x128xf32, #tpu.memory_space<hbm>>, %arg6: memref<16xf32, #tpu.memory_space<hbm>>, %arg7: memref<16x48xf32, #tpu.memory_space<hbm>>, %arg8: memref<4x128xi32, #tpu.memory_space<vmem>>, %arg9: memref<4x128xi32, #tpu.memory_space<vmem>>, %arg10: memref<4x128xi32, #tpu.memory_space<vmem>>, %arg11: memref<4x128xf32, #tpu.memory_space<vmem>>, %arg12: memref<4x128xf32, #tpu.memory_space<vmem>>, %arg13: memref<4x128xf32, #tpu.memory_space<vmem>>, %arg14: memref<4x128xf32, #tpu.memory_space<vmem>>, %arg15: memref<4x128xf32, #tpu.memory_space<vmem>>, %arg16: memref<48xf32, #tpu.memory_space<vmem>>, %arg17: memref<16x48xf32, #tpu.memory_space<vmem>>, %arg18: memref<16xf32, #tpu.memory_space<vmem>>, %arg19: memref<!tpu.dma_semaphore, #tpu.memory_space<semaphore_mem>>) attributes {dimension_semantics = [#tpu.dimension_semantics<core_parallel>, #tpu.dimension_semantics<subcore_parallel>], iteration_bounds = array<i64: 1, 16>, scalar_prefetch = 0 : i64, scratch_operands = 12 : i64, tpu.core_type = #tpu.core_type<sc_vector_subcore>, window_params = [{transform_indices = #map}, {transform_indices = #map1}, {transform_indices = #map2}, {transform_indices = #map1}, {transform_indices = #map}, {transform_indices = #map3}]} {
    "tpu.region"() ({
      %run_scoped3A_4011 = tpu.sem_alloc : memref<!tpu.dma_semaphore, #tpu.memory_space<semaphore_mem>>
      %dma_start3A_4012 = arith.constant 0 : i32
      %dma_start3A_4013 = arith.constant 0 : i32
      %dma_start3A_4014 = tpu.memref_slice %arg3[%arg1, %dma_start3A_4012, %dma_start3A_4013] : memref<16x4x128xi32, #tpu.memory_space<hbm>> -> memref<1x4x128xi32, #tpu.memory_space<hbm>>
      %dma_start3A_4015 = tpu.memref_squeeze %dma_start3A_4014 : memref<1x4x128xi32, #tpu.memory_space<hbm>> -> memref<4x128xi32, #tpu.memory_space<hbm>>
      %dma_start3A_4016 = arith.constant 0 : i32
      %dma_start3A_4017 = arith.constant 0 : i32
      %dma_start3A_4018 = tpu.memref_slice %arg3[%arg1, %dma_start3A_4016, %dma_start3A_4017] : memref<16x4x128xi32, #tpu.memory_space<hbm>> -> memref<1x4x128xi32, #tpu.memory_space<hbm>>
      %dma_start3A_4019 = tpu.memref_squeeze %dma_start3A_4018 : memref<1x4x128xi32, #tpu.memory_space<hbm>> -> memref<4x128xi32, #tpu.memory_space<hbm>>
      tpu.enqueue_dma source(%dma_start3A_4019 : memref<4x128xi32, #tpu.memory_space<hbm>>) target(%arg8 : memref<4x128xi32, #tpu.memory_space<vmem>>) target_semaphore(%run_scoped3A_4011 : memref<!tpu.dma_semaphore, #tpu.memory_space<semaphore_mem>>)
      %dma_wait3A_4020 = arith.constant 0 : i32
      %dma_wait3A_4021 = arith.constant 0 : i32
      %dma_wait3A_4022 = tpu.memref_slice %arg3[%arg1, %dma_wait3A_4020, %dma_wait3A_4021] : memref<16x4x128xi32, #tpu.memory_space<hbm>> -> memref<1x4x128xi32, #tpu.memory_space<hbm>>
      %dma_wait3A_4023 = tpu.memref_squeeze %dma_wait3A_4022 : memref<1x4x128xi32, #tpu.memory_space<hbm>> -> memref<4x128xi32, #tpu.memory_space<hbm>>
      %dma_wait3A_4024 = arith.constant 0 : i32
      %dma_wait3A_4025 = arith.constant 0 : i32
      %dma_wait3A_4026 = tpu.memref_slice %arg3[%arg1, %dma_wait3A_4024, %dma_wait3A_4025] : memref<16x4x128xi32, #tpu.memory_space<hbm>> -> memref<1x4x128xi32, #tpu.memory_space<hbm>>
      %dma_wait3A_4027 = tpu.memref_squeeze %dma_wait3A_4026 : memref<1x4x128xi32, #tpu.memory_space<hbm>> -> memref<4x128xi32, #tpu.memory_space<hbm>>
      tpu.wait_dma2 semaphore(%run_scoped3A_4011 : memref<!tpu.dma_semaphore, #tpu.memory_space<semaphore_mem>>) src(%dma_wait3A_4027 : memref<4x128xi32, #tpu.memory_space<hbm>>) dst(%arg8 : memref<4x128xi32, #tpu.memory_space<vmem>>)
      tpu.yield
    }) : () -> ()
    %run_scoped3A = arith.constant 0 : i32
    "tpu.region"() ({
      %run_scoped3A_4011 = tpu.sem_alloc : memref<!tpu.dma_semaphore, #tpu.memory_space<semaphore_mem>>
      %dma_start3A_4012 = arith.constant 0 : i32
      %dma_start3A_4013 = arith.constant 0 : i32
      %dma_start3A_4014 = tpu.memref_slice %arg4[%arg1, %run_scoped3A, %dma_start3A_4012, %dma_start3A_4013] : memref<16x2x4x128xf32, #tpu.memory_space<hbm>> -> memref<1x1x4x128xf32, #tpu.memory_space<hbm>>
      %dma_start3A_4015 = tpu.memref_squeeze %dma_start3A_4014 : memref<1x1x4x128xf32, #tpu.memory_space<hbm>> -> memref<4x128xf32, #tpu.memory_space<hbm>>
      %dma_start3A_4016 = arith.constant 0 : i32
      %dma_start3A_4017 = arith.constant 0 : i32
      %dma_start3A_4018 = tpu.memref_slice %arg4[%arg1, %run_scoped3A, %dma_start3A_4016, %dma_start3A_4017] : memref<16x2x4x128xf32, #tpu.memory_space<hbm>> -> memref<1x1x4x128xf32, #tpu.memory_space<hbm>>
      %dma_start3A_4019 = tpu.memref_squeeze %dma_start3A_4018 : memref<1x1x4x128xf32, #tpu.memory_space<hbm>> -> memref<4x128xf32, #tpu.memory_space<hbm>>
      tpu.enqueue_dma source(%dma_start3A_4019 : memref<4x128xf32, #tpu.memory_space<hbm>>) target(%arg13 : memref<4x128xf32, #tpu.memory_space<vmem>>) target_semaphore(%run_scoped3A_4011 : memref<!tpu.dma_semaphore, #tpu.memory_space<semaphore_mem>>)
      %dma_wait3A_4020 = arith.constant 0 : i32
      %dma_wait3A_4021 = arith.constant 0 : i32
      %dma_wait3A_4022 = tpu.memref_slice %arg4[%arg1, %run_scoped3A, %dma_wait3A_4020, %dma_wait3A_4021] : memref<16x2x4x128xf32, #tpu.memory_space<hbm>> -> memref<1x1x4x128xf32, #tpu.memory_space<hbm>>
      %dma_wait3A_4023 = tpu.memref_squeeze %dma_wait3A_4022 : memref<1x1x4x128xf32, #tpu.memory_space<hbm>> -> memref<4x128xf32, #tpu.memory_space<hbm>>
      %dma_wait3A_4024 = arith.constant 0 : i32
      %dma_wait3A_4025 = arith.constant 0 : i32
      %dma_wait3A_4026 = tpu.memref_slice %arg4[%arg1, %run_scoped3A, %dma_wait3A_4024, %dma_wait3A_4025] : memref<16x2x4x128xf32, #tpu.memory_space<hbm>> -> memref<1x1x4x128xf32, #tpu.memory_space<hbm>>
      %dma_wait3A_4027 = tpu.memref_squeeze %dma_wait3A_4026 : memref<1x1x4x128xf32, #tpu.memory_space<hbm>> -> memref<4x128xf32, #tpu.memory_space<hbm>>
      tpu.wait_dma2 semaphore(%run_scoped3A_4011 : memref<!tpu.dma_semaphore, #tpu.memory_space<semaphore_mem>>) src(%dma_wait3A_4027 : memref<4x128xf32, #tpu.memory_space<hbm>>) dst(%arg13 : memref<4x128xf32, #tpu.memory_space<vmem>>)
      tpu.yield
    }) : () -> ()
    %run_scoped3A_0 = arith.constant 1 : i32
    "tpu.region"() ({
      %run_scoped3A_4011 = tpu.sem_alloc : memref<!tpu.dma_semaphore, #tpu.memory_space<semaphore_mem>>
      %dma_start3A_4012 = arith.constant 0 : i32
      %dma_start3A_4013 = arith.constant 0 : i32
      %dma_start3A_4014 = tpu.memref_slice %arg4[%arg1, %run_scoped3A_0, %dma_start3A_4012, %dma_start3A_4013] : memref<16x2x4x128xf32, #tpu.memory_space<hbm>> -> memref<1x1x4x128xf32, #tpu.memory_space<hbm>>
      %dma_start3A_4015 = tpu.memref_squeeze %dma_start3A_4014 : memref<1x1x4x128xf32, #tpu.memory_space<hbm>> -> memref<4x128xf32, #tpu.memory_space<hbm>>
      %dma_start3A_4016 = arith.constant 0 : i32
      %dma_start3A_4017 = arith.constant 0 : i32
      %dma_start3A_4018 = tpu.memref_slice %arg4[%arg1, %run_scoped3A_0, %dma_start3A_4016, %dma_start3A_4017] : memref<16x2x4x128xf32, #tpu.memory_space<hbm>> -> memref<1x1x4x128xf32, #tpu.memory_space<hbm>>
      %dma_start3A_4019 = tpu.memref_squeeze %dma_start3A_4018 : memref<1x1x4x128xf32, #tpu.memory_space<hbm>> -> memref<4x128xf32, #tpu.memory_space<hbm>>
      tpu.enqueue_dma source(%dma_start3A_4019 : memref<4x128xf32, #tpu.memory_space<hbm>>) target(%arg14 : memref<4x128xf32, #tpu.memory_space<vmem>>) target_semaphore(%run_scoped3A_4011 : memref<!tpu.dma_semaphore, #tpu.memory_space<semaphore_mem>>)
      %dma_wait3A_4020 = arith.constant 0 : i32
      %dma_wait3A_4021 = arith.constant 0 : i32
      %dma_wait3A_4022 = tpu.memref_slice %arg4[%arg1, %run_scoped3A_0, %dma_wait3A_4020, %dma_wait3A_4021] : memref<16x2x4x128xf32, #tpu.memory_space<hbm>> -> memref<1x1x4x128xf32, #tpu.memory_space<hbm>>
      %dma_wait3A_4023 = tpu.memref_squeeze %dma_wait3A_4022 : memref<1x1x4x128xf32, #tpu.memory_space<hbm>> -> memref<4x128xf32, #tpu.memory_space<hbm>>
      %dma_wait3A_4024 = arith.constant 0 : i32
      %dma_wait3A_4025 = arith.constant 0 : i32
      %dma_wait3A_4026 = tpu.memref_slice %arg4[%arg1, %run_scoped3A_0, %dma_wait3A_4024, %dma_wait3A_4025] : memref<16x2x4x128xf32, #tpu.memory_space<hbm>> -> memref<1x1x4x128xf32, #tpu.memory_space<hbm>>
      %dma_wait3A_4027 = tpu.memref_squeeze %dma_wait3A_4026 : memref<1x1x4x128xf32, #tpu.memory_space<hbm>> -> memref<4x128xf32, #tpu.memory_space<hbm>>
      tpu.wait_dma2 semaphore(%run_scoped3A_4011 : memref<!tpu.dma_semaphore, #tpu.memory_space<semaphore_mem>>) src(%dma_wait3A_4027 : memref<4x128xf32, #tpu.memory_space<hbm>>) dst(%arg14 : memref<4x128xf32, #tpu.memory_space<vmem>>)
      tpu.yield
    }) : () -> ()
    "tpu.region"() ({
      %run_scoped3A_4011 = tpu.sem_alloc : memref<!tpu.dma_semaphore, #tpu.memory_space<semaphore_mem>>
      %dma_start3A_4012 = arith.constant 0 : i32
      %dma_start3A_4013 = arith.constant 0 : i32
      %dma_start3A_4014 = tpu.memref_slice %arg5[%arg1, %dma_start3A_4012, %dma_start3A_4013] : memref<16x4x128xf32, #tpu.memory_space<hbm>> -> memref<1x4x128xf32, #tpu.memory_space<hbm>>
      %dma_start3A_4015 = tpu.memref_squeeze %dma_start3A_4014 : memref<1x4x128xf32, #tpu.memory_space<hbm>> -> memref<4x128xf32, #tpu.memory_space<hbm>>
      %dma_start3A_4016 = arith.constant 0 : i32
      %dma_start3A_4017 = arith.constant 0 : i32
      %dma_start3A_4018 = tpu.memref_slice %arg5[%arg1, %dma_start3A_4016, %dma_start3A_4017] : memref<16x4x128xf32, #tpu.memory_space<hbm>> -> memref<1x4x128xf32, #tpu.memory_space<hbm>>
      %dma_start3A_4019 = tpu.memref_squeeze %dma_start3A_4018 : memref<1x4x128xf32, #tpu.memory_space<hbm>> -> memref<4x128xf32, #tpu.memory_space<hbm>>
      tpu.enqueue_dma source(%dma_start3A_4019 : memref<4x128xf32, #tpu.memory_space<hbm>>) target(%arg15 : memref<4x128xf32, #tpu.memory_space<vmem>>) target_semaphore(%run_scoped3A_4011 : memref<!tpu.dma_semaphore, #tpu.memory_space<semaphore_mem>>)
      %dma_wait3A_4020 = arith.constant 0 : i32
      %dma_wait3A_4021 = arith.constant 0 : i32
      %dma_wait3A_4022 = tpu.memref_slice %arg5[%arg1, %dma_wait3A_4020, %dma_wait3A_4021] : memref<16x4x128xf32, #tpu.memory_space<hbm>> -> memref<1x4x128xf32, #tpu.memory_space<hbm>>
      %dma_wait3A_4023 = tpu.memref_squeeze %dma_wait3A_4022 : memref<1x4x128xf32, #tpu.memory_space<hbm>> -> memref<4x128xf32, #tpu.memory_space<hbm>>
      %dma_wait3A_4024 = arith.constant 0 : i32
      %dma_wait3A_4025 = arith.constant 0 : i32
      %dma_wait3A_4026 = tpu.memref_slice %arg5[%arg1, %dma_wait3A_4024, %dma_wait3A_4025] : memref<16x4x128xf32, #tpu.memory_space<hbm>> -> memref<1x4x128xf32, #tpu.memory_space<hbm>>
      %dma_wait3A_4027 = tpu.memref_squeeze %dma_wait3A_4026 : memref<1x4x128xf32, #tpu.memory_space<hbm>> -> memref<4x128xf32, #tpu.memory_space<hbm>>
      tpu.wait_dma2 semaphore(%run_scoped3A_4011 : memref<!tpu.dma_semaphore, #tpu.memory_space<semaphore_mem>>) src(%dma_wait3A_4027 : memref<4x128xf32, #tpu.memory_space<hbm>>) dst(%arg15 : memref<4x128xf32, #tpu.memory_space<vmem>>)
      tpu.yield
    }) : () -> ()
    %mul3A = arith.constant 524288 : i32
    %mul3A_1 = arith.muli %arg1, %mul3A : i32
    %add3A = arith.constant 262144 : i32
    %add3A_2 = arith.addi %mul3A_1, %add3A : i32
    %get3A = arith.constant 0 : i32
    %get3A_3 = arith.index_cast %get3A : i32 to index
    %get3A_4 = arith.constant 0 : index
    %get3A_5 = tpu.vector_load %arg8[%get3A_3, %get3A_4] {strides = array<i32>} : memref<4x128xi32, #tpu.memory_space<vmem>>, vector<1x16xi32>,
    %get3A_6 = vector.shape_cast %get3A_5 : vector<1x16xi32> to vector<16xi32>
    %and3A = arith.constant -4096 : i32
    %and3A_7 = vector.broadcast %and3A : i32 to vector<16xi32>
    %and3A_8 = arith.andi %get3A_6, %and3A_7 : vector<16xi32>
    %shift_right_arithmetic3A = arith.constant 7 : i32
    %shift_right_arithmetic3A_9 = vector.broadcast %shift_right_arithmetic3A : i32 to vector<16xi32>
    %shift_right_arithmetic3A_10 = arith.shrsi %get3A_6, %shift_right_arithmetic3A_9 : vector<16xi32>
    %and3A_11 = arith.constant 3 : i32
    %and3A_12 = vector.broadcast %and3A_11 : i32 to vector<16xi32>
    %and3A_13 = arith.andi %shift_right_arithmetic3A_10, %and3A_12 : vector<16xi32>
    %mul3A_14 = arith.constant 1024 : i32
    %mul3A_15 = vector.broadcast %mul3A_14 : i32 to vector<16xi32>
    %mul3A_16 = arith.muli %and3A_13, %mul3A_15 : vector<16xi32>
    %add3A_17 = arith.addi %and3A_8, %mul3A_16 : vector<16xi32>
    %shift_right_arithmetic3A_18 = arith.constant 9 : i32
    %shift_right_arithmetic3A_19 = vector.broadcast %shift_right_arithmetic3A_18 : i32 to vector<16xi32>
    %shift_right_arithmetic3A_20 = arith.shrsi %get3A_6, %shift_right_arithmetic3A_19 : vector<16xi32>
    %and3A_21 = arith.constant 7 : i32
    %and3A_22 = vector.broadcast %and3A_21 : i32 to vector<16xi32>
    %and3A_23 = arith.andi %shift_right_arithmetic3A_20, %and3A_22 : vector<16xi32>
    %mul3A_24 = arith.constant 128 : i32
    %mul3A_25 = vector.broadcast %mul3A_24 : i32 to vector<16xi32>
    %mul3A_26 = arith.muli %and3A_23, %mul3A_25 : vector<16xi32>
    %add3A_27 = arith.addi %add3A_17, %mul3A_26 : vector<16xi32>
    %and3A_28 = arith.constant 127 : i32
    %and3A_29 = vector.broadcast %and3A_28 : i32 to vector<16xi32>
    %and3A_30 = arith.andi %get3A_6, %and3A_29 : vector<16xi32>
    %add3A_31 = arith.addi %add3A_27, %and3A_30 : vector<16xi32>
    %add3A_32 = vector.broadcast %mul3A_1 : i32 to vector<16xi32>
    %add3A_33 = arith.addi %add3A_31, %add3A_32 : vector<16xi32>
    %swap3A = arith.constant 0 : i32
    %swap3A_34 = arith.index_cast %swap3A : i32 to index
    %swap3A_35 = arith.constant 0 : index
    %swap3A_36 = tpu.vector_load %arg9[%swap3A_34, %swap3A_35] {strides = array<i32>} : memref<4x128xi32, #tpu.memory_space<vmem>>, vector<1x16xi32>,
    %swap3A_37 = vector.shape_cast %swap3A_36 : vector<1x16xi32> to vector<16xi32>
    %swap3A_38 = vector.shape_cast %add3A_33 : vector<16xi32> to vector<1x16xi32>
    tpu.vector_store %arg9[%swap3A_34, %swap3A_35], %swap3A_38 {strides = array<i32>} : memref<4x128xi32, #tpu.memory_space<vmem>>, vector<1x16xi32>,
    %add3A_39 = vector.broadcast %add3A_2 : i32 to vector<16xi32>
    %add3A_40 = arith.addi %add3A_31, %add3A_39 : vector<16xi32>
    %swap3A_41 = arith.constant 0 : i32
    %swap3A_42 = arith.index_cast %swap3A_41 : i32 to index
    %swap3A_43 = arith.constant 0 : index
    %swap3A_44 = tpu.vector_load %arg10[%swap3A_42, %swap3A_43] {strides = array<i32>} : memref<4x128xi32, #tpu.memory_space<vmem>>, vector<1x16xi32>,
    %swap3A_45 = vector.shape_cast %swap3A_44 : vector<1x16xi32> to vector<16xi32>
    %swap3A_46 = vector.shape_cast %add3A_40 : vector<16xi32> to vector<1x16xi32>
    tpu.vector_store %arg10[%swap3A_42, %swap3A_43], %swap3A_46 {strides = array<i32>} : memref<4x128xi32, #tpu.memory_space<vmem>>, vector<1x16xi32>,
    %get3A_47 = arith.constant 0 : i32
    %get3A_48 = arith.index_cast %get3A_47 : i32 to index
    %get3A_49 = arith.constant 16 : index
    %get3A_50 = tpu.vector_load %arg8[%get3A_48, %get3A_49] {strides = array<i32>} : memref<4x128xi32, #tpu.memory_space<vmem>>, vector<1x16xi32>,
    %get3A_51 = vector.shape_cast %get3A_50 : vector<1x16xi32> to vector<16xi32>
    %and3A_52 = arith.constant -4096 : i32
    %and3A_53 = vector.broadcast %and3A_52 : i32 to vector<16xi32>
    %and3A_54 = arith.andi %get3A_51, %and3A_53 : vector<16xi32>
    %shift_right_arithmetic3A_55 = arith.constant 7 : i32
    %shift_right_arithmetic3A_56 = vector.broadcast %shift_right_arithmetic3A_55 : i32 to vector<16xi32>
    %shift_right_arithmetic3A_57 = arith.shrsi %get3A_51, %shift_right_arithmetic3A_56 : vector<16xi32>
    %and3A_58 = arith.constant 3 : i32
    %and3A_59 = vector.broadcast %and3A_58 : i32 to vector<16xi32>
    %and3A_60 = arith.andi %shift_right_arithmetic3A_57, %and3A_59 : vector<16xi32>
    %mul3A_61 = arith.constant 1024 : i32
    %mul3A_62 = vector.broadcast %mul3A_61 : i32 to vector<16xi32>
    %mul3A_63 = arith.muli %and3A_60, %mul3A_62 : vector<16xi32>
    %add3A_64 = arith.addi %and3A_54, %mul3A_63 : vector<16xi32>
    %shift_right_arithmetic3A_65 = arith.constant 9 : i32
    %shift_right_arithmetic3A_66 = vector.broadcast %shift_right_arithmetic3A_65 : i32 to vector<16xi32>
    %shift_right_arithmetic3A_67 = arith.shrsi %get3A_51, %shift_right_arithmetic3A_66 : vector<16xi32>
    %and3A_68 = arith.constant 7 : i32
    %and3A_69 = vector.broadcast %and3A_68 : i32 to vector<16xi32>
    %and3A_70 = arith.andi %shift_right_arithmetic3A_67, %and3A_69 : vector<16xi32>
    %mul3A_71 = arith.constant 128 : i32
    %mul3A_72 = vector.broadcast %mul3A_71 : i32 to vector<16xi32>
    %mul3A_73 = arith.muli %and3A_70, %mul3A_72 : vector<16xi32>
    %add3A_74 = arith.addi %add3A_64, %mul3A_73 : vector<16xi32>
    %and3A_75 = arith.constant 127 : i32
    %and3A_76 = vector.broadcast %and3A_75 : i32 to vector<16xi32>
    %and3A_77 = arith.andi %get3A_51, %and3A_76 : vector<16xi32>
    %add3A_78 = arith.addi %add3A_74, %and3A_77 : vector<16xi32>
    %add3A_79 = vector.broadcast %mul3A_1 : i32 to vector<16xi32>
    %add3A_80 = arith.addi %add3A_78, %add3A_79 : vector<16xi32>
    %swap3A_81 = arith.constant 0 : i32
    %swap3A_82 = arith.index_cast %swap3A_81 : i32 to index
    %swap3A_83 = arith.constant 16 : index
    %swap3A_84 = tpu.vector_load %arg9[%swap3A_82, %swap3A_83] {strides = array<i32>} : memref<4x128xi32, #tpu.memory_space<vmem>>, vector<1x16xi32>,
    %swap3A_85 = vector.shape_cast %swap3A_84 : vector<1x16xi32> to vector<16xi32>
    %swap3A_86 = vector.shape_cast %add3A_80 : vector<16xi32> to vector<1x16xi32>
    tpu.vector_store %arg9[%swap3A_82, %swap3A_83], %swap3A_86 {strides = array<i32>} : memref<4x128xi32, #tpu.memory_space<vmem>>, vector<1x16xi32>,
    %add3A_87 = vector.broadcast %add3A_2 : i32 to vector<16xi32>
    %add3A_88 = arith.addi %add3A_78, %add3A_87 : vector<16xi32>
    %swap3A_89 = arith.constant 0 : i32
    %swap3A_90 = arith.index_cast %swap3A_89 : i32 to index
    %swap3A_91 = arith.constant 16 : index
    %swap3A_92 = tpu.vector_load %arg10[%swap3A_90, %swap3A_91] {strides = array<i32>} : memref<4x128xi32, #tpu.memory_space<vmem>>, vector<1x16xi32>,
    %swap3A_93 = vector.shape_cast %swap3A_92 : vector<1x16xi32> to vector<16xi32>
    %swap3A_94 = vector.shape_cast %add3A_88 : vector<16xi32> to vector<1x16xi32>
    tpu.vector_store %arg10[%swap3A_90, %swap3A_91], %swap3A_94 {strides = array<i32>} : memref<4x128xi32, #tpu.memory_space<vmem>>, vector<1x16xi32>,
    %get3A_95 = arith.constant 0 : i32
    %get3A_96 = arith.index_cast %get3A_95 : i32 to index
    %get3A_97 = arith.constant 32 : index
    %get3A_98 = tpu.vector_load %arg8[%get3A_96, %get3A_97] {strides = array<i32>} : memref<4x128xi32, #tpu.memory_space<vmem>>, vector<1x16xi32>,
    %get3A_99 = vector.shape_cast %get3A_98 : vector<1x16xi32> to vector<16xi32>
    %and3A_100 = arith.constant -4096 : i32
    %and3A_101 = vector.broadcast %and3A_100 : i32 to vector<16xi32>
    %and3A_102 = arith.andi %get3A_99, %and3A_101 : vector<16xi32>
    %shift_right_arithmetic3A_103 = arith.constant 7 : i32
    %shift_right_arithmetic3A_104 = vector.broadcast %shift_right_arithmetic3A_103 : i32 to vector<16xi32>
    %shift_right_arithmetic3A_105 = arith.shrsi %get3A_99, %shift_right_arithmetic3A_104 : vector<16xi32>
    %and3A_106 = arith.constant 3 : i32
    %and3A_107 = vector.broadcast %and3A_106 : i32 to vector<16xi32>
    %and3A_108 = arith.andi %shift_right_arithmetic3A_105, %and3A_107 : vector<16xi32>
    %mul3A_109 = arith.constant 1024 : i32
    %mul3A_110 = vector.broadcast %mul3A_109 : i32 to vector<16xi32>
    %mul3A_111 = arith.muli %and3A_108, %mul3A_110 : vector<16xi32>
    %add3A_112 = arith.addi %and3A_102, %mul3A_111 : vector<16xi32>
    %shift_right_arithmetic3A_113 = arith.constant 9 : i32
    %shift_right_arithmetic3A_114 = vector.broadcast %shift_right_arithmetic3A_113 : i32 to vector<16xi32>
    %shift_right_arithmetic3A_115 = arith.shrsi %get3A_99, %shift_right_arithmetic3A_114 : vector<16xi32>
    %and3A_116 = arith.constant 7 : i32
    %and3A_117 = vector.broadcast %and3A_116 : i32 to vector<16xi32>
    %and3A_118 = arith.andi %shift_right_arithmetic3A_115, %and3A_117 : vector<16xi32>
    %mul3A_119 = arith.constant 128 : i32
    %mul3A_120 = vector.broadcast %mul3A_119 : i32 to vector<16xi32>
    %mul3A_121 = arith.muli %and3A_118, %mul3A_120 : vector<16xi32>
    %add3A_122 = arith.addi %add3A_112, %mul3A_121 : vector<16xi32>
    %and3A_123 = arith.constant 127 : i32
    %and3A_124 = vector.broadcast %and3A_123 : i32 to vector<16xi32>
    %and3A_125 = arith.andi %get3A_99, %and3A_124 : vector<16xi32>
    %add3A_126 = arith.addi %add3A_122, %and3A_125 : vector<16xi32>
    %add3A_127 = vector.broadcast %mul3A_1 : i32 to vector<16xi32>
    %add3A_128 = arith.addi %add3A_126, %add3A_127 : vector<16xi32>
    %swap3A_129 = arith.constant 0 : i32
    %swap3A_130 = arith.index_cast %swap3A_129 : i32 to index
    %swap3A_131 = arith.constant 32 : index
    %swap3A_132 = tpu.vector_load %arg9[%swap3A_130, %swap3A_131] {strides = array<i32>} : memref<4x128xi32, #tpu.memory_space<vmem>>, vector<1x16xi32>,
    %swap3A_133 = vector.shape_cast %swap3A_132 : vector<1x16xi32> to vector<16xi32>
    %swap3A_134 = vector.shape_cast %add3A_128 : vector<16xi32> to vector<1x16xi32>
    tpu.vector_store %arg9[%swap3A_130, %swap3A_131], %swap3A_134 {strides = array<i32>} : memref<4x128xi32, #tpu.memory_space<vmem>>, vector<1x16xi32>,
    %add3A_135 = vector.broadcast %add3A_2 : i32 to vector<16xi32>
    %add3A_136 = arith.addi %add3A_126, %add3A_135 : vector<16xi32>
    %swap3A_137 = arith.constant 0 : i32
    %swap3A_138 = arith.index_cast %swap3A_137 : i32 to index
    %swap3A_139 = arith.constant 32 : index
    %swap3A_140 = tpu.vector_load %arg10[%swap3A_138, %swap3A_139] {strides = array<i32>} : memref<4x128xi32, #tpu.memory_space<vmem>>, vector<1x16xi32>,
    %swap3A_141 = vector.shape_cast %swap3A_140 : vector<1x16xi32> to vector<16xi32>
    %swap3A_142 = vector.shape_cast %add3A_136 : vector<16xi32> to vector<1x16xi32>
    tpu.vector_store %arg10[%swap3A_138, %swap3A_139], %swap3A_142 {strides = array<i32>} : memref<4x128xi32, #tpu.memory_space<vmem>>, vector<1x16xi32>,
    %get3A_143 = arith.constant 0 : i32
    %get3A_144 = arith.index_cast %get3A_143 : i32 to index
    %get3A_145 = arith.constant 48 : index
    %get3A_146 = tpu.vector_load %arg8[%get3A_144, %get3A_145] {strides = array<i32>} : memref<4x128xi32, #tpu.memory_space<vmem>>, vector<1x16xi32>,
    %get3A_147 = vector.shape_cast %get3A_146 : vector<1x16xi32> to vector<16xi32>
    %and3A_148 = arith.constant -4096 : i32
    %and3A_149 = vector.broadcast %and3A_148 : i32 to vector<16xi32>
    %and3A_150 = arith.andi %get3A_147, %and3A_149 : vector<16xi32>
    %shift_right_arithmetic3A_151 = arith.constant 7 : i32
    %shift_right_arithmetic3A_152 = vector.broadcast %shift_right_arithmetic3A_151 : i32 to vector<16xi32>
    %shift_right_arithmetic3A_153 = arith.shrsi %get3A_147, %shift_right_arithmetic3A_152 : vector<16xi32>
    %and3A_154 = arith.constant 3 : i32
    %and3A_155 = vector.broadcast %and3A_154 : i32 to vector<16xi32>
    %and3A_156 = arith.andi %shift_right_arithmetic3A_153, %and3A_155 : vector<16xi32>
    %mul3A_157 = arith.constant 1024 : i32
    %mul3A_158 = vector.broadcast %mul3A_157 : i32 to vector<16xi32>
    %mul3A_159 = arith.muli %and3A_156, %mul3A_158 : vector<16xi32>
    %add3A_160 = arith.addi %and3A_150, %mul3A_159 : vector<16xi32>
    %shift_right_arithmetic3A_161 = arith.constant 9 : i32
    %shift_right_arithmetic3A_162 = vector.broadcast %shift_right_arithmetic3A_161 : i32 to vector<16xi32>
    %shift_right_arithmetic3A_163 = arith.shrsi %get3A_147, %shift_right_arithmetic3A_162 : vector<16xi32>
    %and3A_164 = arith.constant 7 : i32
    %and3A_165 = vector.broadcast %and3A_164 : i32 to vector<16xi32>
    %and3A_166 = arith.andi %shift_right_arithmetic3A_163, %and3A_165 : vector<16xi32>
    %mul3A_167 = arith.constant 128 : i32
    %mul3A_168 = vector.broadcast %mul3A_167 : i32 to vector<16xi32>
    %mul3A_169 = arith.muli %and3A_166, %mul3A_168 : vector<16xi32>
    %add3A_170 = arith.addi %add3A_160, %mul3A_169 : vector<16xi32>
    %and3A_171 = arith.constant 127 : i32
    %and3A_172 = vector.broadcast %and3A_171 : i32 to vector<16xi32>
    %and3A_173 = arith.andi %get3A_147, %and3A_172 : vector<16xi32>
    %add3A_174 = arith.addi %add3A_170, %and3A_173 : vector<16xi32>
    %add3A_175 = vector.broadcast %mul3A_1 : i32 to vector<16xi32>
    %add3A_176 = arith.addi %add3A_174, %add3A_175 : vector<16xi32>
    %swap3A_177 = arith.constant 0 : i32
    %swap3A_178 = arith.index_cast %swap3A_177 : i32 to index
    %swap3A_179 = arith.constant 48 : index
    %swap3A_180 = tpu.vector_load %arg9[%swap3A_178, %swap3A_179] {strides = array<i32>} : memref<4x128xi32, #tpu.memory_space<vmem>>, vector<1x16xi32>,
    %swap3A_181 = vector.shape_cast %swap3A_180 : vector<1x16xi32> to vector<16xi32>
    %swap3A_182 = vector.shape_cast %add3A_176 : vector<16xi32> to vector<1x16xi32>
    tpu.vector_store %arg9[%swap3A_178, %swap3A_179], %swap3A_182 {strides = array<i32>} : memref<4x128xi32, #tpu.memory_space<vmem>>, vector<1x16xi32>,
    %add3A_183 = vector.broadcast %add3A_2 : i32 to vector<16xi32>
    %add3A_184 = arith.addi %add3A_174, %add3A_183 : vector<16xi32>
    %swap3A_185 = arith.constant 0 : i32
    %swap3A_186 = arith.index_cast %swap3A_185 : i32 to index
    %swap3A_187 = arith.constant 48 : index
    %swap3A_188 = tpu.vector_load %arg10[%swap3A_186, %swap3A_187] {strides = array<i32>} : memref<4x128xi32, #tpu.memory_space<vmem>>, vector<1x16xi32>,
    %swap3A_189 = vector.shape_cast %swap3A_188 : vector<1x16xi32> to vector<16xi32>
    %swap3A_190 = vector.shape_cast %add3A_184 : vector<16xi32> to vector<1x16xi32>
    tpu.vector_store %arg10[%swap3A_186, %swap3A_187], %swap3A_190 {strides = array<i32>} : memref<4x128xi32, #tpu.memory_space<vmem>>, vector<1x16xi32>,
    %get3A_191 = arith.constant 0 : i32
    %get3A_192 = arith.index_cast %get3A_191 : i32 to index
    %get3A_193 = arith.constant 64 : index
    %get3A_194 = tpu.vector_load %arg8[%get3A_192, %get3A_193] {strides = array<i32>} : memref<4x128xi32, #tpu.memory_space<vmem>>, vector<1x16xi32>,
    %get3A_195 = vector.shape_cast %get3A_194 : vector<1x16xi32> to vector<16xi32>
    %and3A_196 = arith.constant -4096 : i32
    %and3A_197 = vector.broadcast %and3A_196 : i32 to vector<16xi32>
    %and3A_198 = arith.andi %get3A_195, %and3A_197 : vector<16xi32>
    %shift_right_arithmetic3A_199 = arith.constant 7 : i32
    %shift_right_arithmetic3A_200 = vector.broadcast %shift_right_arithmetic3A_199 : i32 to vector<16xi32>
    %shift_right_arithmetic3A_201 = arith.shrsi %get3A_195, %shift_right_arithmetic3A_200 : vector<16xi32>
    %and3A_202 = arith.constant 3 : i32
    %and3A_203 = vector.broadcast %and3A_202 : i32 to vector<16xi32>
    %and3A_204 = arith.andi %shift_right_arithmetic3A_201, %and3A_203 : vector<16xi32>
    %mul3A_205 = arith.constant 1024 : i32
    %mul3A_206 = vector.broadcast %mul3A_205 : i32 to vector<16xi32>
    %mul3A_207 = arith.muli %and3A_204, %mul3A_206 : vector<16xi32>
    %add3A_208 = arith.addi %and3A_198, %mul3A_207 : vector<16xi32>
    %shift_right_arithmetic3A_209 = arith.constant 9 : i32
    %shift_right_arithmetic3A_210 = vector.broadcast %shift_right_arithmetic3A_209 : i32 to vector<16xi32>
    %shift_right_arithmetic3A_211 = arith.shrsi %get3A_195, %shift_right_arithmetic3A_210 : vector<16xi32>
    %and3A_212 = arith.constant 7 : i32
    %and3A_213 = vector.broadcast %and3A_212 : i32 to vector<16xi32>
    %and3A_214 = arith.andi %shift_right_arithmetic3A_211, %and3A_213 : vector<16xi32>
    %mul3A_215 = arith.constant 128 : i32
    %mul3A_216 = vector.broadcast %mul3A_215 : i32 to vector<16xi32>
    %mul3A_217 = arith.muli %and3A_214, %mul3A_216 : vector<16xi32>
    %add3A_218 = arith.addi %add3A_208, %mul3A_217 : vector<16xi32>
    %and3A_219 = arith.constant 127 : i32
    %and3A_220 = vector.broadcast %and3A_219 : i32 to vector<16xi32>
    %and3A_221 = arith.andi %get3A_195, %and3A_220 : vector<16xi32>
    %add3A_222 = arith.addi %add3A_218, %and3A_221 : vector<16xi32>
    %add3A_223 = vector.broadcast %mul3A_1 : i32 to vector<16xi32>
    %add3A_224 = arith.addi %add3A_222, %add3A_223 : vector<16xi32>
    %swap3A_225 = arith.constant 0 : i32
    %swap3A_226 = arith.index_cast %swap3A_225 : i32 to index
    %swap3A_227 = arith.constant 64 : index
    %swap3A_228 = tpu.vector_load %arg9[%swap3A_226, %swap3A_227] {strides = array<i32>} : memref<4x128xi32, #tpu.memory_space<vmem>>, vector<1x16xi32>,
    %swap3A_229 = vector.shape_cast %swap3A_228 : vector<1x16xi32> to vector<16xi32>
    %swap3A_230 = vector.shape_cast %add3A_224 : vector<16xi32> to vector<1x16xi32>
    tpu.vector_store %arg9[%swap3A_226, %swap3A_227], %swap3A_230 {strides = array<i32>} : memref<4x128xi32, #tpu.memory_space<vmem>>, vector<1x16xi32>,
    %add3A_231 = vector.broadcast %add3A_2 : i32 to vector<16xi32>
    %add3A_232 = arith.addi %add3A_222, %add3A_231 : vector<16xi32>
    %swap3A_233 = arith.constant 0 : i32
    %swap3A_234 = arith.index_cast %swap3A_233 : i32 to index
    %swap3A_235 = arith.constant 64 : index
    %swap3A_236 = tpu.vector_load %arg10[%swap3A_234, %swap3A_235] {strides = array<i32>} : memref<4x128xi32, #tpu.memory_space<vmem>>, vector<1x16xi32>,
    %swap3A_237 = vector.shape_cast %swap3A_236 : vector<1x16xi32> to vector<16xi32>
    %swap3A_238 = vector.shape_cast %add3A_232 : vector<16xi32> to vector<1x16xi32>
    tpu.vector_store %arg10[%swap3A_234, %swap3A_235], %swap3A_238 {strides = array<i32>} : memref<4x128xi32, #tpu.memory_space<vmem>>, vector<1x16xi32>,
    %get3A_239 = arith.constant 0 : i32
    %get3A_240 = arith.index_cast %get3A_239 : i32 to index
    %get3A_241 = arith.constant 80 : index
    %get3A_242 = tpu.vector_load %arg8[%get3A_240, %get3A_241] {strides = array<i32>} : memref<4x128xi32, #tpu.memory_space<vmem>>, vector<1x16xi32>,
    %get3A_243 = vector.shape_cast %get3A_242 : vector<1x16xi32> to vector<16xi32>
    %and3A_244 = arith.constant -4096 : i32
    %and3A_245 = vector.broadcast %and3A_244 : i32 to vector<16xi32>
    %and3A_246 = arith.andi %get3A_243, %and3A_245 : vector<16xi32>
    %shift_right_arithmetic3A_247 = arith.constant 7 : i32
    %shift_right_arithmetic3A_248 = vector.broadcast %shift_right_arithmetic3A_247 : i32 to vector<16xi32>
    %shift_right_arithmetic3A_249 = arith.shrsi %get3A_243, %shift_right_arithmetic3A_248 : vector<16xi32>
    %and3A_250 = arith.constant 3 : i32
    %and3A_251 = vector.broadcast %and3A_250 : i32 to vector<16xi32>
    %and3A_252 = arith.andi %shift_right_arithmetic3A_249, %and3A_251 : vector<16xi32>
    %mul3A_253 = arith.constant 1024 : i32
    %mul3A_254 = vector.broadcast %mul3A_253 : i32 to vector<16xi32>
    %mul3A_255 = arith.muli %and3A_252, %mul3A_254 : vector<16xi32>
    %add3A_256 = arith.addi %and3A_246, %mul3A_255 : vector<16xi32>
    %shift_right_arithmetic3A_257 = arith.constant 9 : i32
    %shift_right_arithmetic3A_258 = vector.broadcast %shift_right_arithmetic3A_257 : i32 to vector<16xi32>
    %shift_right_arithmetic3A_259 = arith.shrsi %get3A_243, %shift_right_arithmetic3A_258 : vector<16xi32>
    %and3A_260 = arith.constant 7 : i32
    %and3A_261 = vector.broadcast %and3A_260 : i32 to vector<16xi32>
    %and3A_262 = arith.andi %shift_right_arithmetic3A_259, %and3A_261 : vector<16xi32>
    %mul3A_263 = arith.constant 128 : i32
    %mul3A_264 = vector.broadcast %mul3A_263 : i32 to vector<16xi32>
    %mul3A_265 = arith.muli %and3A_262, %mul3A_264 : vector<16xi32>
    %add3A_266 = arith.addi %add3A_256, %mul3A_265 : vector<16xi32>
    %and3A_267 = arith.constant 127 : i32
    %and3A_268 = vector.broadcast %and3A_267 : i32 to vector<16xi32>
    %and3A_269 = arith.andi %get3A_243, %and3A_268 : vector<16xi32>
    %add3A_270 = arith.addi %add3A_266, %and3A_269 : vector<16xi32>
    %add3A_271 = vector.broadcast %mul3A_1 : i32 to vector<16xi32>
    %add3A_272 = arith.addi %add3A_270, %add3A_271 : vector<16xi32>
    %swap3A_273 = arith.constant 0 : i32
    %swap3A_274 = arith.index_cast %swap3A_273 : i32 to index
    %swap3A_275 = arith.constant 80 : index
    %swap3A_276 = tpu.vector_load %arg9[%swap3A_274, %swap3A_275] {strides = array<i32>} : memref<4x128xi32, #tpu.memory_space<vmem>>, vector<1x16xi32>,
    %swap3A_277 = vector.shape_cast %swap3A_276 : vector<1x16xi32> to vector<16xi32>
    %swap3A_278 = vector.shape_cast %add3A_272 : vector<16xi32> to vector<1x16xi32>
    tpu.vector_store %arg9[%swap3A_274, %swap3A_275], %swap3A_278 {strides = array<i32>} : memref<4x128xi32, #tpu.memory_space<vmem>>, vector<1x16xi32>,
    %add3A_279 = vector.broadcast %add3A_2 : i32 to vector<16xi32>
    %add3A_280 = arith.addi %add3A_270, %add3A_279 : vector<16xi32>
    %swap3A_281 = arith.constant 0 : i32
    %swap3A_282 = arith.index_cast %swap3A_281 : i32 to index
    %swap3A_283 = arith.constant 80 : index
    %swap3A_284 = tpu.vector_load %arg10[%swap3A_282, %swap3A_283] {strides = array<i32>} : memref<4x128xi32, #tpu.memory_space<vmem>>, vector<1x16xi32>,
    %swap3A_285 = vector.shape_cast %swap3A_284 : vector<1x16xi32> to vector<16xi32>
    %swap3A_286 = vector.shape_cast %add3A_280 : vector<16xi32> to vector<1x16xi32>
    tpu.vector_store %arg10[%swap3A_282, %swap3A_283], %swap3A_286 {strides = array<i32>} : memref<4x128xi32, #tpu.memory_space<vmem>>, vector<1x16xi32>,
    %get3A_287 = arith.constant 0 : i32
    %get3A_288 = arith.index_cast %get3A_287 : i32 to index
    %get3A_289 = arith.constant 96 : index
    %get3A_290 = tpu.vector_load %arg8[%get3A_288, %get3A_289] {strides = array<i32>} : memref<4x128xi32, #tpu.memory_space<vmem>>, vector<1x16xi32>,
    %get3A_291 = vector.shape_cast %get3A_290 : vector<1x16xi32> to vector<16xi32>
    %and3A_292 = arith.constant -4096 : i32
    %and3A_293 = vector.broadcast %and3A_292 : i32 to vector<16xi32>
    %and3A_294 = arith.andi %get3A_291, %and3A_293 : vector<16xi32>
    %shift_right_arithmetic3A_295 = arith.constant 7 : i32
    %shift_right_arithmetic3A_296 = vector.broadcast %shift_right_arithmetic3A_295 : i32 to vector<16xi32>
    %shift_right_arithmetic3A_297 = arith.shrsi %get3A_291, %shift_right_arithmetic3A_296 : vector<16xi32>
    %and3A_298 = arith.constant 3 : i32
    %and3A_299 = vector.broadcast %and3A_298 : i32 to vector<16xi32>
    %and3A_300 = arith.andi %shift_right_arithmetic3A_297, %and3A_299 : vector<16xi32>
    %mul3A_301 = arith.constant 1024 : i32
    %mul3A_302 = vector.broadcast %mul3A_301 : i32 to vector<16xi32>
    %mul3A_303 = arith.muli %and3A_300, %mul3A_302 : vector<16xi32>
    %add3A_304 = arith.addi %and3A_294, %mul3A_303 : vector<16xi32>
    %shift_right_arithmetic3A_305 = arith.constant 9 : i32
    %shift_right_arithmetic3A_306 = vector.broadcast %shift_right_arithmetic3A_305 : i32 to vector<16xi32>
    %shift_right_arithmetic3A_307 = arith.shrsi %get3A_291, %shift_right_arithmetic3A_306 : vector<16xi32>
    %and3A_308 = arith.constant 7 : i32
    %and3A_309 = vector.broadcast %and3A_308 : i32 to vector<16xi32>
    %and3A_310 = arith.andi %shift_right_arithmetic3A_307, %and3A_309 : vector<16xi32>
    %mul3A_311 = arith.constant 128 : i32
    %mul3A_312 = vector.broadcast %mul3A_311 : i32 to vector<16xi32>
    %mul3A_313 = arith.muli %and3A_310, %mul3A_312 : vector<16xi32>
    %add3A_314 = arith.addi %add3A_304, %mul3A_313 : vector<16xi32>
    %and3A_315 = arith.constant 127 : i32
    %and3A_316 = vector.broadcast %and3A_315 : i32 to vector<16xi32>
    %and3A_317 = arith.andi %get3A_291, %and3A_316 : vector<16xi32>
    %add3A_318 = arith.addi %add3A_314, %and3A_317 : vector<16xi32>
    %add3A_319 = vector.broadcast %mul3A_1 : i32 to vector<16xi32>
    %add3A_320 = arith.addi %add3A_318, %add3A_319 : vector<16xi32>
    %swap3A_321 = arith.constant 0 : i32
    %swap3A_322 = arith.index_cast %swap3A_321 : i32 to index
    %swap3A_323 = arith.constant 96 : index
    %swap3A_324 = tpu.vector_load %arg9[%swap3A_322, %swap3A_323] {strides = array<i32>} : memref<4x128xi32, #tpu.memory_space<vmem>>, vector<1x16xi32>,
    %swap3A_325 = vector.shape_cast %swap3A_324 : vector<1x16xi32> to vector<16xi32>
    %swap3A_326 = vector.shape_cast %add3A_320 : vector<16xi32> to vector<1x16xi32>
    tpu.vector_store %arg9[%swap3A_322, %swap3A_323], %swap3A_326 {strides = array<i32>} : memref<4x128xi32, #tpu.memory_space<vmem>>, vector<1x16xi32>,
    %add3A_327 = vector.broadcast %add3A_2 : i32 to vector<16xi32>
    %add3A_328 = arith.addi %add3A_318, %add3A_327 : vector<16xi32>
    %swap3A_329 = arith.constant 0 : i32
    %swap3A_330 = arith.index_cast %swap3A_329 : i32 to index
    %swap3A_331 = arith.constant 96 : index
    %swap3A_332 = tpu.vector_load %arg10[%swap3A_330, %swap3A_331] {strides = array<i32>} : memref<4x128xi32, #tpu.memory_space<vmem>>, vector<1x16xi32>,
    %swap3A_333 = vector.shape_cast %swap3A_332 : vector<1x16xi32> to vector<16xi32>
    %swap3A_334 = vector.shape_cast %add3A_328 : vector<16xi32> to vector<1x16xi32>
    tpu.vector_store %arg10[%swap3A_330, %swap3A_331], %swap3A_334 {strides = array<i32>} : memref<4x128xi32, #tpu.memory_space<vmem>>, vector<1x16xi32>,
    %get3A_335 = arith.constant 0 : i32
    %get3A_336 = arith.index_cast %get3A_335 : i32 to index
    %get3A_337 = arith.constant 112 : index
    %get3A_338 = tpu.vector_load %arg8[%get3A_336, %get3A_337] {strides = array<i32>} : memref<4x128xi32, #tpu.memory_space<vmem>>, vector<1x16xi32>,
    %get3A_339 = vector.shape_cast %get3A_338 : vector<1x16xi32> to vector<16xi32>
    %and3A_340 = arith.constant -4096 : i32
    %and3A_341 = vector.broadcast %and3A_340 : i32 to vector<16xi32>
    %and3A_342 = arith.andi %get3A_339, %and3A_341 : vector<16xi32>
    %shift_right_arithmetic3A_343 = arith.constant 7 : i32
    %shift_right_arithmetic3A_344 = vector.broadcast %shift_right_arithmetic3A_343 : i32 to vector<16xi32>
    %shift_right_arithmetic3A_345 = arith.shrsi %get3A_339, %shift_right_arithmetic3A_344 : vector<16xi32>
    %and3A_346 = arith.constant 3 : i32
    %and3A_347 = vector.broadcast %and3A_346 : i32 to vector<16xi32>
    %and3A_348 = arith.andi %shift_right_arithmetic3A_345, %and3A_347 : vector<16xi32>
    %mul3A_349 = arith.constant 1024 : i32
    %mul3A_350 = vector.broadcast %mul3A_349 : i32 to vector<16xi32>
    %mul3A_351 = arith.muli %and3A_348, %mul3A_350 : vector<16xi32>
    %add3A_352 = arith.addi %and3A_342, %mul3A_351 : vector<16xi32>
    %shift_right_arithmetic3A_353 = arith.constant 9 : i32
    %shift_right_arithmetic3A_354 = vector.broadcast %shift_right_arithmetic3A_353 : i32 to vector<16xi32>
    %shift_right_arithmetic3A_355 = arith.shrsi %get3A_339, %shift_right_arithmetic3A_354 : vector<16xi32>
    %and3A_356 = arith.constant 7 : i32
    %and3A_357 = vector.broadcast %and3A_356 : i32 to vector<16xi32>
    %and3A_358 = arith.andi %shift_right_arithmetic3A_355, %and3A_357 : vector<16xi32>
    %mul3A_359 = arith.constant 128 : i32
    %mul3A_360 = vector.broadcast %mul3A_359 : i32 to vector<16xi32>
    %mul3A_361 = arith.muli %and3A_358, %mul3A_360 : vector<16xi32>
    %add3A_362 = arith.addi %add3A_352, %mul3A_361 : vector<16xi32>
    %and3A_363 = arith.constant 127 : i32
    %and3A_364 = vector.broadcast %and3A_363 : i32 to vector<16xi32>
    %and3A_365 = arith.andi %get3A_339, %and3A_364 : vector<16xi32>
    %add3A_366 = arith.addi %add3A_362, %and3A_365 : vector<16xi32>
    %add3A_367 = vector.broadcast %mul3A_1 : i32 to vector<16xi32>
    %add3A_368 = arith.addi %add3A_366, %add3A_367 : vector<16xi32>
    %swap3A_369 = arith.constant 0 : i32
    %swap3A_370 = arith.index_cast %swap3A_369 : i32 to index
    %swap3A_371 = arith.constant 112 : index
    %swap3A_372 = tpu.vector_load %arg9[%swap3A_370, %swap3A_371] {strides = array<i32>} : memref<4x128xi32, #tpu.memory_space<vmem>>, vector<1x16xi32>,
    %swap3A_373 = vector.shape_cast %swap3A_372 : vector<1x16xi32> to vector<16xi32>
    %swap3A_374 = vector.shape_cast %add3A_368 : vector<16xi32> to vector<1x16xi32>
    tpu.vector_store %arg9[%swap3A_370, %swap3A_371], %swap3A_374 {strides = array<i32>} : memref<4x128xi32, #tpu.memory_space<vmem>>, vector<1x16xi32>,
    %add3A_375 = vector.broadcast %add3A_2 : i32 to vector<16xi32>
    %add3A_376 = arith.addi %add3A_366, %add3A_375 : vector<16xi32>
    %swap3A_377 = arith.constant 0 : i32
    %swap3A_378 = arith.index_cast %swap3A_377 : i32 to index
    %swap3A_379 = arith.constant 112 : index
    %swap3A_380 = tpu.vector_load %arg10[%swap3A_378, %swap3A_379] {strides = array<i32>} : memref<4x128xi32, #tpu.memory_space<vmem>>, vector<1x16xi32>,
    %swap3A_381 = vector.shape_cast %swap3A_380 : vector<1x16xi32> to vector<16xi32>
    %swap3A_382 = vector.shape_cast %add3A_376 : vector<16xi32> to vector<1x16xi32>
    tpu.vector_store %arg10[%swap3A_378, %swap3A_379], %swap3A_382 {strides = array<i32>} : memref<4x128xi32, #tpu.memory_space<vmem>>, vector<1x16xi32>,
    %get3A_383 = arith.constant 1 : i32
    %get3A_384 = arith.index_cast %get3A_383 : i32 to index
    %get3A_385 = arith.constant 0 : index
    %get3A_386 = tpu.vector_load %arg8[%get3A_384, %get3A_385] {strides = array<i32>} : memref<4x128xi32, #tpu.memory_space<vmem>>, vector<1x16xi32>,
    %get3A_387 = vector.shape_cast %get3A_386 : vector<1x16xi32> to vector<16xi32>
    %and3A_388 = arith.constant -4096 : i32
    %and3A_389 = vector.broadcast %and3A_388 : i32 to vector<16xi32>
    %and3A_390 = arith.andi %get3A_387, %and3A_389 : vector<16xi32>
    %shift_right_arithmetic3A_391 = arith.constant 7 : i32
    %shift_right_arithmetic3A_392 = vector.broadcast %shift_right_arithmetic3A_391 : i32 to vector<16xi32>
    %shift_right_arithmetic3A_393 = arith.shrsi %get3A_387, %shift_right_arithmetic3A_392 : vector<16xi32>
    %and3A_394 = arith.constant 3 : i32
    %and3A_395 = vector.broadcast %and3A_394 : i32 to vector<16xi32>
    %and3A_396 = arith.andi %shift_right_arithmetic3A_393, %and3A_395 : vector<16xi32>
    %mul3A_397 = arith.constant 1024 : i32
    %mul3A_398 = vector.broadcast %mul3A_397 : i32 to vector<16xi32>
    %mul3A_399 = arith.muli %and3A_396, %mul3A_398 : vector<16xi32>
    %add3A_400 = arith.addi %and3A_390, %mul3A_399 : vector<16xi32>
    %shift_right_arithmetic3A_401 = arith.constant 9 : i32
    %shift_right_arithmetic3A_402 = vector.broadcast %shift_right_arithmetic3A_401 : i32 to vector<16xi32>
    %shift_right_arithmetic3A_403 = arith.shrsi %get3A_387, %shift_right_arithmetic3A_402 : vector<16xi32>
    %and3A_404 = arith.constant 7 : i32
    %and3A_405 = vector.broadcast %and3A_404 : i32 to vector<16xi32>
    %and3A_406 = arith.andi %shift_right_arithmetic3A_403, %and3A_405 : vector<16xi32>
    %mul3A_407 = arith.constant 128 : i32
    %mul3A_408 = vector.broadcast %mul3A_407 : i32 to vector<16xi32>
    %mul3A_409 = arith.muli %and3A_406, %mul3A_408 : vector<16xi32>
    %add3A_410 = arith.addi %add3A_400, %mul3A_409 : vector<16xi32>
    %and3A_411 = arith.constant 127 : i32
    %and3A_412 = vector.broadcast %and3A_411 : i32 to vector<16xi32>
    %and3A_413 = arith.andi %get3A_387, %and3A_412 : vector<16xi32>
    %add3A_414 = arith.addi %add3A_410, %and3A_413 : vector<16xi32>
    %add3A_415 = vector.broadcast %mul3A_1 : i32 to vector<16xi32>
    %add3A_416 = arith.addi %add3A_414, %add3A_415 : vector<16xi32>
    %swap3A_417 = arith.constant 1 : i32
    %swap3A_418 = arith.index_cast %swap3A_417 : i32 to index
    %swap3A_419 = arith.constant 0 : index
    %swap3A_420 = tpu.vector_load %arg9[%swap3A_418, %swap3A_419] {strides = array<i32>} : memref<4x128xi32, #tpu.memory_space<vmem>>, vector<1x16xi32>,
    %swap3A_421 = vector.shape_cast %swap3A_420 : vector<1x16xi32> to vector<16xi32>
    %swap3A_422 = vector.shape_cast %add3A_416 : vector<16xi32> to vector<1x16xi32>
    tpu.vector_store %arg9[%swap3A_418, %swap3A_419], %swap3A_422 {strides = array<i32>} : memref<4x128xi32, #tpu.memory_space<vmem>>, vector<1x16xi32>,
    %add3A_423 = vector.broadcast %add3A_2 : i32 to vector<16xi32>
    %add3A_424 = arith.addi %add3A_414, %add3A_423 : vector<16xi32>
    %swap3A_425 = arith.constant 1 : i32
    %swap3A_426 = arith.index_cast %swap3A_425 : i32 to index
    %swap3A_427 = arith.constant 0 : index
    %swap3A_428 = tpu.vector_load %arg10[%swap3A_426, %swap3A_427] {strides = array<i32>} : memref<4x128xi32, #tpu.memory_space<vmem>>, vector<1x16xi32>,
    %swap3A_429 = vector.shape_cast %swap3A_428 : vector<1x16xi32> to vector<16xi32>
    %swap3A_430 = vector.shape_cast %add3A_424 : vector<16xi32> to vector<1x16xi32>
    tpu.vector_store %arg10[%swap3A_426, %swap3A_427], %swap3A_430 {strides = array<i32>} : memref<4x128xi32, #tpu.memory_space<vmem>>, vector<1x16xi32>,
    %get3A_431 = arith.constant 1 : i32
    %get3A_432 = arith.index_cast %get3A_431 : i32 to index
    %get3A_433 = arith.constant 16 : index
    %get3A_434 = tpu.vector_load %arg8[%get3A_432, %get3A_433] {strides = array<i32>} : memref<4x128xi32, #tpu.memory_space<vmem>>, vector<1x16xi32>,
    %get3A_435 = vector.shape_cast %get3A_434 : vector<1x16xi32> to vector<16xi32>
    %and3A_436 = arith.constant -4096 : i32
    %and3A_437 = vector.broadcast %and3A_436 : i32 to vector<16xi32>
    %and3A_438 = arith.andi %get3A_435, %and3A_437 : vector<16xi32>
    %shift_right_arithmetic3A_439 = arith.constant 7 : i32
    %shift_right_arithmetic3A_440 = vector.broadcast %shift_right_arithmetic3A_439 : i32 to vector<16xi32>
    %shift_right_arithmetic3A_441 = arith.shrsi %get3A_435, %shift_right_arithmetic3A_440 : vector<16xi32>
    %and3A_442 = arith.constant 3 : i32
    %and3A_443 = vector.broadcast %and3A_442 : i32 to vector<16xi32>
    %and3A_444 = arith.andi %shift_right_arithmetic3A_441, %and3A_443 : vector<16xi32>
    %mul3A_445 = arith.constant 1024 : i32
    %mul3A_446 = vector.broadcast %mul3A_445 : i32 to vector<16xi32>
    %mul3A_447 = arith.muli %and3A_444, %mul3A_446 : vector<16xi32>
    %add3A_448 = arith.addi %and3A_438, %mul3A_447 : vector<16xi32>
    %shift_right_arithmetic3A_449 = arith.constant 9 : i32
    %shift_right_arithmetic3A_450 = vector.broadcast %shift_right_arithmetic3A_449 : i32 to vector<16xi32>
    %shift_right_arithmetic3A_451 = arith.shrsi %get3A_435, %shift_right_arithmetic3A_450 : vector<16xi32>
    %and3A_452 = arith.constant 7 : i32
    %and3A_453 = vector.broadcast %and3A_452 : i32 to vector<16xi32>
    %and3A_454 = arith.andi %shift_right_arithmetic3A_451, %and3A_453 : vector<16xi32>
    %mul3A_455 = arith.constant 128 : i32
    %mul3A_456 = vector.broadcast %mul3A_455 : i32 to vector<16xi32>
    %mul3A_457 = arith.muli %and3A_454, %mul3A_456 : vector<16xi32>
    %add3A_458 = arith.addi %add3A_448, %mul3A_457 : vector<16xi32>
    %and3A_459 = arith.constant 127 : i32
    %and3A_460 = vector.broadcast %and3A_459 : i32 to vector<16xi32>
    %and3A_461 = arith.andi %get3A_435, %and3A_460 : vector<16xi32>
    %add3A_462 = arith.addi %add3A_458, %and3A_461 : vector<16xi32>
    %add3A_463 = vector.broadcast %mul3A_1 : i32 to vector<16xi32>
    %add3A_464 = arith.addi %add3A_462, %add3A_463 : vector<16xi32>
    %swap3A_465 = arith.constant 1 : i32
    %swap3A_466 = arith.index_cast %swap3A_465 : i32 to index
    %swap3A_467 = arith.constant 16 : index
    %swap3A_468 = tpu.vector_load %arg9[%swap3A_466, %swap3A_467] {strides = array<i32>} : memref<4x128xi32, #tpu.memory_space<vmem>>, vector<1x16xi32>,
    %swap3A_469 = vector.shape_cast %swap3A_468 : vector<1x16xi32> to vector<16xi32>
    %swap3A_470 = vector.shape_cast %add3A_464 : vector<16xi32> to vector<1x16xi32>
    tpu.vector_store %arg9[%swap3A_466, %swap3A_467], %swap3A_470 {strides = array<i32>} : memref<4x128xi32, #tpu.memory_space<vmem>>, vector<1x16xi32>,
    %add3A_471 = vector.broadcast %add3A_2 : i32 to vector<16xi32>
    %add3A_472 = arith.addi %add3A_462, %add3A_471 : vector<16xi32>
    %swap3A_473 = arith.constant 1 : i32
    %swap3A_474 = arith.index_cast %swap3A_473 : i32 to index
    %swap3A_475 = arith.constant 16 : index
    %swap3A_476 = tpu.vector_load %arg10[%swap3A_474, %swap3A_475] {strides = array<i32>} : memref<4x128xi32, #tpu.memory_space<vmem>>, vector<1x16xi32>,
    %swap3A_477 = vector.shape_cast %swap3A_476 : vector<1x16xi32> to vector<16xi32>
    %swap3A_478 = vector.shape_cast %add3A_472 : vector<16xi32> to vector<1x16xi32>
    tpu.vector_store %arg10[%swap3A_474, %swap3A_475], %swap3A_478 {strides = array<i32>} : memref<4x128xi32, #tpu.memory_space<vmem>>, vector<1x16xi32>,
    %get3A_479 = arith.constant 1 : i32
    %get3A_480 = arith.index_cast %get3A_479 : i32 to index
    %get3A_481 = arith.constant 32 : index
    %get3A_482 = tpu.vector_load %arg8[%get3A_480, %get3A_481] {strides = array<i32>} : memref<4x128xi32, #tpu.memory_space<vmem>>, vector<1x16xi32>,
    %get3A_483 = vector.shape_cast %get3A_482 : vector<1x16xi32> to vector<16xi32>
    %and3A_484 = arith.constant -4096 : i32
    %and3A_485 = vector.broadcast %and3A_484 : i32 to vector<16xi32>
    %and3A_486 = arith.andi %get3A_483, %and3A_485 : vector<16xi32>
    %shift_right_arithmetic3A_487 = arith.constant 7 : i32
    %shift_right_arithmetic3A_488 = vector.broadcast %shift_right_arithmetic3A_487 : i32 to vector<16xi32>
    %shift_right_arithmetic3A_489 = arith.shrsi %get3A_483, %shift_right_arithmetic3A_488 : vector<16xi32>
    %and3A_490 = arith.constant 3 : i32
    %and3A_491 = vector.broadcast %and3A_490 : i32 to vector<16xi32>
    %and3A_492 = arith.andi %shift_right_arithmetic3A_489, %and3A_491 : vector<16xi32>
    %mul3A_493 = arith.constant 1024 : i32
    %mul3A_494 = vector.broadcast %mul3A_493 : i32 to vector<16xi32>
    %mul3A_495 = arith.muli %and3A_492, %mul3A_494 : vector<16xi32>
    %add3A_496 = arith.addi %and3A_486, %mul3A_495 : vector<16xi32>
    %shift_right_arithmetic3A_497 = arith.constant 9 : i32
    %shift_right_arithmetic3A_498 = vector.broadcast %shift_right_arithmetic3A_497 : i32 to vector<16xi32>
    %shift_right_arithmetic3A_499 = arith.shrsi %get3A_483, %shift_right_arithmetic3A_498 : vector<16xi32>
    %and3A_500 = arith.constant 7 : i32
    %and3A_501 = vector.broadcast %and3A_500 : i32 to vector<16xi32>
    %and3A_502 = arith.andi %shift_right_arithmetic3A_499, %and3A_501 : vector<16xi32>
    %mul3A_503 = arith.constant 128 : i32
    %mul3A_504 = vector.broadcast %mul3A_503 : i32 to vector<16xi32>
    %mul3A_505 = arith.muli %and3A_502, %mul3A_504 : vector<16xi32>
    %add3A_506 = arith.addi %add3A_496, %mul3A_505 : vector<16xi32>
    %and3A_507 = arith.constant 127 : i32
    %and3A_508 = vector.broadcast %and3A_507 : i32 to vector<16xi32>
    %and3A_509 = arith.andi %get3A_483, %and3A_508 : vector<16xi32>
    %add3A_510 = arith.addi %add3A_506, %and3A_509 : vector<16xi32>
    %add3A_511 = vector.broadcast %mul3A_1 : i32 to vector<16xi32>
    %add3A_512 = arith.addi %add3A_510, %add3A_511 : vector<16xi32>
    %swap3A_513 = arith.constant 1 : i32
    %swap3A_514 = arith.index_cast %swap3A_513 : i32 to index
    %swap3A_515 = arith.constant 32 : index
    %swap3A_516 = tpu.vector_load %arg9[%swap3A_514, %swap3A_515] {strides = array<i32>} : memref<4x128xi32, #tpu.memory_space<vmem>>, vector<1x16xi32>,
    %swap3A_517 = vector.shape_cast %swap3A_516 : vector<1x16xi32> to vector<16xi32>
    %swap3A_518 = vector.shape_cast %add3A_512 : vector<16xi32> to vector<1x16xi32>
    tpu.vector_store %arg9[%swap3A_514, %swap3A_515], %swap3A_518 {strides = array<i32>} : memref<4x128xi32, #tpu.memory_space<vmem>>, vector<1x16xi32>,
    %add3A_519 = vector.broadcast %add3A_2 : i32 to vector<16xi32>
    %add3A_520 = arith.addi %add3A_510, %add3A_519 : vector<16xi32>
    %swap3A_521 = arith.constant 1 : i32
    %swap3A_522 = arith.index_cast %swap3A_521 : i32 to index
    %swap3A_523 = arith.constant 32 : index
    %swap3A_524 = tpu.vector_load %arg10[%swap3A_522, %swap3A_523] {strides = array<i32>} : memref<4x128xi32, #tpu.memory_space<vmem>>, vector<1x16xi32>,
    %swap3A_525 = vector.shape_cast %swap3A_524 : vector<1x16xi32> to vector<16xi32>
    %swap3A_526 = vector.shape_cast %add3A_520 : vector<16xi32> to vector<1x16xi32>
    tpu.vector_store %arg10[%swap3A_522, %swap3A_523], %swap3A_526 {strides = array<i32>} : memref<4x128xi32, #tpu.memory_space<vmem>>, vector<1x16xi32>,
    %get3A_527 = arith.constant 1 : i32
    %get3A_528 = arith.index_cast %get3A_527 : i32 to index
    %get3A_529 = arith.constant 48 : index
    %get3A_530 = tpu.vector_load %arg8[%get3A_528, %get3A_529] {strides = array<i32>} : memref<4x128xi32, #tpu.memory_space<vmem>>, vector<1x16xi32>,
    %get3A_531 = vector.shape_cast %get3A_530 : vector<1x16xi32> to vector<16xi32>
    %and3A_532 = arith.constant -4096 : i32
    %and3A_533 = vector.broadcast %and3A_532 : i32 to vector<16xi32>
    %and3A_534 = arith.andi %get3A_531, %and3A_533 : vector<16xi32>
    %shift_right_arithmetic3A_535 = arith.constant 7 : i32
    %shift_right_arithmetic3A_536 = vector.broadcast %shift_right_arithmetic3A_535 : i32 to vector<16xi32>
    %shift_right_arithmetic3A_537 = arith.shrsi %get3A_531, %shift_right_arithmetic3A_536 : vector<16xi32>
    %and3A_538 = arith.constant 3 : i32
    %and3A_539 = vector.broadcast %and3A_538 : i32 to vector<16xi32>
    %and3A_540 = arith.andi %shift_right_arithmetic3A_537, %and3A_539 : vector<16xi32>
    %mul3A_541 = arith.constant 1024 : i32
    %mul3A_542 = vector.broadcast %mul3A_541 : i32 to vector<16xi32>
    %mul3A_543 = arith.muli %and3A_540, %mul3A_542 : vector<16xi32>
    %add3A_544 = arith.addi %and3A_534, %mul3A_543 : vector<16xi32>
    %shift_right_arithmetic3A_545 = arith.constant 9 : i32
    %shift_right_arithmetic3A_546 = vector.broadcast %shift_right_arithmetic3A_545 : i32 to vector<16xi32>
    %shift_right_arithmetic3A_547 = arith.shrsi %get3A_531, %shift_right_arithmetic3A_546 : vector<16xi32>
    %and3A_548 = arith.constant 7 : i32
    %and3A_549 = vector.broadcast %and3A_548 : i32 to vector<16xi32>
    %and3A_550 = arith.andi %shift_right_arithmetic3A_547, %and3A_549 : vector<16xi32>
    %mul3A_551 = arith.constant 128 : i32
    %mul3A_552 = vector.broadcast %mul3A_551 : i32 to vector<16xi32>
    %mul3A_553 = arith.muli %and3A_550, %mul3A_552 : vector<16xi32>
    %add3A_554 = arith.addi %add3A_544, %mul3A_553 : vector<16xi32>
    %and3A_555 = arith.constant 127 : i32
    %and3A_556 = vector.broadcast %and3A_555 : i32 to vector<16xi32>
    %and3A_557 = arith.andi %get3A_531, %and3A_556 : vector<16xi32>
    %add3A_558 = arith.addi %add3A_554, %and3A_557 : vector<16xi32>
    %add3A_559 = vector.broadcast %mul3A_1 : i32 to vector<16xi32>
    %add3A_560 = arith.addi %add3A_558, %add3A_559 : vector<16xi32>
    %swap3A_561 = arith.constant 1 : i32
    %swap3A_562 = arith.index_cast %swap3A_561 : i32 to index
    %swap3A_563 = arith.constant 48 : index
    %swap3A_564 = tpu.vector_load %arg9[%swap3A_562, %swap3A_563] {strides = array<i32>} : memref<4x128xi32, #tpu.memory_space<vmem>>, vector<1x16xi32>,
    %swap3A_565 = vector.shape_cast %swap3A_564 : vector<1x16xi32> to vector<16xi32>
    %swap3A_566 = vector.shape_cast %add3A_560 : vector<16xi32> to vector<1x16xi32>
    tpu.vector_store %arg9[%swap3A_562, %swap3A_563], %swap3A_566 {strides = array<i32>} : memref<4x128xi32, #tpu.memory_space<vmem>>, vector<1x16xi32>,
    %add3A_567 = vector.broadcast %add3A_2 : i32 to vector<16xi32>
    %add3A_568 = arith.addi %add3A_558, %add3A_567 : vector<16xi32>
    %swap3A_569 = arith.constant 1 : i32
    %swap3A_570 = arith.index_cast %swap3A_569 : i32 to index
    %swap3A_571 = arith.constant 48 : index
    %swap3A_572 = tpu.vector_load %arg10[%swap3A_570, %swap3A_571] {strides = array<i32>} : memref<4x128xi32, #tpu.memory_space<vmem>>, vector<1x16xi32>,
    %swap3A_573 = vector.shape_cast %swap3A_572 : vector<1x16xi32> to vector<16xi32>
    %swap3A_574 = vector.shape_cast %add3A_568 : vector<16xi32> to vector<1x16xi32>
    tpu.vector_store %arg10[%swap3A_570, %swap3A_571], %swap3A_574 {strides = array<i32>} : memref<4x128xi32, #tpu.memory_space<vmem>>, vector<1x16xi32>,
    %get3A_575 = arith.constant 1 : i32
    %get3A_576 = arith.index_cast %get3A_575 : i32 to index
    %get3A_577 = arith.constant 64 : index
    %get3A_578 = tpu.vector_load %arg8[%get3A_576, %get3A_577] {strides = array<i32>} : memref<4x128xi32, #tpu.memory_space<vmem>>, vector<1x16xi32>,
    %get3A_579 = vector.shape_cast %get3A_578 : vector<1x16xi32> to vector<16xi32>
    %and3A_580 = arith.constant -4096 : i32
    %and3A_581 = vector.broadcast %and3A_580 : i32 to vector<16xi32>
    %and3A_582 = arith.andi %get3A_579, %and3A_581 : vector<16xi32>
    %shift_right_arithmetic3A_583 = arith.constant 7 : i32
    %shift_right_arithmetic3A_584 = vector.broadcast %shift_right_arithmetic3A_583 : i32 to vector<16xi32>
    %shift_right_arithmetic3A_585 = arith.shrsi %get3A_579, %shift_right_arithmetic3A_584 : vector<16xi32>
    %and3A_586 = arith.constant 3 : i32
    %and3A_587 = vector.broadcast %and3A_586 : i32 to vector<16xi32>
    %and3A_588 = arith.andi %shift_right_arithmetic3A_585, %and3A_587 : vector<16xi32>
    %mul3A_589 = arith.constant 1024 : i32
    %mul3A_590 = vector.broadcast %mul3A_589 : i32 to vector<16xi32>
    %mul3A_591 = arith.muli %and3A_588, %mul3A_590 : vector<16xi32>
    %add3A_592 = arith.addi %and3A_582, %mul3A_591 : vector<16xi32>
    %shift_right_arithmetic3A_593 = arith.constant 9 : i32
    %shift_right_arithmetic3A_594 = vector.broadcast %shift_right_arithmetic3A_593 : i32 to vector<16xi32>
    %shift_right_arithmetic3A_595 = arith.shrsi %get3A_579, %shift_right_arithmetic3A_594 : vector<16xi32>
    %and3A_596 = arith.constant 7 : i32
    %and3A_597 = vector.broadcast %and3A_596 : i32 to vector<16xi32>
    %and3A_598 = arith.andi %shift_right_arithmetic3A_595, %and3A_597 : vector<16xi32>
    %mul3A_599 = arith.constant 128 : i32
    %mul3A_600 = vector.broadcast %mul3A_599 : i32 to vector<16xi32>
    %mul3A_601 = arith.muli %and3A_598, %mul3A_600 : vector<16xi32>
    %add3A_602 = arith.addi %add3A_592, %mul3A_601 : vector<16xi32>
    %and3A_603 = arith.constant 127 : i32
    %and3A_604 = vector.broadcast %and3A_603 : i32 to vector<16xi32>
    %and3A_605 = arith.andi %get3A_579, %and3A_604 : vector<16xi32>
    %add3A_606 = arith.addi %add3A_602, %and3A_605 : vector<16xi32>
    %add3A_607 = vector.broadcast %mul3A_1 : i32 to vector<16xi32>
    %add3A_608 = arith.addi %add3A_606, %add3A_607 : vector<16xi32>
    %swap3A_609 = arith.constant 1 : i32
    %swap3A_610 = arith.index_cast %swap3A_609 : i32 to index
    %swap3A_611 = arith.constant 64 : index
    %swap3A_612 = tpu.vector_load %arg9[%swap3A_610, %swap3A_611] {strides = array<i32>} : memref<4x128xi32, #tpu.memory_space<vmem>>, vector<1x16xi32>,
    %swap3A_613 = vector.shape_cast %swap3A_612 : vector<1x16xi32> to vector<16xi32>
    %swap3A_614 = vector.shape_cast %add3A_608 : vector<16xi32> to vector<1x16xi32>
    tpu.vector_store %arg9[%swap3A_610, %swap3A_611], %swap3A_614 {strides = array<i32>} : memref<4x128xi32, #tpu.memory_space<vmem>>, vector<1x16xi32>,
    %add3A_615 = vector.broadcast %add3A_2 : i32 to vector<16xi32>
    %add3A_616 = arith.addi %add3A_606, %add3A_615 : vector<16xi32>
    %swap3A_617 = arith.constant 1 : i32
    %swap3A_618 = arith.index_cast %swap3A_617 : i32 to index
    %swap3A_619 = arith.constant 64 : index
    %swap3A_620 = tpu.vector_load %arg10[%swap3A_618, %swap3A_619] {strides = array<i32>} : memref<4x128xi32, #tpu.memory_space<vmem>>, vector<1x16xi32>,
    %swap3A_621 = vector.shape_cast %swap3A_620 : vector<1x16xi32> to vector<16xi32>
    %swap3A_622 = vector.shape_cast %add3A_616 : vector<16xi32> to vector<1x16xi32>
    tpu.vector_store %arg10[%swap3A_618, %swap3A_619], %swap3A_622 {strides = array<i32>} : memref<4x128xi32, #tpu.memory_space<vmem>>, vector<1x16xi32>,
    %get3A_623 = arith.constant 1 : i32
    %get3A_624 = arith.index_cast %get3A_623 : i32 to index
    %get3A_625 = arith.constant 80 : index
    %get3A_626 = tpu.vector_load %arg8[%get3A_624, %get3A_625] {strides = array<i32>} : memref<4x128xi32, #tpu.memory_space<vmem>>, vector<1x16xi32>,
    %get3A_627 = vector.shape_cast %get3A_626 : vector<1x16xi32> to vector<16xi32>
    %and3A_628 = arith.constant -4096 : i32
    %and3A_629 = vector.broadcast %and3A_628 : i32 to vector<16xi32>
    %and3A_630 = arith.andi %get3A_627, %and3A_629 : vector<16xi32>
    %shift_right_arithmetic3A_631 = arith.constant 7 : i32
    %shift_right_arithmetic3A_632 = vector.broadcast %shift_right_arithmetic3A_631 : i32 to vector<16xi32>
    %shift_right_arithmetic3A_633 = arith.shrsi %get3A_627, %shift_right_arithmetic3A_632 : vector<16xi32>
    %and3A_634 = arith.constant 3 : i32
    %and3A_635 = vector.broadcast %and3A_634 : i32 to vector<16xi32>
    %and3A_636 = arith.andi %shift_right_arithmetic3A_633, %and3A_635 : vector<16xi32>
    %mul3A_637 = arith.constant 1024 : i32
    %mul3A_638 = vector.broadcast %mul3A_637 : i32 to vector<16xi32>
    %mul3A_639 = arith.muli %and3A_636, %mul3A_638 : vector<16xi32>
    %add3A_640 = arith.addi %and3A_630, %mul3A_639 : vector<16xi32>
    %shift_right_arithmetic3A_641 = arith.constant 9 : i32
    %shift_right_arithmetic3A_642 = vector.broadcast %shift_right_arithmetic3A_641 : i32 to vector<16xi32>
    %shift_right_arithmetic3A_643 = arith.shrsi %get3A_627, %shift_right_arithmetic3A_642 : vector<16xi32>
    %and3A_644 = arith.constant 7 : i32
    %and3A_645 = vector.broadcast %and3A_644 : i32 to vector<16xi32>
    %and3A_646 = arith.andi %shift_right_arithmetic3A_643, %and3A_645 : vector<16xi32>
    %mul3A_647 = arith.constant 128 : i32
    %mul3A_648 = vector.broadcast %mul3A_647 : i32 to vector<16xi32>
    %mul3A_649 = arith.muli %and3A_646, %mul3A_648 : vector<16xi32>
    %add3A_650 = arith.addi %add3A_640, %mul3A_649 : vector<16xi32>
    %and3A_651 = arith.constant 127 : i32
    %and3A_652 = vector.broadcast %and3A_651 : i32 to vector<16xi32>
    %and3A_653 = arith.andi %get3A_627, %and3A_652 : vector<16xi32>
    %add3A_654 = arith.addi %add3A_650, %and3A_653 : vector<16xi32>
    %add3A_655 = vector.broadcast %mul3A_1 : i32 to vector<16xi32>
    %add3A_656 = arith.addi %add3A_654, %add3A_655 : vector<16xi32>
    %swap3A_657 = arith.constant 1 : i32
    %swap3A_658 = arith.index_cast %swap3A_657 : i32 to index
    %swap3A_659 = arith.constant 80 : index
    %swap3A_660 = tpu.vector_load %arg9[%swap3A_658, %swap3A_659] {strides = array<i32>} : memref<4x128xi32, #tpu.memory_space<vmem>>, vector<1x16xi32>,
    %swap3A_661 = vector.shape_cast %swap3A_660 : vector<1x16xi32> to vector<16xi32>
    %swap3A_662 = vector.shape_cast %add3A_656 : vector<16xi32> to vector<1x16xi32>
    tpu.vector_store %arg9[%swap3A_658, %swap3A_659], %swap3A_662 {strides = array<i32>} : memref<4x128xi32, #tpu.memory_space<vmem>>, vector<1x16xi32>,
    %add3A_663 = vector.broadcast %add3A_2 : i32 to vector<16xi32>
    %add3A_664 = arith.addi %add3A_654, %add3A_663 : vector<16xi32>
    %swap3A_665 = arith.constant 1 : i32
    %swap3A_666 = arith.index_cast %swap3A_665 : i32 to index
    %swap3A_667 = arith.constant 80 : index
    %swap3A_668 = tpu.vector_load %arg10[%swap3A_666, %swap3A_667] {strides = array<i32>} : memref<4x128xi32, #tpu.memory_space<vmem>>, vector<1x16xi32>,
    %swap3A_669 = vector.shape_cast %swap3A_668 : vector<1x16xi32> to vector<16xi32>
    %swap3A_670 = vector.shape_cast %add3A_664 : vector<16xi32> to vector<1x16xi32>
    tpu.vector_store %arg10[%swap3A_666, %swap3A_667], %swap3A_670 {strides = array<i32>} : memref<4x128xi32, #tpu.memory_space<vmem>>, vector<1x16xi32>,
    %get3A_671 = arith.constant 1 : i32
    %get3A_672 = arith.index_cast %get3A_671 : i32 to index
    %get3A_673 = arith.constant 96 : index
    %get3A_674 = tpu.vector_load %arg8[%get3A_672, %get3A_673] {strides = array<i32>} : memref<4x128xi32, #tpu.memory_space<vmem>>, vector<1x16xi32>,
    %get3A_675 = vector.shape_cast %get3A_674 : vector<1x16xi32> to vector<16xi32>
    %and3A_676 = arith.constant -4096 : i32
    %and3A_677 = vector.broadcast %and3A_676 : i32 to vector<16xi32>
    %and3A_678 = arith.andi %get3A_675, %and3A_677 : vector<16xi32>
    %shift_right_arithmetic3A_679 = arith.constant 7 : i32
    %shift_right_arithmetic3A_680 = vector.broadcast %shift_right_arithmetic3A_679 : i32 to vector<16xi32>
    %shift_right_arithmetic3A_681 = arith.shrsi %get3A_675, %shift_right_arithmetic3A_680 : vector<16xi32>
    %and3A_682 = arith.constant 3 : i32
    %and3A_683 = vector.broadcast %and3A_682 : i32 to vector<16xi32>
    %and3A_684 = arith.andi %shift_right_arithmetic3A_681, %and3A_683 : vector<16xi32>
    %mul3A_685 = arith.constant 1024 : i32
    %mul3A_686 = vector.broadcast %mul3A_685 : i32 to vector<16xi32>
    %mul3A_687 = arith.muli %and3A_684, %mul3A_686 : vector<16xi32>
    %add3A_688 = arith.addi %and3A_678, %mul3A_687 : vector<16xi32>
    %shift_right_arithmetic3A_689 = arith.constant 9 : i32
    %shift_right_arithmetic3A_690 = vector.broadcast %shift_right_arithmetic3A_689 : i32 to vector<16xi32>
    %shift_right_arithmetic3A_691 = arith.shrsi %get3A_675, %shift_right_arithmetic3A_690 : vector<16xi32>
    %and3A_692 = arith.constant 7 : i32
    %and3A_693 = vector.broadcast %and3A_692 : i32 to vector<16xi32>
    %and3A_694 = arith.andi %shift_right_arithmetic3A_691, %and3A_693 : vector<16xi32>
    %mul3A_695 = arith.constant 128 : i32
    %mul3A_696 = vector.broadcast %mul3A_695 : i32 to vector<16xi32>
    %mul3A_697 = arith.muli %and3A_694, %mul3A_696 : vector<16xi32>
    %add3A_698 = arith.addi %add3A_688, %mul3A_697 : vector<16xi32>
    %and3A_699 = arith.constant 127 : i32
    %and3A_700 = vector.broadcast %and3A_699 : i32 to vector<16xi32>
    %and3A_701 = arith.andi %get3A_675, %and3A_700 : vector<16xi32>
    %add3A_702 = arith.addi %add3A_698, %and3A_701 : vector<16xi32>
    %add3A_703 = vector.broadcast %mul3A_1 : i32 to vector<16xi32>
    %add3A_704 = arith.addi %add3A_702, %add3A_703 : vector<16xi32>
    %swap3A_705 = arith.constant 1 : i32
    %swap3A_706 = arith.index_cast %swap3A_705 : i32 to index
    %swap3A_707 = arith.constant 96 : index
    %swap3A_708 = tpu.vector_load %arg9[%swap3A_706, %swap3A_707] {strides = array<i32>} : memref<4x128xi32, #tpu.memory_space<vmem>>, vector<1x16xi32>,
    %swap3A_709 = vector.shape_cast %swap3A_708 : vector<1x16xi32> to vector<16xi32>
    %swap3A_710 = vector.shape_cast %add3A_704 : vector<16xi32> to vector<1x16xi32>
    tpu.vector_store %arg9[%swap3A_706, %swap3A_707], %swap3A_710 {strides = array<i32>} : memref<4x128xi32, #tpu.memory_space<vmem>>, vector<1x16xi32>,
    %add3A_711 = vector.broadcast %add3A_2 : i32 to vector<16xi32>
    %add3A_712 = arith.addi %add3A_702, %add3A_711 : vector<16xi32>
    %swap3A_713 = arith.constant 1 : i32
    %swap3A_714 = arith.index_cast %swap3A_713 : i32 to index
    %swap3A_715 = arith.constant 96 : index
    %swap3A_716 = tpu.vector_load %arg10[%swap3A_714, %swap3A_715] {strides = array<i32>} : memref<4x128xi32, #tpu.memory_space<vmem>>, vector<1x16xi32>,
    %swap3A_717 = vector.shape_cast %swap3A_716 : vector<1x16xi32> to vector<16xi32>
    %swap3A_718 = vector.shape_cast %add3A_712 : vector<16xi32> to vector<1x16xi32>
    tpu.vector_store %arg10[%swap3A_714, %swap3A_715], %swap3A_718 {strides = array<i32>} : memref<4x128xi32, #tpu.memory_space<vmem>>, vector<1x16xi32>,
    %get3A_719 = arith.constant 1 : i32
    %get3A_720 = arith.index_cast %get3A_719 : i32 to index
    %get3A_721 = arith.constant 112 : index
    %get3A_722 = tpu.vector_load %arg8[%get3A_720, %get3A_721] {strides = array<i32>} : memref<4x128xi32, #tpu.memory_space<vmem>>, vector<1x16xi32>,
    %get3A_723 = vector.shape_cast %get3A_722 : vector<1x16xi32> to vector<16xi32>
    %and3A_724 = arith.constant -4096 : i32
    %and3A_725 = vector.broadcast %and3A_724 : i32 to vector<16xi32>
    %and3A_726 = arith.andi %get3A_723, %and3A_725 : vector<16xi32>
    %shift_right_arithmetic3A_727 = arith.constant 7 : i32
    %shift_right_arithmetic3A_728 = vector.broadcast %shift_right_arithmetic3A_727 : i32 to vector<16xi32>
    %shift_right_arithmetic3A_729 = arith.shrsi %get3A_723, %shift_right_arithmetic3A_728 : vector<16xi32>
    %and3A_730 = arith.constant 3 : i32
    %and3A_731 = vector.broadcast %and3A_730 : i32 to vector<16xi32>
    %and3A_732 = arith.andi %shift_right_arithmetic3A_729, %and3A_731 : vector<16xi32>
    %mul3A_733 = arith.constant 1024 : i32
    %mul3A_734 = vector.broadcast %mul3A_733 : i32 to vector<16xi32>
    %mul3A_735 = arith.muli %and3A_732, %mul3A_734 : vector<16xi32>
    %add3A_736 = arith.addi %and3A_726, %mul3A_735 : vector<16xi32>
    %shift_right_arithmetic3A_737 = arith.constant 9 : i32
    %shift_right_arithmetic3A_738 = vector.broadcast %shift_right_arithmetic3A_737 : i32 to vector<16xi32>
    %shift_right_arithmetic3A_739 = arith.shrsi %get3A_723, %shift_right_arithmetic3A_738 : vector<16xi32>
    %and3A_740 = arith.constant 7 : i32
    %and3A_741 = vector.broadcast %and3A_740 : i32 to vector<16xi32>
    %and3A_742 = arith.andi %shift_right_arithmetic3A_739, %and3A_741 : vector<16xi32>
    %mul3A_743 = arith.constant 128 : i32
    %mul3A_744 = vector.broadcast %mul3A_743 : i32 to vector<16xi32>
    %mul3A_745 = arith.muli %and3A_742, %mul3A_744 : vector<16xi32>
    %add3A_746 = arith.addi %add3A_736, %mul3A_745 : vector<16xi32>
    %and3A_747 = arith.constant 127 : i32
    %and3A_748 = vector.broadcast %and3A_747 : i32 to vector<16xi32>
    %and3A_749 = arith.andi %get3A_723, %and3A_748 : vector<16xi32>
    %add3A_750 = arith.addi %add3A_746, %and3A_749 : vector<16xi32>
    %add3A_751 = vector.broadcast %mul3A_1 : i32 to vector<16xi32>
    %add3A_752 = arith.addi %add3A_750, %add3A_751 : vector<16xi32>
    %swap3A_753 = arith.constant 1 : i32
    %swap3A_754 = arith.index_cast %swap3A_753 : i32 to index
    %swap3A_755 = arith.constant 112 : index
    %swap3A_756 = tpu.vector_load %arg9[%swap3A_754, %swap3A_755] {strides = array<i32>} : memref<4x128xi32, #tpu.memory_space<vmem>>, vector<1x16xi32>,
    %swap3A_757 = vector.shape_cast %swap3A_756 : vector<1x16xi32> to vector<16xi32>
    %swap3A_758 = vector.shape_cast %add3A_752 : vector<16xi32> to vector<1x16xi32>
    tpu.vector_store %arg9[%swap3A_754, %swap3A_755], %swap3A_758 {strides = array<i32>} : memref<4x128xi32, #tpu.memory_space<vmem>>, vector<1x16xi32>,
    %add3A_759 = vector.broadcast %add3A_2 : i32 to vector<16xi32>
    %add3A_760 = arith.addi %add3A_750, %add3A_759 : vector<16xi32>
    %swap3A_761 = arith.constant 1 : i32
    %swap3A_762 = arith.index_cast %swap3A_761 : i32 to index
    %swap3A_763 = arith.constant 112 : index
    %swap3A_764 = tpu.vector_load %arg10[%swap3A_762, %swap3A_763] {strides = array<i32>} : memref<4x128xi32, #tpu.memory_space<vmem>>, vector<1x16xi32>,
    %swap3A_765 = vector.shape_cast %swap3A_764 : vector<1x16xi32> to vector<16xi32>
    %swap3A_766 = vector.shape_cast %add3A_760 : vector<16xi32> to vector<1x16xi32>
    tpu.vector_store %arg10[%swap3A_762, %swap3A_763], %swap3A_766 {strides = array<i32>} : memref<4x128xi32, #tpu.memory_space<vmem>>, vector<1x16xi32>,
    %get3A_767 = arith.constant 2 : i32
    %get3A_768 = arith.index_cast %get3A_767 : i32 to index
    %get3A_769 = arith.constant 0 : index
    %get3A_770 = tpu.vector_load %arg8[%get3A_768, %get3A_769] {strides = array<i32>} : memref<4x128xi32, #tpu.memory_space<vmem>>, vector<1x16xi32>,
    %get3A_771 = vector.shape_cast %get3A_770 : vector<1x16xi32> to vector<16xi32>
    %and3A_772 = arith.constant -4096 : i32
    %and3A_773 = vector.broadcast %and3A_772 : i32 to vector<16xi32>
    %and3A_774 = arith.andi %get3A_771, %and3A_773 : vector<16xi32>
    %shift_right_arithmetic3A_775 = arith.constant 7 : i32
    %shift_right_arithmetic3A_776 = vector.broadcast %shift_right_arithmetic3A_775 : i32 to vector<16xi32>
    %shift_right_arithmetic3A_777 = arith.shrsi %get3A_771, %shift_right_arithmetic3A_776 : vector<16xi32>
    %and3A_778 = arith.constant 3 : i32
    %and3A_779 = vector.broadcast %and3A_778 : i32 to vector<16xi32>
    %and3A_780 = arith.andi %shift_right_arithmetic3A_777, %and3A_779 : vector<16xi32>
    %mul3A_781 = arith.constant 1024 : i32
    %mul3A_782 = vector.broadcast %mul3A_781 : i32 to vector<16xi32>
    %mul3A_783 = arith.muli %and3A_780, %mul3A_782 : vector<16xi32>
    %add3A_784 = arith.addi %and3A_774, %mul3A_783 : vector<16xi32>
    %shift_right_arithmetic3A_785 = arith.constant 9 : i32
    %shift_right_arithmetic3A_786 = vector.broadcast %shift_right_arithmetic3A_785 : i32 to vector<16xi32>
    %shift_right_arithmetic3A_787 = arith.shrsi %get3A_771, %shift_right_arithmetic3A_786 : vector<16xi32>
    %and3A_788 = arith.constant 7 : i32
    %and3A_789 = vector.broadcast %and3A_788 : i32 to vector<16xi32>
    %and3A_790 = arith.andi %shift_right_arithmetic3A_787, %and3A_789 : vector<16xi32>
    %mul3A_791 = arith.constant 128 : i32
    %mul3A_792 = vector.broadcast %mul3A_791 : i32 to vector<16xi32>
    %mul3A_793 = arith.muli %and3A_790, %mul3A_792 : vector<16xi32>
    %add3A_794 = arith.addi %add3A_784, %mul3A_793 : vector<16xi32>
    %and3A_795 = arith.constant 127 : i32
    %and3A_796 = vector.broadcast %and3A_795 : i32 to vector<16xi32>
    %and3A_797 = arith.andi %get3A_771, %and3A_796 : vector<16xi32>
    %add3A_798 = arith.addi %add3A_794, %and3A_797 : vector<16xi32>
    %add3A_799 = vector.broadcast %mul3A_1 : i32 to vector<16xi32>
    %add3A_800 = arith.addi %add3A_798, %add3A_799 : vector<16xi32>
    %swap3A_801 = arith.constant 2 : i32
    %swap3A_802 = arith.index_cast %swap3A_801 : i32 to index
    %swap3A_803 = arith.constant 0 : index
    %swap3A_804 = tpu.vector_load %arg9[%swap3A_802, %swap3A_803] {strides = array<i32>} : memref<4x128xi32, #tpu.memory_space<vmem>>, vector<1x16xi32>,
    %swap3A_805 = vector.shape_cast %swap3A_804 : vector<1x16xi32> to vector<16xi32>
    %swap3A_806 = vector.shape_cast %add3A_800 : vector<16xi32> to vector<1x16xi32>
    tpu.vector_store %arg9[%swap3A_802, %swap3A_803], %swap3A_806 {strides = array<i32>} : memref<4x128xi32, #tpu.memory_space<vmem>>, vector<1x16xi32>,
    %add3A_807 = vector.broadcast %add3A_2 : i32 to vector<16xi32>
    %add3A_808 = arith.addi %add3A_798, %add3A_807 : vector<16xi32>
    %swap3A_809 = arith.constant 2 : i32
    %swap3A_810 = arith.index_cast %swap3A_809 : i32 to index
    %swap3A_811 = arith.constant 0 : index
    %swap3A_812 = tpu.vector_load %arg10[%swap3A_810, %swap3A_811] {strides = array<i32>} : memref<4x128xi32, #tpu.memory_space<vmem>>, vector<1x16xi32>,
    %swap3A_813 = vector.shape_cast %swap3A_812 : vector<1x16xi32> to vector<16xi32>
    %swap3A_814 = vector.shape_cast %add3A_808 : vector<16xi32> to vector<1x16xi32>
    tpu.vector_store %arg10[%swap3A_810, %swap3A_811], %swap3A_814 {strides = array<i32>} : memref<4x128xi32, #tpu.memory_space<vmem>>, vector<1x16xi32>,
    %get3A_815 = arith.constant 2 : i32
    %get3A_816 = arith.index_cast %get3A_815 : i32 to index
    %get3A_817 = arith.constant 16 : index
    %get3A_818 = tpu.vector_load %arg8[%get3A_816, %get3A_817] {strides = array<i32>} : memref<4x128xi32, #tpu.memory_space<vmem>>, vector<1x16xi32>,
    %get3A_819 = vector.shape_cast %get3A_818 : vector<1x16xi32> to vector<16xi32>
    %and3A_820 = arith.constant -4096 : i32
    %and3A_821 = vector.broadcast %and3A_820 : i32 to vector<16xi32>
    %and3A_822 = arith.andi %get3A_819, %and3A_821 : vector<16xi32>
    %shift_right_arithmetic3A_823 = arith.constant 7 : i32
    %shift_right_arithmetic3A_824 = vector.broadcast %shift_right_arithmetic3A_823 : i32 to vector<16xi32>
    %shift_right_arithmetic3A_825 = arith.shrsi %get3A_819, %shift_right_arithmetic3A_824 : vector<16xi32>
    %and3A_826 = arith.constant 3 : i32
    %and3A_827 = vector.broadcast %and3A_826 : i32 to vector<16xi32>
    %and3A_828 = arith.andi %shift_right_arithmetic3A_825, %and3A_827 : vector<16xi32>
    %mul3A_829 = arith.constant 1024 : i32
    %mul3A_830 = vector.broadcast %mul3A_829 : i32 to vector<16xi32>
    %mul3A_831 = arith.muli %and3A_828, %mul3A_830 : vector<16xi32>
    %add3A_832 = arith.addi %and3A_822, %mul3A_831 : vector<16xi32>
    %shift_right_arithmetic3A_833 = arith.constant 9 : i32
    %shift_right_arithmetic3A_834 = vector.broadcast %shift_right_arithmetic3A_833 : i32 to vector<16xi32>
    %shift_right_arithmetic3A_835 = arith.shrsi %get3A_819, %shift_right_arithmetic3A_834 : vector<16xi32>
    %and3A_836 = arith.constant 7 : i32
    %and3A_837 = vector.broadcast %and3A_836 : i32 to vector<16xi32>
    %and3A_838 = arith.andi %shift_right_arithmetic3A_835, %and3A_837 : vector<16xi32>
    %mul3A_839 = arith.constant 128 : i32
    %mul3A_840 = vector.broadcast %mul3A_839 : i32 to vector<16xi32>
    %mul3A_841 = arith.muli %and3A_838, %mul3A_840 : vector<16xi32>
    %add3A_842 = arith.addi %add3A_832, %mul3A_841 : vector<16xi32>
    %and3A_843 = arith.constant 127 : i32
    %and3A_844 = vector.broadcast %and3A_843 : i32 to vector<16xi32>
    %and3A_845 = arith.andi %get3A_819, %and3A_844 : vector<16xi32>
    %add3A_846 = arith.addi %add3A_842, %and3A_845 : vector<16xi32>
    %add3A_847 = vector.broadcast %mul3A_1 : i32 to vector<16xi32>
    %add3A_848 = arith.addi %add3A_846, %add3A_847 : vector<16xi32>
    %swap3A_849 = arith.constant 2 : i32
    %swap3A_850 = arith.index_cast %swap3A_849 : i32 to index
    %swap3A_851 = arith.constant 16 : index
    %swap3A_852 = tpu.vector_load %arg9[%swap3A_850, %swap3A_851] {strides = array<i32>} : memref<4x128xi32, #tpu.memory_space<vmem>>, vector<1x16xi32>,
    %swap3A_853 = vector.shape_cast %swap3A_852 : vector<1x16xi32> to vector<16xi32>
    %swap3A_854 = vector.shape_cast %add3A_848 : vector<16xi32> to vector<1x16xi32>
    tpu.vector_store %arg9[%swap3A_850, %swap3A_851], %swap3A_854 {strides = array<i32>} : memref<4x128xi32, #tpu.memory_space<vmem>>, vector<1x16xi32>,
    %add3A_855 = vector.broadcast %add3A_2 : i32 to vector<16xi32>
    %add3A_856 = arith.addi %add3A_846, %add3A_855 : vector<16xi32>
    %swap3A_857 = arith.constant 2 : i32
    %swap3A_858 = arith.index_cast %swap3A_857 : i32 to index
    %swap3A_859 = arith.constant 16 : index
    %swap3A_860 = tpu.vector_load %arg10[%swap3A_858, %swap3A_859] {strides = array<i32>} : memref<4x128xi32, #tpu.memory_space<vmem>>, vector<1x16xi32>,
    %swap3A_861 = vector.shape_cast %swap3A_860 : vector<1x16xi32> to vector<16xi32>
    %swap3A_862 = vector.shape_cast %add3A_856 : vector<16xi32> to vector<1x16xi32>
    tpu.vector_store %arg10[%swap3A_858, %swap3A_859], %swap3A_862 {strides = array<i32>} : memref<4x128xi32, #tpu.memory_space<vmem>>, vector<1x16xi32>,
    %get3A_863 = arith.constant 2 : i32
    %get3A_864 = arith.index_cast %get3A_863 : i32 to index
    %get3A_865 = arith.constant 32 : index
    %get3A_866 = tpu.vector_load %arg8[%get3A_864, %get3A_865] {strides = array<i32>} : memref<4x128xi32, #tpu.memory_space<vmem>>, vector<1x16xi32>,
    %get3A_867 = vector.shape_cast %get3A_866 : vector<1x16xi32> to vector<16xi32>
    %and3A_868 = arith.constant -4096 : i32
    %and3A_869 = vector.broadcast %and3A_868 : i32 to vector<16xi32>
    %and3A_870 = arith.andi %get3A_867, %and3A_869 : vector<16xi32>
    %shift_right_arithmetic3A_871 = arith.constant 7 : i32
    %shift_right_arithmetic3A_872 = vector.broadcast %shift_right_arithmetic3A_871 : i32 to vector<16xi32>
    %shift_right_arithmetic3A_873 = arith.shrsi %get3A_867, %shift_right_arithmetic3A_872 : vector<16xi32>
    %and3A_874 = arith.constant 3 : i32
    %and3A_875 = vector.broadcast %and3A_874 : i32 to vector<16xi32>
    %and3A_876 = arith.andi %shift_right_arithmetic3A_873, %and3A_875 : vector<16xi32>
    %mul3A_877 = arith.constant 1024 : i32
    %mul3A_878 = vector.broadcast %mul3A_877 : i32 to vector<16xi32>
    %mul3A_879 = arith.muli %and3A_876, %mul3A_878 : vector<16xi32>
    %add3A_880 = arith.addi %and3A_870, %mul3A_879 : vector<16xi32>
    %shift_right_arithmetic3A_881 = arith.constant 9 : i32
    %shift_right_arithmetic3A_882 = vector.broadcast %shift_right_arithmetic3A_881 : i32 to vector<16xi32>
    %shift_right_arithmetic3A_883 = arith.shrsi %get3A_867, %shift_right_arithmetic3A_882 : vector<16xi32>
    %and3A_884 = arith.constant 7 : i32
    %and3A_885 = vector.broadcast %and3A_884 : i32 to vector<16xi32>
    %and3A_886 = arith.andi %shift_right_arithmetic3A_883, %and3A_885 : vector<16xi32>
    %mul3A_887 = arith.constant 128 : i32
    %mul3A_888 = vector.broadcast %mul3A_887 : i32 to vector<16xi32>
    %mul3A_889 = arith.muli %and3A_886, %mul3A_888 : vector<16xi32>
    %add3A_890 = arith.addi %add3A_880, %mul3A_889 : vector<16xi32>
    %and3A_891 = arith.constant 127 : i32
    %and3A_892 = vector.broadcast %and3A_891 : i32 to vector<16xi32>
    %and3A_893 = arith.andi %get3A_867, %and3A_892 : vector<16xi32>
    %add3A_894 = arith.addi %add3A_890, %and3A_893 : vector<16xi32>
    %add3A_895 = vector.broadcast %mul3A_1 : i32 to vector<16xi32>
    %add3A_896 = arith.addi %add3A_894, %add3A_895 : vector<16xi32>
    %swap3A_897 = arith.constant 2 : i32
    %swap3A_898 = arith.index_cast %swap3A_897 : i32 to index
    %swap3A_899 = arith.constant 32 : index
    %swap3A_900 = tpu.vector_load %arg9[%swap3A_898, %swap3A_899] {strides = array<i32>} : memref<4x128xi32, #tpu.memory_space<vmem>>, vector<1x16xi32>,
    %swap3A_901 = vector.shape_cast %swap3A_900 : vector<1x16xi32> to vector<16xi32>
    %swap3A_902 = vector.shape_cast %add3A_896 : vector<16xi32> to vector<1x16xi32>
    tpu.vector_store %arg9[%swap3A_898, %swap3A_899], %swap3A_902 {strides = array<i32>} : memref<4x128xi32, #tpu.memory_space<vmem>>, vector<1x16xi32>,
    %add3A_903 = vector.broadcast %add3A_2 : i32 to vector<16xi32>
    %add3A_904 = arith.addi %add3A_894, %add3A_903 : vector<16xi32>
    %swap3A_905 = arith.constant 2 : i32
    %swap3A_906 = arith.index_cast %swap3A_905 : i32 to index
    %swap3A_907 = arith.constant 32 : index
    %swap3A_908 = tpu.vector_load %arg10[%swap3A_906, %swap3A_907] {strides = array<i32>} : memref<4x128xi32, #tpu.memory_space<vmem>>, vector<1x16xi32>,
    %swap3A_909 = vector.shape_cast %swap3A_908 : vector<1x16xi32> to vector<16xi32>
    %swap3A_910 = vector.shape_cast %add3A_904 : vector<16xi32> to vector<1x16xi32>
    tpu.vector_store %arg10[%swap3A_906, %swap3A_907], %swap3A_910 {strides = array<i32>} : memref<4x128xi32, #tpu.memory_space<vmem>>, vector<1x16xi32>,
    %get3A_911 = arith.constant 2 : i32
    %get3A_912 = arith.index_cast %get3A_911 : i32 to index
    %get3A_913 = arith.constant 48 : index
    %get3A_914 = tpu.vector_load %arg8[%get3A_912, %get3A_913] {strides = array<i32>} : memref<4x128xi32, #tpu.memory_space<vmem>>, vector<1x16xi32>,
    %get3A_915 = vector.shape_cast %get3A_914 : vector<1x16xi32> to vector<16xi32>
    %and3A_916 = arith.constant -4096 : i32
    %and3A_917 = vector.broadcast %and3A_916 : i32 to vector<16xi32>
    %and3A_918 = arith.andi %get3A_915, %and3A_917 : vector<16xi32>
    %shift_right_arithmetic3A_919 = arith.constant 7 : i32
    %shift_right_arithmetic3A_920 = vector.broadcast %shift_right_arithmetic3A_919 : i32 to vector<16xi32>
    %shift_right_arithmetic3A_921 = arith.shrsi %get3A_915, %shift_right_arithmetic3A_920 : vector<16xi32>
    %and3A_922 = arith.constant 3 : i32
    %and3A_923 = vector.broadcast %and3A_922 : i32 to vector<16xi32>
    %and3A_924 = arith.andi %shift_right_arithmetic3A_921, %and3A_923 : vector<16xi32>
    %mul3A_925 = arith.constant 1024 : i32
    %mul3A_926 = vector.broadcast %mul3A_925 : i32 to vector<16xi32>
    %mul3A_927 = arith.muli %and3A_924, %mul3A_926 : vector<16xi32>
    %add3A_928 = arith.addi %and3A_918, %mul3A_927 : vector<16xi32>
    %shift_right_arithmetic3A_929 = arith.constant 9 : i32
    %shift_right_arithmetic3A_930 = vector.broadcast %shift_right_arithmetic3A_929 : i32 to vector<16xi32>
    %shift_right_arithmetic3A_931 = arith.shrsi %get3A_915, %shift_right_arithmetic3A_930 : vector<16xi32>
    %and3A_932 = arith.constant 7 : i32
    %and3A_933 = vector.broadcast %and3A_932 : i32 to vector<16xi32>
    %and3A_934 = arith.andi %shift_right_arithmetic3A_931, %and3A_933 : vector<16xi32>
    %mul3A_935 = arith.constant 128 : i32
    %mul3A_936 = vector.broadcast %mul3A_935 : i32 to vector<16xi32>
    %mul3A_937 = arith.muli %and3A_934, %mul3A_936 : vector<16xi32>
    %add3A_938 = arith.addi %add3A_928, %mul3A_937 : vector<16xi32>
    %and3A_939 = arith.constant 127 : i32
    %and3A_940 = vector.broadcast %and3A_939 : i32 to vector<16xi32>
    %and3A_941 = arith.andi %get3A_915, %and3A_940 : vector<16xi32>
    %add3A_942 = arith.addi %add3A_938, %and3A_941 : vector<16xi32>
    %add3A_943 = vector.broadcast %mul3A_1 : i32 to vector<16xi32>
    %add3A_944 = arith.addi %add3A_942, %add3A_943 : vector<16xi32>
    %swap3A_945 = arith.constant 2 : i32
    %swap3A_946 = arith.index_cast %swap3A_945 : i32 to index
    %swap3A_947 = arith.constant 48 : index
    %swap3A_948 = tpu.vector_load %arg9[%swap3A_946, %swap3A_947] {strides = array<i32>} : memref<4x128xi32, #tpu.memory_space<vmem>>, vector<1x16xi32>,
    %swap3A_949 = vector.shape_cast %swap3A_948 : vector<1x16xi32> to vector<16xi32>
    %swap3A_950 = vector.shape_cast %add3A_944 : vector<16xi32> to vector<1x16xi32>
    tpu.vector_store %arg9[%swap3A_946, %swap3A_947], %swap3A_950 {strides = array<i32>} : memref<4x128xi32, #tpu.memory_space<vmem>>, vector<1x16xi32>,
    %add3A_951 = vector.broadcast %add3A_2 : i32 to vector<16xi32>
    %add3A_952 = arith.addi %add3A_942, %add3A_951 : vector<16xi32>
    %swap3A_953 = arith.constant 2 : i32
    %swap3A_954 = arith.index_cast %swap3A_953 : i32 to index
    %swap3A_955 = arith.constant 48 : index
    %swap3A_956 = tpu.vector_load %arg10[%swap3A_954, %swap3A_955] {strides = array<i32>} : memref<4x128xi32, #tpu.memory_space<vmem>>, vector<1x16xi32>,
    %swap3A_957 = vector.shape_cast %swap3A_956 : vector<1x16xi32> to vector<16xi32>
    %swap3A_958 = vector.shape_cast %add3A_952 : vector<16xi32> to vector<1x16xi32>
    tpu.vector_store %arg10[%swap3A_954, %swap3A_955], %swap3A_958 {strides = array<i32>} : memref<4x128xi32, #tpu.memory_space<vmem>>, vector<1x16xi32>,
    %get3A_959 = arith.constant 2 : i32
    %get3A_960 = arith.index_cast %get3A_959 : i32 to index
    %get3A_961 = arith.constant 64 : index
    %get3A_962 = tpu.vector_load %arg8[%get3A_960, %get3A_961] {strides = array<i32>} : memref<4x128xi32, #tpu.memory_space<vmem>>, vector<1x16xi32>,
    %get3A_963 = vector.shape_cast %get3A_962 : vector<1x16xi32> to vector<16xi32>
    %and3A_964 = arith.constant -4096 : i32
    %and3A_965 = vector.broadcast %and3A_964 : i32 to vector<16xi32>
    %and3A_966 = arith.andi %get3A_963, %and3A_965 : vector<16xi32>
    %shift_right_arithmetic3A_967 = arith.constant 7 : i32
    %shift_right_arithmetic3A_968 = vector.broadcast %shift_right_arithmetic3A_967 : i32 to vector<16xi32>
    %shift_right_arithmetic3A_969 = arith.shrsi %get3A_963, %shift_right_arithmetic3A_968 : vector<16xi32>
    %and3A_970 = arith.constant 3 : i32
    %and3A_971 = vector.broadcast %and3A_970 : i32 to vector<16xi32>
    %and3A_972 = arith.andi %shift_right_arithmetic3A_969, %and3A_971 : vector<16xi32>
    %mul3A_973 = arith.constant 1024 : i32
    %mul3A_974 = vector.broadcast %mul3A_973 : i32 to vector<16xi32>
    %mul3A_975 = arith.muli %and3A_972, %mul3A_974 : vector<16xi32>
    %add3A_976 = arith.addi %and3A_966, %mul3A_975 : vector<16xi32>
    %shift_right_arithmetic3A_977 = arith.constant 9 : i32
    %shift_right_arithmetic3A_978 = vector.broadcast %shift_right_arithmetic3A_977 : i32 to vector<16xi32>
    %shift_right_arithmetic3A_979 = arith.shrsi %get3A_963, %shift_right_arithmetic3A_978 : vector<16xi32>
    %and3A_980 = arith.constant 7 : i32
    %and3A_981 = vector.broadcast %and3A_980 : i32 to vector<16xi32>
    %and3A_982 = arith.andi %shift_right_arithmetic3A_979, %and3A_981 : vector<16xi32>
    %mul3A_983 = arith.constant 128 : i32
    %mul3A_984 = vector.broadcast %mul3A_983 : i32 to vector<16xi32>
    %mul3A_985 = arith.muli %and3A_982, %mul3A_984 : vector<16xi32>
    %add3A_986 = arith.addi %add3A_976, %mul3A_985 : vector<16xi32>
    %and3A_987 = arith.constant 127 : i32
    %and3A_988 = vector.broadcast %and3A_987 : i32 to vector<16xi32>
    %and3A_989 = arith.andi %get3A_963, %and3A_988 : vector<16xi32>
    %add3A_990 = arith.addi %add3A_986, %and3A_989 : vector<16xi32>
    %add3A_991 = vector.broadcast %mul3A_1 : i32 to vector<16xi32>
    %add3A_992 = arith.addi %add3A_990, %add3A_991 : vector<16xi32>
    %swap3A_993 = arith.constant 2 : i32
    %swap3A_994 = arith.index_cast %swap3A_993 : i32 to index
    %swap3A_995 = arith.constant 64 : index
    %swap3A_996 = tpu.vector_load %arg9[%swap3A_994, %swap3A_995] {strides = array<i32>} : memref<4x128xi32, #tpu.memory_space<vmem>>, vector<1x16xi32>,
    %swap3A_997 = vector.shape_cast %swap3A_996 : vector<1x16xi32> to vector<16xi32>
    %swap3A_998 = vector.shape_cast %add3A_992 : vector<16xi32> to vector<1x16xi32>
    tpu.vector_store %arg9[%swap3A_994, %swap3A_995], %swap3A_998 {strides = array<i32>} : memref<4x128xi32, #tpu.memory_space<vmem>>, vector<1x16xi32>,
    %add3A_999 = vector.broadcast %add3A_2 : i32 to vector<16xi32>
    %add3A_1000 = arith.addi %add3A_990, %add3A_999 : vector<16xi32>
    %swap3A_1001 = arith.constant 2 : i32
    %swap3A_1002 = arith.index_cast %swap3A_1001 : i32 to index
    %swap3A_1003 = arith.constant 64 : index
    %swap3A_1004 = tpu.vector_load %arg10[%swap3A_1002, %swap3A_1003] {strides = array<i32>} : memref<4x128xi32, #tpu.memory_space<vmem>>, vector<1x16xi32>,
    %swap3A_1005 = vector.shape_cast %swap3A_1004 : vector<1x16xi32> to vector<16xi32>
    %swap3A_1006 = vector.shape_cast %add3A_1000 : vector<16xi32> to vector<1x16xi32>
    tpu.vector_store %arg10[%swap3A_1002, %swap3A_1003], %swap3A_1006 {strides = array<i32>} : memref<4x128xi32, #tpu.memory_space<vmem>>, vector<1x16xi32>,
    %get3A_1007 = arith.constant 2 : i32
    %get3A_1008 = arith.index_cast %get3A_1007 : i32 to index
    %get3A_1009 = arith.constant 80 : index
    %get3A_1010 = tpu.vector_load %arg8[%get3A_1008, %get3A_1009] {strides = array<i32>} : memref<4x128xi32, #tpu.memory_space<vmem>>, vector<1x16xi32>,
    %get3A_1011 = vector.shape_cast %get3A_1010 : vector<1x16xi32> to vector<16xi32>
    %and3A_1012 = arith.constant -4096 : i32
    %and3A_1013 = vector.broadcast %and3A_1012 : i32 to vector<16xi32>
    %and3A_1014 = arith.andi %get3A_1011, %and3A_1013 : vector<16xi32>
    %shift_right_arithmetic3A_1015 = arith.constant 7 : i32
    %shift_right_arithmetic3A_1016 = vector.broadcast %shift_right_arithmetic3A_1015 : i32 to vector<16xi32>
    %shift_right_arithmetic3A_1017 = arith.shrsi %get3A_1011, %shift_right_arithmetic3A_1016 : vector<16xi32>
    %and3A_1018 = arith.constant 3 : i32
    %and3A_1019 = vector.broadcast %and3A_1018 : i32 to vector<16xi32>
    %and3A_1020 = arith.andi %shift_right_arithmetic3A_1017, %and3A_1019 : vector<16xi32>
    %mul3A_1021 = arith.constant 1024 : i32
    %mul3A_1022 = vector.broadcast %mul3A_1021 : i32 to vector<16xi32>
    %mul3A_1023 = arith.muli %and3A_1020, %mul3A_1022 : vector<16xi32>
    %add3A_1024 = arith.addi %and3A_1014, %mul3A_1023 : vector<16xi32>
    %shift_right_arithmetic3A_1025 = arith.constant 9 : i32
    %shift_right_arithmetic3A_1026 = vector.broadcast %shift_right_arithmetic3A_1025 : i32 to vector<16xi32>
    %shift_right_arithmetic3A_1027 = arith.shrsi %get3A_1011, %shift_right_arithmetic3A_1026 : vector<16xi32>
    %and3A_1028 = arith.constant 7 : i32
    %and3A_1029 = vector.broadcast %and3A_1028 : i32 to vector<16xi32>
    %and3A_1030 = arith.andi %shift_right_arithmetic3A_1027, %and3A_1029 : vector<16xi32>
    %mul3A_1031 = arith.constant 128 : i32
    %mul3A_1032 = vector.broadcast %mul3A_1031 : i32 to vector<16xi32>
    %mul3A_1033 = arith.muli %and3A_1030, %mul3A_1032 : vector<16xi32>
    %add3A_1034 = arith.addi %add3A_1024, %mul3A_1033 : vector<16xi32>
    %and3A_1035 = arith.constant 127 : i32
    %and3A_1036 = vector.broadcast %and3A_1035 : i32 to vector<16xi32>
    %and3A_1037 = arith.andi %get3A_1011, %and3A_1036 : vector<16xi32>
    %add3A_1038 = arith.addi %add3A_1034, %and3A_1037 : vector<16xi32>
    %add3A_1039 = vector.broadcast %mul3A_1 : i32 to vector<16xi32>
    %add3A_1040 = arith.addi %add3A_1038, %add3A_1039 : vector<16xi32>
    %swap3A_1041 = arith.constant 2 : i32
    %swap3A_1042 = arith.index_cast %swap3A_1041 : i32 to index
    %swap3A_1043 = arith.constant 80 : index
    %swap3A_1044 = tpu.vector_load %arg9[%swap3A_1042, %swap3A_1043] {strides = array<i32>} : memref<4x128xi32, #tpu.memory_space<vmem>>, vector<1x16xi32>,
    %swap3A_1045 = vector.shape_cast %swap3A_1044 : vector<1x16xi32> to vector<16xi32>
    %swap3A_1046 = vector.shape_cast %add3A_1040 : vector<16xi32> to vector<1x16xi32>
    tpu.vector_store %arg9[%swap3A_1042, %swap3A_1043], %swap3A_1046 {strides = array<i32>} : memref<4x128xi32, #tpu.memory_space<vmem>>, vector<1x16xi32>,
    %add3A_1047 = vector.broadcast %add3A_2 : i32 to vector<16xi32>
    %add3A_1048 = arith.addi %add3A_1038, %add3A_1047 : vector<16xi32>
    %swap3A_1049 = arith.constant 2 : i32
    %swap3A_1050 = arith.index_cast %swap3A_1049 : i32 to index
    %swap3A_1051 = arith.constant 80 : index
    %swap3A_1052 = tpu.vector_load %arg10[%swap3A_1050, %swap3A_1051] {strides = array<i32>} : memref<4x128xi32, #tpu.memory_space<vmem>>, vector<1x16xi32>,
    %swap3A_1053 = vector.shape_cast %swap3A_1052 : vector<1x16xi32> to vector<16xi32>
    %swap3A_1054 = vector.shape_cast %add3A_1048 : vector<16xi32> to vector<1x16xi32>
    tpu.vector_store %arg10[%swap3A_1050, %swap3A_1051], %swap3A_1054 {strides = array<i32>} : memref<4x128xi32, #tpu.memory_space<vmem>>, vector<1x16xi32>,
    %get3A_1055 = arith.constant 2 : i32
    %get3A_1056 = arith.index_cast %get3A_1055 : i32 to index
    %get3A_1057 = arith.constant 96 : index
    %get3A_1058 = tpu.vector_load %arg8[%get3A_1056, %get3A_1057] {strides = array<i32>} : memref<4x128xi32, #tpu.memory_space<vmem>>, vector<1x16xi32>,
    %get3A_1059 = vector.shape_cast %get3A_1058 : vector<1x16xi32> to vector<16xi32>
    %and3A_1060 = arith.constant -4096 : i32
    %and3A_1061 = vector.broadcast %and3A_1060 : i32 to vector<16xi32>
    %and3A_1062 = arith.andi %get3A_1059, %and3A_1061 : vector<16xi32>
    %shift_right_arithmetic3A_1063 = arith.constant 7 : i32
    %shift_right_arithmetic3A_1064 = vector.broadcast %shift_right_arithmetic3A_1063 : i32 to vector<16xi32>
    %shift_right_arithmetic3A_1065 = arith.shrsi %get3A_1059, %shift_right_arithmetic3A_1064 : vector<16xi32>
    %and3A_1066 = arith.constant 3 : i32
    %and3A_1067 = vector.broadcast %and3A_1066 : i32 to vector<16xi32>
    %and3A_1068 = arith.andi %shift_right_arithmetic3A_1065, %and3A_1067 : vector<16xi32>
    %mul3A_1069 = arith.constant 1024 : i32
    %mul3A_1070 = vector.broadcast %mul3A_1069 : i32 to vector<16xi32>
    %mul3A_1071 = arith.muli %and3A_1068, %mul3A_1070 : vector<16xi32>
    %add3A_1072 = arith.addi %and3A_1062, %mul3A_1071 : vector<16xi32>
    %shift_right_arithmetic3A_1073 = arith.constant 9 : i32
    %shift_right_arithmetic3A_1074 = vector.broadcast %shift_right_arithmetic3A_1073 : i32 to vector<16xi32>
    %shift_right_arithmetic3A_1075 = arith.shrsi %get3A_1059, %shift_right_arithmetic3A_1074 : vector<16xi32>
    %and3A_1076 = arith.constant 7 : i32
    %and3A_1077 = vector.broadcast %and3A_1076 : i32 to vector<16xi32>
    %and3A_1078 = arith.andi %shift_right_arithmetic3A_1075, %and3A_1077 : vector<16xi32>
    %mul3A_1079 = arith.constant 128 : i32
    %mul3A_1080 = vector.broadcast %mul3A_1079 : i32 to vector<16xi32>
    %mul3A_1081 = arith.muli %and3A_1078, %mul3A_1080 : vector<16xi32>
    %add3A_1082 = arith.addi %add3A_1072, %mul3A_1081 : vector<16xi32>
    %and3A_1083 = arith.constant 127 : i32
    %and3A_1084 = vector.broadcast %and3A_1083 : i32 to vector<16xi32>
    %and3A_1085 = arith.andi %get3A_1059, %and3A_1084 : vector<16xi32>
    %add3A_1086 = arith.addi %add3A_1082, %and3A_1085 : vector<16xi32>
    %add3A_1087 = vector.broadcast %mul3A_1 : i32 to vector<16xi32>
    %add3A_1088 = arith.addi %add3A_1086, %add3A_1087 : vector<16xi32>
    %swap3A_1089 = arith.constant 2 : i32
    %swap3A_1090 = arith.index_cast %swap3A_1089 : i32 to index
    %swap3A_1091 = arith.constant 96 : index
    %swap3A_1092 = tpu.vector_load %arg9[%swap3A_1090, %swap3A_1091] {strides = array<i32>} : memref<4x128xi32, #tpu.memory_space<vmem>>, vector<1x16xi32>,
    %swap3A_1093 = vector.shape_cast %swap3A_1092 : vector<1x16xi32> to vector<16xi32>
    %swap3A_1094 = vector.shape_cast %add3A_1088 : vector<16xi32> to vector<1x16xi32>
    tpu.vector_store %arg9[%swap3A_1090, %swap3A_1091], %swap3A_1094 {strides = array<i32>} : memref<4x128xi32, #tpu.memory_space<vmem>>, vector<1x16xi32>,
    %add3A_1095 = vector.broadcast %add3A_2 : i32 to vector<16xi32>
    %add3A_1096 = arith.addi %add3A_1086, %add3A_1095 : vector<16xi32>
    %swap3A_1097 = arith.constant 2 : i32
    %swap3A_1098 = arith.index_cast %swap3A_1097 : i32 to index
    %swap3A_1099 = arith.constant 96 : index
    %swap3A_1100 = tpu.vector_load %arg10[%swap3A_1098, %swap3A_1099] {strides = array<i32>} : memref<4x128xi32, #tpu.memory_space<vmem>>, vector<1x16xi32>,
    %swap3A_1101 = vector.shape_cast %swap3A_1100 : vector<1x16xi32> to vector<16xi32>
    %swap3A_1102 = vector.shape_cast %add3A_1096 : vector<16xi32> to vector<1x16xi32>
    tpu.vector_store %arg10[%swap3A_1098, %swap3A_1099], %swap3A_1102 {strides = array<i32>} : memref<4x128xi32, #tpu.memory_space<vmem>>, vector<1x16xi32>,
    %get3A_1103 = arith.constant 2 : i32
    %get3A_1104 = arith.index_cast %get3A_1103 : i32 to index
    %get3A_1105 = arith.constant 112 : index
    %get3A_1106 = tpu.vector_load %arg8[%get3A_1104, %get3A_1105] {strides = array<i32>} : memref<4x128xi32, #tpu.memory_space<vmem>>, vector<1x16xi32>,
    %get3A_1107 = vector.shape_cast %get3A_1106 : vector<1x16xi32> to vector<16xi32>
    %and3A_1108 = arith.constant -4096 : i32
    %and3A_1109 = vector.broadcast %and3A_1108 : i32 to vector<16xi32>
    %and3A_1110 = arith.andi %get3A_1107, %and3A_1109 : vector<16xi32>
    %shift_right_arithmetic3A_1111 = arith.constant 7 : i32
    %shift_right_arithmetic3A_1112 = vector.broadcast %shift_right_arithmetic3A_1111 : i32 to vector<16xi32>
    %shift_right_arithmetic3A_1113 = arith.shrsi %get3A_1107, %shift_right_arithmetic3A_1112 : vector<16xi32>
    %and3A_1114 = arith.constant 3 : i32
    %and3A_1115 = vector.broadcast %and3A_1114 : i32 to vector<16xi32>
    %and3A_1116 = arith.andi %shift_right_arithmetic3A_1113, %and3A_1115 : vector<16xi32>
    %mul3A_1117 = arith.constant 1024 : i32
    %mul3A_1118 = vector.broadcast %mul3A_1117 : i32 to vector<16xi32>
    %mul3A_1119 = arith.muli %and3A_1116, %mul3A_1118 : vector<16xi32>
    %add3A_1120 = arith.addi %and3A_1110, %mul3A_1119 : vector<16xi32>
    %shift_right_arithmetic3A_1121 = arith.constant 9 : i32
    %shift_right_arithmetic3A_1122 = vector.broadcast %shift_right_arithmetic3A_1121 : i32 to vector<16xi32>
    %shift_right_arithmetic3A_1123 = arith.shrsi %get3A_1107, %shift_right_arithmetic3A_1122 : vector<16xi32>
    %and3A_1124 = arith.constant 7 : i32
    %and3A_1125 = vector.broadcast %and3A_1124 : i32 to vector<16xi32>
    %and3A_1126 = arith.andi %shift_right_arithmetic3A_1123, %and3A_1125 : vector<16xi32>
    %mul3A_1127 = arith.constant 128 : i32
    %mul3A_1128 = vector.broadcast %mul3A_1127 : i32 to vector<16xi32>
    %mul3A_1129 = arith.muli %and3A_1126, %mul3A_1128 : vector<16xi32>
    %add3A_1130 = arith.addi %add3A_1120, %mul3A_1129 : vector<16xi32>
    %and3A_1131 = arith.constant 127 : i32
    %and3A_1132 = vector.broadcast %and3A_1131 : i32 to vector<16xi32>
    %and3A_1133 = arith.andi %get3A_1107, %and3A_1132 : vector<16xi32>
    %add3A_1134 = arith.addi %add3A_1130, %and3A_1133 : vector<16xi32>
    %add3A_1135 = vector.broadcast %mul3A_1 : i32 to vector<16xi32>
    %add3A_1136 = arith.addi %add3A_1134, %add3A_1135 : vector<16xi32>
    %swap3A_1137 = arith.constant 2 : i32
    %swap3A_1138 = arith.index_cast %swap3A_1137 : i32 to index
    %swap3A_1139 = arith.constant 112 : index
    %swap3A_1140 = tpu.vector_load %arg9[%swap3A_1138, %swap3A_1139] {strides = array<i32>} : memref<4x128xi32, #tpu.memory_space<vmem>>, vector<1x16xi32>,
    %swap3A_1141 = vector.shape_cast %swap3A_1140 : vector<1x16xi32> to vector<16xi32>
    %swap3A_1142 = vector.shape_cast %add3A_1136 : vector<16xi32> to vector<1x16xi32>
    tpu.vector_store %arg9[%swap3A_1138, %swap3A_1139], %swap3A_1142 {strides = array<i32>} : memref<4x128xi32, #tpu.memory_space<vmem>>, vector<1x16xi32>,
    %add3A_1143 = vector.broadcast %add3A_2 : i32 to vector<16xi32>
    %add3A_1144 = arith.addi %add3A_1134, %add3A_1143 : vector<16xi32>
    %swap3A_1145 = arith.constant 2 : i32
    %swap3A_1146 = arith.index_cast %swap3A_1145 : i32 to index
    %swap3A_1147 = arith.constant 112 : index
    %swap3A_1148 = tpu.vector_load %arg10[%swap3A_1146, %swap3A_1147] {strides = array<i32>} : memref<4x128xi32, #tpu.memory_space<vmem>>, vector<1x16xi32>,
    %swap3A_1149 = vector.shape_cast %swap3A_1148 : vector<1x16xi32> to vector<16xi32>
    %swap3A_1150 = vector.shape_cast %add3A_1144 : vector<16xi32> to vector<1x16xi32>
    tpu.vector_store %arg10[%swap3A_1146, %swap3A_1147], %swap3A_1150 {strides = array<i32>} : memref<4x128xi32, #tpu.memory_space<vmem>>, vector<1x16xi32>,
    %get3A_1151 = arith.constant 3 : i32
    %get3A_1152 = arith.index_cast %get3A_1151 : i32 to index
    %get3A_1153 = arith.constant 0 : index
    %get3A_1154 = tpu.vector_load %arg8[%get3A_1152, %get3A_1153] {strides = array<i32>} : memref<4x128xi32, #tpu.memory_space<vmem>>, vector<1x16xi32>,
    %get3A_1155 = vector.shape_cast %get3A_1154 : vector<1x16xi32> to vector<16xi32>
    %and3A_1156 = arith.constant -4096 : i32
    %and3A_1157 = vector.broadcast %and3A_1156 : i32 to vector<16xi32>
    %and3A_1158 = arith.andi %get3A_1155, %and3A_1157 : vector<16xi32>
    %shift_right_arithmetic3A_1159 = arith.constant 7 : i32
    %shift_right_arithmetic3A_1160 = vector.broadcast %shift_right_arithmetic3A_1159 : i32 to vector<16xi32>
    %shift_right_arithmetic3A_1161 = arith.shrsi %get3A_1155, %shift_right_arithmetic3A_1160 : vector<16xi32>
    %and3A_1162 = arith.constant 3 : i32
    %and3A_1163 = vector.broadcast %and3A_1162 : i32 to vector<16xi32>
    %and3A_1164 = arith.andi %shift_right_arithmetic3A_1161, %and3A_1163 : vector<16xi32>
    %mul3A_1165 = arith.constant 1024 : i32
    %mul3A_1166 = vector.broadcast %mul3A_1165 : i32 to vector<16xi32>
    %mul3A_1167 = arith.muli %and3A_1164, %mul3A_1166 : vector<16xi32>
    %add3A_1168 = arith.addi %and3A_1158, %mul3A_1167 : vector<16xi32>
    %shift_right_arithmetic3A_1169 = arith.constant 9 : i32
    %shift_right_arithmetic3A_1170 = vector.broadcast %shift_right_arithmetic3A_1169 : i32 to vector<16xi32>
    %shift_right_arithmetic3A_1171 = arith.shrsi %get3A_1155, %shift_right_arithmetic3A_1170 : vector<16xi32>
    %and3A_1172 = arith.constant 7 : i32
    %and3A_1173 = vector.broadcast %and3A_1172 : i32 to vector<16xi32>
    %and3A_1174 = arith.andi %shift_right_arithmetic3A_1171, %and3A_1173 : vector<16xi32>
    %mul3A_1175 = arith.constant 128 : i32
    %mul3A_1176 = vector.broadcast %mul3A_1175 : i32 to vector<16xi32>
    %mul3A_1177 = arith.muli %and3A_1174, %mul3A_1176 : vector<16xi32>
    %add3A_1178 = arith.addi %add3A_1168, %mul3A_1177 : vector<16xi32>
    %and3A_1179 = arith.constant 127 : i32
    %and3A_1180 = vector.broadcast %and3A_1179 : i32 to vector<16xi32>
    %and3A_1181 = arith.andi %get3A_1155, %and3A_1180 : vector<16xi32>
    %add3A_1182 = arith.addi %add3A_1178, %and3A_1181 : vector<16xi32>
    %add3A_1183 = vector.broadcast %mul3A_1 : i32 to vector<16xi32>
    %add3A_1184 = arith.addi %add3A_1182, %add3A_1183 : vector<16xi32>
    %swap3A_1185 = arith.constant 3 : i32
    %swap3A_1186 = arith.index_cast %swap3A_1185 : i32 to index
    %swap3A_1187 = arith.constant 0 : index
    %swap3A_1188 = tpu.vector_load %arg9[%swap3A_1186, %swap3A_1187] {strides = array<i32>} : memref<4x128xi32, #tpu.memory_space<vmem>>, vector<1x16xi32>,
    %swap3A_1189 = vector.shape_cast %swap3A_1188 : vector<1x16xi32> to vector<16xi32>
    %swap3A_1190 = vector.shape_cast %add3A_1184 : vector<16xi32> to vector<1x16xi32>
    tpu.vector_store %arg9[%swap3A_1186, %swap3A_1187], %swap3A_1190 {strides = array<i32>} : memref<4x128xi32, #tpu.memory_space<vmem>>, vector<1x16xi32>,
    %add3A_1191 = vector.broadcast %add3A_2 : i32 to vector<16xi32>
    %add3A_1192 = arith.addi %add3A_1182, %add3A_1191 : vector<16xi32>
    %swap3A_1193 = arith.constant 3 : i32
    %swap3A_1194 = arith.index_cast %swap3A_1193 : i32 to index
    %swap3A_1195 = arith.constant 0 : index
    %swap3A_1196 = tpu.vector_load %arg10[%swap3A_1194, %swap3A_1195] {strides = array<i32>} : memref<4x128xi32, #tpu.memory_space<vmem>>, vector<1x16xi32>,
    %swap3A_1197 = vector.shape_cast %swap3A_1196 : vector<1x16xi32> to vector<16xi32>
    %swap3A_1198 = vector.shape_cast %add3A_1192 : vector<16xi32> to vector<1x16xi32>
    tpu.vector_store %arg10[%swap3A_1194, %swap3A_1195], %swap3A_1198 {strides = array<i32>} : memref<4x128xi32, #tpu.memory_space<vmem>>, vector<1x16xi32>,
    %get3A_1199 = arith.constant 3 : i32
    %get3A_1200 = arith.index_cast %get3A_1199 : i32 to index
    %get3A_1201 = arith.constant 16 : index
    %get3A_1202 = tpu.vector_load %arg8[%get3A_1200, %get3A_1201] {strides = array<i32>} : memref<4x128xi32, #tpu.memory_space<vmem>>, vector<1x16xi32>,
    %get3A_1203 = vector.shape_cast %get3A_1202 : vector<1x16xi32> to vector<16xi32>
    %and3A_1204 = arith.constant -4096 : i32
    %and3A_1205 = vector.broadcast %and3A_1204 : i32 to vector<16xi32>
    %and3A_1206 = arith.andi %get3A_1203, %and3A_1205 : vector<16xi32>
    %shift_right_arithmetic3A_1207 = arith.constant 7 : i32
    %shift_right_arithmetic3A_1208 = vector.broadcast %shift_right_arithmetic3A_1207 : i32 to vector<16xi32>
    %shift_right_arithmetic3A_1209 = arith.shrsi %get3A_1203, %shift_right_arithmetic3A_1208 : vector<16xi32>
    %and3A_1210 = arith.constant 3 : i32
    %and3A_1211 = vector.broadcast %and3A_1210 : i32 to vector<16xi32>
    %and3A_1212 = arith.andi %shift_right_arithmetic3A_1209, %and3A_1211 : vector<16xi32>
    %mul3A_1213 = arith.constant 1024 : i32
    %mul3A_1214 = vector.broadcast %mul3A_1213 : i32 to vector<16xi32>
    %mul3A_1215 = arith.muli %and3A_1212, %mul3A_1214 : vector<16xi32>
    %add3A_1216 = arith.addi %and3A_1206, %mul3A_1215 : vector<16xi32>
    %shift_right_arithmetic3A_1217 = arith.constant 9 : i32
    %shift_right_arithmetic3A_1218 = vector.broadcast %shift_right_arithmetic3A_1217 : i32 to vector<16xi32>
    %shift_right_arithmetic3A_1219 = arith.shrsi %get3A_1203, %shift_right_arithmetic3A_1218 : vector<16xi32>
    %and3A_1220 = arith.constant 7 : i32
    %and3A_1221 = vector.broadcast %and3A_1220 : i32 to vector<16xi32>
    %and3A_1222 = arith.andi %shift_right_arithmetic3A_1219, %and3A_1221 : vector<16xi32>
    %mul3A_1223 = arith.constant 128 : i32
    %mul3A_1224 = vector.broadcast %mul3A_1223 : i32 to vector<16xi32>
    %mul3A_1225 = arith.muli %and3A_1222, %mul3A_1224 : vector<16xi32>
    %add3A_1226 = arith.addi %add3A_1216, %mul3A_1225 : vector<16xi32>
    %and3A_1227 = arith.constant 127 : i32
    %and3A_1228 = vector.broadcast %and3A_1227 : i32 to vector<16xi32>
    %and3A_1229 = arith.andi %get3A_1203, %and3A_1228 : vector<16xi32>
    %add3A_1230 = arith.addi %add3A_1226, %and3A_1229 : vector<16xi32>
    %add3A_1231 = vector.broadcast %mul3A_1 : i32 to vector<16xi32>
    %add3A_1232 = arith.addi %add3A_1230, %add3A_1231 : vector<16xi32>
    %swap3A_1233 = arith.constant 3 : i32
    %swap3A_1234 = arith.index_cast %swap3A_1233 : i32 to index
    %swap3A_1235 = arith.constant 16 : index
    %swap3A_1236 = tpu.vector_load %arg9[%swap3A_1234, %swap3A_1235] {strides = array<i32>} : memref<4x128xi32, #tpu.memory_space<vmem>>, vector<1x16xi32>,
    %swap3A_1237 = vector.shape_cast %swap3A_1236 : vector<1x16xi32> to vector<16xi32>
    %swap3A_1238 = vector.shape_cast %add3A_1232 : vector<16xi32> to vector<1x16xi32>
    tpu.vector_store %arg9[%swap3A_1234, %swap3A_1235], %swap3A_1238 {strides = array<i32>} : memref<4x128xi32, #tpu.memory_space<vmem>>, vector<1x16xi32>,
    %add3A_1239 = vector.broadcast %add3A_2 : i32 to vector<16xi32>
    %add3A_1240 = arith.addi %add3A_1230, %add3A_1239 : vector<16xi32>
    %swap3A_1241 = arith.constant 3 : i32
    %swap3A_1242 = arith.index_cast %swap3A_1241 : i32 to index
    %swap3A_1243 = arith.constant 16 : index
    %swap3A_1244 = tpu.vector_load %arg10[%swap3A_1242, %swap3A_1243] {strides = array<i32>} : memref<4x128xi32, #tpu.memory_space<vmem>>, vector<1x16xi32>,
    %swap3A_1245 = vector.shape_cast %swap3A_1244 : vector<1x16xi32> to vector<16xi32>
    %swap3A_1246 = vector.shape_cast %add3A_1240 : vector<16xi32> to vector<1x16xi32>
    tpu.vector_store %arg10[%swap3A_1242, %swap3A_1243], %swap3A_1246 {strides = array<i32>} : memref<4x128xi32, #tpu.memory_space<vmem>>, vector<1x16xi32>,
    %get3A_1247 = arith.constant 3 : i32
    %get3A_1248 = arith.index_cast %get3A_1247 : i32 to index
    %get3A_1249 = arith.constant 32 : index
    %get3A_1250 = tpu.vector_load %arg8[%get3A_1248, %get3A_1249] {strides = array<i32>} : memref<4x128xi32, #tpu.memory_space<vmem>>, vector<1x16xi32>,
    %get3A_1251 = vector.shape_cast %get3A_1250 : vector<1x16xi32> to vector<16xi32>
    %and3A_1252 = arith.constant -4096 : i32
    %and3A_1253 = vector.broadcast %and3A_1252 : i32 to vector<16xi32>
    %and3A_1254 = arith.andi %get3A_1251, %and3A_1253 : vector<16xi32>
    %shift_right_arithmetic3A_1255 = arith.constant 7 : i32
    %shift_right_arithmetic3A_1256 = vector.broadcast %shift_right_arithmetic3A_1255 : i32 to vector<16xi32>
    %shift_right_arithmetic3A_1257 = arith.shrsi %get3A_1251, %shift_right_arithmetic3A_1256 : vector<16xi32>
    %and3A_1258 = arith.constant 3 : i32
    %and3A_1259 = vector.broadcast %and3A_1258 : i32 to vector<16xi32>
    %and3A_1260 = arith.andi %shift_right_arithmetic3A_1257, %and3A_1259 : vector<16xi32>
    %mul3A_1261 = arith.constant 1024 : i32
    %mul3A_1262 = vector.broadcast %mul3A_1261 : i32 to vector<16xi32>
    %mul3A_1263 = arith.muli %and3A_1260, %mul3A_1262 : vector<16xi32>
    %add3A_1264 = arith.addi %and3A_1254, %mul3A_1263 : vector<16xi32>
    %shift_right_arithmetic3A_1265 = arith.constant 9 : i32
    %shift_right_arithmetic3A_1266 = vector.broadcast %shift_right_arithmetic3A_1265 : i32 to vector<16xi32>
    %shift_right_arithmetic3A_1267 = arith.shrsi %get3A_1251, %shift_right_arithmetic3A_1266 : vector<16xi32>
    %and3A_1268 = arith.constant 7 : i32
    %and3A_1269 = vector.broadcast %and3A_1268 : i32 to vector<16xi32>
    %and3A_1270 = arith.andi %shift_right_arithmetic3A_1267, %and3A_1269 : vector<16xi32>
    %mul3A_1271 = arith.constant 128 : i32
    %mul3A_1272 = vector.broadcast %mul3A_1271 : i32 to vector<16xi32>
    %mul3A_1273 = arith.muli %and3A_1270, %mul3A_1272 : vector<16xi32>
    %add3A_1274 = arith.addi %add3A_1264, %mul3A_1273 : vector<16xi32>
    %and3A_1275 = arith.constant 127 : i32
    %and3A_1276 = vector.broadcast %and3A_1275 : i32 to vector<16xi32>
    %and3A_1277 = arith.andi %get3A_1251, %and3A_1276 : vector<16xi32>
    %add3A_1278 = arith.addi %add3A_1274, %and3A_1277 : vector<16xi32>
    %add3A_1279 = vector.broadcast %mul3A_1 : i32 to vector<16xi32>
    %add3A_1280 = arith.addi %add3A_1278, %add3A_1279 : vector<16xi32>
    %swap3A_1281 = arith.constant 3 : i32
    %swap3A_1282 = arith.index_cast %swap3A_1281 : i32 to index
    %swap3A_1283 = arith.constant 32 : index
    %swap3A_1284 = tpu.vector_load %arg9[%swap3A_1282, %swap3A_1283] {strides = array<i32>} : memref<4x128xi32, #tpu.memory_space<vmem>>, vector<1x16xi32>,
    %swap3A_1285 = vector.shape_cast %swap3A_1284 : vector<1x16xi32> to vector<16xi32>
    %swap3A_1286 = vector.shape_cast %add3A_1280 : vector<16xi32> to vector<1x16xi32>
    tpu.vector_store %arg9[%swap3A_1282, %swap3A_1283], %swap3A_1286 {strides = array<i32>} : memref<4x128xi32, #tpu.memory_space<vmem>>, vector<1x16xi32>,
    %add3A_1287 = vector.broadcast %add3A_2 : i32 to vector<16xi32>
    %add3A_1288 = arith.addi %add3A_1278, %add3A_1287 : vector<16xi32>
    %swap3A_1289 = arith.constant 3 : i32
    %swap3A_1290 = arith.index_cast %swap3A_1289 : i32 to index
    %swap3A_1291 = arith.constant 32 : index
    %swap3A_1292 = tpu.vector_load %arg10[%swap3A_1290, %swap3A_1291] {strides = array<i32>} : memref<4x128xi32, #tpu.memory_space<vmem>>, vector<1x16xi32>,
    %swap3A_1293 = vector.shape_cast %swap3A_1292 : vector<1x16xi32> to vector<16xi32>
    %swap3A_1294 = vector.shape_cast %add3A_1288 : vector<16xi32> to vector<1x16xi32>
    tpu.vector_store %arg10[%swap3A_1290, %swap3A_1291], %swap3A_1294 {strides = array<i32>} : memref<4x128xi32, #tpu.memory_space<vmem>>, vector<1x16xi32>,
    %get3A_1295 = arith.constant 3 : i32
    %get3A_1296 = arith.index_cast %get3A_1295 : i32 to index
    %get3A_1297 = arith.constant 48 : index
    %get3A_1298 = tpu.vector_load %arg8[%get3A_1296, %get3A_1297] {strides = array<i32>} : memref<4x128xi32, #tpu.memory_space<vmem>>, vector<1x16xi32>,
    %get3A_1299 = vector.shape_cast %get3A_1298 : vector<1x16xi32> to vector<16xi32>
    %and3A_1300 = arith.constant -4096 : i32
    %and3A_1301 = vector.broadcast %and3A_1300 : i32 to vector<16xi32>
    %and3A_1302 = arith.andi %get3A_1299, %and3A_1301 : vector<16xi32>
    %shift_right_arithmetic3A_1303 = arith.constant 7 : i32
    %shift_right_arithmetic3A_1304 = vector.broadcast %shift_right_arithmetic3A_1303 : i32 to vector<16xi32>
    %shift_right_arithmetic3A_1305 = arith.shrsi %get3A_1299, %shift_right_arithmetic3A_1304 : vector<16xi32>
    %and3A_1306 = arith.constant 3 : i32
    %and3A_1307 = vector.broadcast %and3A_1306 : i32 to vector<16xi32>
    %and3A_1308 = arith.andi %shift_right_arithmetic3A_1305, %and3A_1307 : vector<16xi32>
    %mul3A_1309 = arith.constant 1024 : i32
    %mul3A_1310 = vector.broadcast %mul3A_1309 : i32 to vector<16xi32>
    %mul3A_1311 = arith.muli %and3A_1308, %mul3A_1310 : vector<16xi32>
    %add3A_1312 = arith.addi %and3A_1302, %mul3A_1311 : vector<16xi32>
    %shift_right_arithmetic3A_1313 = arith.constant 9 : i32
    %shift_right_arithmetic3A_1314 = vector.broadcast %shift_right_arithmetic3A_1313 : i32 to vector<16xi32>
    %shift_right_arithmetic3A_1315 = arith.shrsi %get3A_1299, %shift_right_arithmetic3A_1314 : vector<16xi32>
    %and3A_1316 = arith.constant 7 : i32
    %and3A_1317 = vector.broadcast %and3A_1316 : i32 to vector<16xi32>
    %and3A_1318 = arith.andi %shift_right_arithmetic3A_1315, %and3A_1317 : vector<16xi32>
    %mul3A_1319 = arith.constant 128 : i32
    %mul3A_1320 = vector.broadcast %mul3A_1319 : i32 to vector<16xi32>
    %mul3A_1321 = arith.muli %and3A_1318, %mul3A_1320 : vector<16xi32>
    %add3A_1322 = arith.addi %add3A_1312, %mul3A_1321 : vector<16xi32>
    %and3A_1323 = arith.constant 127 : i32
    %and3A_1324 = vector.broadcast %and3A_1323 : i32 to vector<16xi32>
    %and3A_1325 = arith.andi %get3A_1299, %and3A_1324 : vector<16xi32>
    %add3A_1326 = arith.addi %add3A_1322, %and3A_1325 : vector<16xi32>
    %add3A_1327 = vector.broadcast %mul3A_1 : i32 to vector<16xi32>
    %add3A_1328 = arith.addi %add3A_1326, %add3A_1327 : vector<16xi32>
    %swap3A_1329 = arith.constant 3 : i32
    %swap3A_1330 = arith.index_cast %swap3A_1329 : i32 to index
    %swap3A_1331 = arith.constant 48 : index
    %swap3A_1332 = tpu.vector_load %arg9[%swap3A_1330, %swap3A_1331] {strides = array<i32>} : memref<4x128xi32, #tpu.memory_space<vmem>>, vector<1x16xi32>,
    %swap3A_1333 = vector.shape_cast %swap3A_1332 : vector<1x16xi32> to vector<16xi32>
    %swap3A_1334 = vector.shape_cast %add3A_1328 : vector<16xi32> to vector<1x16xi32>
    tpu.vector_store %arg9[%swap3A_1330, %swap3A_1331], %swap3A_1334 {strides = array<i32>} : memref<4x128xi32, #tpu.memory_space<vmem>>, vector<1x16xi32>,
    %add3A_1335 = vector.broadcast %add3A_2 : i32 to vector<16xi32>
    %add3A_1336 = arith.addi %add3A_1326, %add3A_1335 : vector<16xi32>
    %swap3A_1337 = arith.constant 3 : i32
    %swap3A_1338 = arith.index_cast %swap3A_1337 : i32 to index
    %swap3A_1339 = arith.constant 48 : index
    %swap3A_1340 = tpu.vector_load %arg10[%swap3A_1338, %swap3A_1339] {strides = array<i32>} : memref<4x128xi32, #tpu.memory_space<vmem>>, vector<1x16xi32>,
    %swap3A_1341 = vector.shape_cast %swap3A_1340 : vector<1x16xi32> to vector<16xi32>
    %swap3A_1342 = vector.shape_cast %add3A_1336 : vector<16xi32> to vector<1x16xi32>
    tpu.vector_store %arg10[%swap3A_1338, %swap3A_1339], %swap3A_1342 {strides = array<i32>} : memref<4x128xi32, #tpu.memory_space<vmem>>, vector<1x16xi32>,
    %get3A_1343 = arith.constant 3 : i32
    %get3A_1344 = arith.index_cast %get3A_1343 : i32 to index
    %get3A_1345 = arith.constant 64 : index
    %get3A_1346 = tpu.vector_load %arg8[%get3A_1344, %get3A_1345] {strides = array<i32>} : memref<4x128xi32, #tpu.memory_space<vmem>>, vector<1x16xi32>,
    %get3A_1347 = vector.shape_cast %get3A_1346 : vector<1x16xi32> to vector<16xi32>
    %and3A_1348 = arith.constant -4096 : i32
    %and3A_1349 = vector.broadcast %and3A_1348 : i32 to vector<16xi32>
    %and3A_1350 = arith.andi %get3A_1347, %and3A_1349 : vector<16xi32>
    %shift_right_arithmetic3A_1351 = arith.constant 7 : i32
    %shift_right_arithmetic3A_1352 = vector.broadcast %shift_right_arithmetic3A_1351 : i32 to vector<16xi32>
    %shift_right_arithmetic3A_1353 = arith.shrsi %get3A_1347, %shift_right_arithmetic3A_1352 : vector<16xi32>
    %and3A_1354 = arith.constant 3 : i32
    %and3A_1355 = vector.broadcast %and3A_1354 : i32 to vector<16xi32>
    %and3A_1356 = arith.andi %shift_right_arithmetic3A_1353, %and3A_1355 : vector<16xi32>
    %mul3A_1357 = arith.constant 1024 : i32
    %mul3A_1358 = vector.broadcast %mul3A_1357 : i32 to vector<16xi32>
    %mul3A_1359 = arith.muli %and3A_1356, %mul3A_1358 : vector<16xi32>
    %add3A_1360 = arith.addi %and3A_1350, %mul3A_1359 : vector<16xi32>
    %shift_right_arithmetic3A_1361 = arith.constant 9 : i32
    %shift_right_arithmetic3A_1362 = vector.broadcast %shift_right_arithmetic3A_1361 : i32 to vector<16xi32>
    %shift_right_arithmetic3A_1363 = arith.shrsi %get3A_1347, %shift_right_arithmetic3A_1362 : vector<16xi32>
    %and3A_1364 = arith.constant 7 : i32
    %and3A_1365 = vector.broadcast %and3A_1364 : i32 to vector<16xi32>
    %and3A_1366 = arith.andi %shift_right_arithmetic3A_1363, %and3A_1365 : vector<16xi32>
    %mul3A_1367 = arith.constant 128 : i32
    %mul3A_1368 = vector.broadcast %mul3A_1367 : i32 to vector<16xi32>
    %mul3A_1369 = arith.muli %and3A_1366, %mul3A_1368 : vector<16xi32>
    %add3A_1370 = arith.addi %add3A_1360, %mul3A_1369 : vector<16xi32>
    %and3A_1371 = arith.constant 127 : i32
    %and3A_1372 = vector.broadcast %and3A_1371 : i32 to vector<16xi32>
    %and3A_1373 = arith.andi %get3A_1347, %and3A_1372 : vector<16xi32>
    %add3A_1374 = arith.addi %add3A_1370, %and3A_1373 : vector<16xi32>
    %add3A_1375 = vector.broadcast %mul3A_1 : i32 to vector<16xi32>
    %add3A_1376 = arith.addi %add3A_1374, %add3A_1375 : vector<16xi32>
    %swap3A_1377 = arith.constant 3 : i32
    %swap3A_1378 = arith.index_cast %swap3A_1377 : i32 to index
    %swap3A_1379 = arith.constant 64 : index
    %swap3A_1380 = tpu.vector_load %arg9[%swap3A_1378, %swap3A_1379] {strides = array<i32>} : memref<4x128xi32, #tpu.memory_space<vmem>>, vector<1x16xi32>,
    %swap3A_1381 = vector.shape_cast %swap3A_1380 : vector<1x16xi32> to vector<16xi32>
    %swap3A_1382 = vector.shape_cast %add3A_1376 : vector<16xi32> to vector<1x16xi32>
    tpu.vector_store %arg9[%swap3A_1378, %swap3A_1379], %swap3A_1382 {strides = array<i32>} : memref<4x128xi32, #tpu.memory_space<vmem>>, vector<1x16xi32>,
    %add3A_1383 = vector.broadcast %add3A_2 : i32 to vector<16xi32>
    %add3A_1384 = arith.addi %add3A_1374, %add3A_1383 : vector<16xi32>
    %swap3A_1385 = arith.constant 3 : i32
    %swap3A_1386 = arith.index_cast %swap3A_1385 : i32 to index
    %swap3A_1387 = arith.constant 64 : index
    %swap3A_1388 = tpu.vector_load %arg10[%swap3A_1386, %swap3A_1387] {strides = array<i32>} : memref<4x128xi32, #tpu.memory_space<vmem>>, vector<1x16xi32>,
    %swap3A_1389 = vector.shape_cast %swap3A_1388 : vector<1x16xi32> to vector<16xi32>
    %swap3A_1390 = vector.shape_cast %add3A_1384 : vector<16xi32> to vector<1x16xi32>
    tpu.vector_store %arg10[%swap3A_1386, %swap3A_1387], %swap3A_1390 {strides = array<i32>} : memref<4x128xi32, #tpu.memory_space<vmem>>, vector<1x16xi32>,
    %get3A_1391 = arith.constant 3 : i32
    %get3A_1392 = arith.index_cast %get3A_1391 : i32 to index
    %get3A_1393 = arith.constant 80 : index
    %get3A_1394 = tpu.vector_load %arg8[%get3A_1392, %get3A_1393] {strides = array<i32>} : memref<4x128xi32, #tpu.memory_space<vmem>>, vector<1x16xi32>,
    %get3A_1395 = vector.shape_cast %get3A_1394 : vector<1x16xi32> to vector<16xi32>
    %and3A_1396 = arith.constant -4096 : i32
    %and3A_1397 = vector.broadcast %and3A_1396 : i32 to vector<16xi32>
    %and3A_1398 = arith.andi %get3A_1395, %and3A_1397 : vector<16xi32>
    %shift_right_arithmetic3A_1399 = arith.constant 7 : i32
    %shift_right_arithmetic3A_1400 = vector.broadcast %shift_right_arithmetic3A_1399 : i32 to vector<16xi32>
    %shift_right_arithmetic3A_1401 = arith.shrsi %get3A_1395, %shift_right_arithmetic3A_1400 : vector<16xi32>
    %and3A_1402 = arith.constant 3 : i32
    %and3A_1403 = vector.broadcast %and3A_1402 : i32 to vector<16xi32>
    %and3A_1404 = arith.andi %shift_right_arithmetic3A_1401, %and3A_1403 : vector<16xi32>
    %mul3A_1405 = arith.constant 1024 : i32
    %mul3A_1406 = vector.broadcast %mul3A_1405 : i32 to vector<16xi32>
    %mul3A_1407 = arith.muli %and3A_1404, %mul3A_1406 : vector<16xi32>
    %add3A_1408 = arith.addi %and3A_1398, %mul3A_1407 : vector<16xi32>
    %shift_right_arithmetic3A_1409 = arith.constant 9 : i32
    %shift_right_arithmetic3A_1410 = vector.broadcast %shift_right_arithmetic3A_1409 : i32 to vector<16xi32>
    %shift_right_arithmetic3A_1411 = arith.shrsi %get3A_1395, %shift_right_arithmetic3A_1410 : vector<16xi32>
    %and3A_1412 = arith.constant 7 : i32
    %and3A_1413 = vector.broadcast %and3A_1412 : i32 to vector<16xi32>
    %and3A_1414 = arith.andi %shift_right_arithmetic3A_1411, %and3A_1413 : vector<16xi32>
    %mul3A_1415 = arith.constant 128 : i32
    %mul3A_1416 = vector.broadcast %mul3A_1415 : i32 to vector<16xi32>
    %mul3A_1417 = arith.muli %and3A_1414, %mul3A_1416 : vector<16xi32>
    %add3A_1418 = arith.addi %add3A_1408, %mul3A_1417 : vector<16xi32>
    %and3A_1419 = arith.constant 127 : i32
    %and3A_1420 = vector.broadcast %and3A_1419 : i32 to vector<16xi32>
    %and3A_1421 = arith.andi %get3A_1395, %and3A_1420 : vector<16xi32>
    %add3A_1422 = arith.addi %add3A_1418, %and3A_1421 : vector<16xi32>
    %add3A_1423 = vector.broadcast %mul3A_1 : i32 to vector<16xi32>
    %add3A_1424 = arith.addi %add3A_1422, %add3A_1423 : vector<16xi32>
    %swap3A_1425 = arith.constant 3 : i32
    %swap3A_1426 = arith.index_cast %swap3A_1425 : i32 to index
    %swap3A_1427 = arith.constant 80 : index
    %swap3A_1428 = tpu.vector_load %arg9[%swap3A_1426, %swap3A_1427] {strides = array<i32>} : memref<4x128xi32, #tpu.memory_space<vmem>>, vector<1x16xi32>,
    %swap3A_1429 = vector.shape_cast %swap3A_1428 : vector<1x16xi32> to vector<16xi32>
    %swap3A_1430 = vector.shape_cast %add3A_1424 : vector<16xi32> to vector<1x16xi32>
    tpu.vector_store %arg9[%swap3A_1426, %swap3A_1427], %swap3A_1430 {strides = array<i32>} : memref<4x128xi32, #tpu.memory_space<vmem>>, vector<1x16xi32>,
    %add3A_1431 = vector.broadcast %add3A_2 : i32 to vector<16xi32>
    %add3A_1432 = arith.addi %add3A_1422, %add3A_1431 : vector<16xi32>
    %swap3A_1433 = arith.constant 3 : i32
    %swap3A_1434 = arith.index_cast %swap3A_1433 : i32 to index
    %swap3A_1435 = arith.constant 80 : index
    %swap3A_1436 = tpu.vector_load %arg10[%swap3A_1434, %swap3A_1435] {strides = array<i32>} : memref<4x128xi32, #tpu.memory_space<vmem>>, vector<1x16xi32>,
    %swap3A_1437 = vector.shape_cast %swap3A_1436 : vector<1x16xi32> to vector<16xi32>
    %swap3A_1438 = vector.shape_cast %add3A_1432 : vector<16xi32> to vector<1x16xi32>
    tpu.vector_store %arg10[%swap3A_1434, %swap3A_1435], %swap3A_1438 {strides = array<i32>} : memref<4x128xi32, #tpu.memory_space<vmem>>, vector<1x16xi32>,
    %get3A_1439 = arith.constant 3 : i32
    %get3A_1440 = arith.index_cast %get3A_1439 : i32 to index
    %get3A_1441 = arith.constant 96 : index
    %get3A_1442 = tpu.vector_load %arg8[%get3A_1440, %get3A_1441] {strides = array<i32>} : memref<4x128xi32, #tpu.memory_space<vmem>>, vector<1x16xi32>,
    %get3A_1443 = vector.shape_cast %get3A_1442 : vector<1x16xi32> to vector<16xi32>
    %and3A_1444 = arith.constant -4096 : i32
    %and3A_1445 = vector.broadcast %and3A_1444 : i32 to vector<16xi32>
    %and3A_1446 = arith.andi %get3A_1443, %and3A_1445 : vector<16xi32>
    %shift_right_arithmetic3A_1447 = arith.constant 7 : i32
    %shift_right_arithmetic3A_1448 = vector.broadcast %shift_right_arithmetic3A_1447 : i32 to vector<16xi32>
    %shift_right_arithmetic3A_1449 = arith.shrsi %get3A_1443, %shift_right_arithmetic3A_1448 : vector<16xi32>
    %and3A_1450 = arith.constant 3 : i32
    %and3A_1451 = vector.broadcast %and3A_1450 : i32 to vector<16xi32>
    %and3A_1452 = arith.andi %shift_right_arithmetic3A_1449, %and3A_1451 : vector<16xi32>
    %mul3A_1453 = arith.constant 1024 : i32
    %mul3A_1454 = vector.broadcast %mul3A_1453 : i32 to vector<16xi32>
    %mul3A_1455 = arith.muli %and3A_1452, %mul3A_1454 : vector<16xi32>
    %add3A_1456 = arith.addi %and3A_1446, %mul3A_1455 : vector<16xi32>
    %shift_right_arithmetic3A_1457 = arith.constant 9 : i32
    %shift_right_arithmetic3A_1458 = vector.broadcast %shift_right_arithmetic3A_1457 : i32 to vector<16xi32>
    %shift_right_arithmetic3A_1459 = arith.shrsi %get3A_1443, %shift_right_arithmetic3A_1458 : vector<16xi32>
    %and3A_1460 = arith.constant 7 : i32
    %and3A_1461 = vector.broadcast %and3A_1460 : i32 to vector<16xi32>
    %and3A_1462 = arith.andi %shift_right_arithmetic3A_1459, %and3A_1461 : vector<16xi32>
    %mul3A_1463 = arith.constant 128 : i32
    %mul3A_1464 = vector.broadcast %mul3A_1463 : i32 to vector<16xi32>
    %mul3A_1465 = arith.muli %and3A_1462, %mul3A_1464 : vector<16xi32>
    %add3A_1466 = arith.addi %add3A_1456, %mul3A_1465 : vector<16xi32>
    %and3A_1467 = arith.constant 127 : i32
    %and3A_1468 = vector.broadcast %and3A_1467 : i32 to vector<16xi32>
    %and3A_1469 = arith.andi %get3A_1443, %and3A_1468 : vector<16xi32>
    %add3A_1470 = arith.addi %add3A_1466, %and3A_1469 : vector<16xi32>
    %add3A_1471 = vector.broadcast %mul3A_1 : i32 to vector<16xi32>
    %add3A_1472 = arith.addi %add3A_1470, %add3A_1471 : vector<16xi32>
    %swap3A_1473 = arith.constant 3 : i32
    %swap3A_1474 = arith.index_cast %swap3A_1473 : i32 to index
    %swap3A_1475 = arith.constant 96 : index
    %swap3A_1476 = tpu.vector_load %arg9[%swap3A_1474, %swap3A_1475] {strides = array<i32>} : memref<4x128xi32, #tpu.memory_space<vmem>>, vector<1x16xi32>,
    %swap3A_1477 = vector.shape_cast %swap3A_1476 : vector<1x16xi32> to vector<16xi32>
    %swap3A_1478 = vector.shape_cast %add3A_1472 : vector<16xi32> to vector<1x16xi32>
    tpu.vector_store %arg9[%swap3A_1474, %swap3A_1475], %swap3A_1478 {strides = array<i32>} : memref<4x128xi32, #tpu.memory_space<vmem>>, vector<1x16xi32>,
    %add3A_1479 = vector.broadcast %add3A_2 : i32 to vector<16xi32>
    %add3A_1480 = arith.addi %add3A_1470, %add3A_1479 : vector<16xi32>
    %swap3A_1481 = arith.constant 3 : i32
    %swap3A_1482 = arith.index_cast %swap3A_1481 : i32 to index
    %swap3A_1483 = arith.constant 96 : index
    %swap3A_1484 = tpu.vector_load %arg10[%swap3A_1482, %swap3A_1483] {strides = array<i32>} : memref<4x128xi32, #tpu.memory_space<vmem>>, vector<1x16xi32>,
    %swap3A_1485 = vector.shape_cast %swap3A_1484 : vector<1x16xi32> to vector<16xi32>
    %swap3A_1486 = vector.shape_cast %add3A_1480 : vector<16xi32> to vector<1x16xi32>
    tpu.vector_store %arg10[%swap3A_1482, %swap3A_1483], %swap3A_1486 {strides = array<i32>} : memref<4x128xi32, #tpu.memory_space<vmem>>, vector<1x16xi32>,
    %get3A_1487 = arith.constant 3 : i32
    %get3A_1488 = arith.index_cast %get3A_1487 : i32 to index
    %get3A_1489 = arith.constant 112 : index
    %get3A_1490 = tpu.vector_load %arg8[%get3A_1488, %get3A_1489] {strides = array<i32>} : memref<4x128xi32, #tpu.memory_space<vmem>>, vector<1x16xi32>,
    %get3A_1491 = vector.shape_cast %get3A_1490 : vector<1x16xi32> to vector<16xi32>
    %and3A_1492 = arith.constant -4096 : i32
    %and3A_1493 = vector.broadcast %and3A_1492 : i32 to vector<16xi32>
    %and3A_1494 = arith.andi %get3A_1491, %and3A_1493 : vector<16xi32>
    %shift_right_arithmetic3A_1495 = arith.constant 7 : i32
    %shift_right_arithmetic3A_1496 = vector.broadcast %shift_right_arithmetic3A_1495 : i32 to vector<16xi32>
    %shift_right_arithmetic3A_1497 = arith.shrsi %get3A_1491, %shift_right_arithmetic3A_1496 : vector<16xi32>
    %and3A_1498 = arith.constant 3 : i32
    %and3A_1499 = vector.broadcast %and3A_1498 : i32 to vector<16xi32>
    %and3A_1500 = arith.andi %shift_right_arithmetic3A_1497, %and3A_1499 : vector<16xi32>
    %mul3A_1501 = arith.constant 1024 : i32
    %mul3A_1502 = vector.broadcast %mul3A_1501 : i32 to vector<16xi32>
    %mul3A_1503 = arith.muli %and3A_1500, %mul3A_1502 : vector<16xi32>
    %add3A_1504 = arith.addi %and3A_1494, %mul3A_1503 : vector<16xi32>
    %shift_right_arithmetic3A_1505 = arith.constant 9 : i32
    %shift_right_arithmetic3A_1506 = vector.broadcast %shift_right_arithmetic3A_1505 : i32 to vector<16xi32>
    %shift_right_arithmetic3A_1507 = arith.shrsi %get3A_1491, %shift_right_arithmetic3A_1506 : vector<16xi32>
    %and3A_1508 = arith.constant 7 : i32
    %and3A_1509 = vector.broadcast %and3A_1508 : i32 to vector<16xi32>
    %and3A_1510 = arith.andi %shift_right_arithmetic3A_1507, %and3A_1509 : vector<16xi32>
    %mul3A_1511 = arith.constant 128 : i32
    %mul3A_1512 = vector.broadcast %mul3A_1511 : i32 to vector<16xi32>
    %mul3A_1513 = arith.muli %and3A_1510, %mul3A_1512 : vector<16xi32>
    %add3A_1514 = arith.addi %add3A_1504, %mul3A_1513 : vector<16xi32>
    %and3A_1515 = arith.constant 127 : i32
    %and3A_1516 = vector.broadcast %and3A_1515 : i32 to vector<16xi32>
    %and3A_1517 = arith.andi %get3A_1491, %and3A_1516 : vector<16xi32>
    %add3A_1518 = arith.addi %add3A_1514, %and3A_1517 : vector<16xi32>
    %add3A_1519 = vector.broadcast %mul3A_1 : i32 to vector<16xi32>
    %add3A_1520 = arith.addi %add3A_1518, %add3A_1519 : vector<16xi32>
    %swap3A_1521 = arith.constant 3 : i32
    %swap3A_1522 = arith.index_cast %swap3A_1521 : i32 to index
    %swap3A_1523 = arith.constant 112 : index
    %swap3A_1524 = tpu.vector_load %arg9[%swap3A_1522, %swap3A_1523] {strides = array<i32>} : memref<4x128xi32, #tpu.memory_space<vmem>>, vector<1x16xi32>,
    %swap3A_1525 = vector.shape_cast %swap3A_1524 : vector<1x16xi32> to vector<16xi32>
    %swap3A_1526 = vector.shape_cast %add3A_1520 : vector<16xi32> to vector<1x16xi32>
    tpu.vector_store %arg9[%swap3A_1522, %swap3A_1523], %swap3A_1526 {strides = array<i32>} : memref<4x128xi32, #tpu.memory_space<vmem>>, vector<1x16xi32>,
    %add3A_1527 = vector.broadcast %add3A_2 : i32 to vector<16xi32>
    %add3A_1528 = arith.addi %add3A_1518, %add3A_1527 : vector<16xi32>
    %swap3A_1529 = arith.constant 3 : i32
    %swap3A_1530 = arith.index_cast %swap3A_1529 : i32 to index
    %swap3A_1531 = arith.constant 112 : index
    %swap3A_1532 = tpu.vector_load %arg10[%swap3A_1530, %swap3A_1531] {strides = array<i32>} : memref<4x128xi32, #tpu.memory_space<vmem>>, vector<1x16xi32>,
    %swap3A_1533 = vector.shape_cast %swap3A_1532 : vector<1x16xi32> to vector<16xi32>
    %swap3A_1534 = vector.shape_cast %add3A_1528 : vector<16xi32> to vector<1x16xi32>
    tpu.vector_store %arg10[%swap3A_1530, %swap3A_1531], %swap3A_1534 {strides = array<i32>} : memref<4x128xi32, #tpu.memory_space<vmem>>, vector<1x16xi32>,
    %dma_start3A = arith.constant 0 : i32
    %dma_start3A_1535 = arith.constant 0 : i32
    %dma_start3A_1536 = arith.constant 0 : i32
    %dma_start3A_1537 = tpu.memref_slice %arg11[%dma_start3A_1535, %dma_start3A_1536] : memref<4x128xf32, #tpu.memory_space<vmem>> -> memref<1x128xf32, #tpu.memory_space<vmem>>
    %dma_start3A_1538 = tpu.memref_squeeze %dma_start3A_1537 : memref<1x128xf32, #tpu.memory_space<vmem>> -> memref<128xf32, #tpu.memory_space<vmem>>
    %dma_start3A_1539 = arith.constant 0 : i32
    %dma_start3A_1540 = tpu.memref_slice %arg9[%dma_start3A, %dma_start3A_1539] : memref<4x128xi32, #tpu.memory_space<vmem>> -> memref<1x128xi32, #tpu.memory_space<vmem>>
    %dma_start3A_1541 = tpu.memref_squeeze %dma_start3A_1540 : memref<1x128xi32, #tpu.memory_space<vmem>> -> memref<128xi32, #tpu.memory_space<vmem>>
    %dma_start3A_1542 = arith.constant 0 : i32
    %dma_start3A_1543 = tpu.memref_slice %arg2[%dma_start3A_1542] : memref<8388608xf32, #tpu.memory_space<hbm>> -> memref<8388608xf32, #tpu.memory_space<hbm>>
    tpu.enqueue_indirect_dma source(%dma_start3A_1543 : memref<8388608xf32, #tpu.memory_space<hbm>>) target(%dma_start3A_1538 : memref<128xf32, #tpu.memory_space<vmem>>) offsets(%dma_start3A_1541 : memref<128xi32, #tpu.memory_space<vmem>>) semaphore(%arg19 : memref<!tpu.dma_semaphore, #tpu.memory_space<semaphore_mem>>)
    %dma_start3A_1544 = arith.constant 0 : i32
    %dma_start3A_1545 = arith.constant 0 : i32
    %dma_start3A_1546 = arith.constant 0 : i32
    %dma_start3A_1547 = tpu.memref_slice %arg12[%dma_start3A_1545, %dma_start3A_1546] : memref<4x128xf32, #tpu.memory_space<vmem>> -> memref<1x128xf32, #tpu.memory_space<vmem>>
    %dma_start3A_1548 = tpu.memref_squeeze %dma_start3A_1547 : memref<1x128xf32, #tpu.memory_space<vmem>> -> memref<128xf32, #tpu.memory_space<vmem>>
    %dma_start3A_1549 = arith.constant 0 : i32
    %dma_start3A_1550 = tpu.memref_slice %arg10[%dma_start3A_1544, %dma_start3A_1549] : memref<4x128xi32, #tpu.memory_space<vmem>> -> memref<1x128xi32, #tpu.memory_space<vmem>>
    %dma_start3A_1551 = tpu.memref_squeeze %dma_start3A_1550 : memref<1x128xi32, #tpu.memory_space<vmem>> -> memref<128xi32, #tpu.memory_space<vmem>>
    %dma_start3A_1552 = arith.constant 0 : i32
    %dma_start3A_1553 = tpu.memref_slice %arg2[%dma_start3A_1552] : memref<8388608xf32, #tpu.memory_space<hbm>> -> memref<8388608xf32, #tpu.memory_space<hbm>>
    tpu.enqueue_indirect_dma source(%dma_start3A_1553 : memref<8388608xf32, #tpu.memory_space<hbm>>) target(%dma_start3A_1548 : memref<128xf32, #tpu.memory_space<vmem>>) offsets(%dma_start3A_1551 : memref<128xi32, #tpu.memory_space<vmem>>) semaphore(%arg19 : memref<!tpu.dma_semaphore, #tpu.memory_space<semaphore_mem>>)
    %dma_start3A_1554 = arith.constant 1 : i32
    %dma_start3A_1555 = arith.constant 1 : i32
    %dma_start3A_1556 = arith.constant 0 : i32
    %dma_start3A_1557 = tpu.memref_slice %arg11[%dma_start3A_1555, %dma_start3A_1556] : memref<4x128xf32, #tpu.memory_space<vmem>> -> memref<1x128xf32, #tpu.memory_space<vmem>>
    %dma_start3A_1558 = tpu.memref_squeeze %dma_start3A_1557 : memref<1x128xf32, #tpu.memory_space<vmem>> -> memref<128xf32, #tpu.memory_space<vmem>>
    %dma_start3A_1559 = arith.constant 0 : i32
    %dma_start3A_1560 = tpu.memref_slice %arg9[%dma_start3A_1554, %dma_start3A_1559] : memref<4x128xi32, #tpu.memory_space<vmem>> -> memref<1x128xi32, #tpu.memory_space<vmem>>
    %dma_start3A_1561 = tpu.memref_squeeze %dma_start3A_1560 : memref<1x128xi32, #tpu.memory_space<vmem>> -> memref<128xi32, #tpu.memory_space<vmem>>
    %dma_start3A_1562 = arith.constant 0 : i32
    %dma_start3A_1563 = tpu.memref_slice %arg2[%dma_start3A_1562] : memref<8388608xf32, #tpu.memory_space<hbm>> -> memref<8388608xf32, #tpu.memory_space<hbm>>
    tpu.enqueue_indirect_dma source(%dma_start3A_1563 : memref<8388608xf32, #tpu.memory_space<hbm>>) target(%dma_start3A_1558 : memref<128xf32, #tpu.memory_space<vmem>>) offsets(%dma_start3A_1561 : memref<128xi32, #tpu.memory_space<vmem>>) semaphore(%arg19 : memref<!tpu.dma_semaphore, #tpu.memory_space<semaphore_mem>>)
    %dma_start3A_1564 = arith.constant 1 : i32
    %dma_start3A_1565 = arith.constant 1 : i32
    %dma_start3A_1566 = arith.constant 0 : i32
    %dma_start3A_1567 = tpu.memref_slice %arg12[%dma_start3A_1565, %dma_start3A_1566] : memref<4x128xf32, #tpu.memory_space<vmem>> -> memref<1x128xf32, #tpu.memory_space<vmem>>
    %dma_start3A_1568 = tpu.memref_squeeze %dma_start3A_1567 : memref<1x128xf32, #tpu.memory_space<vmem>> -> memref<128xf32, #tpu.memory_space<vmem>>
    %dma_start3A_1569 = arith.constant 0 : i32
    %dma_start3A_1570 = tpu.memref_slice %arg10[%dma_start3A_1564, %dma_start3A_1569] : memref<4x128xi32, #tpu.memory_space<vmem>> -> memref<1x128xi32, #tpu.memory_space<vmem>>
    %dma_start3A_1571 = tpu.memref_squeeze %dma_start3A_1570 : memref<1x128xi32, #tpu.memory_space<vmem>> -> memref<128xi32, #tpu.memory_space<vmem>>
    %dma_start3A_1572 = arith.constant 0 : i32
    %dma_start3A_1573 = tpu.memref_slice %arg2[%dma_start3A_1572] : memref<8388608xf32, #tpu.memory_space<hbm>> -> memref<8388608xf32, #tpu.memory_space<hbm>>
    tpu.enqueue_indirect_dma source(%dma_start3A_1573 : memref<8388608xf32, #tpu.memory_space<hbm>>) target(%dma_start3A_1568 : memref<128xf32, #tpu.memory_space<vmem>>) offsets(%dma_start3A_1571 : memref<128xi32, #tpu.memory_space<vmem>>) semaphore(%arg19 : memref<!tpu.dma_semaphore, #tpu.memory_space<semaphore_mem>>)
    %dma_start3A_1574 = arith.constant 2 : i32
    %dma_start3A_1575 = arith.constant 2 : i32
    %dma_start3A_1576 = arith.constant 0 : i32
    %dma_start3A_1577 = tpu.memref_slice %arg11[%dma_start3A_1575, %dma_start3A_1576] : memref<4x128xf32, #tpu.memory_space<vmem>> -> memref<1x128xf32, #tpu.memory_space<vmem>>
    %dma_start3A_1578 = tpu.memref_squeeze %dma_start3A_1577 : memref<1x128xf32, #tpu.memory_space<vmem>> -> memref<128xf32, #tpu.memory_space<vmem>>
    %dma_start3A_1579 = arith.constant 0 : i32
    %dma_start3A_1580 = tpu.memref_slice %arg9[%dma_start3A_1574, %dma_start3A_1579] : memref<4x128xi32, #tpu.memory_space<vmem>> -> memref<1x128xi32, #tpu.memory_space<vmem>>
    %dma_start3A_1581 = tpu.memref_squeeze %dma_start3A_1580 : memref<1x128xi32, #tpu.memory_space<vmem>> -> memref<128xi32, #tpu.memory_space<vmem>>
    %dma_start3A_1582 = arith.constant 0 : i32
    %dma_start3A_1583 = tpu.memref_slice %arg2[%dma_start3A_1582] : memref<8388608xf32, #tpu.memory_space<hbm>> -> memref<8388608xf32, #tpu.memory_space<hbm>>
    tpu.enqueue_indirect_dma source(%dma_start3A_1583 : memref<8388608xf32, #tpu.memory_space<hbm>>) target(%dma_start3A_1578 : memref<128xf32, #tpu.memory_space<vmem>>) offsets(%dma_start3A_1581 : memref<128xi32, #tpu.memory_space<vmem>>) semaphore(%arg19 : memref<!tpu.dma_semaphore, #tpu.memory_space<semaphore_mem>>)
    %dma_start3A_1584 = arith.constant 2 : i32
    %dma_start3A_1585 = arith.constant 2 : i32
    %dma_start3A_1586 = arith.constant 0 : i32
    %dma_start3A_1587 = tpu.memref_slice %arg12[%dma_start3A_1585, %dma_start3A_1586] : memref<4x128xf32, #tpu.memory_space<vmem>> -> memref<1x128xf32, #tpu.memory_space<vmem>>
    %dma_start3A_1588 = tpu.memref_squeeze %dma_start3A_1587 : memref<1x128xf32, #tpu.memory_space<vmem>> -> memref<128xf32, #tpu.memory_space<vmem>>
    %dma_start3A_1589 = arith.constant 0 : i32
    %dma_start3A_1590 = tpu.memref_slice %arg10[%dma_start3A_1584, %dma_start3A_1589] : memref<4x128xi32, #tpu.memory_space<vmem>> -> memref<1x128xi32, #tpu.memory_space<vmem>>
    %dma_start3A_1591 = tpu.memref_squeeze %dma_start3A_1590 : memref<1x128xi32, #tpu.memory_space<vmem>> -> memref<128xi32, #tpu.memory_space<vmem>>
    %dma_start3A_1592 = arith.constant 0 : i32
    %dma_start3A_1593 = tpu.memref_slice %arg2[%dma_start3A_1592] : memref<8388608xf32, #tpu.memory_space<hbm>> -> memref<8388608xf32, #tpu.memory_space<hbm>>
    tpu.enqueue_indirect_dma source(%dma_start3A_1593 : memref<8388608xf32, #tpu.memory_space<hbm>>) target(%dma_start3A_1588 : memref<128xf32, #tpu.memory_space<vmem>>) offsets(%dma_start3A_1591 : memref<128xi32, #tpu.memory_space<vmem>>) semaphore(%arg19 : memref<!tpu.dma_semaphore, #tpu.memory_space<semaphore_mem>>)
    %dma_start3A_1594 = arith.constant 3 : i32
    %dma_start3A_1595 = arith.constant 3 : i32
    %dma_start3A_1596 = arith.constant 0 : i32
    %dma_start3A_1597 = tpu.memref_slice %arg11[%dma_start3A_1595, %dma_start3A_1596] : memref<4x128xf32, #tpu.memory_space<vmem>> -> memref<1x128xf32, #tpu.memory_space<vmem>>
    %dma_start3A_1598 = tpu.memref_squeeze %dma_start3A_1597 : memref<1x128xf32, #tpu.memory_space<vmem>> -> memref<128xf32, #tpu.memory_space<vmem>>
    %dma_start3A_1599 = arith.constant 0 : i32
    %dma_start3A_1600 = tpu.memref_slice %arg9[%dma_start3A_1594, %dma_start3A_1599] : memref<4x128xi32, #tpu.memory_space<vmem>> -> memref<1x128xi32, #tpu.memory_space<vmem>>
    %dma_start3A_1601 = tpu.memref_squeeze %dma_start3A_1600 : memref<1x128xi32, #tpu.memory_space<vmem>> -> memref<128xi32, #tpu.memory_space<vmem>>
    %dma_start3A_1602 = arith.constant 0 : i32
    %dma_start3A_1603 = tpu.memref_slice %arg2[%dma_start3A_1602] : memref<8388608xf32, #tpu.memory_space<hbm>> -> memref<8388608xf32, #tpu.memory_space<hbm>>
    tpu.enqueue_indirect_dma source(%dma_start3A_1603 : memref<8388608xf32, #tpu.memory_space<hbm>>) target(%dma_start3A_1598 : memref<128xf32, #tpu.memory_space<vmem>>) offsets(%dma_start3A_1601 : memref<128xi32, #tpu.memory_space<vmem>>) semaphore(%arg19 : memref<!tpu.dma_semaphore, #tpu.memory_space<semaphore_mem>>)
    %dma_start3A_1604 = arith.constant 3 : i32
    %dma_start3A_1605 = arith.constant 3 : i32
    %dma_start3A_1606 = arith.constant 0 : i32
    %dma_start3A_1607 = tpu.memref_slice %arg12[%dma_start3A_1605, %dma_start3A_1606] : memref<4x128xf32, #tpu.memory_space<vmem>> -> memref<1x128xf32, #tpu.memory_space<vmem>>
    %dma_start3A_1608 = tpu.memref_squeeze %dma_start3A_1607 : memref<1x128xf32, #tpu.memory_space<vmem>> -> memref<128xf32, #tpu.memory_space<vmem>>
    %dma_start3A_1609 = arith.constant 0 : i32
    %dma_start3A_1610 = tpu.memref_slice %arg10[%dma_start3A_1604, %dma_start3A_1609] : memref<4x128xi32, #tpu.memory_space<vmem>> -> memref<1x128xi32, #tpu.memory_space<vmem>>
    %dma_start3A_1611 = tpu.memref_squeeze %dma_start3A_1610 : memref<1x128xi32, #tpu.memory_space<vmem>> -> memref<128xi32, #tpu.memory_space<vmem>>
    %dma_start3A_1612 = arith.constant 0 : i32
    %dma_start3A_1613 = tpu.memref_slice %arg2[%dma_start3A_1612] : memref<8388608xf32, #tpu.memory_space<hbm>> -> memref<8388608xf32, #tpu.memory_space<hbm>>
    tpu.enqueue_indirect_dma source(%dma_start3A_1613 : memref<8388608xf32, #tpu.memory_space<hbm>>) target(%dma_start3A_1608 : memref<128xf32, #tpu.memory_space<vmem>>) offsets(%dma_start3A_1611 : memref<128xi32, #tpu.memory_space<vmem>>) semaphore(%arg19 : memref<!tpu.dma_semaphore, #tpu.memory_space<semaphore_mem>>)
    %dma_wait3A = arith.constant 0 : i32
    %dma_wait3A_1614 = arith.constant 0 : i32
    %dma_wait3A_1615 = arith.constant 0 : i32
    %dma_wait3A_1616 = tpu.memref_slice %arg11[%dma_wait3A_1614, %dma_wait3A_1615] : memref<4x128xf32, #tpu.memory_space<vmem>> -> memref<1x128xf32, #tpu.memory_space<vmem>>
    %dma_wait3A_1617 = tpu.memref_squeeze %dma_wait3A_1616 : memref<1x128xf32, #tpu.memory_space<vmem>> -> memref<128xf32, #tpu.memory_space<vmem>>
    %dma_wait3A_1618 = arith.constant 0 : i32
    %dma_wait3A_1619 = tpu.memref_slice %arg9[%dma_wait3A, %dma_wait3A_1618] : memref<4x128xi32, #tpu.memory_space<vmem>> -> memref<1x128xi32, #tpu.memory_space<vmem>>
    %dma_wait3A_1620 = tpu.memref_squeeze %dma_wait3A_1619 : memref<1x128xi32, #tpu.memory_space<vmem>> -> memref<128xi32, #tpu.memory_space<vmem>>
    %dma_wait3A_1621 = arith.constant 0 : i32
    %dma_wait3A_1622 = tpu.memref_slice %arg2[%dma_wait3A_1621] : memref<8388608xf32, #tpu.memory_space<hbm>> -> memref<8388608xf32, #tpu.memory_space<hbm>>
    tpu.wait_indirect_dma semaphore(%arg19 : memref<!tpu.dma_semaphore, #tpu.memory_space<semaphore_mem>>) src(%dma_wait3A_1622 : memref<8388608xf32, #tpu.memory_space<hbm>>) dst(%dma_wait3A_1617 : memref<128xf32, #tpu.memory_space<vmem>>)
    %dma_wait3A_1623 = arith.constant 0 : i32
    %dma_wait3A_1624 = arith.constant 0 : i32
    %dma_wait3A_1625 = arith.constant 0 : i32
    %dma_wait3A_1626 = tpu.memref_slice %arg12[%dma_wait3A_1624, %dma_wait3A_1625] : memref<4x128xf32, #tpu.memory_space<vmem>> -> memref<1x128xf32, #tpu.memory_space<vmem>>
    %dma_wait3A_1627 = tpu.memref_squeeze %dma_wait3A_1626 : memref<1x128xf32, #tpu.memory_space<vmem>> -> memref<128xf32, #tpu.memory_space<vmem>>
    %dma_wait3A_1628 = arith.constant 0 : i32
    %dma_wait3A_1629 = tpu.memref_slice %arg10[%dma_wait3A_1623, %dma_wait3A_1628] : memref<4x128xi32, #tpu.memory_space<vmem>> -> memref<1x128xi32, #tpu.memory_space<vmem>>
    %dma_wait3A_1630 = tpu.memref_squeeze %dma_wait3A_1629 : memref<1x128xi32, #tpu.memory_space<vmem>> -> memref<128xi32, #tpu.memory_space<vmem>>
    %dma_wait3A_1631 = arith.constant 0 : i32
    %dma_wait3A_1632 = tpu.memref_slice %arg2[%dma_wait3A_1631] : memref<8388608xf32, #tpu.memory_space<hbm>> -> memref<8388608xf32, #tpu.memory_space<hbm>>
    tpu.wait_indirect_dma semaphore(%arg19 : memref<!tpu.dma_semaphore, #tpu.memory_space<semaphore_mem>>) src(%dma_wait3A_1632 : memref<8388608xf32, #tpu.memory_space<hbm>>) dst(%dma_wait3A_1627 : memref<128xf32, #tpu.memory_space<vmem>>)
    %dma_wait3A_1633 = arith.constant 1 : i32
    %dma_wait3A_1634 = arith.constant 1 : i32
    %dma_wait3A_1635 = arith.constant 0 : i32
    %dma_wait3A_1636 = tpu.memref_slice %arg11[%dma_wait3A_1634, %dma_wait3A_1635] : memref<4x128xf32, #tpu.memory_space<vmem>> -> memref<1x128xf32, #tpu.memory_space<vmem>>
    %dma_wait3A_1637 = tpu.memref_squeeze %dma_wait3A_1636 : memref<1x128xf32, #tpu.memory_space<vmem>> -> memref<128xf32, #tpu.memory_space<vmem>>
    %dma_wait3A_1638 = arith.constant 0 : i32
    %dma_wait3A_1639 = tpu.memref_slice %arg9[%dma_wait3A_1633, %dma_wait3A_1638] : memref<4x128xi32, #tpu.memory_space<vmem>> -> memref<1x128xi32, #tpu.memory_space<vmem>>
    %dma_wait3A_1640 = tpu.memref_squeeze %dma_wait3A_1639 : memref<1x128xi32, #tpu.memory_space<vmem>> -> memref<128xi32, #tpu.memory_space<vmem>>
    %dma_wait3A_1641 = arith.constant 0 : i32
    %dma_wait3A_1642 = tpu.memref_slice %arg2[%dma_wait3A_1641] : memref<8388608xf32, #tpu.memory_space<hbm>> -> memref<8388608xf32, #tpu.memory_space<hbm>>
    tpu.wait_indirect_dma semaphore(%arg19 : memref<!tpu.dma_semaphore, #tpu.memory_space<semaphore_mem>>) src(%dma_wait3A_1642 : memref<8388608xf32, #tpu.memory_space<hbm>>) dst(%dma_wait3A_1637 : memref<128xf32, #tpu.memory_space<vmem>>)
    %dma_wait3A_1643 = arith.constant 1 : i32
    %dma_wait3A_1644 = arith.constant 1 : i32
    %dma_wait3A_1645 = arith.constant 0 : i32
    %dma_wait3A_1646 = tpu.memref_slice %arg12[%dma_wait3A_1644, %dma_wait3A_1645] : memref<4x128xf32, #tpu.memory_space<vmem>> -> memref<1x128xf32, #tpu.memory_space<vmem>>
    %dma_wait3A_1647 = tpu.memref_squeeze %dma_wait3A_1646 : memref<1x128xf32, #tpu.memory_space<vmem>> -> memref<128xf32, #tpu.memory_space<vmem>>
    %dma_wait3A_1648 = arith.constant 0 : i32
    %dma_wait3A_1649 = tpu.memref_slice %arg10[%dma_wait3A_1643, %dma_wait3A_1648] : memref<4x128xi32, #tpu.memory_space<vmem>> -> memref<1x128xi32, #tpu.memory_space<vmem>>
    %dma_wait3A_1650 = tpu.memref_squeeze %dma_wait3A_1649 : memref<1x128xi32, #tpu.memory_space<vmem>> -> memref<128xi32, #tpu.memory_space<vmem>>
    %dma_wait3A_1651 = arith.constant 0 : i32
    %dma_wait3A_1652 = tpu.memref_slice %arg2[%dma_wait3A_1651] : memref<8388608xf32, #tpu.memory_space<hbm>> -> memref<8388608xf32, #tpu.memory_space<hbm>>
    tpu.wait_indirect_dma semaphore(%arg19 : memref<!tpu.dma_semaphore, #tpu.memory_space<semaphore_mem>>) src(%dma_wait3A_1652 : memref<8388608xf32, #tpu.memory_space<hbm>>) dst(%dma_wait3A_1647 : memref<128xf32, #tpu.memory_space<vmem>>)
    %dma_wait3A_1653 = arith.constant 2 : i32
    %dma_wait3A_1654 = arith.constant 2 : i32
    %dma_wait3A_1655 = arith.constant 0 : i32
    %dma_wait3A_1656 = tpu.memref_slice %arg11[%dma_wait3A_1654, %dma_wait3A_1655] : memref<4x128xf32, #tpu.memory_space<vmem>> -> memref<1x128xf32, #tpu.memory_space<vmem>>
    %dma_wait3A_1657 = tpu.memref_squeeze %dma_wait3A_1656 : memref<1x128xf32, #tpu.memory_space<vmem>> -> memref<128xf32, #tpu.memory_space<vmem>>
    %dma_wait3A_1658 = arith.constant 0 : i32
    %dma_wait3A_1659 = tpu.memref_slice %arg9[%dma_wait3A_1653, %dma_wait3A_1658] : memref<4x128xi32, #tpu.memory_space<vmem>> -> memref<1x128xi32, #tpu.memory_space<vmem>>
    %dma_wait3A_1660 = tpu.memref_squeeze %dma_wait3A_1659 : memref<1x128xi32, #tpu.memory_space<vmem>> -> memref<128xi32, #tpu.memory_space<vmem>>
    %dma_wait3A_1661 = arith.constant 0 : i32
    %dma_wait3A_1662 = tpu.memref_slice %arg2[%dma_wait3A_1661] : memref<8388608xf32, #tpu.memory_space<hbm>> -> memref<8388608xf32, #tpu.memory_space<hbm>>
    tpu.wait_indirect_dma semaphore(%arg19 : memref<!tpu.dma_semaphore, #tpu.memory_space<semaphore_mem>>) src(%dma_wait3A_1662 : memref<8388608xf32, #tpu.memory_space<hbm>>) dst(%dma_wait3A_1657 : memref<128xf32, #tpu.memory_space<vmem>>)
    %dma_wait3A_1663 = arith.constant 2 : i32
    %dma_wait3A_1664 = arith.constant 2 : i32
    %dma_wait3A_1665 = arith.constant 0 : i32
    %dma_wait3A_1666 = tpu.memref_slice %arg12[%dma_wait3A_1664, %dma_wait3A_1665] : memref<4x128xf32, #tpu.memory_space<vmem>> -> memref<1x128xf32, #tpu.memory_space<vmem>>
    %dma_wait3A_1667 = tpu.memref_squeeze %dma_wait3A_1666 : memref<1x128xf32, #tpu.memory_space<vmem>> -> memref<128xf32, #tpu.memory_space<vmem>>
    %dma_wait3A_1668 = arith.constant 0 : i32
    %dma_wait3A_1669 = tpu.memref_slice %arg10[%dma_wait3A_1663, %dma_wait3A_1668] : memref<4x128xi32, #tpu.memory_space<vmem>> -> memref<1x128xi32, #tpu.memory_space<vmem>>
    %dma_wait3A_1670 = tpu.memref_squeeze %dma_wait3A_1669 : memref<1x128xi32, #tpu.memory_space<vmem>> -> memref<128xi32, #tpu.memory_space<vmem>>
    %dma_wait3A_1671 = arith.constant 0 : i32
    %dma_wait3A_1672 = tpu.memref_slice %arg2[%dma_wait3A_1671] : memref<8388608xf32, #tpu.memory_space<hbm>> -> memref<8388608xf32, #tpu.memory_space<hbm>>
    tpu.wait_indirect_dma semaphore(%arg19 : memref<!tpu.dma_semaphore, #tpu.memory_space<semaphore_mem>>) src(%dma_wait3A_1672 : memref<8388608xf32, #tpu.memory_space<hbm>>) dst(%dma_wait3A_1667 : memref<128xf32, #tpu.memory_space<vmem>>)
    %dma_wait3A_1673 = arith.constant 3 : i32
    %dma_wait3A_1674 = arith.constant 3 : i32
    %dma_wait3A_1675 = arith.constant 0 : i32
    %dma_wait3A_1676 = tpu.memref_slice %arg11[%dma_wait3A_1674, %dma_wait3A_1675] : memref<4x128xf32, #tpu.memory_space<vmem>> -> memref<1x128xf32, #tpu.memory_space<vmem>>
    %dma_wait3A_1677 = tpu.memref_squeeze %dma_wait3A_1676 : memref<1x128xf32, #tpu.memory_space<vmem>> -> memref<128xf32, #tpu.memory_space<vmem>>
    %dma_wait3A_1678 = arith.constant 0 : i32
    %dma_wait3A_1679 = tpu.memref_slice %arg9[%dma_wait3A_1673, %dma_wait3A_1678] : memref<4x128xi32, #tpu.memory_space<vmem>> -> memref<1x128xi32, #tpu.memory_space<vmem>>
    %dma_wait3A_1680 = tpu.memref_squeeze %dma_wait3A_1679 : memref<1x128xi32, #tpu.memory_space<vmem>> -> memref<128xi32, #tpu.memory_space<vmem>>
    %dma_wait3A_1681 = arith.constant 0 : i32
    %dma_wait3A_1682 = tpu.memref_slice %arg2[%dma_wait3A_1681] : memref<8388608xf32, #tpu.memory_space<hbm>> -> memref<8388608xf32, #tpu.memory_space<hbm>>
    tpu.wait_indirect_dma semaphore(%arg19 : memref<!tpu.dma_semaphore, #tpu.memory_space<semaphore_mem>>) src(%dma_wait3A_1682 : memref<8388608xf32, #tpu.memory_space<hbm>>) dst(%dma_wait3A_1677 : memref<128xf32, #tpu.memory_space<vmem>>)
    %dma_wait3A_1683 = arith.constant 3 : i32
    %dma_wait3A_1684 = arith.constant 3 : i32
    %dma_wait3A_1685 = arith.constant 0 : i32
    %dma_wait3A_1686 = tpu.memref_slice %arg12[%dma_wait3A_1684, %dma_wait3A_1685] : memref<4x128xf32, #tpu.memory_space<vmem>> -> memref<1x128xf32, #tpu.memory_space<vmem>>
    %dma_wait3A_1687 = tpu.memref_squeeze %dma_wait3A_1686 : memref<1x128xf32, #tpu.memory_space<vmem>> -> memref<128xf32, #tpu.memory_space<vmem>>
    %dma_wait3A_1688 = arith.constant 0 : i32
    %dma_wait3A_1689 = tpu.memref_slice %arg10[%dma_wait3A_1683, %dma_wait3A_1688] : memref<4x128xi32, #tpu.memory_space<vmem>> -> memref<1x128xi32, #tpu.memory_space<vmem>>
    %dma_wait3A_1690 = tpu.memref_squeeze %dma_wait3A_1689 : memref<1x128xi32, #tpu.memory_space<vmem>> -> memref<128xi32, #tpu.memory_space<vmem>>
    %dma_wait3A_1691 = arith.constant 0 : i32
    %dma_wait3A_1692 = tpu.memref_slice %arg2[%dma_wait3A_1691] : memref<8388608xf32, #tpu.memory_space<hbm>> -> memref<8388608xf32, #tpu.memory_space<hbm>>
    tpu.wait_indirect_dma semaphore(%arg19 : memref<!tpu.dma_semaphore, #tpu.memory_space<semaphore_mem>>) src(%dma_wait3A_1692 : memref<8388608xf32, #tpu.memory_space<hbm>>) dst(%dma_wait3A_1687 : memref<128xf32, #tpu.memory_space<vmem>>)
    %broadcast_in_dim3A = arith.constant 0.000000e+00 : f32
    %broadcast_in_dim3A_1693 = vector.broadcast %broadcast_in_dim3A : f32 to vector<16xf32>
    %broadcast_in_dim3A_1694 = arith.constant 0.000000e+00 : f32
    %broadcast_in_dim3A_1695 = vector.broadcast %broadcast_in_dim3A_1694 : f32 to vector<16xf32>
    %broadcast_in_dim3A_1696 = arith.constant 0.000000e+00 : f32
    %broadcast_in_dim3A_1697 = vector.broadcast %broadcast_in_dim3A_1696 : f32 to vector<16xf32>
    %get3A_1698 = arith.constant 0 : i32
    %get3A_1699 = arith.index_cast %get3A_1698 : i32 to index
    %get3A_1700 = arith.constant 0 : index
    %get3A_1701 = tpu.vector_load %arg15[%get3A_1699, %get3A_1700] {strides = array<i32>} : memref<4x128xf32, #tpu.memory_space<vmem>>, vector<1x16xf32>,
    %get3A_1702 = vector.shape_cast %get3A_1701 : vector<1x16xf32> to vector<16xf32>
    %add3A_1703 = arith.addf %broadcast_in_dim3A_1697, %get3A_1702 : vector<16xf32>
    %get3A_1704 = arith.constant 0 : i32
    %get3A_1705 = arith.index_cast %get3A_1704 : i32 to index
    %get3A_1706 = arith.constant 0 : index
    %get3A_1707 = tpu.vector_load %arg13[%get3A_1705, %get3A_1706] {strides = array<i32>} : memref<4x128xf32, #tpu.memory_space<vmem>>, vector<1x16xf32>,
    %get3A_1708 = vector.shape_cast %get3A_1707 : vector<1x16xf32> to vector<16xf32>
    %eq3A = arith.cmpf oeq, %get3A_1708, %get3A_1708 : vector<16xf32>
    %jit3A = arith.constant 0.000000e+00 : f32
    %broadcast_in_dim3A_1709 = vector.broadcast %jit3A : f32 to vector<16xf32>
    %select_n3A = arith.select %eq3A, %get3A_1702, %broadcast_in_dim3A_1709 : vector<16xi1>, vector<16xf32>
    %get3A_1710 = arith.constant 0 : i32
    %get3A_1711 = arith.index_cast %get3A_1710 : i32 to index
    %get3A_1712 = arith.constant 0 : index
    %get3A_1713 = tpu.vector_load %arg11[%get3A_1711, %get3A_1712] {strides = array<i32>} : memref<4x128xf32, #tpu.memory_space<vmem>>, vector<1x16xf32>,
    %get3A_1714 = vector.shape_cast %get3A_1713 : vector<1x16xf32> to vector<16xf32>
    %mul3A_1715 = arith.mulf %get3A_1714, %select_n3A : vector<16xf32>
    %mul3A_1716 = arith.mulf %get3A_1708, %select_n3A : vector<16xf32>
    %sub3A = arith.subf %mul3A_1715, %mul3A_1716 : vector<16xf32>
    %abs3A = math.absf %sub3A : vector<16xf32>
    %mul3A_1717 = arith.constant 3.000000e+00 : f32
    %mul3A_1718 = vector.broadcast %mul3A_1717 : f32 to vector<16xf32>
    %mul3A_1719 = arith.mulf %abs3A, %mul3A_1718 : vector<16xf32>
    %le3A = arith.constant 0.111111112 : f32
    %le3A_1720 = vector.broadcast %le3A : f32 to vector<16xf32>
    %le3A_1721 = arith.cmpf ole, %abs3A, %le3A_1720 : vector<16xf32>
    %mul3A_1722 = arith.mulf %mul3A_1719, %mul3A_1719 : vector<16xf32>
    %mul3A_1723 = arith.constant 5.000000e-01 : f32
    %mul3A_1724 = vector.broadcast %mul3A_1723 : f32 to vector<16xf32>
    %mul3A_1725 = arith.mulf %mul3A_1724, %mul3A_1722 : vector<16xf32>
    %sub3A_1726 = arith.constant 0.055555556 : f32
    %sub3A_1727 = vector.broadcast %sub3A_1726 : f32 to vector<16xf32>
    %sub3A_1728 = arith.subf %abs3A, %sub3A_1727 : vector<16xf32>
    %select_n3A_1729 = arith.select %le3A_1721, %mul3A_1725, %sub3A_1728 : vector<16xi1>, vector<16xf32>
    %add3A_1730 = arith.addf %broadcast_in_dim3A_1693, %select_n3A_1729 : vector<16xf32>
    %get3A_1731 = arith.constant 0 : i32
    %get3A_1732 = arith.index_cast %get3A_1731 : i32 to index
    %get3A_1733 = arith.constant 0 : index
    %get3A_1734 = tpu.vector_load %arg14[%get3A_1732, %get3A_1733] {strides = array<i32>} : memref<4x128xf32, #tpu.memory_space<vmem>>, vector<1x16xf32>,
    %get3A_1735 = vector.shape_cast %get3A_1734 : vector<1x16xf32> to vector<16xf32>
    %eq3A_1736 = arith.cmpf oeq, %get3A_1735, %get3A_1735 : vector<16xf32>
    %jit3A_1737 = arith.constant 0.000000e+00 : f32
    %broadcast_in_dim3A_1738 = vector.broadcast %jit3A_1737 : f32 to vector<16xf32>
    %select_n3A_1739 = arith.select %eq3A_1736, %get3A_1702, %broadcast_in_dim3A_1738 : vector<16xi1>, vector<16xf32>
    %get3A_1740 = arith.constant 0 : i32
    %get3A_1741 = arith.index_cast %get3A_1740 : i32 to index
    %get3A_1742 = arith.constant 0 : index
    %get3A_1743 = tpu.vector_load %arg12[%get3A_1741, %get3A_1742] {strides = array<i32>} : memref<4x128xf32, #tpu.memory_space<vmem>>, vector<1x16xf32>,
    %get3A_1744 = vector.shape_cast %get3A_1743 : vector<1x16xf32> to vector<16xf32>
    %mul3A_1745 = arith.mulf %get3A_1744, %select_n3A_1739 : vector<16xf32>
    %mul3A_1746 = arith.mulf %get3A_1735, %select_n3A_1739 : vector<16xf32>
    %sub3A_1747 = arith.subf %mul3A_1745, %mul3A_1746 : vector<16xf32>
    %abs3A_1748 = math.absf %sub3A_1747 : vector<16xf32>
    %mul3A_1749 = arith.constant 3.000000e+00 : f32
    %mul3A_1750 = vector.broadcast %mul3A_1749 : f32 to vector<16xf32>
    %mul3A_1751 = arith.mulf %abs3A_1748, %mul3A_1750 : vector<16xf32>
    %le3A_1752 = arith.constant 0.111111112 : f32
    %le3A_1753 = vector.broadcast %le3A_1752 : f32 to vector<16xf32>
    %le3A_1754 = arith.cmpf ole, %abs3A_1748, %le3A_1753 : vector<16xf32>
    %mul3A_1755 = arith.mulf %mul3A_1751, %mul3A_1751 : vector<16xf32>
    %mul3A_1756 = arith.constant 5.000000e-01 : f32
    %mul3A_1757 = vector.broadcast %mul3A_1756 : f32 to vector<16xf32>
    %mul3A_1758 = arith.mulf %mul3A_1757, %mul3A_1755 : vector<16xf32>
    %sub3A_1759 = arith.constant 0.055555556 : f32
    %sub3A_1760 = vector.broadcast %sub3A_1759 : f32 to vector<16xf32>
    %sub3A_1761 = arith.subf %abs3A_1748, %sub3A_1760 : vector<16xf32>
    %select_n3A_1762 = arith.select %le3A_1754, %mul3A_1758, %sub3A_1761 : vector<16xi1>, vector<16xf32>
    %add3A_1763 = arith.addf %broadcast_in_dim3A_1695, %select_n3A_1762 : vector<16xf32>
    %get3A_1764 = arith.constant 0 : i32
    %get3A_1765 = arith.index_cast %get3A_1764 : i32 to index
    %get3A_1766 = arith.constant 16 : index
    %get3A_1767 = tpu.vector_load %arg15[%get3A_1765, %get3A_1766] {strides = array<i32>} : memref<4x128xf32, #tpu.memory_space<vmem>>, vector<1x16xf32>,
    %get3A_1768 = vector.shape_cast %get3A_1767 : vector<1x16xf32> to vector<16xf32>
    %add3A_1769 = arith.addf %add3A_1703, %get3A_1768 : vector<16xf32>
    %get3A_1770 = arith.constant 0 : i32
    %get3A_1771 = arith.index_cast %get3A_1770 : i32 to index
    %get3A_1772 = arith.constant 16 : index
    %get3A_1773 = tpu.vector_load %arg13[%get3A_1771, %get3A_1772] {strides = array<i32>} : memref<4x128xf32, #tpu.memory_space<vmem>>, vector<1x16xf32>,
    %get3A_1774 = vector.shape_cast %get3A_1773 : vector<1x16xf32> to vector<16xf32>
    %eq3A_1775 = arith.cmpf oeq, %get3A_1774, %get3A_1774 : vector<16xf32>
    %jit3A_1776 = arith.constant 0.000000e+00 : f32
    %broadcast_in_dim3A_1777 = vector.broadcast %jit3A_1776 : f32 to vector<16xf32>
    %select_n3A_1778 = arith.select %eq3A_1775, %get3A_1768, %broadcast_in_dim3A_1777 : vector<16xi1>, vector<16xf32>
    %get3A_1779 = arith.constant 0 : i32
    %get3A_1780 = arith.index_cast %get3A_1779 : i32 to index
    %get3A_1781 = arith.constant 16 : index
    %get3A_1782 = tpu.vector_load %arg11[%get3A_1780, %get3A_1781] {strides = array<i32>} : memref<4x128xf32, #tpu.memory_space<vmem>>, vector<1x16xf32>,
    %get3A_1783 = vector.shape_cast %get3A_1782 : vector<1x16xf32> to vector<16xf32>
    %mul3A_1784 = arith.mulf %get3A_1783, %select_n3A_1778 : vector<16xf32>
    %mul3A_1785 = arith.mulf %get3A_1774, %select_n3A_1778 : vector<16xf32>
    %sub3A_1786 = arith.subf %mul3A_1784, %mul3A_1785 : vector<16xf32>
    %abs3A_1787 = math.absf %sub3A_1786 : vector<16xf32>
    %mul3A_1788 = arith.constant 3.000000e+00 : f32
    %mul3A_1789 = vector.broadcast %mul3A_1788 : f32 to vector<16xf32>
    %mul3A_1790 = arith.mulf %abs3A_1787, %mul3A_1789 : vector<16xf32>
    %le3A_1791 = arith.constant 0.111111112 : f32
    %le3A_1792 = vector.broadcast %le3A_1791 : f32 to vector<16xf32>
    %le3A_1793 = arith.cmpf ole, %abs3A_1787, %le3A_1792 : vector<16xf32>
    %mul3A_1794 = arith.mulf %mul3A_1790, %mul3A_1790 : vector<16xf32>
    %mul3A_1795 = arith.constant 5.000000e-01 : f32
    %mul3A_1796 = vector.broadcast %mul3A_1795 : f32 to vector<16xf32>
    %mul3A_1797 = arith.mulf %mul3A_1796, %mul3A_1794 : vector<16xf32>
    %sub3A_1798 = arith.constant 0.055555556 : f32
    %sub3A_1799 = vector.broadcast %sub3A_1798 : f32 to vector<16xf32>
    %sub3A_1800 = arith.subf %abs3A_1787, %sub3A_1799 : vector<16xf32>
    %select_n3A_1801 = arith.select %le3A_1793, %mul3A_1797, %sub3A_1800 : vector<16xi1>, vector<16xf32>
    %add3A_1802 = arith.addf %add3A_1730, %select_n3A_1801 : vector<16xf32>
    %get3A_1803 = arith.constant 0 : i32
    %get3A_1804 = arith.index_cast %get3A_1803 : i32 to index
    %get3A_1805 = arith.constant 16 : index
    %get3A_1806 = tpu.vector_load %arg14[%get3A_1804, %get3A_1805] {strides = array<i32>} : memref<4x128xf32, #tpu.memory_space<vmem>>, vector<1x16xf32>,
    %get3A_1807 = vector.shape_cast %get3A_1806 : vector<1x16xf32> to vector<16xf32>
    %eq3A_1808 = arith.cmpf oeq, %get3A_1807, %get3A_1807 : vector<16xf32>
    %jit3A_1809 = arith.constant 0.000000e+00 : f32
    %broadcast_in_dim3A_1810 = vector.broadcast %jit3A_1809 : f32 to vector<16xf32>
    %select_n3A_1811 = arith.select %eq3A_1808, %get3A_1768, %broadcast_in_dim3A_1810 : vector<16xi1>, vector<16xf32>
    %get3A_1812 = arith.constant 0 : i32
    %get3A_1813 = arith.index_cast %get3A_1812 : i32 to index
    %get3A_1814 = arith.constant 16 : index
    %get3A_1815 = tpu.vector_load %arg12[%get3A_1813, %get3A_1814] {strides = array<i32>} : memref<4x128xf32, #tpu.memory_space<vmem>>, vector<1x16xf32>,
    %get3A_1816 = vector.shape_cast %get3A_1815 : vector<1x16xf32> to vector<16xf32>
    %mul3A_1817 = arith.mulf %get3A_1816, %select_n3A_1811 : vector<16xf32>
    %mul3A_1818 = arith.mulf %get3A_1807, %select_n3A_1811 : vector<16xf32>
    %sub3A_1819 = arith.subf %mul3A_1817, %mul3A_1818 : vector<16xf32>
    %abs3A_1820 = math.absf %sub3A_1819 : vector<16xf32>
    %mul3A_1821 = arith.constant 3.000000e+00 : f32
    %mul3A_1822 = vector.broadcast %mul3A_1821 : f32 to vector<16xf32>
    %mul3A_1823 = arith.mulf %abs3A_1820, %mul3A_1822 : vector<16xf32>
    %le3A_1824 = arith.constant 0.111111112 : f32
    %le3A_1825 = vector.broadcast %le3A_1824 : f32 to vector<16xf32>
    %le3A_1826 = arith.cmpf ole, %abs3A_1820, %le3A_1825 : vector<16xf32>
    %mul3A_1827 = arith.mulf %mul3A_1823, %mul3A_1823 : vector<16xf32>
    %mul3A_1828 = arith.constant 5.000000e-01 : f32
    %mul3A_1829 = vector.broadcast %mul3A_1828 : f32 to vector<16xf32>
    %mul3A_1830 = arith.mulf %mul3A_1829, %mul3A_1827 : vector<16xf32>
    %sub3A_1831 = arith.constant 0.055555556 : f32
    %sub3A_1832 = vector.broadcast %sub3A_1831 : f32 to vector<16xf32>
    %sub3A_1833 = arith.subf %abs3A_1820, %sub3A_1832 : vector<16xf32>
    %select_n3A_1834 = arith.select %le3A_1826, %mul3A_1830, %sub3A_1833 : vector<16xi1>, vector<16xf32>
    %add3A_1835 = arith.addf %add3A_1763, %select_n3A_1834 : vector<16xf32>
    %get3A_1836 = arith.constant 0 : i32
    %get3A_1837 = arith.index_cast %get3A_1836 : i32 to index
    %get3A_1838 = arith.constant 32 : index
    %get3A_1839 = tpu.vector_load %arg15[%get3A_1837, %get3A_1838] {strides = array<i32>} : memref<4x128xf32, #tpu.memory_space<vmem>>, vector<1x16xf32>,
    %get3A_1840 = vector.shape_cast %get3A_1839 : vector<1x16xf32> to vector<16xf32>
    %add3A_1841 = arith.addf %add3A_1769, %get3A_1840 : vector<16xf32>
    %get3A_1842 = arith.constant 0 : i32
    %get3A_1843 = arith.index_cast %get3A_1842 : i32 to index
    %get3A_1844 = arith.constant 32 : index
    %get3A_1845 = tpu.vector_load %arg13[%get3A_1843, %get3A_1844] {strides = array<i32>} : memref<4x128xf32, #tpu.memory_space<vmem>>, vector<1x16xf32>,
    %get3A_1846 = vector.shape_cast %get3A_1845 : vector<1x16xf32> to vector<16xf32>
    %eq3A_1847 = arith.cmpf oeq, %get3A_1846, %get3A_1846 : vector<16xf32>
    %jit3A_1848 = arith.constant 0.000000e+00 : f32
    %broadcast_in_dim3A_1849 = vector.broadcast %jit3A_1848 : f32 to vector<16xf32>
    %select_n3A_1850 = arith.select %eq3A_1847, %get3A_1840, %broadcast_in_dim3A_1849 : vector<16xi1>, vector<16xf32>
    %get3A_1851 = arith.constant 0 : i32
    %get3A_1852 = arith.index_cast %get3A_1851 : i32 to index
    %get3A_1853 = arith.constant 32 : index
    %get3A_1854 = tpu.vector_load %arg11[%get3A_1852, %get3A_1853] {strides = array<i32>} : memref<4x128xf32, #tpu.memory_space<vmem>>, vector<1x16xf32>,
    %get3A_1855 = vector.shape_cast %get3A_1854 : vector<1x16xf32> to vector<16xf32>
    %mul3A_1856 = arith.mulf %get3A_1855, %select_n3A_1850 : vector<16xf32>
    %mul3A_1857 = arith.mulf %get3A_1846, %select_n3A_1850 : vector<16xf32>
    %sub3A_1858 = arith.subf %mul3A_1856, %mul3A_1857 : vector<16xf32>
    %abs3A_1859 = math.absf %sub3A_1858 : vector<16xf32>
    %mul3A_1860 = arith.constant 3.000000e+00 : f32
    %mul3A_1861 = vector.broadcast %mul3A_1860 : f32 to vector<16xf32>
    %mul3A_1862 = arith.mulf %abs3A_1859, %mul3A_1861 : vector<16xf32>
    %le3A_1863 = arith.constant 0.111111112 : f32
    %le3A_1864 = vector.broadcast %le3A_1863 : f32 to vector<16xf32>
    %le3A_1865 = arith.cmpf ole, %abs3A_1859, %le3A_1864 : vector<16xf32>
    %mul3A_1866 = arith.mulf %mul3A_1862, %mul3A_1862 : vector<16xf32>
    %mul3A_1867 = arith.constant 5.000000e-01 : f32
    %mul3A_1868 = vector.broadcast %mul3A_1867 : f32 to vector<16xf32>
    %mul3A_1869 = arith.mulf %mul3A_1868, %mul3A_1866 : vector<16xf32>
    %sub3A_1870 = arith.constant 0.055555556 : f32
    %sub3A_1871 = vector.broadcast %sub3A_1870 : f32 to vector<16xf32>
    %sub3A_1872 = arith.subf %abs3A_1859, %sub3A_1871 : vector<16xf32>
    %select_n3A_1873 = arith.select %le3A_1865, %mul3A_1869, %sub3A_1872 : vector<16xi1>, vector<16xf32>
    %add3A_1874 = arith.addf %add3A_1802, %select_n3A_1873 : vector<16xf32>
    %get3A_1875 = arith.constant 0 : i32
    %get3A_1876 = arith.index_cast %get3A_1875 : i32 to index
    %get3A_1877 = arith.constant 32 : index
    %get3A_1878 = tpu.vector_load %arg14[%get3A_1876, %get3A_1877] {strides = array<i32>} : memref<4x128xf32, #tpu.memory_space<vmem>>, vector<1x16xf32>,
    %get3A_1879 = vector.shape_cast %get3A_1878 : vector<1x16xf32> to vector<16xf32>
    %eq3A_1880 = arith.cmpf oeq, %get3A_1879, %get3A_1879 : vector<16xf32>
    %jit3A_1881 = arith.constant 0.000000e+00 : f32
    %broadcast_in_dim3A_1882 = vector.broadcast %jit3A_1881 : f32 to vector<16xf32>
    %select_n3A_1883 = arith.select %eq3A_1880, %get3A_1840, %broadcast_in_dim3A_1882 : vector<16xi1>, vector<16xf32>
    %get3A_1884 = arith.constant 0 : i32
    %get3A_1885 = arith.index_cast %get3A_1884 : i32 to index
    %get3A_1886 = arith.constant 32 : index
    %get3A_1887 = tpu.vector_load %arg12[%get3A_1885, %get3A_1886] {strides = array<i32>} : memref<4x128xf32, #tpu.memory_space<vmem>>, vector<1x16xf32>,
    %get3A_1888 = vector.shape_cast %get3A_1887 : vector<1x16xf32> to vector<16xf32>
    %mul3A_1889 = arith.mulf %get3A_1888, %select_n3A_1883 : vector<16xf32>
    %mul3A_1890 = arith.mulf %get3A_1879, %select_n3A_1883 : vector<16xf32>
    %sub3A_1891 = arith.subf %mul3A_1889, %mul3A_1890 : vector<16xf32>
    %abs3A_1892 = math.absf %sub3A_1891 : vector<16xf32>
    %mul3A_1893 = arith.constant 3.000000e+00 : f32
    %mul3A_1894 = vector.broadcast %mul3A_1893 : f32 to vector<16xf32>
    %mul3A_1895 = arith.mulf %abs3A_1892, %mul3A_1894 : vector<16xf32>
    %le3A_1896 = arith.constant 0.111111112 : f32
    %le3A_1897 = vector.broadcast %le3A_1896 : f32 to vector<16xf32>
    %le3A_1898 = arith.cmpf ole, %abs3A_1892, %le3A_1897 : vector<16xf32>
    %mul3A_1899 = arith.mulf %mul3A_1895, %mul3A_1895 : vector<16xf32>
    %mul3A_1900 = arith.constant 5.000000e-01 : f32
    %mul3A_1901 = vector.broadcast %mul3A_1900 : f32 to vector<16xf32>
    %mul3A_1902 = arith.mulf %mul3A_1901, %mul3A_1899 : vector<16xf32>
    %sub3A_1903 = arith.constant 0.055555556 : f32
    %sub3A_1904 = vector.broadcast %sub3A_1903 : f32 to vector<16xf32>
    %sub3A_1905 = arith.subf %abs3A_1892, %sub3A_1904 : vector<16xf32>
    %select_n3A_1906 = arith.select %le3A_1898, %mul3A_1902, %sub3A_1905 : vector<16xi1>, vector<16xf32>
    %add3A_1907 = arith.addf %add3A_1835, %select_n3A_1906 : vector<16xf32>
    %get3A_1908 = arith.constant 0 : i32
    %get3A_1909 = arith.index_cast %get3A_1908 : i32 to index
    %get3A_1910 = arith.constant 48 : index
    %get3A_1911 = tpu.vector_load %arg15[%get3A_1909, %get3A_1910] {strides = array<i32>} : memref<4x128xf32, #tpu.memory_space<vmem>>, vector<1x16xf32>,
    %get3A_1912 = vector.shape_cast %get3A_1911 : vector<1x16xf32> to vector<16xf32>
    %add3A_1913 = arith.addf %add3A_1841, %get3A_1912 : vector<16xf32>
    %get3A_1914 = arith.constant 0 : i32
    %get3A_1915 = arith.index_cast %get3A_1914 : i32 to index
    %get3A_1916 = arith.constant 48 : index
    %get3A_1917 = tpu.vector_load %arg13[%get3A_1915, %get3A_1916] {strides = array<i32>} : memref<4x128xf32, #tpu.memory_space<vmem>>, vector<1x16xf32>,
    %get3A_1918 = vector.shape_cast %get3A_1917 : vector<1x16xf32> to vector<16xf32>
    %eq3A_1919 = arith.cmpf oeq, %get3A_1918, %get3A_1918 : vector<16xf32>
    %jit3A_1920 = arith.constant 0.000000e+00 : f32
    %broadcast_in_dim3A_1921 = vector.broadcast %jit3A_1920 : f32 to vector<16xf32>
    %select_n3A_1922 = arith.select %eq3A_1919, %get3A_1912, %broadcast_in_dim3A_1921 : vector<16xi1>, vector<16xf32>
    %get3A_1923 = arith.constant 0 : i32
    %get3A_1924 = arith.index_cast %get3A_1923 : i32 to index
    %get3A_1925 = arith.constant 48 : index
    %get3A_1926 = tpu.vector_load %arg11[%get3A_1924, %get3A_1925] {strides = array<i32>} : memref<4x128xf32, #tpu.memory_space<vmem>>, vector<1x16xf32>,
    %get3A_1927 = vector.shape_cast %get3A_1926 : vector<1x16xf32> to vector<16xf32>
    %mul3A_1928 = arith.mulf %get3A_1927, %select_n3A_1922 : vector<16xf32>
    %mul3A_1929 = arith.mulf %get3A_1918, %select_n3A_1922 : vector<16xf32>
    %sub3A_1930 = arith.subf %mul3A_1928, %mul3A_1929 : vector<16xf32>
    %abs3A_1931 = math.absf %sub3A_1930 : vector<16xf32>
    %mul3A_1932 = arith.constant 3.000000e+00 : f32
    %mul3A_1933 = vector.broadcast %mul3A_1932 : f32 to vector<16xf32>
    %mul3A_1934 = arith.mulf %abs3A_1931, %mul3A_1933 : vector<16xf32>
    %le3A_1935 = arith.constant 0.111111112 : f32
    %le3A_1936 = vector.broadcast %le3A_1935 : f32 to vector<16xf32>
    %le3A_1937 = arith.cmpf ole, %abs3A_1931, %le3A_1936 : vector<16xf32>
    %mul3A_1938 = arith.mulf %mul3A_1934, %mul3A_1934 : vector<16xf32>
    %mul3A_1939 = arith.constant 5.000000e-01 : f32
    %mul3A_1940 = vector.broadcast %mul3A_1939 : f32 to vector<16xf32>
    %mul3A_1941 = arith.mulf %mul3A_1940, %mul3A_1938 : vector<16xf32>
    %sub3A_1942 = arith.constant 0.055555556 : f32
    %sub3A_1943 = vector.broadcast %sub3A_1942 : f32 to vector<16xf32>
    %sub3A_1944 = arith.subf %abs3A_1931, %sub3A_1943 : vector<16xf32>
    %select_n3A_1945 = arith.select %le3A_1937, %mul3A_1941, %sub3A_1944 : vector<16xi1>, vector<16xf32>
    %add3A_1946 = arith.addf %add3A_1874, %select_n3A_1945 : vector<16xf32>
    %get3A_1947 = arith.constant 0 : i32
    %get3A_1948 = arith.index_cast %get3A_1947 : i32 to index
    %get3A_1949 = arith.constant 48 : index
    %get3A_1950 = tpu.vector_load %arg14[%get3A_1948, %get3A_1949] {strides = array<i32>} : memref<4x128xf32, #tpu.memory_space<vmem>>, vector<1x16xf32>,
    %get3A_1951 = vector.shape_cast %get3A_1950 : vector<1x16xf32> to vector<16xf32>
    %eq3A_1952 = arith.cmpf oeq, %get3A_1951, %get3A_1951 : vector<16xf32>
    %jit3A_1953 = arith.constant 0.000000e+00 : f32
    %broadcast_in_dim3A_1954 = vector.broadcast %jit3A_1953 : f32 to vector<16xf32>
    %select_n3A_1955 = arith.select %eq3A_1952, %get3A_1912, %broadcast_in_dim3A_1954 : vector<16xi1>, vector<16xf32>
    %get3A_1956 = arith.constant 0 : i32
    %get3A_1957 = arith.index_cast %get3A_1956 : i32 to index
    %get3A_1958 = arith.constant 48 : index
    %get3A_1959 = tpu.vector_load %arg12[%get3A_1957, %get3A_1958] {strides = array<i32>} : memref<4x128xf32, #tpu.memory_space<vmem>>, vector<1x16xf32>,
    %get3A_1960 = vector.shape_cast %get3A_1959 : vector<1x16xf32> to vector<16xf32>
    %mul3A_1961 = arith.mulf %get3A_1960, %select_n3A_1955 : vector<16xf32>
    %mul3A_1962 = arith.mulf %get3A_1951, %select_n3A_1955 : vector<16xf32>
    %sub3A_1963 = arith.subf %mul3A_1961, %mul3A_1962 : vector<16xf32>
    %abs3A_1964 = math.absf %sub3A_1963 : vector<16xf32>
    %mul3A_1965 = arith.constant 3.000000e+00 : f32
    %mul3A_1966 = vector.broadcast %mul3A_1965 : f32 to vector<16xf32>
    %mul3A_1967 = arith.mulf %abs3A_1964, %mul3A_1966 : vector<16xf32>
    %le3A_1968 = arith.constant 0.111111112 : f32
    %le3A_1969 = vector.broadcast %le3A_1968 : f32 to vector<16xf32>
    %le3A_1970 = arith.cmpf ole, %abs3A_1964, %le3A_1969 : vector<16xf32>
    %mul3A_1971 = arith.mulf %mul3A_1967, %mul3A_1967 : vector<16xf32>
    %mul3A_1972 = arith.constant 5.000000e-01 : f32
    %mul3A_1973 = vector.broadcast %mul3A_1972 : f32 to vector<16xf32>
    %mul3A_1974 = arith.mulf %mul3A_1973, %mul3A_1971 : vector<16xf32>
    %sub3A_1975 = arith.constant 0.055555556 : f32
    %sub3A_1976 = vector.broadcast %sub3A_1975 : f32 to vector<16xf32>
    %sub3A_1977 = arith.subf %abs3A_1964, %sub3A_1976 : vector<16xf32>
    %select_n3A_1978 = arith.select %le3A_1970, %mul3A_1974, %sub3A_1977 : vector<16xi1>, vector<16xf32>
    %add3A_1979 = arith.addf %add3A_1907, %select_n3A_1978 : vector<16xf32>
    %get3A_1980 = arith.constant 0 : i32
    %get3A_1981 = arith.index_cast %get3A_1980 : i32 to index
    %get3A_1982 = arith.constant 64 : index
    %get3A_1983 = tpu.vector_load %arg15[%get3A_1981, %get3A_1982] {strides = array<i32>} : memref<4x128xf32, #tpu.memory_space<vmem>>, vector<1x16xf32>,
    %get3A_1984 = vector.shape_cast %get3A_1983 : vector<1x16xf32> to vector<16xf32>
    %add3A_1985 = arith.addf %add3A_1913, %get3A_1984 : vector<16xf32>
    %get3A_1986 = arith.constant 0 : i32
    %get3A_1987 = arith.index_cast %get3A_1986 : i32 to index
    %get3A_1988 = arith.constant 64 : index
    %get3A_1989 = tpu.vector_load %arg13[%get3A_1987, %get3A_1988] {strides = array<i32>} : memref<4x128xf32, #tpu.memory_space<vmem>>, vector<1x16xf32>,
    %get3A_1990 = vector.shape_cast %get3A_1989 : vector<1x16xf32> to vector<16xf32>
    %eq3A_1991 = arith.cmpf oeq, %get3A_1990, %get3A_1990 : vector<16xf32>
    %jit3A_1992 = arith.constant 0.000000e+00 : f32
    %broadcast_in_dim3A_1993 = vector.broadcast %jit3A_1992 : f32 to vector<16xf32>
    %select_n3A_1994 = arith.select %eq3A_1991, %get3A_1984, %broadcast_in_dim3A_1993 : vector<16xi1>, vector<16xf32>
    %get3A_1995 = arith.constant 0 : i32
    %get3A_1996 = arith.index_cast %get3A_1995 : i32 to index
    %get3A_1997 = arith.constant 64 : index
    %get3A_1998 = tpu.vector_load %arg11[%get3A_1996, %get3A_1997] {strides = array<i32>} : memref<4x128xf32, #tpu.memory_space<vmem>>, vector<1x16xf32>,
    %get3A_1999 = vector.shape_cast %get3A_1998 : vector<1x16xf32> to vector<16xf32>
    %mul3A_2000 = arith.mulf %get3A_1999, %select_n3A_1994 : vector<16xf32>
    %mul3A_2001 = arith.mulf %get3A_1990, %select_n3A_1994 : vector<16xf32>
    %sub3A_2002 = arith.subf %mul3A_2000, %mul3A_2001 : vector<16xf32>
    %abs3A_2003 = math.absf %sub3A_2002 : vector<16xf32>
    %mul3A_2004 = arith.constant 3.000000e+00 : f32
    %mul3A_2005 = vector.broadcast %mul3A_2004 : f32 to vector<16xf32>
    %mul3A_2006 = arith.mulf %abs3A_2003, %mul3A_2005 : vector<16xf32>
    %le3A_2007 = arith.constant 0.111111112 : f32
    %le3A_2008 = vector.broadcast %le3A_2007 : f32 to vector<16xf32>
    %le3A_2009 = arith.cmpf ole, %abs3A_2003, %le3A_2008 : vector<16xf32>
    %mul3A_2010 = arith.mulf %mul3A_2006, %mul3A_2006 : vector<16xf32>
    %mul3A_2011 = arith.constant 5.000000e-01 : f32
    %mul3A_2012 = vector.broadcast %mul3A_2011 : f32 to vector<16xf32>
    %mul3A_2013 = arith.mulf %mul3A_2012, %mul3A_2010 : vector<16xf32>
    %sub3A_2014 = arith.constant 0.055555556 : f32
    %sub3A_2015 = vector.broadcast %sub3A_2014 : f32 to vector<16xf32>
    %sub3A_2016 = arith.subf %abs3A_2003, %sub3A_2015 : vector<16xf32>
    %select_n3A_2017 = arith.select %le3A_2009, %mul3A_2013, %sub3A_2016 : vector<16xi1>, vector<16xf32>
    %add3A_2018 = arith.addf %add3A_1946, %select_n3A_2017 : vector<16xf32>
    %get3A_2019 = arith.constant 0 : i32
    %get3A_2020 = arith.index_cast %get3A_2019 : i32 to index
    %get3A_2021 = arith.constant 64 : index
    %get3A_2022 = tpu.vector_load %arg14[%get3A_2020, %get3A_2021] {strides = array<i32>} : memref<4x128xf32, #tpu.memory_space<vmem>>, vector<1x16xf32>,
    %get3A_2023 = vector.shape_cast %get3A_2022 : vector<1x16xf32> to vector<16xf32>
    %eq3A_2024 = arith.cmpf oeq, %get3A_2023, %get3A_2023 : vector<16xf32>
    %jit3A_2025 = arith.constant 0.000000e+00 : f32
    %broadcast_in_dim3A_2026 = vector.broadcast %jit3A_2025 : f32 to vector<16xf32>
    %select_n3A_2027 = arith.select %eq3A_2024, %get3A_1984, %broadcast_in_dim3A_2026 : vector<16xi1>, vector<16xf32>
    %get3A_2028 = arith.constant 0 : i32
    %get3A_2029 = arith.index_cast %get3A_2028 : i32 to index
    %get3A_2030 = arith.constant 64 : index
    %get3A_2031 = tpu.vector_load %arg12[%get3A_2029, %get3A_2030] {strides = array<i32>} : memref<4x128xf32, #tpu.memory_space<vmem>>, vector<1x16xf32>,
    %get3A_2032 = vector.shape_cast %get3A_2031 : vector<1x16xf32> to vector<16xf32>
    %mul3A_2033 = arith.mulf %get3A_2032, %select_n3A_2027 : vector<16xf32>
    %mul3A_2034 = arith.mulf %get3A_2023, %select_n3A_2027 : vector<16xf32>
    %sub3A_2035 = arith.subf %mul3A_2033, %mul3A_2034 : vector<16xf32>
    %abs3A_2036 = math.absf %sub3A_2035 : vector<16xf32>
    %mul3A_2037 = arith.constant 3.000000e+00 : f32
    %mul3A_2038 = vector.broadcast %mul3A_2037 : f32 to vector<16xf32>
    %mul3A_2039 = arith.mulf %abs3A_2036, %mul3A_2038 : vector<16xf32>
    %le3A_2040 = arith.constant 0.111111112 : f32
    %le3A_2041 = vector.broadcast %le3A_2040 : f32 to vector<16xf32>
    %le3A_2042 = arith.cmpf ole, %abs3A_2036, %le3A_2041 : vector<16xf32>
    %mul3A_2043 = arith.mulf %mul3A_2039, %mul3A_2039 : vector<16xf32>
    %mul3A_2044 = arith.constant 5.000000e-01 : f32
    %mul3A_2045 = vector.broadcast %mul3A_2044 : f32 to vector<16xf32>
    %mul3A_2046 = arith.mulf %mul3A_2045, %mul3A_2043 : vector<16xf32>
    %sub3A_2047 = arith.constant 0.055555556 : f32
    %sub3A_2048 = vector.broadcast %sub3A_2047 : f32 to vector<16xf32>
    %sub3A_2049 = arith.subf %abs3A_2036, %sub3A_2048 : vector<16xf32>
    %select_n3A_2050 = arith.select %le3A_2042, %mul3A_2046, %sub3A_2049 : vector<16xi1>, vector<16xf32>
    %add3A_2051 = arith.addf %add3A_1979, %select_n3A_2050 : vector<16xf32>
    %get3A_2052 = arith.constant 0 : i32
    %get3A_2053 = arith.index_cast %get3A_2052 : i32 to index
    %get3A_2054 = arith.constant 80 : index
    %get3A_2055 = tpu.vector_load %arg15[%get3A_2053, %get3A_2054] {strides = array<i32>} : memref<4x128xf32, #tpu.memory_space<vmem>>, vector<1x16xf32>,
    %get3A_2056 = vector.shape_cast %get3A_2055 : vector<1x16xf32> to vector<16xf32>
    %add3A_2057 = arith.addf %add3A_1985, %get3A_2056 : vector<16xf32>
    %get3A_2058 = arith.constant 0 : i32
    %get3A_2059 = arith.index_cast %get3A_2058 : i32 to index
    %get3A_2060 = arith.constant 80 : index
    %get3A_2061 = tpu.vector_load %arg13[%get3A_2059, %get3A_2060] {strides = array<i32>} : memref<4x128xf32, #tpu.memory_space<vmem>>, vector<1x16xf32>,
    %get3A_2062 = vector.shape_cast %get3A_2061 : vector<1x16xf32> to vector<16xf32>
    %eq3A_2063 = arith.cmpf oeq, %get3A_2062, %get3A_2062 : vector<16xf32>
    %jit3A_2064 = arith.constant 0.000000e+00 : f32
    %broadcast_in_dim3A_2065 = vector.broadcast %jit3A_2064 : f32 to vector<16xf32>
    %select_n3A_2066 = arith.select %eq3A_2063, %get3A_2056, %broadcast_in_dim3A_2065 : vector<16xi1>, vector<16xf32>
    %get3A_2067 = arith.constant 0 : i32
    %get3A_2068 = arith.index_cast %get3A_2067 : i32 to index
    %get3A_2069 = arith.constant 80 : index
    %get3A_2070 = tpu.vector_load %arg11[%get3A_2068, %get3A_2069] {strides = array<i32>} : memref<4x128xf32, #tpu.memory_space<vmem>>, vector<1x16xf32>,
    %get3A_2071 = vector.shape_cast %get3A_2070 : vector<1x16xf32> to vector<16xf32>
    %mul3A_2072 = arith.mulf %get3A_2071, %select_n3A_2066 : vector<16xf32>
    %mul3A_2073 = arith.mulf %get3A_2062, %select_n3A_2066 : vector<16xf32>
    %sub3A_2074 = arith.subf %mul3A_2072, %mul3A_2073 : vector<16xf32>
    %abs3A_2075 = math.absf %sub3A_2074 : vector<16xf32>
    %mul3A_2076 = arith.constant 3.000000e+00 : f32
    %mul3A_2077 = vector.broadcast %mul3A_2076 : f32 to vector<16xf32>
    %mul3A_2078 = arith.mulf %abs3A_2075, %mul3A_2077 : vector<16xf32>
    %le3A_2079 = arith.constant 0.111111112 : f32
    %le3A_2080 = vector.broadcast %le3A_2079 : f32 to vector<16xf32>
    %le3A_2081 = arith.cmpf ole, %abs3A_2075, %le3A_2080 : vector<16xf32>
    %mul3A_2082 = arith.mulf %mul3A_2078, %mul3A_2078 : vector<16xf32>
    %mul3A_2083 = arith.constant 5.000000e-01 : f32
    %mul3A_2084 = vector.broadcast %mul3A_2083 : f32 to vector<16xf32>
    %mul3A_2085 = arith.mulf %mul3A_2084, %mul3A_2082 : vector<16xf32>
    %sub3A_2086 = arith.constant 0.055555556 : f32
    %sub3A_2087 = vector.broadcast %sub3A_2086 : f32 to vector<16xf32>
    %sub3A_2088 = arith.subf %abs3A_2075, %sub3A_2087 : vector<16xf32>
    %select_n3A_2089 = arith.select %le3A_2081, %mul3A_2085, %sub3A_2088 : vector<16xi1>, vector<16xf32>
    %add3A_2090 = arith.addf %add3A_2018, %select_n3A_2089 : vector<16xf32>
    %get3A_2091 = arith.constant 0 : i32
    %get3A_2092 = arith.index_cast %get3A_2091 : i32 to index
    %get3A_2093 = arith.constant 80 : index
    %get3A_2094 = tpu.vector_load %arg14[%get3A_2092, %get3A_2093] {strides = array<i32>} : memref<4x128xf32, #tpu.memory_space<vmem>>, vector<1x16xf32>,
    %get3A_2095 = vector.shape_cast %get3A_2094 : vector<1x16xf32> to vector<16xf32>
    %eq3A_2096 = arith.cmpf oeq, %get3A_2095, %get3A_2095 : vector<16xf32>
    %jit3A_2097 = arith.constant 0.000000e+00 : f32
    %broadcast_in_dim3A_2098 = vector.broadcast %jit3A_2097 : f32 to vector<16xf32>
    %select_n3A_2099 = arith.select %eq3A_2096, %get3A_2056, %broadcast_in_dim3A_2098 : vector<16xi1>, vector<16xf32>
    %get3A_2100 = arith.constant 0 : i32
    %get3A_2101 = arith.index_cast %get3A_2100 : i32 to index
    %get3A_2102 = arith.constant 80 : index
    %get3A_2103 = tpu.vector_load %arg12[%get3A_2101, %get3A_2102] {strides = array<i32>} : memref<4x128xf32, #tpu.memory_space<vmem>>, vector<1x16xf32>,
    %get3A_2104 = vector.shape_cast %get3A_2103 : vector<1x16xf32> to vector<16xf32>
    %mul3A_2105 = arith.mulf %get3A_2104, %select_n3A_2099 : vector<16xf32>
    %mul3A_2106 = arith.mulf %get3A_2095, %select_n3A_2099 : vector<16xf32>
    %sub3A_2107 = arith.subf %mul3A_2105, %mul3A_2106 : vector<16xf32>
    %abs3A_2108 = math.absf %sub3A_2107 : vector<16xf32>
    %mul3A_2109 = arith.constant 3.000000e+00 : f32
    %mul3A_2110 = vector.broadcast %mul3A_2109 : f32 to vector<16xf32>
    %mul3A_2111 = arith.mulf %abs3A_2108, %mul3A_2110 : vector<16xf32>
    %le3A_2112 = arith.constant 0.111111112 : f32
    %le3A_2113 = vector.broadcast %le3A_2112 : f32 to vector<16xf32>
    %le3A_2114 = arith.cmpf ole, %abs3A_2108, %le3A_2113 : vector<16xf32>
    %mul3A_2115 = arith.mulf %mul3A_2111, %mul3A_2111 : vector<16xf32>
    %mul3A_2116 = arith.constant 5.000000e-01 : f32
    %mul3A_2117 = vector.broadcast %mul3A_2116 : f32 to vector<16xf32>
    %mul3A_2118 = arith.mulf %mul3A_2117, %mul3A_2115 : vector<16xf32>
    %sub3A_2119 = arith.constant 0.055555556 : f32
    %sub3A_2120 = vector.broadcast %sub3A_2119 : f32 to vector<16xf32>
    %sub3A_2121 = arith.subf %abs3A_2108, %sub3A_2120 : vector<16xf32>
    %select_n3A_2122 = arith.select %le3A_2114, %mul3A_2118, %sub3A_2121 : vector<16xi1>, vector<16xf32>
    %add3A_2123 = arith.addf %add3A_2051, %select_n3A_2122 : vector<16xf32>
    %get3A_2124 = arith.constant 0 : i32
    %get3A_2125 = arith.index_cast %get3A_2124 : i32 to index
    %get3A_2126 = arith.constant 96 : index
    %get3A_2127 = tpu.vector_load %arg15[%get3A_2125, %get3A_2126] {strides = array<i32>} : memref<4x128xf32, #tpu.memory_space<vmem>>, vector<1x16xf32>,
    %get3A_2128 = vector.shape_cast %get3A_2127 : vector<1x16xf32> to vector<16xf32>
    %add3A_2129 = arith.addf %add3A_2057, %get3A_2128 : vector<16xf32>
    %get3A_2130 = arith.constant 0 : i32
    %get3A_2131 = arith.index_cast %get3A_2130 : i32 to index
    %get3A_2132 = arith.constant 96 : index
    %get3A_2133 = tpu.vector_load %arg13[%get3A_2131, %get3A_2132] {strides = array<i32>} : memref<4x128xf32, #tpu.memory_space<vmem>>, vector<1x16xf32>,
    %get3A_2134 = vector.shape_cast %get3A_2133 : vector<1x16xf32> to vector<16xf32>
    %eq3A_2135 = arith.cmpf oeq, %get3A_2134, %get3A_2134 : vector<16xf32>
    %jit3A_2136 = arith.constant 0.000000e+00 : f32
    %broadcast_in_dim3A_2137 = vector.broadcast %jit3A_2136 : f32 to vector<16xf32>
    %select_n3A_2138 = arith.select %eq3A_2135, %get3A_2128, %broadcast_in_dim3A_2137 : vector<16xi1>, vector<16xf32>
    %get3A_2139 = arith.constant 0 : i32
    %get3A_2140 = arith.index_cast %get3A_2139 : i32 to index
    %get3A_2141 = arith.constant 96 : index
    %get3A_2142 = tpu.vector_load %arg11[%get3A_2140, %get3A_2141] {strides = array<i32>} : memref<4x128xf32, #tpu.memory_space<vmem>>, vector<1x16xf32>,
    %get3A_2143 = vector.shape_cast %get3A_2142 : vector<1x16xf32> to vector<16xf32>
    %mul3A_2144 = arith.mulf %get3A_2143, %select_n3A_2138 : vector<16xf32>
    %mul3A_2145 = arith.mulf %get3A_2134, %select_n3A_2138 : vector<16xf32>
    %sub3A_2146 = arith.subf %mul3A_2144, %mul3A_2145 : vector<16xf32>
    %abs3A_2147 = math.absf %sub3A_2146 : vector<16xf32>
    %mul3A_2148 = arith.constant 3.000000e+00 : f32
    %mul3A_2149 = vector.broadcast %mul3A_2148 : f32 to vector<16xf32>
    %mul3A_2150 = arith.mulf %abs3A_2147, %mul3A_2149 : vector<16xf32>
    %le3A_2151 = arith.constant 0.111111112 : f32
    %le3A_2152 = vector.broadcast %le3A_2151 : f32 to vector<16xf32>
    %le3A_2153 = arith.cmpf ole, %abs3A_2147, %le3A_2152 : vector<16xf32>
    %mul3A_2154 = arith.mulf %mul3A_2150, %mul3A_2150 : vector<16xf32>
    %mul3A_2155 = arith.constant 5.000000e-01 : f32
    %mul3A_2156 = vector.broadcast %mul3A_2155 : f32 to vector<16xf32>
    %mul3A_2157 = arith.mulf %mul3A_2156, %mul3A_2154 : vector<16xf32>
    %sub3A_2158 = arith.constant 0.055555556 : f32
    %sub3A_2159 = vector.broadcast %sub3A_2158 : f32 to vector<16xf32>
    %sub3A_2160 = arith.subf %abs3A_2147, %sub3A_2159 : vector<16xf32>
    %select_n3A_2161 = arith.select %le3A_2153, %mul3A_2157, %sub3A_2160 : vector<16xi1>, vector<16xf32>
    %add3A_2162 = arith.addf %add3A_2090, %select_n3A_2161 : vector<16xf32>
    %get3A_2163 = arith.constant 0 : i32
    %get3A_2164 = arith.index_cast %get3A_2163 : i32 to index
    %get3A_2165 = arith.constant 96 : index
    %get3A_2166 = tpu.vector_load %arg14[%get3A_2164, %get3A_2165] {strides = array<i32>} : memref<4x128xf32, #tpu.memory_space<vmem>>, vector<1x16xf32>,
    %get3A_2167 = vector.shape_cast %get3A_2166 : vector<1x16xf32> to vector<16xf32>
    %eq3A_2168 = arith.cmpf oeq, %get3A_2167, %get3A_2167 : vector<16xf32>
    %jit3A_2169 = arith.constant 0.000000e+00 : f32
    %broadcast_in_dim3A_2170 = vector.broadcast %jit3A_2169 : f32 to vector<16xf32>
    %select_n3A_2171 = arith.select %eq3A_2168, %get3A_2128, %broadcast_in_dim3A_2170 : vector<16xi1>, vector<16xf32>
    %get3A_2172 = arith.constant 0 : i32
    %get3A_2173 = arith.index_cast %get3A_2172 : i32 to index
    %get3A_2174 = arith.constant 96 : index
    %get3A_2175 = tpu.vector_load %arg12[%get3A_2173, %get3A_2174] {strides = array<i32>} : memref<4x128xf32, #tpu.memory_space<vmem>>, vector<1x16xf32>,
    %get3A_2176 = vector.shape_cast %get3A_2175 : vector<1x16xf32> to vector<16xf32>
    %mul3A_2177 = arith.mulf %get3A_2176, %select_n3A_2171 : vector<16xf32>
    %mul3A_2178 = arith.mulf %get3A_2167, %select_n3A_2171 : vector<16xf32>
    %sub3A_2179 = arith.subf %mul3A_2177, %mul3A_2178 : vector<16xf32>
    %abs3A_2180 = math.absf %sub3A_2179 : vector<16xf32>
    %mul3A_2181 = arith.constant 3.000000e+00 : f32
    %mul3A_2182 = vector.broadcast %mul3A_2181 : f32 to vector<16xf32>
    %mul3A_2183 = arith.mulf %abs3A_2180, %mul3A_2182 : vector<16xf32>
    %le3A_2184 = arith.constant 0.111111112 : f32
    %le3A_2185 = vector.broadcast %le3A_2184 : f32 to vector<16xf32>
    %le3A_2186 = arith.cmpf ole, %abs3A_2180, %le3A_2185 : vector<16xf32>
    %mul3A_2187 = arith.mulf %mul3A_2183, %mul3A_2183 : vector<16xf32>
    %mul3A_2188 = arith.constant 5.000000e-01 : f32
    %mul3A_2189 = vector.broadcast %mul3A_2188 : f32 to vector<16xf32>
    %mul3A_2190 = arith.mulf %mul3A_2189, %mul3A_2187 : vector<16xf32>
    %sub3A_2191 = arith.constant 0.055555556 : f32
    %sub3A_2192 = vector.broadcast %sub3A_2191 : f32 to vector<16xf32>
    %sub3A_2193 = arith.subf %abs3A_2180, %sub3A_2192 : vector<16xf32>
    %select_n3A_2194 = arith.select %le3A_2186, %mul3A_2190, %sub3A_2193 : vector<16xi1>, vector<16xf32>
    %add3A_2195 = arith.addf %add3A_2123, %select_n3A_2194 : vector<16xf32>
    %get3A_2196 = arith.constant 0 : i32
    %get3A_2197 = arith.index_cast %get3A_2196 : i32 to index
    %get3A_2198 = arith.constant 112 : index
    %get3A_2199 = tpu.vector_load %arg15[%get3A_2197, %get3A_2198] {strides = array<i32>} : memref<4x128xf32, #tpu.memory_space<vmem>>, vector<1x16xf32>,
    %get3A_2200 = vector.shape_cast %get3A_2199 : vector<1x16xf32> to vector<16xf32>
    %add3A_2201 = arith.addf %add3A_2129, %get3A_2200 : vector<16xf32>
    %get3A_2202 = arith.constant 0 : i32
    %get3A_2203 = arith.index_cast %get3A_2202 : i32 to index
    %get3A_2204 = arith.constant 112 : index
    %get3A_2205 = tpu.vector_load %arg13[%get3A_2203, %get3A_2204] {strides = array<i32>} : memref<4x128xf32, #tpu.memory_space<vmem>>, vector<1x16xf32>,
    %get3A_2206 = vector.shape_cast %get3A_2205 : vector<1x16xf32> to vector<16xf32>
    %eq3A_2207 = arith.cmpf oeq, %get3A_2206, %get3A_2206 : vector<16xf32>
    %jit3A_2208 = arith.constant 0.000000e+00 : f32
    %broadcast_in_dim3A_2209 = vector.broadcast %jit3A_2208 : f32 to vector<16xf32>
    %select_n3A_2210 = arith.select %eq3A_2207, %get3A_2200, %broadcast_in_dim3A_2209 : vector<16xi1>, vector<16xf32>
    %get3A_2211 = arith.constant 0 : i32
    %get3A_2212 = arith.index_cast %get3A_2211 : i32 to index
    %get3A_2213 = arith.constant 112 : index
    %get3A_2214 = tpu.vector_load %arg11[%get3A_2212, %get3A_2213] {strides = array<i32>} : memref<4x128xf32, #tpu.memory_space<vmem>>, vector<1x16xf32>,
    %get3A_2215 = vector.shape_cast %get3A_2214 : vector<1x16xf32> to vector<16xf32>
    %mul3A_2216 = arith.mulf %get3A_2215, %select_n3A_2210 : vector<16xf32>
    %mul3A_2217 = arith.mulf %get3A_2206, %select_n3A_2210 : vector<16xf32>
    %sub3A_2218 = arith.subf %mul3A_2216, %mul3A_2217 : vector<16xf32>
    %abs3A_2219 = math.absf %sub3A_2218 : vector<16xf32>
    %mul3A_2220 = arith.constant 3.000000e+00 : f32
    %mul3A_2221 = vector.broadcast %mul3A_2220 : f32 to vector<16xf32>
    %mul3A_2222 = arith.mulf %abs3A_2219, %mul3A_2221 : vector<16xf32>
    %le3A_2223 = arith.constant 0.111111112 : f32
    %le3A_2224 = vector.broadcast %le3A_2223 : f32 to vector<16xf32>
    %le3A_2225 = arith.cmpf ole, %abs3A_2219, %le3A_2224 : vector<16xf32>
    %mul3A_2226 = arith.mulf %mul3A_2222, %mul3A_2222 : vector<16xf32>
    %mul3A_2227 = arith.constant 5.000000e-01 : f32
    %mul3A_2228 = vector.broadcast %mul3A_2227 : f32 to vector<16xf32>
    %mul3A_2229 = arith.mulf %mul3A_2228, %mul3A_2226 : vector<16xf32>
    %sub3A_2230 = arith.constant 0.055555556 : f32
    %sub3A_2231 = vector.broadcast %sub3A_2230 : f32 to vector<16xf32>
    %sub3A_2232 = arith.subf %abs3A_2219, %sub3A_2231 : vector<16xf32>
    %select_n3A_2233 = arith.select %le3A_2225, %mul3A_2229, %sub3A_2232 : vector<16xi1>, vector<16xf32>
    %add3A_2234 = arith.addf %add3A_2162, %select_n3A_2233 : vector<16xf32>
    %get3A_2235 = arith.constant 0 : i32
    %get3A_2236 = arith.index_cast %get3A_2235 : i32 to index
    %get3A_2237 = arith.constant 112 : index
    %get3A_2238 = tpu.vector_load %arg14[%get3A_2236, %get3A_2237] {strides = array<i32>} : memref<4x128xf32, #tpu.memory_space<vmem>>, vector<1x16xf32>,
    %get3A_2239 = vector.shape_cast %get3A_2238 : vector<1x16xf32> to vector<16xf32>
    %eq3A_2240 = arith.cmpf oeq, %get3A_2239, %get3A_2239 : vector<16xf32>
    %jit3A_2241 = arith.constant 0.000000e+00 : f32
    %broadcast_in_dim3A_2242 = vector.broadcast %jit3A_2241 : f32 to vector<16xf32>
    %select_n3A_2243 = arith.select %eq3A_2240, %get3A_2200, %broadcast_in_dim3A_2242 : vector<16xi1>, vector<16xf32>
    %get3A_2244 = arith.constant 0 : i32
    %get3A_2245 = arith.index_cast %get3A_2244 : i32 to index
    %get3A_2246 = arith.constant 112 : index
    %get3A_2247 = tpu.vector_load %arg12[%get3A_2245, %get3A_2246] {strides = array<i32>} : memref<4x128xf32, #tpu.memory_space<vmem>>, vector<1x16xf32>,
    %get3A_2248 = vector.shape_cast %get3A_2247 : vector<1x16xf32> to vector<16xf32>
    %mul3A_2249 = arith.mulf %get3A_2248, %select_n3A_2243 : vector<16xf32>
    %mul3A_2250 = arith.mulf %get3A_2239, %select_n3A_2243 : vector<16xf32>
    %sub3A_2251 = arith.subf %mul3A_2249, %mul3A_2250 : vector<16xf32>
    %abs3A_2252 = math.absf %sub3A_2251 : vector<16xf32>
    %mul3A_2253 = arith.constant 3.000000e+00 : f32
    %mul3A_2254 = vector.broadcast %mul3A_2253 : f32 to vector<16xf32>
    %mul3A_2255 = arith.mulf %abs3A_2252, %mul3A_2254 : vector<16xf32>
    %le3A_2256 = arith.constant 0.111111112 : f32
    %le3A_2257 = vector.broadcast %le3A_2256 : f32 to vector<16xf32>
    %le3A_2258 = arith.cmpf ole, %abs3A_2252, %le3A_2257 : vector<16xf32>
    %mul3A_2259 = arith.mulf %mul3A_2255, %mul3A_2255 : vector<16xf32>
    %mul3A_2260 = arith.constant 5.000000e-01 : f32
    %mul3A_2261 = vector.broadcast %mul3A_2260 : f32 to vector<16xf32>
    %mul3A_2262 = arith.mulf %mul3A_2261, %mul3A_2259 : vector<16xf32>
    %sub3A_2263 = arith.constant 0.055555556 : f32
    %sub3A_2264 = vector.broadcast %sub3A_2263 : f32 to vector<16xf32>
    %sub3A_2265 = arith.subf %abs3A_2252, %sub3A_2264 : vector<16xf32>
    %select_n3A_2266 = arith.select %le3A_2258, %mul3A_2262, %sub3A_2265 : vector<16xi1>, vector<16xf32>
    %add3A_2267 = arith.addf %add3A_2195, %select_n3A_2266 : vector<16xf32>
    %get3A_2268 = arith.constant 1 : i32
    %get3A_2269 = arith.index_cast %get3A_2268 : i32 to index
    %get3A_2270 = arith.constant 0 : index
    %get3A_2271 = tpu.vector_load %arg15[%get3A_2269, %get3A_2270] {strides = array<i32>} : memref<4x128xf32, #tpu.memory_space<vmem>>, vector<1x16xf32>,
    %get3A_2272 = vector.shape_cast %get3A_2271 : vector<1x16xf32> to vector<16xf32>
    %add3A_2273 = arith.addf %add3A_2201, %get3A_2272 : vector<16xf32>
    %get3A_2274 = arith.constant 1 : i32
    %get3A_2275 = arith.index_cast %get3A_2274 : i32 to index
    %get3A_2276 = arith.constant 0 : index
    %get3A_2277 = tpu.vector_load %arg13[%get3A_2275, %get3A_2276] {strides = array<i32>} : memref<4x128xf32, #tpu.memory_space<vmem>>, vector<1x16xf32>,
    %get3A_2278 = vector.shape_cast %get3A_2277 : vector<1x16xf32> to vector<16xf32>
    %eq3A_2279 = arith.cmpf oeq, %get3A_2278, %get3A_2278 : vector<16xf32>
    %jit3A_2280 = arith.constant 0.000000e+00 : f32
    %broadcast_in_dim3A_2281 = vector.broadcast %jit3A_2280 : f32 to vector<16xf32>
    %select_n3A_2282 = arith.select %eq3A_2279, %get3A_2272, %broadcast_in_dim3A_2281 : vector<16xi1>, vector<16xf32>
    %get3A_2283 = arith.constant 1 : i32
    %get3A_2284 = arith.index_cast %get3A_2283 : i32 to index
    %get3A_2285 = arith.constant 0 : index
    %get3A_2286 = tpu.vector_load %arg11[%get3A_2284, %get3A_2285] {strides = array<i32>} : memref<4x128xf32, #tpu.memory_space<vmem>>, vector<1x16xf32>,
    %get3A_2287 = vector.shape_cast %get3A_2286 : vector<1x16xf32> to vector<16xf32>
    %mul3A_2288 = arith.mulf %get3A_2287, %select_n3A_2282 : vector<16xf32>
    %mul3A_2289 = arith.mulf %get3A_2278, %select_n3A_2282 : vector<16xf32>
    %sub3A_2290 = arith.subf %mul3A_2288, %mul3A_2289 : vector<16xf32>
    %abs3A_2291 = math.absf %sub3A_2290 : vector<16xf32>
    %mul3A_2292 = arith.constant 3.000000e+00 : f32
    %mul3A_2293 = vector.broadcast %mul3A_2292 : f32 to vector<16xf32>
    %mul3A_2294 = arith.mulf %abs3A_2291, %mul3A_2293 : vector<16xf32>
    %le3A_2295 = arith.constant 0.111111112 : f32
    %le3A_2296 = vector.broadcast %le3A_2295 : f32 to vector<16xf32>
    %le3A_2297 = arith.cmpf ole, %abs3A_2291, %le3A_2296 : vector<16xf32>
    %mul3A_2298 = arith.mulf %mul3A_2294, %mul3A_2294 : vector<16xf32>
    %mul3A_2299 = arith.constant 5.000000e-01 : f32
    %mul3A_2300 = vector.broadcast %mul3A_2299 : f32 to vector<16xf32>
    %mul3A_2301 = arith.mulf %mul3A_2300, %mul3A_2298 : vector<16xf32>
    %sub3A_2302 = arith.constant 0.055555556 : f32
    %sub3A_2303 = vector.broadcast %sub3A_2302 : f32 to vector<16xf32>
    %sub3A_2304 = arith.subf %abs3A_2291, %sub3A_2303 : vector<16xf32>
    %select_n3A_2305 = arith.select %le3A_2297, %mul3A_2301, %sub3A_2304 : vector<16xi1>, vector<16xf32>
    %add3A_2306 = arith.addf %add3A_2234, %select_n3A_2305 : vector<16xf32>
    %get3A_2307 = arith.constant 1 : i32
    %get3A_2308 = arith.index_cast %get3A_2307 : i32 to index
    %get3A_2309 = arith.constant 0 : index
    %get3A_2310 = tpu.vector_load %arg14[%get3A_2308, %get3A_2309] {strides = array<i32>} : memref<4x128xf32, #tpu.memory_space<vmem>>, vector<1x16xf32>,
    %get3A_2311 = vector.shape_cast %get3A_2310 : vector<1x16xf32> to vector<16xf32>
    %eq3A_2312 = arith.cmpf oeq, %get3A_2311, %get3A_2311 : vector<16xf32>
    %jit3A_2313 = arith.constant 0.000000e+00 : f32
    %broadcast_in_dim3A_2314 = vector.broadcast %jit3A_2313 : f32 to vector<16xf32>
    %select_n3A_2315 = arith.select %eq3A_2312, %get3A_2272, %broadcast_in_dim3A_2314 : vector<16xi1>, vector<16xf32>
    %get3A_2316 = arith.constant 1 : i32
    %get3A_2317 = arith.index_cast %get3A_2316 : i32 to index
    %get3A_2318 = arith.constant 0 : index
    %get3A_2319 = tpu.vector_load %arg12[%get3A_2317, %get3A_2318] {strides = array<i32>} : memref<4x128xf32, #tpu.memory_space<vmem>>, vector<1x16xf32>,
    %get3A_2320 = vector.shape_cast %get3A_2319 : vector<1x16xf32> to vector<16xf32>
    %mul3A_2321 = arith.mulf %get3A_2320, %select_n3A_2315 : vector<16xf32>
    %mul3A_2322 = arith.mulf %get3A_2311, %select_n3A_2315 : vector<16xf32>
    %sub3A_2323 = arith.subf %mul3A_2321, %mul3A_2322 : vector<16xf32>
    %abs3A_2324 = math.absf %sub3A_2323 : vector<16xf32>
    %mul3A_2325 = arith.constant 3.000000e+00 : f32
    %mul3A_2326 = vector.broadcast %mul3A_2325 : f32 to vector<16xf32>
    %mul3A_2327 = arith.mulf %abs3A_2324, %mul3A_2326 : vector<16xf32>
    %le3A_2328 = arith.constant 0.111111112 : f32
    %le3A_2329 = vector.broadcast %le3A_2328 : f32 to vector<16xf32>
    %le3A_2330 = arith.cmpf ole, %abs3A_2324, %le3A_2329 : vector<16xf32>
    %mul3A_2331 = arith.mulf %mul3A_2327, %mul3A_2327 : vector<16xf32>
    %mul3A_2332 = arith.constant 5.000000e-01 : f32
    %mul3A_2333 = vector.broadcast %mul3A_2332 : f32 to vector<16xf32>
    %mul3A_2334 = arith.mulf %mul3A_2333, %mul3A_2331 : vector<16xf32>
    %sub3A_2335 = arith.constant 0.055555556 : f32
    %sub3A_2336 = vector.broadcast %sub3A_2335 : f32 to vector<16xf32>
    %sub3A_2337 = arith.subf %abs3A_2324, %sub3A_2336 : vector<16xf32>
    %select_n3A_2338 = arith.select %le3A_2330, %mul3A_2334, %sub3A_2337 : vector<16xi1>, vector<16xf32>
    %add3A_2339 = arith.addf %add3A_2267, %select_n3A_2338 : vector<16xf32>
    %get3A_2340 = arith.constant 1 : i32
    %get3A_2341 = arith.index_cast %get3A_2340 : i32 to index
    %get3A_2342 = arith.constant 16 : index
    %get3A_2343 = tpu.vector_load %arg15[%get3A_2341, %get3A_2342] {strides = array<i32>} : memref<4x128xf32, #tpu.memory_space<vmem>>, vector<1x16xf32>,
    %get3A_2344 = vector.shape_cast %get3A_2343 : vector<1x16xf32> to vector<16xf32>
    %add3A_2345 = arith.addf %add3A_2273, %get3A_2344 : vector<16xf32>
    %get3A_2346 = arith.constant 1 : i32
    %get3A_2347 = arith.index_cast %get3A_2346 : i32 to index
    %get3A_2348 = arith.constant 16 : index
    %get3A_2349 = tpu.vector_load %arg13[%get3A_2347, %get3A_2348] {strides = array<i32>} : memref<4x128xf32, #tpu.memory_space<vmem>>, vector<1x16xf32>,
    %get3A_2350 = vector.shape_cast %get3A_2349 : vector<1x16xf32> to vector<16xf32>
    %eq3A_2351 = arith.cmpf oeq, %get3A_2350, %get3A_2350 : vector<16xf32>
    %jit3A_2352 = arith.constant 0.000000e+00 : f32
    %broadcast_in_dim3A_2353 = vector.broadcast %jit3A_2352 : f32 to vector<16xf32>
    %select_n3A_2354 = arith.select %eq3A_2351, %get3A_2344, %broadcast_in_dim3A_2353 : vector<16xi1>, vector<16xf32>
    %get3A_2355 = arith.constant 1 : i32
    %get3A_2356 = arith.index_cast %get3A_2355 : i32 to index
    %get3A_2357 = arith.constant 16 : index
    %get3A_2358 = tpu.vector_load %arg11[%get3A_2356, %get3A_2357] {strides = array<i32>} : memref<4x128xf32, #tpu.memory_space<vmem>>, vector<1x16xf32>,
    %get3A_2359 = vector.shape_cast %get3A_2358 : vector<1x16xf32> to vector<16xf32>
    %mul3A_2360 = arith.mulf %get3A_2359, %select_n3A_2354 : vector<16xf32>
    %mul3A_2361 = arith.mulf %get3A_2350, %select_n3A_2354 : vector<16xf32>
    %sub3A_2362 = arith.subf %mul3A_2360, %mul3A_2361 : vector<16xf32>
    %abs3A_2363 = math.absf %sub3A_2362 : vector<16xf32>
    %mul3A_2364 = arith.constant 3.000000e+00 : f32
    %mul3A_2365 = vector.broadcast %mul3A_2364 : f32 to vector<16xf32>
    %mul3A_2366 = arith.mulf %abs3A_2363, %mul3A_2365 : vector<16xf32>
    %le3A_2367 = arith.constant 0.111111112 : f32
    %le3A_2368 = vector.broadcast %le3A_2367 : f32 to vector<16xf32>
    %le3A_2369 = arith.cmpf ole, %abs3A_2363, %le3A_2368 : vector<16xf32>
    %mul3A_2370 = arith.mulf %mul3A_2366, %mul3A_2366 : vector<16xf32>
    %mul3A_2371 = arith.constant 5.000000e-01 : f32
    %mul3A_2372 = vector.broadcast %mul3A_2371 : f32 to vector<16xf32>
    %mul3A_2373 = arith.mulf %mul3A_2372, %mul3A_2370 : vector<16xf32>
    %sub3A_2374 = arith.constant 0.055555556 : f32
    %sub3A_2375 = vector.broadcast %sub3A_2374 : f32 to vector<16xf32>
    %sub3A_2376 = arith.subf %abs3A_2363, %sub3A_2375 : vector<16xf32>
    %select_n3A_2377 = arith.select %le3A_2369, %mul3A_2373, %sub3A_2376 : vector<16xi1>, vector<16xf32>
    %add3A_2378 = arith.addf %add3A_2306, %select_n3A_2377 : vector<16xf32>
    %get3A_2379 = arith.constant 1 : i32
    %get3A_2380 = arith.index_cast %get3A_2379 : i32 to index
    %get3A_2381 = arith.constant 16 : index
    %get3A_2382 = tpu.vector_load %arg14[%get3A_2380, %get3A_2381] {strides = array<i32>} : memref<4x128xf32, #tpu.memory_space<vmem>>, vector<1x16xf32>,
    %get3A_2383 = vector.shape_cast %get3A_2382 : vector<1x16xf32> to vector<16xf32>
    %eq3A_2384 = arith.cmpf oeq, %get3A_2383, %get3A_2383 : vector<16xf32>
    %jit3A_2385 = arith.constant 0.000000e+00 : f32
    %broadcast_in_dim3A_2386 = vector.broadcast %jit3A_2385 : f32 to vector<16xf32>
    %select_n3A_2387 = arith.select %eq3A_2384, %get3A_2344, %broadcast_in_dim3A_2386 : vector<16xi1>, vector<16xf32>
    %get3A_2388 = arith.constant 1 : i32
    %get3A_2389 = arith.index_cast %get3A_2388 : i32 to index
    %get3A_2390 = arith.constant 16 : index
    %get3A_2391 = tpu.vector_load %arg12[%get3A_2389, %get3A_2390] {strides = array<i32>} : memref<4x128xf32, #tpu.memory_space<vmem>>, vector<1x16xf32>,
    %get3A_2392 = vector.shape_cast %get3A_2391 : vector<1x16xf32> to vector<16xf32>
    %mul3A_2393 = arith.mulf %get3A_2392, %select_n3A_2387 : vector<16xf32>
    %mul3A_2394 = arith.mulf %get3A_2383, %select_n3A_2387 : vector<16xf32>
    %sub3A_2395 = arith.subf %mul3A_2393, %mul3A_2394 : vector<16xf32>
    %abs3A_2396 = math.absf %sub3A_2395 : vector<16xf32>
    %mul3A_2397 = arith.constant 3.000000e+00 : f32
    %mul3A_2398 = vector.broadcast %mul3A_2397 : f32 to vector<16xf32>
    %mul3A_2399 = arith.mulf %abs3A_2396, %mul3A_2398 : vector<16xf32>
    %le3A_2400 = arith.constant 0.111111112 : f32
    %le3A_2401 = vector.broadcast %le3A_2400 : f32 to vector<16xf32>
    %le3A_2402 = arith.cmpf ole, %abs3A_2396, %le3A_2401 : vector<16xf32>
    %mul3A_2403 = arith.mulf %mul3A_2399, %mul3A_2399 : vector<16xf32>
    %mul3A_2404 = arith.constant 5.000000e-01 : f32
    %mul3A_2405 = vector.broadcast %mul3A_2404 : f32 to vector<16xf32>
    %mul3A_2406 = arith.mulf %mul3A_2405, %mul3A_2403 : vector<16xf32>
    %sub3A_2407 = arith.constant 0.055555556 : f32
    %sub3A_2408 = vector.broadcast %sub3A_2407 : f32 to vector<16xf32>
    %sub3A_2409 = arith.subf %abs3A_2396, %sub3A_2408 : vector<16xf32>
    %select_n3A_2410 = arith.select %le3A_2402, %mul3A_2406, %sub3A_2409 : vector<16xi1>, vector<16xf32>
    %add3A_2411 = arith.addf %add3A_2339, %select_n3A_2410 : vector<16xf32>
    %get3A_2412 = arith.constant 1 : i32
    %get3A_2413 = arith.index_cast %get3A_2412 : i32 to index
    %get3A_2414 = arith.constant 32 : index
    %get3A_2415 = tpu.vector_load %arg15[%get3A_2413, %get3A_2414] {strides = array<i32>} : memref<4x128xf32, #tpu.memory_space<vmem>>, vector<1x16xf32>,
    %get3A_2416 = vector.shape_cast %get3A_2415 : vector<1x16xf32> to vector<16xf32>
    %add3A_2417 = arith.addf %add3A_2345, %get3A_2416 : vector<16xf32>
    %get3A_2418 = arith.constant 1 : i32
    %get3A_2419 = arith.index_cast %get3A_2418 : i32 to index
    %get3A_2420 = arith.constant 32 : index
    %get3A_2421 = tpu.vector_load %arg13[%get3A_2419, %get3A_2420] {strides = array<i32>} : memref<4x128xf32, #tpu.memory_space<vmem>>, vector<1x16xf32>,
    %get3A_2422 = vector.shape_cast %get3A_2421 : vector<1x16xf32> to vector<16xf32>
    %eq3A_2423 = arith.cmpf oeq, %get3A_2422, %get3A_2422 : vector<16xf32>
    %jit3A_2424 = arith.constant 0.000000e+00 : f32
    %broadcast_in_dim3A_2425 = vector.broadcast %jit3A_2424 : f32 to vector<16xf32>
    %select_n3A_2426 = arith.select %eq3A_2423, %get3A_2416, %broadcast_in_dim3A_2425 : vector<16xi1>, vector<16xf32>
    %get3A_2427 = arith.constant 1 : i32
    %get3A_2428 = arith.index_cast %get3A_2427 : i32 to index
    %get3A_2429 = arith.constant 32 : index
    %get3A_2430 = tpu.vector_load %arg11[%get3A_2428, %get3A_2429] {strides = array<i32>} : memref<4x128xf32, #tpu.memory_space<vmem>>, vector<1x16xf32>,
    %get3A_2431 = vector.shape_cast %get3A_2430 : vector<1x16xf32> to vector<16xf32>
    %mul3A_2432 = arith.mulf %get3A_2431, %select_n3A_2426 : vector<16xf32>
    %mul3A_2433 = arith.mulf %get3A_2422, %select_n3A_2426 : vector<16xf32>
    %sub3A_2434 = arith.subf %mul3A_2432, %mul3A_2433 : vector<16xf32>
    %abs3A_2435 = math.absf %sub3A_2434 : vector<16xf32>
    %mul3A_2436 = arith.constant 3.000000e+00 : f32
    %mul3A_2437 = vector.broadcast %mul3A_2436 : f32 to vector<16xf32>
    %mul3A_2438 = arith.mulf %abs3A_2435, %mul3A_2437 : vector<16xf32>
    %le3A_2439 = arith.constant 0.111111112 : f32
    %le3A_2440 = vector.broadcast %le3A_2439 : f32 to vector<16xf32>
    %le3A_2441 = arith.cmpf ole, %abs3A_2435, %le3A_2440 : vector<16xf32>
    %mul3A_2442 = arith.mulf %mul3A_2438, %mul3A_2438 : vector<16xf32>
    %mul3A_2443 = arith.constant 5.000000e-01 : f32
    %mul3A_2444 = vector.broadcast %mul3A_2443 : f32 to vector<16xf32>
    %mul3A_2445 = arith.mulf %mul3A_2444, %mul3A_2442 : vector<16xf32>
    %sub3A_2446 = arith.constant 0.055555556 : f32
    %sub3A_2447 = vector.broadcast %sub3A_2446 : f32 to vector<16xf32>
    %sub3A_2448 = arith.subf %abs3A_2435, %sub3A_2447 : vector<16xf32>
    %select_n3A_2449 = arith.select %le3A_2441, %mul3A_2445, %sub3A_2448 : vector<16xi1>, vector<16xf32>
    %add3A_2450 = arith.addf %add3A_2378, %select_n3A_2449 : vector<16xf32>
    %get3A_2451 = arith.constant 1 : i32
    %get3A_2452 = arith.index_cast %get3A_2451 : i32 to index
    %get3A_2453 = arith.constant 32 : index
    %get3A_2454 = tpu.vector_load %arg14[%get3A_2452, %get3A_2453] {strides = array<i32>} : memref<4x128xf32, #tpu.memory_space<vmem>>, vector<1x16xf32>,
    %get3A_2455 = vector.shape_cast %get3A_2454 : vector<1x16xf32> to vector<16xf32>
    %eq3A_2456 = arith.cmpf oeq, %get3A_2455, %get3A_2455 : vector<16xf32>
    %jit3A_2457 = arith.constant 0.000000e+00 : f32
    %broadcast_in_dim3A_2458 = vector.broadcast %jit3A_2457 : f32 to vector<16xf32>
    %select_n3A_2459 = arith.select %eq3A_2456, %get3A_2416, %broadcast_in_dim3A_2458 : vector<16xi1>, vector<16xf32>
    %get3A_2460 = arith.constant 1 : i32
    %get3A_2461 = arith.index_cast %get3A_2460 : i32 to index
    %get3A_2462 = arith.constant 32 : index
    %get3A_2463 = tpu.vector_load %arg12[%get3A_2461, %get3A_2462] {strides = array<i32>} : memref<4x128xf32, #tpu.memory_space<vmem>>, vector<1x16xf32>,
    %get3A_2464 = vector.shape_cast %get3A_2463 : vector<1x16xf32> to vector<16xf32>
    %mul3A_2465 = arith.mulf %get3A_2464, %select_n3A_2459 : vector<16xf32>
    %mul3A_2466 = arith.mulf %get3A_2455, %select_n3A_2459 : vector<16xf32>
    %sub3A_2467 = arith.subf %mul3A_2465, %mul3A_2466 : vector<16xf32>
    %abs3A_2468 = math.absf %sub3A_2467 : vector<16xf32>
    %mul3A_2469 = arith.constant 3.000000e+00 : f32
    %mul3A_2470 = vector.broadcast %mul3A_2469 : f32 to vector<16xf32>
    %mul3A_2471 = arith.mulf %abs3A_2468, %mul3A_2470 : vector<16xf32>
    %le3A_2472 = arith.constant 0.111111112 : f32
    %le3A_2473 = vector.broadcast %le3A_2472 : f32 to vector<16xf32>
    %le3A_2474 = arith.cmpf ole, %abs3A_2468, %le3A_2473 : vector<16xf32>
    %mul3A_2475 = arith.mulf %mul3A_2471, %mul3A_2471 : vector<16xf32>
    %mul3A_2476 = arith.constant 5.000000e-01 : f32
    %mul3A_2477 = vector.broadcast %mul3A_2476 : f32 to vector<16xf32>
    %mul3A_2478 = arith.mulf %mul3A_2477, %mul3A_2475 : vector<16xf32>
    %sub3A_2479 = arith.constant 0.055555556 : f32
    %sub3A_2480 = vector.broadcast %sub3A_2479 : f32 to vector<16xf32>
    %sub3A_2481 = arith.subf %abs3A_2468, %sub3A_2480 : vector<16xf32>
    %select_n3A_2482 = arith.select %le3A_2474, %mul3A_2478, %sub3A_2481 : vector<16xi1>, vector<16xf32>
    %add3A_2483 = arith.addf %add3A_2411, %select_n3A_2482 : vector<16xf32>
    %get3A_2484 = arith.constant 1 : i32
    %get3A_2485 = arith.index_cast %get3A_2484 : i32 to index
    %get3A_2486 = arith.constant 48 : index
    %get3A_2487 = tpu.vector_load %arg15[%get3A_2485, %get3A_2486] {strides = array<i32>} : memref<4x128xf32, #tpu.memory_space<vmem>>, vector<1x16xf32>,
    %get3A_2488 = vector.shape_cast %get3A_2487 : vector<1x16xf32> to vector<16xf32>
    %add3A_2489 = arith.addf %add3A_2417, %get3A_2488 : vector<16xf32>
    %get3A_2490 = arith.constant 1 : i32
    %get3A_2491 = arith.index_cast %get3A_2490 : i32 to index
    %get3A_2492 = arith.constant 48 : index
    %get3A_2493 = tpu.vector_load %arg13[%get3A_2491, %get3A_2492] {strides = array<i32>} : memref<4x128xf32, #tpu.memory_space<vmem>>, vector<1x16xf32>,
    %get3A_2494 = vector.shape_cast %get3A_2493 : vector<1x16xf32> to vector<16xf32>
    %eq3A_2495 = arith.cmpf oeq, %get3A_2494, %get3A_2494 : vector<16xf32>
    %jit3A_2496 = arith.constant 0.000000e+00 : f32
    %broadcast_in_dim3A_2497 = vector.broadcast %jit3A_2496 : f32 to vector<16xf32>
    %select_n3A_2498 = arith.select %eq3A_2495, %get3A_2488, %broadcast_in_dim3A_2497 : vector<16xi1>, vector<16xf32>
    %get3A_2499 = arith.constant 1 : i32
    %get3A_2500 = arith.index_cast %get3A_2499 : i32 to index
    %get3A_2501 = arith.constant 48 : index
    %get3A_2502 = tpu.vector_load %arg11[%get3A_2500, %get3A_2501] {strides = array<i32>} : memref<4x128xf32, #tpu.memory_space<vmem>>, vector<1x16xf32>,
    %get3A_2503 = vector.shape_cast %get3A_2502 : vector<1x16xf32> to vector<16xf32>
    %mul3A_2504 = arith.mulf %get3A_2503, %select_n3A_2498 : vector<16xf32>
    %mul3A_2505 = arith.mulf %get3A_2494, %select_n3A_2498 : vector<16xf32>
    %sub3A_2506 = arith.subf %mul3A_2504, %mul3A_2505 : vector<16xf32>
    %abs3A_2507 = math.absf %sub3A_2506 : vector<16xf32>
    %mul3A_2508 = arith.constant 3.000000e+00 : f32
    %mul3A_2509 = vector.broadcast %mul3A_2508 : f32 to vector<16xf32>
    %mul3A_2510 = arith.mulf %abs3A_2507, %mul3A_2509 : vector<16xf32>
    %le3A_2511 = arith.constant 0.111111112 : f32
    %le3A_2512 = vector.broadcast %le3A_2511 : f32 to vector<16xf32>
    %le3A_2513 = arith.cmpf ole, %abs3A_2507, %le3A_2512 : vector<16xf32>
    %mul3A_2514 = arith.mulf %mul3A_2510, %mul3A_2510 : vector<16xf32>
    %mul3A_2515 = arith.constant 5.000000e-01 : f32
    %mul3A_2516 = vector.broadcast %mul3A_2515 : f32 to vector<16xf32>
    %mul3A_2517 = arith.mulf %mul3A_2516, %mul3A_2514 : vector<16xf32>
    %sub3A_2518 = arith.constant 0.055555556 : f32
    %sub3A_2519 = vector.broadcast %sub3A_2518 : f32 to vector<16xf32>
    %sub3A_2520 = arith.subf %abs3A_2507, %sub3A_2519 : vector<16xf32>
    %select_n3A_2521 = arith.select %le3A_2513, %mul3A_2517, %sub3A_2520 : vector<16xi1>, vector<16xf32>
    %add3A_2522 = arith.addf %add3A_2450, %select_n3A_2521 : vector<16xf32>
    %get3A_2523 = arith.constant 1 : i32
    %get3A_2524 = arith.index_cast %get3A_2523 : i32 to index
    %get3A_2525 = arith.constant 48 : index
    %get3A_2526 = tpu.vector_load %arg14[%get3A_2524, %get3A_2525] {strides = array<i32>} : memref<4x128xf32, #tpu.memory_space<vmem>>, vector<1x16xf32>,
    %get3A_2527 = vector.shape_cast %get3A_2526 : vector<1x16xf32> to vector<16xf32>
    %eq3A_2528 = arith.cmpf oeq, %get3A_2527, %get3A_2527 : vector<16xf32>
    %jit3A_2529 = arith.constant 0.000000e+00 : f32
    %broadcast_in_dim3A_2530 = vector.broadcast %jit3A_2529 : f32 to vector<16xf32>
    %select_n3A_2531 = arith.select %eq3A_2528, %get3A_2488, %broadcast_in_dim3A_2530 : vector<16xi1>, vector<16xf32>
    %get3A_2532 = arith.constant 1 : i32
    %get3A_2533 = arith.index_cast %get3A_2532 : i32 to index
    %get3A_2534 = arith.constant 48 : index
    %get3A_2535 = tpu.vector_load %arg12[%get3A_2533, %get3A_2534] {strides = array<i32>} : memref<4x128xf32, #tpu.memory_space<vmem>>, vector<1x16xf32>,
    %get3A_2536 = vector.shape_cast %get3A_2535 : vector<1x16xf32> to vector<16xf32>
    %mul3A_2537 = arith.mulf %get3A_2536, %select_n3A_2531 : vector<16xf32>
    %mul3A_2538 = arith.mulf %get3A_2527, %select_n3A_2531 : vector<16xf32>
    %sub3A_2539 = arith.subf %mul3A_2537, %mul3A_2538 : vector<16xf32>
    %abs3A_2540 = math.absf %sub3A_2539 : vector<16xf32>
    %mul3A_2541 = arith.constant 3.000000e+00 : f32
    %mul3A_2542 = vector.broadcast %mul3A_2541 : f32 to vector<16xf32>
    %mul3A_2543 = arith.mulf %abs3A_2540, %mul3A_2542 : vector<16xf32>
    %le3A_2544 = arith.constant 0.111111112 : f32
    %le3A_2545 = vector.broadcast %le3A_2544 : f32 to vector<16xf32>
    %le3A_2546 = arith.cmpf ole, %abs3A_2540, %le3A_2545 : vector<16xf32>
    %mul3A_2547 = arith.mulf %mul3A_2543, %mul3A_2543 : vector<16xf32>
    %mul3A_2548 = arith.constant 5.000000e-01 : f32
    %mul3A_2549 = vector.broadcast %mul3A_2548 : f32 to vector<16xf32>
    %mul3A_2550 = arith.mulf %mul3A_2549, %mul3A_2547 : vector<16xf32>
    %sub3A_2551 = arith.constant 0.055555556 : f32
    %sub3A_2552 = vector.broadcast %sub3A_2551 : f32 to vector<16xf32>
    %sub3A_2553 = arith.subf %abs3A_2540, %sub3A_2552 : vector<16xf32>
    %select_n3A_2554 = arith.select %le3A_2546, %mul3A_2550, %sub3A_2553 : vector<16xi1>, vector<16xf32>
    %add3A_2555 = arith.addf %add3A_2483, %select_n3A_2554 : vector<16xf32>
    %get3A_2556 = arith.constant 1 : i32
    %get3A_2557 = arith.index_cast %get3A_2556 : i32 to index
    %get3A_2558 = arith.constant 64 : index
    %get3A_2559 = tpu.vector_load %arg15[%get3A_2557, %get3A_2558] {strides = array<i32>} : memref<4x128xf32, #tpu.memory_space<vmem>>, vector<1x16xf32>,
    %get3A_2560 = vector.shape_cast %get3A_2559 : vector<1x16xf32> to vector<16xf32>
    %add3A_2561 = arith.addf %add3A_2489, %get3A_2560 : vector<16xf32>
    %get3A_2562 = arith.constant 1 : i32
    %get3A_2563 = arith.index_cast %get3A_2562 : i32 to index
    %get3A_2564 = arith.constant 64 : index
    %get3A_2565 = tpu.vector_load %arg13[%get3A_2563, %get3A_2564] {strides = array<i32>} : memref<4x128xf32, #tpu.memory_space<vmem>>, vector<1x16xf32>,
    %get3A_2566 = vector.shape_cast %get3A_2565 : vector<1x16xf32> to vector<16xf32>
    %eq3A_2567 = arith.cmpf oeq, %get3A_2566, %get3A_2566 : vector<16xf32>
    %jit3A_2568 = arith.constant 0.000000e+00 : f32
    %broadcast_in_dim3A_2569 = vector.broadcast %jit3A_2568 : f32 to vector<16xf32>
    %select_n3A_2570 = arith.select %eq3A_2567, %get3A_2560, %broadcast_in_dim3A_2569 : vector<16xi1>, vector<16xf32>
    %get3A_2571 = arith.constant 1 : i32
    %get3A_2572 = arith.index_cast %get3A_2571 : i32 to index
    %get3A_2573 = arith.constant 64 : index
    %get3A_2574 = tpu.vector_load %arg11[%get3A_2572, %get3A_2573] {strides = array<i32>} : memref<4x128xf32, #tpu.memory_space<vmem>>, vector<1x16xf32>,
    %get3A_2575 = vector.shape_cast %get3A_2574 : vector<1x16xf32> to vector<16xf32>
    %mul3A_2576 = arith.mulf %get3A_2575, %select_n3A_2570 : vector<16xf32>
    %mul3A_2577 = arith.mulf %get3A_2566, %select_n3A_2570 : vector<16xf32>
    %sub3A_2578 = arith.subf %mul3A_2576, %mul3A_2577 : vector<16xf32>
    %abs3A_2579 = math.absf %sub3A_2578 : vector<16xf32>
    %mul3A_2580 = arith.constant 3.000000e+00 : f32
    %mul3A_2581 = vector.broadcast %mul3A_2580 : f32 to vector<16xf32>
    %mul3A_2582 = arith.mulf %abs3A_2579, %mul3A_2581 : vector<16xf32>
    %le3A_2583 = arith.constant 0.111111112 : f32
    %le3A_2584 = vector.broadcast %le3A_2583 : f32 to vector<16xf32>
    %le3A_2585 = arith.cmpf ole, %abs3A_2579, %le3A_2584 : vector<16xf32>
    %mul3A_2586 = arith.mulf %mul3A_2582, %mul3A_2582 : vector<16xf32>
    %mul3A_2587 = arith.constant 5.000000e-01 : f32
    %mul3A_2588 = vector.broadcast %mul3A_2587 : f32 to vector<16xf32>
    %mul3A_2589 = arith.mulf %mul3A_2588, %mul3A_2586 : vector<16xf32>
    %sub3A_2590 = arith.constant 0.055555556 : f32
    %sub3A_2591 = vector.broadcast %sub3A_2590 : f32 to vector<16xf32>
    %sub3A_2592 = arith.subf %abs3A_2579, %sub3A_2591 : vector<16xf32>
    %select_n3A_2593 = arith.select %le3A_2585, %mul3A_2589, %sub3A_2592 : vector<16xi1>, vector<16xf32>
    %add3A_2594 = arith.addf %add3A_2522, %select_n3A_2593 : vector<16xf32>
    %get3A_2595 = arith.constant 1 : i32
    %get3A_2596 = arith.index_cast %get3A_2595 : i32 to index
    %get3A_2597 = arith.constant 64 : index
    %get3A_2598 = tpu.vector_load %arg14[%get3A_2596, %get3A_2597] {strides = array<i32>} : memref<4x128xf32, #tpu.memory_space<vmem>>, vector<1x16xf32>,
    %get3A_2599 = vector.shape_cast %get3A_2598 : vector<1x16xf32> to vector<16xf32>
    %eq3A_2600 = arith.cmpf oeq, %get3A_2599, %get3A_2599 : vector<16xf32>
    %jit3A_2601 = arith.constant 0.000000e+00 : f32
    %broadcast_in_dim3A_2602 = vector.broadcast %jit3A_2601 : f32 to vector<16xf32>
    %select_n3A_2603 = arith.select %eq3A_2600, %get3A_2560, %broadcast_in_dim3A_2602 : vector<16xi1>, vector<16xf32>
    %get3A_2604 = arith.constant 1 : i32
    %get3A_2605 = arith.index_cast %get3A_2604 : i32 to index
    %get3A_2606 = arith.constant 64 : index
    %get3A_2607 = tpu.vector_load %arg12[%get3A_2605, %get3A_2606] {strides = array<i32>} : memref<4x128xf32, #tpu.memory_space<vmem>>, vector<1x16xf32>,
    %get3A_2608 = vector.shape_cast %get3A_2607 : vector<1x16xf32> to vector<16xf32>
    %mul3A_2609 = arith.mulf %get3A_2608, %select_n3A_2603 : vector<16xf32>
    %mul3A_2610 = arith.mulf %get3A_2599, %select_n3A_2603 : vector<16xf32>
    %sub3A_2611 = arith.subf %mul3A_2609, %mul3A_2610 : vector<16xf32>
    %abs3A_2612 = math.absf %sub3A_2611 : vector<16xf32>
    %mul3A_2613 = arith.constant 3.000000e+00 : f32
    %mul3A_2614 = vector.broadcast %mul3A_2613 : f32 to vector<16xf32>
    %mul3A_2615 = arith.mulf %abs3A_2612, %mul3A_2614 : vector<16xf32>
    %le3A_2616 = arith.constant 0.111111112 : f32
    %le3A_2617 = vector.broadcast %le3A_2616 : f32 to vector<16xf32>
    %le3A_2618 = arith.cmpf ole, %abs3A_2612, %le3A_2617 : vector<16xf32>
    %mul3A_2619 = arith.mulf %mul3A_2615, %mul3A_2615 : vector<16xf32>
    %mul3A_2620 = arith.constant 5.000000e-01 : f32
    %mul3A_2621 = vector.broadcast %mul3A_2620 : f32 to vector<16xf32>
    %mul3A_2622 = arith.mulf %mul3A_2621, %mul3A_2619 : vector<16xf32>
    %sub3A_2623 = arith.constant 0.055555556 : f32
    %sub3A_2624 = vector.broadcast %sub3A_2623 : f32 to vector<16xf32>
    %sub3A_2625 = arith.subf %abs3A_2612, %sub3A_2624 : vector<16xf32>
    %select_n3A_2626 = arith.select %le3A_2618, %mul3A_2622, %sub3A_2625 : vector<16xi1>, vector<16xf32>
    %add3A_2627 = arith.addf %add3A_2555, %select_n3A_2626 : vector<16xf32>
    %get3A_2628 = arith.constant 1 : i32
    %get3A_2629 = arith.index_cast %get3A_2628 : i32 to index
    %get3A_2630 = arith.constant 80 : index
    %get3A_2631 = tpu.vector_load %arg15[%get3A_2629, %get3A_2630] {strides = array<i32>} : memref<4x128xf32, #tpu.memory_space<vmem>>, vector<1x16xf32>,
    %get3A_2632 = vector.shape_cast %get3A_2631 : vector<1x16xf32> to vector<16xf32>
    %add3A_2633 = arith.addf %add3A_2561, %get3A_2632 : vector<16xf32>
    %get3A_2634 = arith.constant 1 : i32
    %get3A_2635 = arith.index_cast %get3A_2634 : i32 to index
    %get3A_2636 = arith.constant 80 : index
    %get3A_2637 = tpu.vector_load %arg13[%get3A_2635, %get3A_2636] {strides = array<i32>} : memref<4x128xf32, #tpu.memory_space<vmem>>, vector<1x16xf32>,
    %get3A_2638 = vector.shape_cast %get3A_2637 : vector<1x16xf32> to vector<16xf32>
    %eq3A_2639 = arith.cmpf oeq, %get3A_2638, %get3A_2638 : vector<16xf32>
    %jit3A_2640 = arith.constant 0.000000e+00 : f32
    %broadcast_in_dim3A_2641 = vector.broadcast %jit3A_2640 : f32 to vector<16xf32>
    %select_n3A_2642 = arith.select %eq3A_2639, %get3A_2632, %broadcast_in_dim3A_2641 : vector<16xi1>, vector<16xf32>
    %get3A_2643 = arith.constant 1 : i32
    %get3A_2644 = arith.index_cast %get3A_2643 : i32 to index
    %get3A_2645 = arith.constant 80 : index
    %get3A_2646 = tpu.vector_load %arg11[%get3A_2644, %get3A_2645] {strides = array<i32>} : memref<4x128xf32, #tpu.memory_space<vmem>>, vector<1x16xf32>,
    %get3A_2647 = vector.shape_cast %get3A_2646 : vector<1x16xf32> to vector<16xf32>
    %mul3A_2648 = arith.mulf %get3A_2647, %select_n3A_2642 : vector<16xf32>
    %mul3A_2649 = arith.mulf %get3A_2638, %select_n3A_2642 : vector<16xf32>
    %sub3A_2650 = arith.subf %mul3A_2648, %mul3A_2649 : vector<16xf32>
    %abs3A_2651 = math.absf %sub3A_2650 : vector<16xf32>
    %mul3A_2652 = arith.constant 3.000000e+00 : f32
    %mul3A_2653 = vector.broadcast %mul3A_2652 : f32 to vector<16xf32>
    %mul3A_2654 = arith.mulf %abs3A_2651, %mul3A_2653 : vector<16xf32>
    %le3A_2655 = arith.constant 0.111111112 : f32
    %le3A_2656 = vector.broadcast %le3A_2655 : f32 to vector<16xf32>
    %le3A_2657 = arith.cmpf ole, %abs3A_2651, %le3A_2656 : vector<16xf32>
    %mul3A_2658 = arith.mulf %mul3A_2654, %mul3A_2654 : vector<16xf32>
    %mul3A_2659 = arith.constant 5.000000e-01 : f32
    %mul3A_2660 = vector.broadcast %mul3A_2659 : f32 to vector<16xf32>
    %mul3A_2661 = arith.mulf %mul3A_2660, %mul3A_2658 : vector<16xf32>
    %sub3A_2662 = arith.constant 0.055555556 : f32
    %sub3A_2663 = vector.broadcast %sub3A_2662 : f32 to vector<16xf32>
    %sub3A_2664 = arith.subf %abs3A_2651, %sub3A_2663 : vector<16xf32>
    %select_n3A_2665 = arith.select %le3A_2657, %mul3A_2661, %sub3A_2664 : vector<16xi1>, vector<16xf32>
    %add3A_2666 = arith.addf %add3A_2594, %select_n3A_2665 : vector<16xf32>
    %get3A_2667 = arith.constant 1 : i32
    %get3A_2668 = arith.index_cast %get3A_2667 : i32 to index
    %get3A_2669 = arith.constant 80 : index
    %get3A_2670 = tpu.vector_load %arg14[%get3A_2668, %get3A_2669] {strides = array<i32>} : memref<4x128xf32, #tpu.memory_space<vmem>>, vector<1x16xf32>,
    %get3A_2671 = vector.shape_cast %get3A_2670 : vector<1x16xf32> to vector<16xf32>
    %eq3A_2672 = arith.cmpf oeq, %get3A_2671, %get3A_2671 : vector<16xf32>
    %jit3A_2673 = arith.constant 0.000000e+00 : f32
    %broadcast_in_dim3A_2674 = vector.broadcast %jit3A_2673 : f32 to vector<16xf32>
    %select_n3A_2675 = arith.select %eq3A_2672, %get3A_2632, %broadcast_in_dim3A_2674 : vector<16xi1>, vector<16xf32>
    %get3A_2676 = arith.constant 1 : i32
    %get3A_2677 = arith.index_cast %get3A_2676 : i32 to index
    %get3A_2678 = arith.constant 80 : index
    %get3A_2679 = tpu.vector_load %arg12[%get3A_2677, %get3A_2678] {strides = array<i32>} : memref<4x128xf32, #tpu.memory_space<vmem>>, vector<1x16xf32>,
    %get3A_2680 = vector.shape_cast %get3A_2679 : vector<1x16xf32> to vector<16xf32>
    %mul3A_2681 = arith.mulf %get3A_2680, %select_n3A_2675 : vector<16xf32>
    %mul3A_2682 = arith.mulf %get3A_2671, %select_n3A_2675 : vector<16xf32>
    %sub3A_2683 = arith.subf %mul3A_2681, %mul3A_2682 : vector<16xf32>
    %abs3A_2684 = math.absf %sub3A_2683 : vector<16xf32>
    %mul3A_2685 = arith.constant 3.000000e+00 : f32
    %mul3A_2686 = vector.broadcast %mul3A_2685 : f32 to vector<16xf32>
    %mul3A_2687 = arith.mulf %abs3A_2684, %mul3A_2686 : vector<16xf32>
    %le3A_2688 = arith.constant 0.111111112 : f32
    %le3A_2689 = vector.broadcast %le3A_2688 : f32 to vector<16xf32>
    %le3A_2690 = arith.cmpf ole, %abs3A_2684, %le3A_2689 : vector<16xf32>
    %mul3A_2691 = arith.mulf %mul3A_2687, %mul3A_2687 : vector<16xf32>
    %mul3A_2692 = arith.constant 5.000000e-01 : f32
    %mul3A_2693 = vector.broadcast %mul3A_2692 : f32 to vector<16xf32>
    %mul3A_2694 = arith.mulf %mul3A_2693, %mul3A_2691 : vector<16xf32>
    %sub3A_2695 = arith.constant 0.055555556 : f32
    %sub3A_2696 = vector.broadcast %sub3A_2695 : f32 to vector<16xf32>
    %sub3A_2697 = arith.subf %abs3A_2684, %sub3A_2696 : vector<16xf32>
    %select_n3A_2698 = arith.select %le3A_2690, %mul3A_2694, %sub3A_2697 : vector<16xi1>, vector<16xf32>
    %add3A_2699 = arith.addf %add3A_2627, %select_n3A_2698 : vector<16xf32>
    %get3A_2700 = arith.constant 1 : i32
    %get3A_2701 = arith.index_cast %get3A_2700 : i32 to index
    %get3A_2702 = arith.constant 96 : index
    %get3A_2703 = tpu.vector_load %arg15[%get3A_2701, %get3A_2702] {strides = array<i32>} : memref<4x128xf32, #tpu.memory_space<vmem>>, vector<1x16xf32>,
    %get3A_2704 = vector.shape_cast %get3A_2703 : vector<1x16xf32> to vector<16xf32>
    %add3A_2705 = arith.addf %add3A_2633, %get3A_2704 : vector<16xf32>
    %get3A_2706 = arith.constant 1 : i32
    %get3A_2707 = arith.index_cast %get3A_2706 : i32 to index
    %get3A_2708 = arith.constant 96 : index
    %get3A_2709 = tpu.vector_load %arg13[%get3A_2707, %get3A_2708] {strides = array<i32>} : memref<4x128xf32, #tpu.memory_space<vmem>>, vector<1x16xf32>,
    %get3A_2710 = vector.shape_cast %get3A_2709 : vector<1x16xf32> to vector<16xf32>
    %eq3A_2711 = arith.cmpf oeq, %get3A_2710, %get3A_2710 : vector<16xf32>
    %jit3A_2712 = arith.constant 0.000000e+00 : f32
    %broadcast_in_dim3A_2713 = vector.broadcast %jit3A_2712 : f32 to vector<16xf32>
    %select_n3A_2714 = arith.select %eq3A_2711, %get3A_2704, %broadcast_in_dim3A_2713 : vector<16xi1>, vector<16xf32>
    %get3A_2715 = arith.constant 1 : i32
    %get3A_2716 = arith.index_cast %get3A_2715 : i32 to index
    %get3A_2717 = arith.constant 96 : index
    %get3A_2718 = tpu.vector_load %arg11[%get3A_2716, %get3A_2717] {strides = array<i32>} : memref<4x128xf32, #tpu.memory_space<vmem>>, vector<1x16xf32>,
    %get3A_2719 = vector.shape_cast %get3A_2718 : vector<1x16xf32> to vector<16xf32>
    %mul3A_2720 = arith.mulf %get3A_2719, %select_n3A_2714 : vector<16xf32>
    %mul3A_2721 = arith.mulf %get3A_2710, %select_n3A_2714 : vector<16xf32>
    %sub3A_2722 = arith.subf %mul3A_2720, %mul3A_2721 : vector<16xf32>
    %abs3A_2723 = math.absf %sub3A_2722 : vector<16xf32>
    %mul3A_2724 = arith.constant 3.000000e+00 : f32
    %mul3A_2725 = vector.broadcast %mul3A_2724 : f32 to vector<16xf32>
    %mul3A_2726 = arith.mulf %abs3A_2723, %mul3A_2725 : vector<16xf32>
    %le3A_2727 = arith.constant 0.111111112 : f32
    %le3A_2728 = vector.broadcast %le3A_2727 : f32 to vector<16xf32>
    %le3A_2729 = arith.cmpf ole, %abs3A_2723, %le3A_2728 : vector<16xf32>
    %mul3A_2730 = arith.mulf %mul3A_2726, %mul3A_2726 : vector<16xf32>
    %mul3A_2731 = arith.constant 5.000000e-01 : f32
    %mul3A_2732 = vector.broadcast %mul3A_2731 : f32 to vector<16xf32>
    %mul3A_2733 = arith.mulf %mul3A_2732, %mul3A_2730 : vector<16xf32>
    %sub3A_2734 = arith.constant 0.055555556 : f32
    %sub3A_2735 = vector.broadcast %sub3A_2734 : f32 to vector<16xf32>
    %sub3A_2736 = arith.subf %abs3A_2723, %sub3A_2735 : vector<16xf32>
    %select_n3A_2737 = arith.select %le3A_2729, %mul3A_2733, %sub3A_2736 : vector<16xi1>, vector<16xf32>
    %add3A_2738 = arith.addf %add3A_2666, %select_n3A_2737 : vector<16xf32>
    %get3A_2739 = arith.constant 1 : i32
    %get3A_2740 = arith.index_cast %get3A_2739 : i32 to index
    %get3A_2741 = arith.constant 96 : index
    %get3A_2742 = tpu.vector_load %arg14[%get3A_2740, %get3A_2741] {strides = array<i32>} : memref<4x128xf32, #tpu.memory_space<vmem>>, vector<1x16xf32>,
    %get3A_2743 = vector.shape_cast %get3A_2742 : vector<1x16xf32> to vector<16xf32>
    %eq3A_2744 = arith.cmpf oeq, %get3A_2743, %get3A_2743 : vector<16xf32>
    %jit3A_2745 = arith.constant 0.000000e+00 : f32
    %broadcast_in_dim3A_2746 = vector.broadcast %jit3A_2745 : f32 to vector<16xf32>
    %select_n3A_2747 = arith.select %eq3A_2744, %get3A_2704, %broadcast_in_dim3A_2746 : vector<16xi1>, vector<16xf32>
    %get3A_2748 = arith.constant 1 : i32
    %get3A_2749 = arith.index_cast %get3A_2748 : i32 to index
    %get3A_2750 = arith.constant 96 : index
    %get3A_2751 = tpu.vector_load %arg12[%get3A_2749, %get3A_2750] {strides = array<i32>} : memref<4x128xf32, #tpu.memory_space<vmem>>, vector<1x16xf32>,
    %get3A_2752 = vector.shape_cast %get3A_2751 : vector<1x16xf32> to vector<16xf32>
    %mul3A_2753 = arith.mulf %get3A_2752, %select_n3A_2747 : vector<16xf32>
    %mul3A_2754 = arith.mulf %get3A_2743, %select_n3A_2747 : vector<16xf32>
    %sub3A_2755 = arith.subf %mul3A_2753, %mul3A_2754 : vector<16xf32>
    %abs3A_2756 = math.absf %sub3A_2755 : vector<16xf32>
    %mul3A_2757 = arith.constant 3.000000e+00 : f32
    %mul3A_2758 = vector.broadcast %mul3A_2757 : f32 to vector<16xf32>
    %mul3A_2759 = arith.mulf %abs3A_2756, %mul3A_2758 : vector<16xf32>
    %le3A_2760 = arith.constant 0.111111112 : f32
    %le3A_2761 = vector.broadcast %le3A_2760 : f32 to vector<16xf32>
    %le3A_2762 = arith.cmpf ole, %abs3A_2756, %le3A_2761 : vector<16xf32>
    %mul3A_2763 = arith.mulf %mul3A_2759, %mul3A_2759 : vector<16xf32>
    %mul3A_2764 = arith.constant 5.000000e-01 : f32
    %mul3A_2765 = vector.broadcast %mul3A_2764 : f32 to vector<16xf32>
    %mul3A_2766 = arith.mulf %mul3A_2765, %mul3A_2763 : vector<16xf32>
    %sub3A_2767 = arith.constant 0.055555556 : f32
    %sub3A_2768 = vector.broadcast %sub3A_2767 : f32 to vector<16xf32>
    %sub3A_2769 = arith.subf %abs3A_2756, %sub3A_2768 : vector<16xf32>
    %select_n3A_2770 = arith.select %le3A_2762, %mul3A_2766, %sub3A_2769 : vector<16xi1>, vector<16xf32>
    %add3A_2771 = arith.addf %add3A_2699, %select_n3A_2770 : vector<16xf32>
    %get3A_2772 = arith.constant 1 : i32
    %get3A_2773 = arith.index_cast %get3A_2772 : i32 to index
    %get3A_2774 = arith.constant 112 : index
    %get3A_2775 = tpu.vector_load %arg15[%get3A_2773, %get3A_2774] {strides = array<i32>} : memref<4x128xf32, #tpu.memory_space<vmem>>, vector<1x16xf32>,
    %get3A_2776 = vector.shape_cast %get3A_2775 : vector<1x16xf32> to vector<16xf32>
    %add3A_2777 = arith.addf %add3A_2705, %get3A_2776 : vector<16xf32>
    %get3A_2778 = arith.constant 1 : i32
    %get3A_2779 = arith.index_cast %get3A_2778 : i32 to index
    %get3A_2780 = arith.constant 112 : index
    %get3A_2781 = tpu.vector_load %arg13[%get3A_2779, %get3A_2780] {strides = array<i32>} : memref<4x128xf32, #tpu.memory_space<vmem>>, vector<1x16xf32>,
    %get3A_2782 = vector.shape_cast %get3A_2781 : vector<1x16xf32> to vector<16xf32>
    %eq3A_2783 = arith.cmpf oeq, %get3A_2782, %get3A_2782 : vector<16xf32>
    %jit3A_2784 = arith.constant 0.000000e+00 : f32
    %broadcast_in_dim3A_2785 = vector.broadcast %jit3A_2784 : f32 to vector<16xf32>
    %select_n3A_2786 = arith.select %eq3A_2783, %get3A_2776, %broadcast_in_dim3A_2785 : vector<16xi1>, vector<16xf32>
    %get3A_2787 = arith.constant 1 : i32
    %get3A_2788 = arith.index_cast %get3A_2787 : i32 to index
    %get3A_2789 = arith.constant 112 : index
    %get3A_2790 = tpu.vector_load %arg11[%get3A_2788, %get3A_2789] {strides = array<i32>} : memref<4x128xf32, #tpu.memory_space<vmem>>, vector<1x16xf32>,
    %get3A_2791 = vector.shape_cast %get3A_2790 : vector<1x16xf32> to vector<16xf32>
    %mul3A_2792 = arith.mulf %get3A_2791, %select_n3A_2786 : vector<16xf32>
    %mul3A_2793 = arith.mulf %get3A_2782, %select_n3A_2786 : vector<16xf32>
    %sub3A_2794 = arith.subf %mul3A_2792, %mul3A_2793 : vector<16xf32>
    %abs3A_2795 = math.absf %sub3A_2794 : vector<16xf32>
    %mul3A_2796 = arith.constant 3.000000e+00 : f32
    %mul3A_2797 = vector.broadcast %mul3A_2796 : f32 to vector<16xf32>
    %mul3A_2798 = arith.mulf %abs3A_2795, %mul3A_2797 : vector<16xf32>
    %le3A_2799 = arith.constant 0.111111112 : f32
    %le3A_2800 = vector.broadcast %le3A_2799 : f32 to vector<16xf32>
    %le3A_2801 = arith.cmpf ole, %abs3A_2795, %le3A_2800 : vector<16xf32>
    %mul3A_2802 = arith.mulf %mul3A_2798, %mul3A_2798 : vector<16xf32>
    %mul3A_2803 = arith.constant 5.000000e-01 : f32
    %mul3A_2804 = vector.broadcast %mul3A_2803 : f32 to vector<16xf32>
    %mul3A_2805 = arith.mulf %mul3A_2804, %mul3A_2802 : vector<16xf32>
    %sub3A_2806 = arith.constant 0.055555556 : f32
    %sub3A_2807 = vector.broadcast %sub3A_2806 : f32 to vector<16xf32>
    %sub3A_2808 = arith.subf %abs3A_2795, %sub3A_2807 : vector<16xf32>
    %select_n3A_2809 = arith.select %le3A_2801, %mul3A_2805, %sub3A_2808 : vector<16xi1>, vector<16xf32>
    %add3A_2810 = arith.addf %add3A_2738, %select_n3A_2809 : vector<16xf32>
    %get3A_2811 = arith.constant 1 : i32
    %get3A_2812 = arith.index_cast %get3A_2811 : i32 to index
    %get3A_2813 = arith.constant 112 : index
    %get3A_2814 = tpu.vector_load %arg14[%get3A_2812, %get3A_2813] {strides = array<i32>} : memref<4x128xf32, #tpu.memory_space<vmem>>, vector<1x16xf32>,
    %get3A_2815 = vector.shape_cast %get3A_2814 : vector<1x16xf32> to vector<16xf32>
    %eq3A_2816 = arith.cmpf oeq, %get3A_2815, %get3A_2815 : vector<16xf32>
    %jit3A_2817 = arith.constant 0.000000e+00 : f32
    %broadcast_in_dim3A_2818 = vector.broadcast %jit3A_2817 : f32 to vector<16xf32>
    %select_n3A_2819 = arith.select %eq3A_2816, %get3A_2776, %broadcast_in_dim3A_2818 : vector<16xi1>, vector<16xf32>
    %get3A_2820 = arith.constant 1 : i32
    %get3A_2821 = arith.index_cast %get3A_2820 : i32 to index
    %get3A_2822 = arith.constant 112 : index
    %get3A_2823 = tpu.vector_load %arg12[%get3A_2821, %get3A_2822] {strides = array<i32>} : memref<4x128xf32, #tpu.memory_space<vmem>>, vector<1x16xf32>,
    %get3A_2824 = vector.shape_cast %get3A_2823 : vector<1x16xf32> to vector<16xf32>
    %mul3A_2825 = arith.mulf %get3A_2824, %select_n3A_2819 : vector<16xf32>
    %mul3A_2826 = arith.mulf %get3A_2815, %select_n3A_2819 : vector<16xf32>
    %sub3A_2827 = arith.subf %mul3A_2825, %mul3A_2826 : vector<16xf32>
    %abs3A_2828 = math.absf %sub3A_2827 : vector<16xf32>
    %mul3A_2829 = arith.constant 3.000000e+00 : f32
    %mul3A_2830 = vector.broadcast %mul3A_2829 : f32 to vector<16xf32>
    %mul3A_2831 = arith.mulf %abs3A_2828, %mul3A_2830 : vector<16xf32>
    %le3A_2832 = arith.constant 0.111111112 : f32
    %le3A_2833 = vector.broadcast %le3A_2832 : f32 to vector<16xf32>
    %le3A_2834 = arith.cmpf ole, %abs3A_2828, %le3A_2833 : vector<16xf32>
    %mul3A_2835 = arith.mulf %mul3A_2831, %mul3A_2831 : vector<16xf32>
    %mul3A_2836 = arith.constant 5.000000e-01 : f32
    %mul3A_2837 = vector.broadcast %mul3A_2836 : f32 to vector<16xf32>
    %mul3A_2838 = arith.mulf %mul3A_2837, %mul3A_2835 : vector<16xf32>
    %sub3A_2839 = arith.constant 0.055555556 : f32
    %sub3A_2840 = vector.broadcast %sub3A_2839 : f32 to vector<16xf32>
    %sub3A_2841 = arith.subf %abs3A_2828, %sub3A_2840 : vector<16xf32>
    %select_n3A_2842 = arith.select %le3A_2834, %mul3A_2838, %sub3A_2841 : vector<16xi1>, vector<16xf32>
    %add3A_2843 = arith.addf %add3A_2771, %select_n3A_2842 : vector<16xf32>
    %get3A_2844 = arith.constant 2 : i32
    %get3A_2845 = arith.index_cast %get3A_2844 : i32 to index
    %get3A_2846 = arith.constant 0 : index
    %get3A_2847 = tpu.vector_load %arg15[%get3A_2845, %get3A_2846] {strides = array<i32>} : memref<4x128xf32, #tpu.memory_space<vmem>>, vector<1x16xf32>,
    %get3A_2848 = vector.shape_cast %get3A_2847 : vector<1x16xf32> to vector<16xf32>
    %add3A_2849 = arith.addf %add3A_2777, %get3A_2848 : vector<16xf32>
    %get3A_2850 = arith.constant 2 : i32
    %get3A_2851 = arith.index_cast %get3A_2850 : i32 to index
    %get3A_2852 = arith.constant 0 : index
    %get3A_2853 = tpu.vector_load %arg13[%get3A_2851, %get3A_2852] {strides = array<i32>} : memref<4x128xf32, #tpu.memory_space<vmem>>, vector<1x16xf32>,
    %get3A_2854 = vector.shape_cast %get3A_2853 : vector<1x16xf32> to vector<16xf32>
    %eq3A_2855 = arith.cmpf oeq, %get3A_2854, %get3A_2854 : vector<16xf32>
    %jit3A_2856 = arith.constant 0.000000e+00 : f32
    %broadcast_in_dim3A_2857 = vector.broadcast %jit3A_2856 : f32 to vector<16xf32>
    %select_n3A_2858 = arith.select %eq3A_2855, %get3A_2848, %broadcast_in_dim3A_2857 : vector<16xi1>, vector<16xf32>
    %get3A_2859 = arith.constant 2 : i32
    %get3A_2860 = arith.index_cast %get3A_2859 : i32 to index
    %get3A_2861 = arith.constant 0 : index
    %get3A_2862 = tpu.vector_load %arg11[%get3A_2860, %get3A_2861] {strides = array<i32>} : memref<4x128xf32, #tpu.memory_space<vmem>>, vector<1x16xf32>,
    %get3A_2863 = vector.shape_cast %get3A_2862 : vector<1x16xf32> to vector<16xf32>
    %mul3A_2864 = arith.mulf %get3A_2863, %select_n3A_2858 : vector<16xf32>
    %mul3A_2865 = arith.mulf %get3A_2854, %select_n3A_2858 : vector<16xf32>
    %sub3A_2866 = arith.subf %mul3A_2864, %mul3A_2865 : vector<16xf32>
    %abs3A_2867 = math.absf %sub3A_2866 : vector<16xf32>
    %mul3A_2868 = arith.constant 3.000000e+00 : f32
    %mul3A_2869 = vector.broadcast %mul3A_2868 : f32 to vector<16xf32>
    %mul3A_2870 = arith.mulf %abs3A_2867, %mul3A_2869 : vector<16xf32>
    %le3A_2871 = arith.constant 0.111111112 : f32
    %le3A_2872 = vector.broadcast %le3A_2871 : f32 to vector<16xf32>
    %le3A_2873 = arith.cmpf ole, %abs3A_2867, %le3A_2872 : vector<16xf32>
    %mul3A_2874 = arith.mulf %mul3A_2870, %mul3A_2870 : vector<16xf32>
    %mul3A_2875 = arith.constant 5.000000e-01 : f32
    %mul3A_2876 = vector.broadcast %mul3A_2875 : f32 to vector<16xf32>
    %mul3A_2877 = arith.mulf %mul3A_2876, %mul3A_2874 : vector<16xf32>
    %sub3A_2878 = arith.constant 0.055555556 : f32
    %sub3A_2879 = vector.broadcast %sub3A_2878 : f32 to vector<16xf32>
    %sub3A_2880 = arith.subf %abs3A_2867, %sub3A_2879 : vector<16xf32>
    %select_n3A_2881 = arith.select %le3A_2873, %mul3A_2877, %sub3A_2880 : vector<16xi1>, vector<16xf32>
    %add3A_2882 = arith.addf %add3A_2810, %select_n3A_2881 : vector<16xf32>
    %get3A_2883 = arith.constant 2 : i32
    %get3A_2884 = arith.index_cast %get3A_2883 : i32 to index
    %get3A_2885 = arith.constant 0 : index
    %get3A_2886 = tpu.vector_load %arg14[%get3A_2884, %get3A_2885] {strides = array<i32>} : memref<4x128xf32, #tpu.memory_space<vmem>>, vector<1x16xf32>,
    %get3A_2887 = vector.shape_cast %get3A_2886 : vector<1x16xf32> to vector<16xf32>
    %eq3A_2888 = arith.cmpf oeq, %get3A_2887, %get3A_2887 : vector<16xf32>
    %jit3A_2889 = arith.constant 0.000000e+00 : f32
    %broadcast_in_dim3A_2890 = vector.broadcast %jit3A_2889 : f32 to vector<16xf32>
    %select_n3A_2891 = arith.select %eq3A_2888, %get3A_2848, %broadcast_in_dim3A_2890 : vector<16xi1>, vector<16xf32>
    %get3A_2892 = arith.constant 2 : i32
    %get3A_2893 = arith.index_cast %get3A_2892 : i32 to index
    %get3A_2894 = arith.constant 0 : index
    %get3A_2895 = tpu.vector_load %arg12[%get3A_2893, %get3A_2894] {strides = array<i32>} : memref<4x128xf32, #tpu.memory_space<vmem>>, vector<1x16xf32>,
    %get3A_2896 = vector.shape_cast %get3A_2895 : vector<1x16xf32> to vector<16xf32>
    %mul3A_2897 = arith.mulf %get3A_2896, %select_n3A_2891 : vector<16xf32>
    %mul3A_2898 = arith.mulf %get3A_2887, %select_n3A_2891 : vector<16xf32>
    %sub3A_2899 = arith.subf %mul3A_2897, %mul3A_2898 : vector<16xf32>
    %abs3A_2900 = math.absf %sub3A_2899 : vector<16xf32>
    %mul3A_2901 = arith.constant 3.000000e+00 : f32
    %mul3A_2902 = vector.broadcast %mul3A_2901 : f32 to vector<16xf32>
    %mul3A_2903 = arith.mulf %abs3A_2900, %mul3A_2902 : vector<16xf32>
    %le3A_2904 = arith.constant 0.111111112 : f32
    %le3A_2905 = vector.broadcast %le3A_2904 : f32 to vector<16xf32>
    %le3A_2906 = arith.cmpf ole, %abs3A_2900, %le3A_2905 : vector<16xf32>
    %mul3A_2907 = arith.mulf %mul3A_2903, %mul3A_2903 : vector<16xf32>
    %mul3A_2908 = arith.constant 5.000000e-01 : f32
    %mul3A_2909 = vector.broadcast %mul3A_2908 : f32 to vector<16xf32>
    %mul3A_2910 = arith.mulf %mul3A_2909, %mul3A_2907 : vector<16xf32>
    %sub3A_2911 = arith.constant 0.055555556 : f32
    %sub3A_2912 = vector.broadcast %sub3A_2911 : f32 to vector<16xf32>
    %sub3A_2913 = arith.subf %abs3A_2900, %sub3A_2912 : vector<16xf32>
    %select_n3A_2914 = arith.select %le3A_2906, %mul3A_2910, %sub3A_2913 : vector<16xi1>, vector<16xf32>
    %add3A_2915 = arith.addf %add3A_2843, %select_n3A_2914 : vector<16xf32>
    %get3A_2916 = arith.constant 2 : i32
    %get3A_2917 = arith.index_cast %get3A_2916 : i32 to index
    %get3A_2918 = arith.constant 16 : index
    %get3A_2919 = tpu.vector_load %arg15[%get3A_2917, %get3A_2918] {strides = array<i32>} : memref<4x128xf32, #tpu.memory_space<vmem>>, vector<1x16xf32>,
    %get3A_2920 = vector.shape_cast %get3A_2919 : vector<1x16xf32> to vector<16xf32>
    %add3A_2921 = arith.addf %add3A_2849, %get3A_2920 : vector<16xf32>
    %get3A_2922 = arith.constant 2 : i32
    %get3A_2923 = arith.index_cast %get3A_2922 : i32 to index
    %get3A_2924 = arith.constant 16 : index
    %get3A_2925 = tpu.vector_load %arg13[%get3A_2923, %get3A_2924] {strides = array<i32>} : memref<4x128xf32, #tpu.memory_space<vmem>>, vector<1x16xf32>,
    %get3A_2926 = vector.shape_cast %get3A_2925 : vector<1x16xf32> to vector<16xf32>
    %eq3A_2927 = arith.cmpf oeq, %get3A_2926, %get3A_2926 : vector<16xf32>
    %jit3A_2928 = arith.constant 0.000000e+00 : f32
    %broadcast_in_dim3A_2929 = vector.broadcast %jit3A_2928 : f32 to vector<16xf32>
    %select_n3A_2930 = arith.select %eq3A_2927, %get3A_2920, %broadcast_in_dim3A_2929 : vector<16xi1>, vector<16xf32>
    %get3A_2931 = arith.constant 2 : i32
    %get3A_2932 = arith.index_cast %get3A_2931 : i32 to index
    %get3A_2933 = arith.constant 16 : index
    %get3A_2934 = tpu.vector_load %arg11[%get3A_2932, %get3A_2933] {strides = array<i32>} : memref<4x128xf32, #tpu.memory_space<vmem>>, vector<1x16xf32>,
    %get3A_2935 = vector.shape_cast %get3A_2934 : vector<1x16xf32> to vector<16xf32>
    %mul3A_2936 = arith.mulf %get3A_2935, %select_n3A_2930 : vector<16xf32>
    %mul3A_2937 = arith.mulf %get3A_2926, %select_n3A_2930 : vector<16xf32>
    %sub3A_2938 = arith.subf %mul3A_2936, %mul3A_2937 : vector<16xf32>
    %abs3A_2939 = math.absf %sub3A_2938 : vector<16xf32>
    %mul3A_2940 = arith.constant 3.000000e+00 : f32
    %mul3A_2941 = vector.broadcast %mul3A_2940 : f32 to vector<16xf32>
    %mul3A_2942 = arith.mulf %abs3A_2939, %mul3A_2941 : vector<16xf32>
    %le3A_2943 = arith.constant 0.111111112 : f32
    %le3A_2944 = vector.broadcast %le3A_2943 : f32 to vector<16xf32>
    %le3A_2945 = arith.cmpf ole, %abs3A_2939, %le3A_2944 : vector<16xf32>
    %mul3A_2946 = arith.mulf %mul3A_2942, %mul3A_2942 : vector<16xf32>
    %mul3A_2947 = arith.constant 5.000000e-01 : f32
    %mul3A_2948 = vector.broadcast %mul3A_2947 : f32 to vector<16xf32>
    %mul3A_2949 = arith.mulf %mul3A_2948, %mul3A_2946 : vector<16xf32>
    %sub3A_2950 = arith.constant 0.055555556 : f32
    %sub3A_2951 = vector.broadcast %sub3A_2950 : f32 to vector<16xf32>
    %sub3A_2952 = arith.subf %abs3A_2939, %sub3A_2951 : vector<16xf32>
    %select_n3A_2953 = arith.select %le3A_2945, %mul3A_2949, %sub3A_2952 : vector<16xi1>, vector<16xf32>
    %add3A_2954 = arith.addf %add3A_2882, %select_n3A_2953 : vector<16xf32>
    %get3A_2955 = arith.constant 2 : i32
    %get3A_2956 = arith.index_cast %get3A_2955 : i32 to index
    %get3A_2957 = arith.constant 16 : index
    %get3A_2958 = tpu.vector_load %arg14[%get3A_2956, %get3A_2957] {strides = array<i32>} : memref<4x128xf32, #tpu.memory_space<vmem>>, vector<1x16xf32>,
    %get3A_2959 = vector.shape_cast %get3A_2958 : vector<1x16xf32> to vector<16xf32>
    %eq3A_2960 = arith.cmpf oeq, %get3A_2959, %get3A_2959 : vector<16xf32>
    %jit3A_2961 = arith.constant 0.000000e+00 : f32
    %broadcast_in_dim3A_2962 = vector.broadcast %jit3A_2961 : f32 to vector<16xf32>
    %select_n3A_2963 = arith.select %eq3A_2960, %get3A_2920, %broadcast_in_dim3A_2962 : vector<16xi1>, vector<16xf32>
    %get3A_2964 = arith.constant 2 : i32
    %get3A_2965 = arith.index_cast %get3A_2964 : i32 to index
    %get3A_2966 = arith.constant 16 : index
    %get3A_2967 = tpu.vector_load %arg12[%get3A_2965, %get3A_2966] {strides = array<i32>} : memref<4x128xf32, #tpu.memory_space<vmem>>, vector<1x16xf32>,
    %get3A_2968 = vector.shape_cast %get3A_2967 : vector<1x16xf32> to vector<16xf32>
    %mul3A_2969 = arith.mulf %get3A_2968, %select_n3A_2963 : vector<16xf32>
    %mul3A_2970 = arith.mulf %get3A_2959, %select_n3A_2963 : vector<16xf32>
    %sub3A_2971 = arith.subf %mul3A_2969, %mul3A_2970 : vector<16xf32>
    %abs3A_2972 = math.absf %sub3A_2971 : vector<16xf32>
    %mul3A_2973 = arith.constant 3.000000e+00 : f32
    %mul3A_2974 = vector.broadcast %mul3A_2973 : f32 to vector<16xf32>
    %mul3A_2975 = arith.mulf %abs3A_2972, %mul3A_2974 : vector<16xf32>
    %le3A_2976 = arith.constant 0.111111112 : f32
    %le3A_2977 = vector.broadcast %le3A_2976 : f32 to vector<16xf32>
    %le3A_2978 = arith.cmpf ole, %abs3A_2972, %le3A_2977 : vector<16xf32>
    %mul3A_2979 = arith.mulf %mul3A_2975, %mul3A_2975 : vector<16xf32>
    %mul3A_2980 = arith.constant 5.000000e-01 : f32
    %mul3A_2981 = vector.broadcast %mul3A_2980 : f32 to vector<16xf32>
    %mul3A_2982 = arith.mulf %mul3A_2981, %mul3A_2979 : vector<16xf32>
    %sub3A_2983 = arith.constant 0.055555556 : f32
    %sub3A_2984 = vector.broadcast %sub3A_2983 : f32 to vector<16xf32>
    %sub3A_2985 = arith.subf %abs3A_2972, %sub3A_2984 : vector<16xf32>
    %select_n3A_2986 = arith.select %le3A_2978, %mul3A_2982, %sub3A_2985 : vector<16xi1>, vector<16xf32>
    %add3A_2987 = arith.addf %add3A_2915, %select_n3A_2986 : vector<16xf32>
    %get3A_2988 = arith.constant 2 : i32
    %get3A_2989 = arith.index_cast %get3A_2988 : i32 to index
    %get3A_2990 = arith.constant 32 : index
    %get3A_2991 = tpu.vector_load %arg15[%get3A_2989, %get3A_2990] {strides = array<i32>} : memref<4x128xf32, #tpu.memory_space<vmem>>, vector<1x16xf32>,
    %get3A_2992 = vector.shape_cast %get3A_2991 : vector<1x16xf32> to vector<16xf32>
    %add3A_2993 = arith.addf %add3A_2921, %get3A_2992 : vector<16xf32>
    %get3A_2994 = arith.constant 2 : i32
    %get3A_2995 = arith.index_cast %get3A_2994 : i32 to index
    %get3A_2996 = arith.constant 32 : index
    %get3A_2997 = tpu.vector_load %arg13[%get3A_2995, %get3A_2996] {strides = array<i32>} : memref<4x128xf32, #tpu.memory_space<vmem>>, vector<1x16xf32>,
    %get3A_2998 = vector.shape_cast %get3A_2997 : vector<1x16xf32> to vector<16xf32>
    %eq3A_2999 = arith.cmpf oeq, %get3A_2998, %get3A_2998 : vector<16xf32>
    %jit3A_3000 = arith.constant 0.000000e+00 : f32
    %broadcast_in_dim3A_3001 = vector.broadcast %jit3A_3000 : f32 to vector<16xf32>
    %select_n3A_3002 = arith.select %eq3A_2999, %get3A_2992, %broadcast_in_dim3A_3001 : vector<16xi1>, vector<16xf32>
    %get3A_3003 = arith.constant 2 : i32
    %get3A_3004 = arith.index_cast %get3A_3003 : i32 to index
    %get3A_3005 = arith.constant 32 : index
    %get3A_3006 = tpu.vector_load %arg11[%get3A_3004, %get3A_3005] {strides = array<i32>} : memref<4x128xf32, #tpu.memory_space<vmem>>, vector<1x16xf32>,
    %get3A_3007 = vector.shape_cast %get3A_3006 : vector<1x16xf32> to vector<16xf32>
    %mul3A_3008 = arith.mulf %get3A_3007, %select_n3A_3002 : vector<16xf32>
    %mul3A_3009 = arith.mulf %get3A_2998, %select_n3A_3002 : vector<16xf32>
    %sub3A_3010 = arith.subf %mul3A_3008, %mul3A_3009 : vector<16xf32>
    %abs3A_3011 = math.absf %sub3A_3010 : vector<16xf32>
    %mul3A_3012 = arith.constant 3.000000e+00 : f32
    %mul3A_3013 = vector.broadcast %mul3A_3012 : f32 to vector<16xf32>
    %mul3A_3014 = arith.mulf %abs3A_3011, %mul3A_3013 : vector<16xf32>
    %le3A_3015 = arith.constant 0.111111112 : f32
    %le3A_3016 = vector.broadcast %le3A_3015 : f32 to vector<16xf32>
    %le3A_3017 = arith.cmpf ole, %abs3A_3011, %le3A_3016 : vector<16xf32>
    %mul3A_3018 = arith.mulf %mul3A_3014, %mul3A_3014 : vector<16xf32>
    %mul3A_3019 = arith.constant 5.000000e-01 : f32
    %mul3A_3020 = vector.broadcast %mul3A_3019 : f32 to vector<16xf32>
    %mul3A_3021 = arith.mulf %mul3A_3020, %mul3A_3018 : vector<16xf32>
    %sub3A_3022 = arith.constant 0.055555556 : f32
    %sub3A_3023 = vector.broadcast %sub3A_3022 : f32 to vector<16xf32>
    %sub3A_3024 = arith.subf %abs3A_3011, %sub3A_3023 : vector<16xf32>
    %select_n3A_3025 = arith.select %le3A_3017, %mul3A_3021, %sub3A_3024 : vector<16xi1>, vector<16xf32>
    %add3A_3026 = arith.addf %add3A_2954, %select_n3A_3025 : vector<16xf32>
    %get3A_3027 = arith.constant 2 : i32
    %get3A_3028 = arith.index_cast %get3A_3027 : i32 to index
    %get3A_3029 = arith.constant 32 : index
    %get3A_3030 = tpu.vector_load %arg14[%get3A_3028, %get3A_3029] {strides = array<i32>} : memref<4x128xf32, #tpu.memory_space<vmem>>, vector<1x16xf32>,
    %get3A_3031 = vector.shape_cast %get3A_3030 : vector<1x16xf32> to vector<16xf32>
    %eq3A_3032 = arith.cmpf oeq, %get3A_3031, %get3A_3031 : vector<16xf32>
    %jit3A_3033 = arith.constant 0.000000e+00 : f32
    %broadcast_in_dim3A_3034 = vector.broadcast %jit3A_3033 : f32 to vector<16xf32>
    %select_n3A_3035 = arith.select %eq3A_3032, %get3A_2992, %broadcast_in_dim3A_3034 : vector<16xi1>, vector<16xf32>
    %get3A_3036 = arith.constant 2 : i32
    %get3A_3037 = arith.index_cast %get3A_3036 : i32 to index
    %get3A_3038 = arith.constant 32 : index
    %get3A_3039 = tpu.vector_load %arg12[%get3A_3037, %get3A_3038] {strides = array<i32>} : memref<4x128xf32, #tpu.memory_space<vmem>>, vector<1x16xf32>,
    %get3A_3040 = vector.shape_cast %get3A_3039 : vector<1x16xf32> to vector<16xf32>
    %mul3A_3041 = arith.mulf %get3A_3040, %select_n3A_3035 : vector<16xf32>
    %mul3A_3042 = arith.mulf %get3A_3031, %select_n3A_3035 : vector<16xf32>
    %sub3A_3043 = arith.subf %mul3A_3041, %mul3A_3042 : vector<16xf32>
    %abs3A_3044 = math.absf %sub3A_3043 : vector<16xf32>
    %mul3A_3045 = arith.constant 3.000000e+00 : f32
    %mul3A_3046 = vector.broadcast %mul3A_3045 : f32 to vector<16xf32>
    %mul3A_3047 = arith.mulf %abs3A_3044, %mul3A_3046 : vector<16xf32>
    %le3A_3048 = arith.constant 0.111111112 : f32
    %le3A_3049 = vector.broadcast %le3A_3048 : f32 to vector<16xf32>
    %le3A_3050 = arith.cmpf ole, %abs3A_3044, %le3A_3049 : vector<16xf32>
    %mul3A_3051 = arith.mulf %mul3A_3047, %mul3A_3047 : vector<16xf32>
    %mul3A_3052 = arith.constant 5.000000e-01 : f32
    %mul3A_3053 = vector.broadcast %mul3A_3052 : f32 to vector<16xf32>
    %mul3A_3054 = arith.mulf %mul3A_3053, %mul3A_3051 : vector<16xf32>
    %sub3A_3055 = arith.constant 0.055555556 : f32
    %sub3A_3056 = vector.broadcast %sub3A_3055 : f32 to vector<16xf32>
    %sub3A_3057 = arith.subf %abs3A_3044, %sub3A_3056 : vector<16xf32>
    %select_n3A_3058 = arith.select %le3A_3050, %mul3A_3054, %sub3A_3057 : vector<16xi1>, vector<16xf32>
    %add3A_3059 = arith.addf %add3A_2987, %select_n3A_3058 : vector<16xf32>
    %get3A_3060 = arith.constant 2 : i32
    %get3A_3061 = arith.index_cast %get3A_3060 : i32 to index
    %get3A_3062 = arith.constant 48 : index
    %get3A_3063 = tpu.vector_load %arg15[%get3A_3061, %get3A_3062] {strides = array<i32>} : memref<4x128xf32, #tpu.memory_space<vmem>>, vector<1x16xf32>,
    %get3A_3064 = vector.shape_cast %get3A_3063 : vector<1x16xf32> to vector<16xf32>
    %add3A_3065 = arith.addf %add3A_2993, %get3A_3064 : vector<16xf32>
    %get3A_3066 = arith.constant 2 : i32
    %get3A_3067 = arith.index_cast %get3A_3066 : i32 to index
    %get3A_3068 = arith.constant 48 : index
    %get3A_3069 = tpu.vector_load %arg13[%get3A_3067, %get3A_3068] {strides = array<i32>} : memref<4x128xf32, #tpu.memory_space<vmem>>, vector<1x16xf32>,
    %get3A_3070 = vector.shape_cast %get3A_3069 : vector<1x16xf32> to vector<16xf32>
    %eq3A_3071 = arith.cmpf oeq, %get3A_3070, %get3A_3070 : vector<16xf32>
    %jit3A_3072 = arith.constant 0.000000e+00 : f32
    %broadcast_in_dim3A_3073 = vector.broadcast %jit3A_3072 : f32 to vector<16xf32>
    %select_n3A_3074 = arith.select %eq3A_3071, %get3A_3064, %broadcast_in_dim3A_3073 : vector<16xi1>, vector<16xf32>
    %get3A_3075 = arith.constant 2 : i32
    %get3A_3076 = arith.index_cast %get3A_3075 : i32 to index
    %get3A_3077 = arith.constant 48 : index
    %get3A_3078 = tpu.vector_load %arg11[%get3A_3076, %get3A_3077] {strides = array<i32>} : memref<4x128xf32, #tpu.memory_space<vmem>>, vector<1x16xf32>,
    %get3A_3079 = vector.shape_cast %get3A_3078 : vector<1x16xf32> to vector<16xf32>
    %mul3A_3080 = arith.mulf %get3A_3079, %select_n3A_3074 : vector<16xf32>
    %mul3A_3081 = arith.mulf %get3A_3070, %select_n3A_3074 : vector<16xf32>
    %sub3A_3082 = arith.subf %mul3A_3080, %mul3A_3081 : vector<16xf32>
    %abs3A_3083 = math.absf %sub3A_3082 : vector<16xf32>
    %mul3A_3084 = arith.constant 3.000000e+00 : f32
    %mul3A_3085 = vector.broadcast %mul3A_3084 : f32 to vector<16xf32>
    %mul3A_3086 = arith.mulf %abs3A_3083, %mul3A_3085 : vector<16xf32>
    %le3A_3087 = arith.constant 0.111111112 : f32
    %le3A_3088 = vector.broadcast %le3A_3087 : f32 to vector<16xf32>
    %le3A_3089 = arith.cmpf ole, %abs3A_3083, %le3A_3088 : vector<16xf32>
    %mul3A_3090 = arith.mulf %mul3A_3086, %mul3A_3086 : vector<16xf32>
    %mul3A_3091 = arith.constant 5.000000e-01 : f32
    %mul3A_3092 = vector.broadcast %mul3A_3091 : f32 to vector<16xf32>
    %mul3A_3093 = arith.mulf %mul3A_3092, %mul3A_3090 : vector<16xf32>
    %sub3A_3094 = arith.constant 0.055555556 : f32
    %sub3A_3095 = vector.broadcast %sub3A_3094 : f32 to vector<16xf32>
    %sub3A_3096 = arith.subf %abs3A_3083, %sub3A_3095 : vector<16xf32>
    %select_n3A_3097 = arith.select %le3A_3089, %mul3A_3093, %sub3A_3096 : vector<16xi1>, vector<16xf32>
    %add3A_3098 = arith.addf %add3A_3026, %select_n3A_3097 : vector<16xf32>
    %get3A_3099 = arith.constant 2 : i32
    %get3A_3100 = arith.index_cast %get3A_3099 : i32 to index
    %get3A_3101 = arith.constant 48 : index
    %get3A_3102 = tpu.vector_load %arg14[%get3A_3100, %get3A_3101] {strides = array<i32>} : memref<4x128xf32, #tpu.memory_space<vmem>>, vector<1x16xf32>,
    %get3A_3103 = vector.shape_cast %get3A_3102 : vector<1x16xf32> to vector<16xf32>
    %eq3A_3104 = arith.cmpf oeq, %get3A_3103, %get3A_3103 : vector<16xf32>
    %jit3A_3105 = arith.constant 0.000000e+00 : f32
    %broadcast_in_dim3A_3106 = vector.broadcast %jit3A_3105 : f32 to vector<16xf32>
    %select_n3A_3107 = arith.select %eq3A_3104, %get3A_3064, %broadcast_in_dim3A_3106 : vector<16xi1>, vector<16xf32>
    %get3A_3108 = arith.constant 2 : i32
    %get3A_3109 = arith.index_cast %get3A_3108 : i32 to index
    %get3A_3110 = arith.constant 48 : index
    %get3A_3111 = tpu.vector_load %arg12[%get3A_3109, %get3A_3110] {strides = array<i32>} : memref<4x128xf32, #tpu.memory_space<vmem>>, vector<1x16xf32>,
    %get3A_3112 = vector.shape_cast %get3A_3111 : vector<1x16xf32> to vector<16xf32>
    %mul3A_3113 = arith.mulf %get3A_3112, %select_n3A_3107 : vector<16xf32>
    %mul3A_3114 = arith.mulf %get3A_3103, %select_n3A_3107 : vector<16xf32>
    %sub3A_3115 = arith.subf %mul3A_3113, %mul3A_3114 : vector<16xf32>
    %abs3A_3116 = math.absf %sub3A_3115 : vector<16xf32>
    %mul3A_3117 = arith.constant 3.000000e+00 : f32
    %mul3A_3118 = vector.broadcast %mul3A_3117 : f32 to vector<16xf32>
    %mul3A_3119 = arith.mulf %abs3A_3116, %mul3A_3118 : vector<16xf32>
    %le3A_3120 = arith.constant 0.111111112 : f32
    %le3A_3121 = vector.broadcast %le3A_3120 : f32 to vector<16xf32>
    %le3A_3122 = arith.cmpf ole, %abs3A_3116, %le3A_3121 : vector<16xf32>
    %mul3A_3123 = arith.mulf %mul3A_3119, %mul3A_3119 : vector<16xf32>
    %mul3A_3124 = arith.constant 5.000000e-01 : f32
    %mul3A_3125 = vector.broadcast %mul3A_3124 : f32 to vector<16xf32>
    %mul3A_3126 = arith.mulf %mul3A_3125, %mul3A_3123 : vector<16xf32>
    %sub3A_3127 = arith.constant 0.055555556 : f32
    %sub3A_3128 = vector.broadcast %sub3A_3127 : f32 to vector<16xf32>
    %sub3A_3129 = arith.subf %abs3A_3116, %sub3A_3128 : vector<16xf32>
    %select_n3A_3130 = arith.select %le3A_3122, %mul3A_3126, %sub3A_3129 : vector<16xi1>, vector<16xf32>
    %add3A_3131 = arith.addf %add3A_3059, %select_n3A_3130 : vector<16xf32>
    %get3A_3132 = arith.constant 2 : i32
    %get3A_3133 = arith.index_cast %get3A_3132 : i32 to index
    %get3A_3134 = arith.constant 64 : index
    %get3A_3135 = tpu.vector_load %arg15[%get3A_3133, %get3A_3134] {strides = array<i32>} : memref<4x128xf32, #tpu.memory_space<vmem>>, vector<1x16xf32>,
    %get3A_3136 = vector.shape_cast %get3A_3135 : vector<1x16xf32> to vector<16xf32>
    %add3A_3137 = arith.addf %add3A_3065, %get3A_3136 : vector<16xf32>
    %get3A_3138 = arith.constant 2 : i32
    %get3A_3139 = arith.index_cast %get3A_3138 : i32 to index
    %get3A_3140 = arith.constant 64 : index
    %get3A_3141 = tpu.vector_load %arg13[%get3A_3139, %get3A_3140] {strides = array<i32>} : memref<4x128xf32, #tpu.memory_space<vmem>>, vector<1x16xf32>,
    %get3A_3142 = vector.shape_cast %get3A_3141 : vector<1x16xf32> to vector<16xf32>
    %eq3A_3143 = arith.cmpf oeq, %get3A_3142, %get3A_3142 : vector<16xf32>
    %jit3A_3144 = arith.constant 0.000000e+00 : f32
    %broadcast_in_dim3A_3145 = vector.broadcast %jit3A_3144 : f32 to vector<16xf32>
    %select_n3A_3146 = arith.select %eq3A_3143, %get3A_3136, %broadcast_in_dim3A_3145 : vector<16xi1>, vector<16xf32>
    %get3A_3147 = arith.constant 2 : i32
    %get3A_3148 = arith.index_cast %get3A_3147 : i32 to index
    %get3A_3149 = arith.constant 64 : index
    %get3A_3150 = tpu.vector_load %arg11[%get3A_3148, %get3A_3149] {strides = array<i32>} : memref<4x128xf32, #tpu.memory_space<vmem>>, vector<1x16xf32>,
    %get3A_3151 = vector.shape_cast %get3A_3150 : vector<1x16xf32> to vector<16xf32>
    %mul3A_3152 = arith.mulf %get3A_3151, %select_n3A_3146 : vector<16xf32>
    %mul3A_3153 = arith.mulf %get3A_3142, %select_n3A_3146 : vector<16xf32>
    %sub3A_3154 = arith.subf %mul3A_3152, %mul3A_3153 : vector<16xf32>
    %abs3A_3155 = math.absf %sub3A_3154 : vector<16xf32>
    %mul3A_3156 = arith.constant 3.000000e+00 : f32
    %mul3A_3157 = vector.broadcast %mul3A_3156 : f32 to vector<16xf32>
    %mul3A_3158 = arith.mulf %abs3A_3155, %mul3A_3157 : vector<16xf32>
    %le3A_3159 = arith.constant 0.111111112 : f32
    %le3A_3160 = vector.broadcast %le3A_3159 : f32 to vector<16xf32>
    %le3A_3161 = arith.cmpf ole, %abs3A_3155, %le3A_3160 : vector<16xf32>
    %mul3A_3162 = arith.mulf %mul3A_3158, %mul3A_3158 : vector<16xf32>
    %mul3A_3163 = arith.constant 5.000000e-01 : f32
    %mul3A_3164 = vector.broadcast %mul3A_3163 : f32 to vector<16xf32>
    %mul3A_3165 = arith.mulf %mul3A_3164, %mul3A_3162 : vector<16xf32>
    %sub3A_3166 = arith.constant 0.055555556 : f32
    %sub3A_3167 = vector.broadcast %sub3A_3166 : f32 to vector<16xf32>
    %sub3A_3168 = arith.subf %abs3A_3155, %sub3A_3167 : vector<16xf32>
    %select_n3A_3169 = arith.select %le3A_3161, %mul3A_3165, %sub3A_3168 : vector<16xi1>, vector<16xf32>
    %add3A_3170 = arith.addf %add3A_3098, %select_n3A_3169 : vector<16xf32>
    %get3A_3171 = arith.constant 2 : i32
    %get3A_3172 = arith.index_cast %get3A_3171 : i32 to index
    %get3A_3173 = arith.constant 64 : index
    %get3A_3174 = tpu.vector_load %arg14[%get3A_3172, %get3A_3173] {strides = array<i32>} : memref<4x128xf32, #tpu.memory_space<vmem>>, vector<1x16xf32>,
    %get3A_3175 = vector.shape_cast %get3A_3174 : vector<1x16xf32> to vector<16xf32>
    %eq3A_3176 = arith.cmpf oeq, %get3A_3175, %get3A_3175 : vector<16xf32>
    %jit3A_3177 = arith.constant 0.000000e+00 : f32
    %broadcast_in_dim3A_3178 = vector.broadcast %jit3A_3177 : f32 to vector<16xf32>
    %select_n3A_3179 = arith.select %eq3A_3176, %get3A_3136, %broadcast_in_dim3A_3178 : vector<16xi1>, vector<16xf32>
    %get3A_3180 = arith.constant 2 : i32
    %get3A_3181 = arith.index_cast %get3A_3180 : i32 to index
    %get3A_3182 = arith.constant 64 : index
    %get3A_3183 = tpu.vector_load %arg12[%get3A_3181, %get3A_3182] {strides = array<i32>} : memref<4x128xf32, #tpu.memory_space<vmem>>, vector<1x16xf32>,
    %get3A_3184 = vector.shape_cast %get3A_3183 : vector<1x16xf32> to vector<16xf32>
    %mul3A_3185 = arith.mulf %get3A_3184, %select_n3A_3179 : vector<16xf32>
    %mul3A_3186 = arith.mulf %get3A_3175, %select_n3A_3179 : vector<16xf32>
    %sub3A_3187 = arith.subf %mul3A_3185, %mul3A_3186 : vector<16xf32>
    %abs3A_3188 = math.absf %sub3A_3187 : vector<16xf32>
    %mul3A_3189 = arith.constant 3.000000e+00 : f32
    %mul3A_3190 = vector.broadcast %mul3A_3189 : f32 to vector<16xf32>
    %mul3A_3191 = arith.mulf %abs3A_3188, %mul3A_3190 : vector<16xf32>
    %le3A_3192 = arith.constant 0.111111112 : f32
    %le3A_3193 = vector.broadcast %le3A_3192 : f32 to vector<16xf32>
    %le3A_3194 = arith.cmpf ole, %abs3A_3188, %le3A_3193 : vector<16xf32>
    %mul3A_3195 = arith.mulf %mul3A_3191, %mul3A_3191 : vector<16xf32>
    %mul3A_3196 = arith.constant 5.000000e-01 : f32
    %mul3A_3197 = vector.broadcast %mul3A_3196 : f32 to vector<16xf32>
    %mul3A_3198 = arith.mulf %mul3A_3197, %mul3A_3195 : vector<16xf32>
    %sub3A_3199 = arith.constant 0.055555556 : f32
    %sub3A_3200 = vector.broadcast %sub3A_3199 : f32 to vector<16xf32>
    %sub3A_3201 = arith.subf %abs3A_3188, %sub3A_3200 : vector<16xf32>
    %select_n3A_3202 = arith.select %le3A_3194, %mul3A_3198, %sub3A_3201 : vector<16xi1>, vector<16xf32>
    %add3A_3203 = arith.addf %add3A_3131, %select_n3A_3202 : vector<16xf32>
    %get3A_3204 = arith.constant 2 : i32
    %get3A_3205 = arith.index_cast %get3A_3204 : i32 to index
    %get3A_3206 = arith.constant 80 : index
    %get3A_3207 = tpu.vector_load %arg15[%get3A_3205, %get3A_3206] {strides = array<i32>} : memref<4x128xf32, #tpu.memory_space<vmem>>, vector<1x16xf32>,
    %get3A_3208 = vector.shape_cast %get3A_3207 : vector<1x16xf32> to vector<16xf32>
    %add3A_3209 = arith.addf %add3A_3137, %get3A_3208 : vector<16xf32>
    %get3A_3210 = arith.constant 2 : i32
    %get3A_3211 = arith.index_cast %get3A_3210 : i32 to index
    %get3A_3212 = arith.constant 80 : index
    %get3A_3213 = tpu.vector_load %arg13[%get3A_3211, %get3A_3212] {strides = array<i32>} : memref<4x128xf32, #tpu.memory_space<vmem>>, vector<1x16xf32>,
    %get3A_3214 = vector.shape_cast %get3A_3213 : vector<1x16xf32> to vector<16xf32>
    %eq3A_3215 = arith.cmpf oeq, %get3A_3214, %get3A_3214 : vector<16xf32>
    %jit3A_3216 = arith.constant 0.000000e+00 : f32
    %broadcast_in_dim3A_3217 = vector.broadcast %jit3A_3216 : f32 to vector<16xf32>
    %select_n3A_3218 = arith.select %eq3A_3215, %get3A_3208, %broadcast_in_dim3A_3217 : vector<16xi1>, vector<16xf32>
    %get3A_3219 = arith.constant 2 : i32
    %get3A_3220 = arith.index_cast %get3A_3219 : i32 to index
    %get3A_3221 = arith.constant 80 : index
    %get3A_3222 = tpu.vector_load %arg11[%get3A_3220, %get3A_3221] {strides = array<i32>} : memref<4x128xf32, #tpu.memory_space<vmem>>, vector<1x16xf32>,
    %get3A_3223 = vector.shape_cast %get3A_3222 : vector<1x16xf32> to vector<16xf32>
    %mul3A_3224 = arith.mulf %get3A_3223, %select_n3A_3218 : vector<16xf32>
    %mul3A_3225 = arith.mulf %get3A_3214, %select_n3A_3218 : vector<16xf32>
    %sub3A_3226 = arith.subf %mul3A_3224, %mul3A_3225 : vector<16xf32>
    %abs3A_3227 = math.absf %sub3A_3226 : vector<16xf32>
    %mul3A_3228 = arith.constant 3.000000e+00 : f32
    %mul3A_3229 = vector.broadcast %mul3A_3228 : f32 to vector<16xf32>
    %mul3A_3230 = arith.mulf %abs3A_3227, %mul3A_3229 : vector<16xf32>
    %le3A_3231 = arith.constant 0.111111112 : f32
    %le3A_3232 = vector.broadcast %le3A_3231 : f32 to vector<16xf32>
    %le3A_3233 = arith.cmpf ole, %abs3A_3227, %le3A_3232 : vector<16xf32>
    %mul3A_3234 = arith.mulf %mul3A_3230, %mul3A_3230 : vector<16xf32>
    %mul3A_3235 = arith.constant 5.000000e-01 : f32
    %mul3A_3236 = vector.broadcast %mul3A_3235 : f32 to vector<16xf32>
    %mul3A_3237 = arith.mulf %mul3A_3236, %mul3A_3234 : vector<16xf32>
    %sub3A_3238 = arith.constant 0.055555556 : f32
    %sub3A_3239 = vector.broadcast %sub3A_3238 : f32 to vector<16xf32>
    %sub3A_3240 = arith.subf %abs3A_3227, %sub3A_3239 : vector<16xf32>
    %select_n3A_3241 = arith.select %le3A_3233, %mul3A_3237, %sub3A_3240 : vector<16xi1>, vector<16xf32>
    %add3A_3242 = arith.addf %add3A_3170, %select_n3A_3241 : vector<16xf32>
    %get3A_3243 = arith.constant 2 : i32
    %get3A_3244 = arith.index_cast %get3A_3243 : i32 to index
    %get3A_3245 = arith.constant 80 : index
    %get3A_3246 = tpu.vector_load %arg14[%get3A_3244, %get3A_3245] {strides = array<i32>} : memref<4x128xf32, #tpu.memory_space<vmem>>, vector<1x16xf32>,
    %get3A_3247 = vector.shape_cast %get3A_3246 : vector<1x16xf32> to vector<16xf32>
    %eq3A_3248 = arith.cmpf oeq, %get3A_3247, %get3A_3247 : vector<16xf32>
    %jit3A_3249 = arith.constant 0.000000e+00 : f32
    %broadcast_in_dim3A_3250 = vector.broadcast %jit3A_3249 : f32 to vector<16xf32>
    %select_n3A_3251 = arith.select %eq3A_3248, %get3A_3208, %broadcast_in_dim3A_3250 : vector<16xi1>, vector<16xf32>
    %get3A_3252 = arith.constant 2 : i32
    %get3A_3253 = arith.index_cast %get3A_3252 : i32 to index
    %get3A_3254 = arith.constant 80 : index
    %get3A_3255 = tpu.vector_load %arg12[%get3A_3253, %get3A_3254] {strides = array<i32>} : memref<4x128xf32, #tpu.memory_space<vmem>>, vector<1x16xf32>,
    %get3A_3256 = vector.shape_cast %get3A_3255 : vector<1x16xf32> to vector<16xf32>
    %mul3A_3257 = arith.mulf %get3A_3256, %select_n3A_3251 : vector<16xf32>
    %mul3A_3258 = arith.mulf %get3A_3247, %select_n3A_3251 : vector<16xf32>
    %sub3A_3259 = arith.subf %mul3A_3257, %mul3A_3258 : vector<16xf32>
    %abs3A_3260 = math.absf %sub3A_3259 : vector<16xf32>
    %mul3A_3261 = arith.constant 3.000000e+00 : f32
    %mul3A_3262 = vector.broadcast %mul3A_3261 : f32 to vector<16xf32>
    %mul3A_3263 = arith.mulf %abs3A_3260, %mul3A_3262 : vector<16xf32>
    %le3A_3264 = arith.constant 0.111111112 : f32
    %le3A_3265 = vector.broadcast %le3A_3264 : f32 to vector<16xf32>
    %le3A_3266 = arith.cmpf ole, %abs3A_3260, %le3A_3265 : vector<16xf32>
    %mul3A_3267 = arith.mulf %mul3A_3263, %mul3A_3263 : vector<16xf32>
    %mul3A_3268 = arith.constant 5.000000e-01 : f32
    %mul3A_3269 = vector.broadcast %mul3A_3268 : f32 to vector<16xf32>
    %mul3A_3270 = arith.mulf %mul3A_3269, %mul3A_3267 : vector<16xf32>
    %sub3A_3271 = arith.constant 0.055555556 : f32
    %sub3A_3272 = vector.broadcast %sub3A_3271 : f32 to vector<16xf32>
    %sub3A_3273 = arith.subf %abs3A_3260, %sub3A_3272 : vector<16xf32>
    %select_n3A_3274 = arith.select %le3A_3266, %mul3A_3270, %sub3A_3273 : vector<16xi1>, vector<16xf32>
    %add3A_3275 = arith.addf %add3A_3203, %select_n3A_3274 : vector<16xf32>
    %get3A_3276 = arith.constant 2 : i32
    %get3A_3277 = arith.index_cast %get3A_3276 : i32 to index
    %get3A_3278 = arith.constant 96 : index
    %get3A_3279 = tpu.vector_load %arg15[%get3A_3277, %get3A_3278] {strides = array<i32>} : memref<4x128xf32, #tpu.memory_space<vmem>>, vector<1x16xf32>,
    %get3A_3280 = vector.shape_cast %get3A_3279 : vector<1x16xf32> to vector<16xf32>
    %add3A_3281 = arith.addf %add3A_3209, %get3A_3280 : vector<16xf32>
    %get3A_3282 = arith.constant 2 : i32
    %get3A_3283 = arith.index_cast %get3A_3282 : i32 to index
    %get3A_3284 = arith.constant 96 : index
    %get3A_3285 = tpu.vector_load %arg13[%get3A_3283, %get3A_3284] {strides = array<i32>} : memref<4x128xf32, #tpu.memory_space<vmem>>, vector<1x16xf32>,
    %get3A_3286 = vector.shape_cast %get3A_3285 : vector<1x16xf32> to vector<16xf32>
    %eq3A_3287 = arith.cmpf oeq, %get3A_3286, %get3A_3286 : vector<16xf32>
    %jit3A_3288 = arith.constant 0.000000e+00 : f32
    %broadcast_in_dim3A_3289 = vector.broadcast %jit3A_3288 : f32 to vector<16xf32>
    %select_n3A_3290 = arith.select %eq3A_3287, %get3A_3280, %broadcast_in_dim3A_3289 : vector<16xi1>, vector<16xf32>
    %get3A_3291 = arith.constant 2 : i32
    %get3A_3292 = arith.index_cast %get3A_3291 : i32 to index
    %get3A_3293 = arith.constant 96 : index
    %get3A_3294 = tpu.vector_load %arg11[%get3A_3292, %get3A_3293] {strides = array<i32>} : memref<4x128xf32, #tpu.memory_space<vmem>>, vector<1x16xf32>,
    %get3A_3295 = vector.shape_cast %get3A_3294 : vector<1x16xf32> to vector<16xf32>
    %mul3A_3296 = arith.mulf %get3A_3295, %select_n3A_3290 : vector<16xf32>
    %mul3A_3297 = arith.mulf %get3A_3286, %select_n3A_3290 : vector<16xf32>
    %sub3A_3298 = arith.subf %mul3A_3296, %mul3A_3297 : vector<16xf32>
    %abs3A_3299 = math.absf %sub3A_3298 : vector<16xf32>
    %mul3A_3300 = arith.constant 3.000000e+00 : f32
    %mul3A_3301 = vector.broadcast %mul3A_3300 : f32 to vector<16xf32>
    %mul3A_3302 = arith.mulf %abs3A_3299, %mul3A_3301 : vector<16xf32>
    %le3A_3303 = arith.constant 0.111111112 : f32
    %le3A_3304 = vector.broadcast %le3A_3303 : f32 to vector<16xf32>
    %le3A_3305 = arith.cmpf ole, %abs3A_3299, %le3A_3304 : vector<16xf32>
    %mul3A_3306 = arith.mulf %mul3A_3302, %mul3A_3302 : vector<16xf32>
    %mul3A_3307 = arith.constant 5.000000e-01 : f32
    %mul3A_3308 = vector.broadcast %mul3A_3307 : f32 to vector<16xf32>
    %mul3A_3309 = arith.mulf %mul3A_3308, %mul3A_3306 : vector<16xf32>
    %sub3A_3310 = arith.constant 0.055555556 : f32
    %sub3A_3311 = vector.broadcast %sub3A_3310 : f32 to vector<16xf32>
    %sub3A_3312 = arith.subf %abs3A_3299, %sub3A_3311 : vector<16xf32>
    %select_n3A_3313 = arith.select %le3A_3305, %mul3A_3309, %sub3A_3312 : vector<16xi1>, vector<16xf32>
    %add3A_3314 = arith.addf %add3A_3242, %select_n3A_3313 : vector<16xf32>
    %get3A_3315 = arith.constant 2 : i32
    %get3A_3316 = arith.index_cast %get3A_3315 : i32 to index
    %get3A_3317 = arith.constant 96 : index
    %get3A_3318 = tpu.vector_load %arg14[%get3A_3316, %get3A_3317] {strides = array<i32>} : memref<4x128xf32, #tpu.memory_space<vmem>>, vector<1x16xf32>,
    %get3A_3319 = vector.shape_cast %get3A_3318 : vector<1x16xf32> to vector<16xf32>
    %eq3A_3320 = arith.cmpf oeq, %get3A_3319, %get3A_3319 : vector<16xf32>
    %jit3A_3321 = arith.constant 0.000000e+00 : f32
    %broadcast_in_dim3A_3322 = vector.broadcast %jit3A_3321 : f32 to vector<16xf32>
    %select_n3A_3323 = arith.select %eq3A_3320, %get3A_3280, %broadcast_in_dim3A_3322 : vector<16xi1>, vector<16xf32>
    %get3A_3324 = arith.constant 2 : i32
    %get3A_3325 = arith.index_cast %get3A_3324 : i32 to index
    %get3A_3326 = arith.constant 96 : index
    %get3A_3327 = tpu.vector_load %arg12[%get3A_3325, %get3A_3326] {strides = array<i32>} : memref<4x128xf32, #tpu.memory_space<vmem>>, vector<1x16xf32>,
    %get3A_3328 = vector.shape_cast %get3A_3327 : vector<1x16xf32> to vector<16xf32>
    %mul3A_3329 = arith.mulf %get3A_3328, %select_n3A_3323 : vector<16xf32>
    %mul3A_3330 = arith.mulf %get3A_3319, %select_n3A_3323 : vector<16xf32>
    %sub3A_3331 = arith.subf %mul3A_3329, %mul3A_3330 : vector<16xf32>
    %abs3A_3332 = math.absf %sub3A_3331 : vector<16xf32>
    %mul3A_3333 = arith.constant 3.000000e+00 : f32
    %mul3A_3334 = vector.broadcast %mul3A_3333 : f32 to vector<16xf32>
    %mul3A_3335 = arith.mulf %abs3A_3332, %mul3A_3334 : vector<16xf32>
    %le3A_3336 = arith.constant 0.111111112 : f32
    %le3A_3337 = vector.broadcast %le3A_3336 : f32 to vector<16xf32>
    %le3A_3338 = arith.cmpf ole, %abs3A_3332, %le3A_3337 : vector<16xf32>
    %mul3A_3339 = arith.mulf %mul3A_3335, %mul3A_3335 : vector<16xf32>
    %mul3A_3340 = arith.constant 5.000000e-01 : f32
    %mul3A_3341 = vector.broadcast %mul3A_3340 : f32 to vector<16xf32>
    %mul3A_3342 = arith.mulf %mul3A_3341, %mul3A_3339 : vector<16xf32>
    %sub3A_3343 = arith.constant 0.055555556 : f32
    %sub3A_3344 = vector.broadcast %sub3A_3343 : f32 to vector<16xf32>
    %sub3A_3345 = arith.subf %abs3A_3332, %sub3A_3344 : vector<16xf32>
    %select_n3A_3346 = arith.select %le3A_3338, %mul3A_3342, %sub3A_3345 : vector<16xi1>, vector<16xf32>
    %add3A_3347 = arith.addf %add3A_3275, %select_n3A_3346 : vector<16xf32>
    %get3A_3348 = arith.constant 2 : i32
    %get3A_3349 = arith.index_cast %get3A_3348 : i32 to index
    %get3A_3350 = arith.constant 112 : index
    %get3A_3351 = tpu.vector_load %arg15[%get3A_3349, %get3A_3350] {strides = array<i32>} : memref<4x128xf32, #tpu.memory_space<vmem>>, vector<1x16xf32>,
    %get3A_3352 = vector.shape_cast %get3A_3351 : vector<1x16xf32> to vector<16xf32>
    %add3A_3353 = arith.addf %add3A_3281, %get3A_3352 : vector<16xf32>
    %get3A_3354 = arith.constant 2 : i32
    %get3A_3355 = arith.index_cast %get3A_3354 : i32 to index
    %get3A_3356 = arith.constant 112 : index
    %get3A_3357 = tpu.vector_load %arg13[%get3A_3355, %get3A_3356] {strides = array<i32>} : memref<4x128xf32, #tpu.memory_space<vmem>>, vector<1x16xf32>,
    %get3A_3358 = vector.shape_cast %get3A_3357 : vector<1x16xf32> to vector<16xf32>
    %eq3A_3359 = arith.cmpf oeq, %get3A_3358, %get3A_3358 : vector<16xf32>
    %jit3A_3360 = arith.constant 0.000000e+00 : f32
    %broadcast_in_dim3A_3361 = vector.broadcast %jit3A_3360 : f32 to vector<16xf32>
    %select_n3A_3362 = arith.select %eq3A_3359, %get3A_3352, %broadcast_in_dim3A_3361 : vector<16xi1>, vector<16xf32>
    %get3A_3363 = arith.constant 2 : i32
    %get3A_3364 = arith.index_cast %get3A_3363 : i32 to index
    %get3A_3365 = arith.constant 112 : index
    %get3A_3366 = tpu.vector_load %arg11[%get3A_3364, %get3A_3365] {strides = array<i32>} : memref<4x128xf32, #tpu.memory_space<vmem>>, vector<1x16xf32>,
    %get3A_3367 = vector.shape_cast %get3A_3366 : vector<1x16xf32> to vector<16xf32>
    %mul3A_3368 = arith.mulf %get3A_3367, %select_n3A_3362 : vector<16xf32>
    %mul3A_3369 = arith.mulf %get3A_3358, %select_n3A_3362 : vector<16xf32>
    %sub3A_3370 = arith.subf %mul3A_3368, %mul3A_3369 : vector<16xf32>
    %abs3A_3371 = math.absf %sub3A_3370 : vector<16xf32>
    %mul3A_3372 = arith.constant 3.000000e+00 : f32
    %mul3A_3373 = vector.broadcast %mul3A_3372 : f32 to vector<16xf32>
    %mul3A_3374 = arith.mulf %abs3A_3371, %mul3A_3373 : vector<16xf32>
    %le3A_3375 = arith.constant 0.111111112 : f32
    %le3A_3376 = vector.broadcast %le3A_3375 : f32 to vector<16xf32>
    %le3A_3377 = arith.cmpf ole, %abs3A_3371, %le3A_3376 : vector<16xf32>
    %mul3A_3378 = arith.mulf %mul3A_3374, %mul3A_3374 : vector<16xf32>
    %mul3A_3379 = arith.constant 5.000000e-01 : f32
    %mul3A_3380 = vector.broadcast %mul3A_3379 : f32 to vector<16xf32>
    %mul3A_3381 = arith.mulf %mul3A_3380, %mul3A_3378 : vector<16xf32>
    %sub3A_3382 = arith.constant 0.055555556 : f32
    %sub3A_3383 = vector.broadcast %sub3A_3382 : f32 to vector<16xf32>
    %sub3A_3384 = arith.subf %abs3A_3371, %sub3A_3383 : vector<16xf32>
    %select_n3A_3385 = arith.select %le3A_3377, %mul3A_3381, %sub3A_3384 : vector<16xi1>, vector<16xf32>
    %add3A_3386 = arith.addf %add3A_3314, %select_n3A_3385 : vector<16xf32>
    %get3A_3387 = arith.constant 2 : i32
    %get3A_3388 = arith.index_cast %get3A_3387 : i32 to index
    %get3A_3389 = arith.constant 112 : index
    %get3A_3390 = tpu.vector_load %arg14[%get3A_3388, %get3A_3389] {strides = array<i32>} : memref<4x128xf32, #tpu.memory_space<vmem>>, vector<1x16xf32>,
    %get3A_3391 = vector.shape_cast %get3A_3390 : vector<1x16xf32> to vector<16xf32>
    %eq3A_3392 = arith.cmpf oeq, %get3A_3391, %get3A_3391 : vector<16xf32>
    %jit3A_3393 = arith.constant 0.000000e+00 : f32
    %broadcast_in_dim3A_3394 = vector.broadcast %jit3A_3393 : f32 to vector<16xf32>
    %select_n3A_3395 = arith.select %eq3A_3392, %get3A_3352, %broadcast_in_dim3A_3394 : vector<16xi1>, vector<16xf32>
    %get3A_3396 = arith.constant 2 : i32
    %get3A_3397 = arith.index_cast %get3A_3396 : i32 to index
    %get3A_3398 = arith.constant 112 : index
    %get3A_3399 = tpu.vector_load %arg12[%get3A_3397, %get3A_3398] {strides = array<i32>} : memref<4x128xf32, #tpu.memory_space<vmem>>, vector<1x16xf32>,
    %get3A_3400 = vector.shape_cast %get3A_3399 : vector<1x16xf32> to vector<16xf32>
    %mul3A_3401 = arith.mulf %get3A_3400, %select_n3A_3395 : vector<16xf32>
    %mul3A_3402 = arith.mulf %get3A_3391, %select_n3A_3395 : vector<16xf32>
    %sub3A_3403 = arith.subf %mul3A_3401, %mul3A_3402 : vector<16xf32>
    %abs3A_3404 = math.absf %sub3A_3403 : vector<16xf32>
    %mul3A_3405 = arith.constant 3.000000e+00 : f32
    %mul3A_3406 = vector.broadcast %mul3A_3405 : f32 to vector<16xf32>
    %mul3A_3407 = arith.mulf %abs3A_3404, %mul3A_3406 : vector<16xf32>
    %le3A_3408 = arith.constant 0.111111112 : f32
    %le3A_3409 = vector.broadcast %le3A_3408 : f32 to vector<16xf32>
    %le3A_3410 = arith.cmpf ole, %abs3A_3404, %le3A_3409 : vector<16xf32>
    %mul3A_3411 = arith.mulf %mul3A_3407, %mul3A_3407 : vector<16xf32>
    %mul3A_3412 = arith.constant 5.000000e-01 : f32
    %mul3A_3413 = vector.broadcast %mul3A_3412 : f32 to vector<16xf32>
    %mul3A_3414 = arith.mulf %mul3A_3413, %mul3A_3411 : vector<16xf32>
    %sub3A_3415 = arith.constant 0.055555556 : f32
    %sub3A_3416 = vector.broadcast %sub3A_3415 : f32 to vector<16xf32>
    %sub3A_3417 = arith.subf %abs3A_3404, %sub3A_3416 : vector<16xf32>
    %select_n3A_3418 = arith.select %le3A_3410, %mul3A_3414, %sub3A_3417 : vector<16xi1>, vector<16xf32>
    %add3A_3419 = arith.addf %add3A_3347, %select_n3A_3418 : vector<16xf32>
    %get3A_3420 = arith.constant 3 : i32
    %get3A_3421 = arith.index_cast %get3A_3420 : i32 to index
    %get3A_3422 = arith.constant 0 : index
    %get3A_3423 = tpu.vector_load %arg15[%get3A_3421, %get3A_3422] {strides = array<i32>} : memref<4x128xf32, #tpu.memory_space<vmem>>, vector<1x16xf32>,
    %get3A_3424 = vector.shape_cast %get3A_3423 : vector<1x16xf32> to vector<16xf32>
    %add3A_3425 = arith.addf %add3A_3353, %get3A_3424 : vector<16xf32>
    %get3A_3426 = arith.constant 3 : i32
    %get3A_3427 = arith.index_cast %get3A_3426 : i32 to index
    %get3A_3428 = arith.constant 0 : index
    %get3A_3429 = tpu.vector_load %arg13[%get3A_3427, %get3A_3428] {strides = array<i32>} : memref<4x128xf32, #tpu.memory_space<vmem>>, vector<1x16xf32>,
    %get3A_3430 = vector.shape_cast %get3A_3429 : vector<1x16xf32> to vector<16xf32>
    %eq3A_3431 = arith.cmpf oeq, %get3A_3430, %get3A_3430 : vector<16xf32>
    %jit3A_3432 = arith.constant 0.000000e+00 : f32
    %broadcast_in_dim3A_3433 = vector.broadcast %jit3A_3432 : f32 to vector<16xf32>
    %select_n3A_3434 = arith.select %eq3A_3431, %get3A_3424, %broadcast_in_dim3A_3433 : vector<16xi1>, vector<16xf32>
    %get3A_3435 = arith.constant 3 : i32
    %get3A_3436 = arith.index_cast %get3A_3435 : i32 to index
    %get3A_3437 = arith.constant 0 : index
    %get3A_3438 = tpu.vector_load %arg11[%get3A_3436, %get3A_3437] {strides = array<i32>} : memref<4x128xf32, #tpu.memory_space<vmem>>, vector<1x16xf32>,
    %get3A_3439 = vector.shape_cast %get3A_3438 : vector<1x16xf32> to vector<16xf32>
    %mul3A_3440 = arith.mulf %get3A_3439, %select_n3A_3434 : vector<16xf32>
    %mul3A_3441 = arith.mulf %get3A_3430, %select_n3A_3434 : vector<16xf32>
    %sub3A_3442 = arith.subf %mul3A_3440, %mul3A_3441 : vector<16xf32>
    %abs3A_3443 = math.absf %sub3A_3442 : vector<16xf32>
    %mul3A_3444 = arith.constant 3.000000e+00 : f32
    %mul3A_3445 = vector.broadcast %mul3A_3444 : f32 to vector<16xf32>
    %mul3A_3446 = arith.mulf %abs3A_3443, %mul3A_3445 : vector<16xf32>
    %le3A_3447 = arith.constant 0.111111112 : f32
    %le3A_3448 = vector.broadcast %le3A_3447 : f32 to vector<16xf32>
    %le3A_3449 = arith.cmpf ole, %abs3A_3443, %le3A_3448 : vector<16xf32>
    %mul3A_3450 = arith.mulf %mul3A_3446, %mul3A_3446 : vector<16xf32>
    %mul3A_3451 = arith.constant 5.000000e-01 : f32
    %mul3A_3452 = vector.broadcast %mul3A_3451 : f32 to vector<16xf32>
    %mul3A_3453 = arith.mulf %mul3A_3452, %mul3A_3450 : vector<16xf32>
    %sub3A_3454 = arith.constant 0.055555556 : f32
    %sub3A_3455 = vector.broadcast %sub3A_3454 : f32 to vector<16xf32>
    %sub3A_3456 = arith.subf %abs3A_3443, %sub3A_3455 : vector<16xf32>
    %select_n3A_3457 = arith.select %le3A_3449, %mul3A_3453, %sub3A_3456 : vector<16xi1>, vector<16xf32>
    %add3A_3458 = arith.addf %add3A_3386, %select_n3A_3457 : vector<16xf32>
    %get3A_3459 = arith.constant 3 : i32
    %get3A_3460 = arith.index_cast %get3A_3459 : i32 to index
    %get3A_3461 = arith.constant 0 : index
    %get3A_3462 = tpu.vector_load %arg14[%get3A_3460, %get3A_3461] {strides = array<i32>} : memref<4x128xf32, #tpu.memory_space<vmem>>, vector<1x16xf32>,
    %get3A_3463 = vector.shape_cast %get3A_3462 : vector<1x16xf32> to vector<16xf32>
    %eq3A_3464 = arith.cmpf oeq, %get3A_3463, %get3A_3463 : vector<16xf32>
    %jit3A_3465 = arith.constant 0.000000e+00 : f32
    %broadcast_in_dim3A_3466 = vector.broadcast %jit3A_3465 : f32 to vector<16xf32>
    %select_n3A_3467 = arith.select %eq3A_3464, %get3A_3424, %broadcast_in_dim3A_3466 : vector<16xi1>, vector<16xf32>
    %get3A_3468 = arith.constant 3 : i32
    %get3A_3469 = arith.index_cast %get3A_3468 : i32 to index
    %get3A_3470 = arith.constant 0 : index
    %get3A_3471 = tpu.vector_load %arg12[%get3A_3469, %get3A_3470] {strides = array<i32>} : memref<4x128xf32, #tpu.memory_space<vmem>>, vector<1x16xf32>,
    %get3A_3472 = vector.shape_cast %get3A_3471 : vector<1x16xf32> to vector<16xf32>
    %mul3A_3473 = arith.mulf %get3A_3472, %select_n3A_3467 : vector<16xf32>
    %mul3A_3474 = arith.mulf %get3A_3463, %select_n3A_3467 : vector<16xf32>
    %sub3A_3475 = arith.subf %mul3A_3473, %mul3A_3474 : vector<16xf32>
    %abs3A_3476 = math.absf %sub3A_3475 : vector<16xf32>
    %mul3A_3477 = arith.constant 3.000000e+00 : f32
    %mul3A_3478 = vector.broadcast %mul3A_3477 : f32 to vector<16xf32>
    %mul3A_3479 = arith.mulf %abs3A_3476, %mul3A_3478 : vector<16xf32>
    %le3A_3480 = arith.constant 0.111111112 : f32
    %le3A_3481 = vector.broadcast %le3A_3480 : f32 to vector<16xf32>
    %le3A_3482 = arith.cmpf ole, %abs3A_3476, %le3A_3481 : vector<16xf32>
    %mul3A_3483 = arith.mulf %mul3A_3479, %mul3A_3479 : vector<16xf32>
    %mul3A_3484 = arith.constant 5.000000e-01 : f32
    %mul3A_3485 = vector.broadcast %mul3A_3484 : f32 to vector<16xf32>
    %mul3A_3486 = arith.mulf %mul3A_3485, %mul3A_3483 : vector<16xf32>
    %sub3A_3487 = arith.constant 0.055555556 : f32
    %sub3A_3488 = vector.broadcast %sub3A_3487 : f32 to vector<16xf32>
    %sub3A_3489 = arith.subf %abs3A_3476, %sub3A_3488 : vector<16xf32>
    %select_n3A_3490 = arith.select %le3A_3482, %mul3A_3486, %sub3A_3489 : vector<16xi1>, vector<16xf32>
    %add3A_3491 = arith.addf %add3A_3419, %select_n3A_3490 : vector<16xf32>
    %get3A_3492 = arith.constant 3 : i32
    %get3A_3493 = arith.index_cast %get3A_3492 : i32 to index
    %get3A_3494 = arith.constant 16 : index
    %get3A_3495 = tpu.vector_load %arg15[%get3A_3493, %get3A_3494] {strides = array<i32>} : memref<4x128xf32, #tpu.memory_space<vmem>>, vector<1x16xf32>,
    %get3A_3496 = vector.shape_cast %get3A_3495 : vector<1x16xf32> to vector<16xf32>
    %add3A_3497 = arith.addf %add3A_3425, %get3A_3496 : vector<16xf32>
    %get3A_3498 = arith.constant 3 : i32
    %get3A_3499 = arith.index_cast %get3A_3498 : i32 to index
    %get3A_3500 = arith.constant 16 : index
    %get3A_3501 = tpu.vector_load %arg13[%get3A_3499, %get3A_3500] {strides = array<i32>} : memref<4x128xf32, #tpu.memory_space<vmem>>, vector<1x16xf32>,
    %get3A_3502 = vector.shape_cast %get3A_3501 : vector<1x16xf32> to vector<16xf32>
    %eq3A_3503 = arith.cmpf oeq, %get3A_3502, %get3A_3502 : vector<16xf32>
    %jit3A_3504 = arith.constant 0.000000e+00 : f32
    %broadcast_in_dim3A_3505 = vector.broadcast %jit3A_3504 : f32 to vector<16xf32>
    %select_n3A_3506 = arith.select %eq3A_3503, %get3A_3496, %broadcast_in_dim3A_3505 : vector<16xi1>, vector<16xf32>
    %get3A_3507 = arith.constant 3 : i32
    %get3A_3508 = arith.index_cast %get3A_3507 : i32 to index
    %get3A_3509 = arith.constant 16 : index
    %get3A_3510 = tpu.vector_load %arg11[%get3A_3508, %get3A_3509] {strides = array<i32>} : memref<4x128xf32, #tpu.memory_space<vmem>>, vector<1x16xf32>,
    %get3A_3511 = vector.shape_cast %get3A_3510 : vector<1x16xf32> to vector<16xf32>
    %mul3A_3512 = arith.mulf %get3A_3511, %select_n3A_3506 : vector<16xf32>
    %mul3A_3513 = arith.mulf %get3A_3502, %select_n3A_3506 : vector<16xf32>
    %sub3A_3514 = arith.subf %mul3A_3512, %mul3A_3513 : vector<16xf32>
    %abs3A_3515 = math.absf %sub3A_3514 : vector<16xf32>
    %mul3A_3516 = arith.constant 3.000000e+00 : f32
    %mul3A_3517 = vector.broadcast %mul3A_3516 : f32 to vector<16xf32>
    %mul3A_3518 = arith.mulf %abs3A_3515, %mul3A_3517 : vector<16xf32>
    %le3A_3519 = arith.constant 0.111111112 : f32
    %le3A_3520 = vector.broadcast %le3A_3519 : f32 to vector<16xf32>
    %le3A_3521 = arith.cmpf ole, %abs3A_3515, %le3A_3520 : vector<16xf32>
    %mul3A_3522 = arith.mulf %mul3A_3518, %mul3A_3518 : vector<16xf32>
    %mul3A_3523 = arith.constant 5.000000e-01 : f32
    %mul3A_3524 = vector.broadcast %mul3A_3523 : f32 to vector<16xf32>
    %mul3A_3525 = arith.mulf %mul3A_3524, %mul3A_3522 : vector<16xf32>
    %sub3A_3526 = arith.constant 0.055555556 : f32
    %sub3A_3527 = vector.broadcast %sub3A_3526 : f32 to vector<16xf32>
    %sub3A_3528 = arith.subf %abs3A_3515, %sub3A_3527 : vector<16xf32>
    %select_n3A_3529 = arith.select %le3A_3521, %mul3A_3525, %sub3A_3528 : vector<16xi1>, vector<16xf32>
    %add3A_3530 = arith.addf %add3A_3458, %select_n3A_3529 : vector<16xf32>
    %get3A_3531 = arith.constant 3 : i32
    %get3A_3532 = arith.index_cast %get3A_3531 : i32 to index
    %get3A_3533 = arith.constant 16 : index
    %get3A_3534 = tpu.vector_load %arg14[%get3A_3532, %get3A_3533] {strides = array<i32>} : memref<4x128xf32, #tpu.memory_space<vmem>>, vector<1x16xf32>,
    %get3A_3535 = vector.shape_cast %get3A_3534 : vector<1x16xf32> to vector<16xf32>
    %eq3A_3536 = arith.cmpf oeq, %get3A_3535, %get3A_3535 : vector<16xf32>
    %jit3A_3537 = arith.constant 0.000000e+00 : f32
    %broadcast_in_dim3A_3538 = vector.broadcast %jit3A_3537 : f32 to vector<16xf32>
    %select_n3A_3539 = arith.select %eq3A_3536, %get3A_3496, %broadcast_in_dim3A_3538 : vector<16xi1>, vector<16xf32>
    %get3A_3540 = arith.constant 3 : i32
    %get3A_3541 = arith.index_cast %get3A_3540 : i32 to index
    %get3A_3542 = arith.constant 16 : index
    %get3A_3543 = tpu.vector_load %arg12[%get3A_3541, %get3A_3542] {strides = array<i32>} : memref<4x128xf32, #tpu.memory_space<vmem>>, vector<1x16xf32>,
    %get3A_3544 = vector.shape_cast %get3A_3543 : vector<1x16xf32> to vector<16xf32>
    %mul3A_3545 = arith.mulf %get3A_3544, %select_n3A_3539 : vector<16xf32>
    %mul3A_3546 = arith.mulf %get3A_3535, %select_n3A_3539 : vector<16xf32>
    %sub3A_3547 = arith.subf %mul3A_3545, %mul3A_3546 : vector<16xf32>
    %abs3A_3548 = math.absf %sub3A_3547 : vector<16xf32>
    %mul3A_3549 = arith.constant 3.000000e+00 : f32
    %mul3A_3550 = vector.broadcast %mul3A_3549 : f32 to vector<16xf32>
    %mul3A_3551 = arith.mulf %abs3A_3548, %mul3A_3550 : vector<16xf32>
    %le3A_3552 = arith.constant 0.111111112 : f32
    %le3A_3553 = vector.broadcast %le3A_3552 : f32 to vector<16xf32>
    %le3A_3554 = arith.cmpf ole, %abs3A_3548, %le3A_3553 : vector<16xf32>
    %mul3A_3555 = arith.mulf %mul3A_3551, %mul3A_3551 : vector<16xf32>
    %mul3A_3556 = arith.constant 5.000000e-01 : f32
    %mul3A_3557 = vector.broadcast %mul3A_3556 : f32 to vector<16xf32>
    %mul3A_3558 = arith.mulf %mul3A_3557, %mul3A_3555 : vector<16xf32>
    %sub3A_3559 = arith.constant 0.055555556 : f32
    %sub3A_3560 = vector.broadcast %sub3A_3559 : f32 to vector<16xf32>
    %sub3A_3561 = arith.subf %abs3A_3548, %sub3A_3560 : vector<16xf32>
    %select_n3A_3562 = arith.select %le3A_3554, %mul3A_3558, %sub3A_3561 : vector<16xi1>, vector<16xf32>
    %add3A_3563 = arith.addf %add3A_3491, %select_n3A_3562 : vector<16xf32>
    %get3A_3564 = arith.constant 3 : i32
    %get3A_3565 = arith.index_cast %get3A_3564 : i32 to index
    %get3A_3566 = arith.constant 32 : index
    %get3A_3567 = tpu.vector_load %arg15[%get3A_3565, %get3A_3566] {strides = array<i32>} : memref<4x128xf32, #tpu.memory_space<vmem>>, vector<1x16xf32>,
    %get3A_3568 = vector.shape_cast %get3A_3567 : vector<1x16xf32> to vector<16xf32>
    %add3A_3569 = arith.addf %add3A_3497, %get3A_3568 : vector<16xf32>
    %get3A_3570 = arith.constant 3 : i32
    %get3A_3571 = arith.index_cast %get3A_3570 : i32 to index
    %get3A_3572 = arith.constant 32 : index
    %get3A_3573 = tpu.vector_load %arg13[%get3A_3571, %get3A_3572] {strides = array<i32>} : memref<4x128xf32, #tpu.memory_space<vmem>>, vector<1x16xf32>,
    %get3A_3574 = vector.shape_cast %get3A_3573 : vector<1x16xf32> to vector<16xf32>
    %eq3A_3575 = arith.cmpf oeq, %get3A_3574, %get3A_3574 : vector<16xf32>
    %jit3A_3576 = arith.constant 0.000000e+00 : f32
    %broadcast_in_dim3A_3577 = vector.broadcast %jit3A_3576 : f32 to vector<16xf32>
    %select_n3A_3578 = arith.select %eq3A_3575, %get3A_3568, %broadcast_in_dim3A_3577 : vector<16xi1>, vector<16xf32>
    %get3A_3579 = arith.constant 3 : i32
    %get3A_3580 = arith.index_cast %get3A_3579 : i32 to index
    %get3A_3581 = arith.constant 32 : index
    %get3A_3582 = tpu.vector_load %arg11[%get3A_3580, %get3A_3581] {strides = array<i32>} : memref<4x128xf32, #tpu.memory_space<vmem>>, vector<1x16xf32>,
    %get3A_3583 = vector.shape_cast %get3A_3582 : vector<1x16xf32> to vector<16xf32>
    %mul3A_3584 = arith.mulf %get3A_3583, %select_n3A_3578 : vector<16xf32>
    %mul3A_3585 = arith.mulf %get3A_3574, %select_n3A_3578 : vector<16xf32>
    %sub3A_3586 = arith.subf %mul3A_3584, %mul3A_3585 : vector<16xf32>
    %abs3A_3587 = math.absf %sub3A_3586 : vector<16xf32>
    %mul3A_3588 = arith.constant 3.000000e+00 : f32
    %mul3A_3589 = vector.broadcast %mul3A_3588 : f32 to vector<16xf32>
    %mul3A_3590 = arith.mulf %abs3A_3587, %mul3A_3589 : vector<16xf32>
    %le3A_3591 = arith.constant 0.111111112 : f32
    %le3A_3592 = vector.broadcast %le3A_3591 : f32 to vector<16xf32>
    %le3A_3593 = arith.cmpf ole, %abs3A_3587, %le3A_3592 : vector<16xf32>
    %mul3A_3594 = arith.mulf %mul3A_3590, %mul3A_3590 : vector<16xf32>
    %mul3A_3595 = arith.constant 5.000000e-01 : f32
    %mul3A_3596 = vector.broadcast %mul3A_3595 : f32 to vector<16xf32>
    %mul3A_3597 = arith.mulf %mul3A_3596, %mul3A_3594 : vector<16xf32>
    %sub3A_3598 = arith.constant 0.055555556 : f32
    %sub3A_3599 = vector.broadcast %sub3A_3598 : f32 to vector<16xf32>
    %sub3A_3600 = arith.subf %abs3A_3587, %sub3A_3599 : vector<16xf32>
    %select_n3A_3601 = arith.select %le3A_3593, %mul3A_3597, %sub3A_3600 : vector<16xi1>, vector<16xf32>
    %add3A_3602 = arith.addf %add3A_3530, %select_n3A_3601 : vector<16xf32>
    %get3A_3603 = arith.constant 3 : i32
    %get3A_3604 = arith.index_cast %get3A_3603 : i32 to index
    %get3A_3605 = arith.constant 32 : index
    %get3A_3606 = tpu.vector_load %arg14[%get3A_3604, %get3A_3605] {strides = array<i32>} : memref<4x128xf32, #tpu.memory_space<vmem>>, vector<1x16xf32>,
    %get3A_3607 = vector.shape_cast %get3A_3606 : vector<1x16xf32> to vector<16xf32>
    %eq3A_3608 = arith.cmpf oeq, %get3A_3607, %get3A_3607 : vector<16xf32>
    %jit3A_3609 = arith.constant 0.000000e+00 : f32
    %broadcast_in_dim3A_3610 = vector.broadcast %jit3A_3609 : f32 to vector<16xf32>
    %select_n3A_3611 = arith.select %eq3A_3608, %get3A_3568, %broadcast_in_dim3A_3610 : vector<16xi1>, vector<16xf32>
    %get3A_3612 = arith.constant 3 : i32
    %get3A_3613 = arith.index_cast %get3A_3612 : i32 to index
    %get3A_3614 = arith.constant 32 : index
    %get3A_3615 = tpu.vector_load %arg12[%get3A_3613, %get3A_3614] {strides = array<i32>} : memref<4x128xf32, #tpu.memory_space<vmem>>, vector<1x16xf32>,
    %get3A_3616 = vector.shape_cast %get3A_3615 : vector<1x16xf32> to vector<16xf32>
    %mul3A_3617 = arith.mulf %get3A_3616, %select_n3A_3611 : vector<16xf32>
    %mul3A_3618 = arith.mulf %get3A_3607, %select_n3A_3611 : vector<16xf32>
    %sub3A_3619 = arith.subf %mul3A_3617, %mul3A_3618 : vector<16xf32>
    %abs3A_3620 = math.absf %sub3A_3619 : vector<16xf32>
    %mul3A_3621 = arith.constant 3.000000e+00 : f32
    %mul3A_3622 = vector.broadcast %mul3A_3621 : f32 to vector<16xf32>
    %mul3A_3623 = arith.mulf %abs3A_3620, %mul3A_3622 : vector<16xf32>
    %le3A_3624 = arith.constant 0.111111112 : f32
    %le3A_3625 = vector.broadcast %le3A_3624 : f32 to vector<16xf32>
    %le3A_3626 = arith.cmpf ole, %abs3A_3620, %le3A_3625 : vector<16xf32>
    %mul3A_3627 = arith.mulf %mul3A_3623, %mul3A_3623 : vector<16xf32>
    %mul3A_3628 = arith.constant 5.000000e-01 : f32
    %mul3A_3629 = vector.broadcast %mul3A_3628 : f32 to vector<16xf32>
    %mul3A_3630 = arith.mulf %mul3A_3629, %mul3A_3627 : vector<16xf32>
    %sub3A_3631 = arith.constant 0.055555556 : f32
    %sub3A_3632 = vector.broadcast %sub3A_3631 : f32 to vector<16xf32>
    %sub3A_3633 = arith.subf %abs3A_3620, %sub3A_3632 : vector<16xf32>
    %select_n3A_3634 = arith.select %le3A_3626, %mul3A_3630, %sub3A_3633 : vector<16xi1>, vector<16xf32>
    %add3A_3635 = arith.addf %add3A_3563, %select_n3A_3634 : vector<16xf32>
    %get3A_3636 = arith.constant 3 : i32
    %get3A_3637 = arith.index_cast %get3A_3636 : i32 to index
    %get3A_3638 = arith.constant 48 : index
    %get3A_3639 = tpu.vector_load %arg15[%get3A_3637, %get3A_3638] {strides = array<i32>} : memref<4x128xf32, #tpu.memory_space<vmem>>, vector<1x16xf32>,
    %get3A_3640 = vector.shape_cast %get3A_3639 : vector<1x16xf32> to vector<16xf32>
    %add3A_3641 = arith.addf %add3A_3569, %get3A_3640 : vector<16xf32>
    %get3A_3642 = arith.constant 3 : i32
    %get3A_3643 = arith.index_cast %get3A_3642 : i32 to index
    %get3A_3644 = arith.constant 48 : index
    %get3A_3645 = tpu.vector_load %arg13[%get3A_3643, %get3A_3644] {strides = array<i32>} : memref<4x128xf32, #tpu.memory_space<vmem>>, vector<1x16xf32>,
    %get3A_3646 = vector.shape_cast %get3A_3645 : vector<1x16xf32> to vector<16xf32>
    %eq3A_3647 = arith.cmpf oeq, %get3A_3646, %get3A_3646 : vector<16xf32>
    %jit3A_3648 = arith.constant 0.000000e+00 : f32
    %broadcast_in_dim3A_3649 = vector.broadcast %jit3A_3648 : f32 to vector<16xf32>
    %select_n3A_3650 = arith.select %eq3A_3647, %get3A_3640, %broadcast_in_dim3A_3649 : vector<16xi1>, vector<16xf32>
    %get3A_3651 = arith.constant 3 : i32
    %get3A_3652 = arith.index_cast %get3A_3651 : i32 to index
    %get3A_3653 = arith.constant 48 : index
    %get3A_3654 = tpu.vector_load %arg11[%get3A_3652, %get3A_3653] {strides = array<i32>} : memref<4x128xf32, #tpu.memory_space<vmem>>, vector<1x16xf32>,
    %get3A_3655 = vector.shape_cast %get3A_3654 : vector<1x16xf32> to vector<16xf32>
    %mul3A_3656 = arith.mulf %get3A_3655, %select_n3A_3650 : vector<16xf32>
    %mul3A_3657 = arith.mulf %get3A_3646, %select_n3A_3650 : vector<16xf32>
    %sub3A_3658 = arith.subf %mul3A_3656, %mul3A_3657 : vector<16xf32>
    %abs3A_3659 = math.absf %sub3A_3658 : vector<16xf32>
    %mul3A_3660 = arith.constant 3.000000e+00 : f32
    %mul3A_3661 = vector.broadcast %mul3A_3660 : f32 to vector<16xf32>
    %mul3A_3662 = arith.mulf %abs3A_3659, %mul3A_3661 : vector<16xf32>
    %le3A_3663 = arith.constant 0.111111112 : f32
    %le3A_3664 = vector.broadcast %le3A_3663 : f32 to vector<16xf32>
    %le3A_3665 = arith.cmpf ole, %abs3A_3659, %le3A_3664 : vector<16xf32>
    %mul3A_3666 = arith.mulf %mul3A_3662, %mul3A_3662 : vector<16xf32>
    %mul3A_3667 = arith.constant 5.000000e-01 : f32
    %mul3A_3668 = vector.broadcast %mul3A_3667 : f32 to vector<16xf32>
    %mul3A_3669 = arith.mulf %mul3A_3668, %mul3A_3666 : vector<16xf32>
    %sub3A_3670 = arith.constant 0.055555556 : f32
    %sub3A_3671 = vector.broadcast %sub3A_3670 : f32 to vector<16xf32>
    %sub3A_3672 = arith.subf %abs3A_3659, %sub3A_3671 : vector<16xf32>
    %select_n3A_3673 = arith.select %le3A_3665, %mul3A_3669, %sub3A_3672 : vector<16xi1>, vector<16xf32>
    %add3A_3674 = arith.addf %add3A_3602, %select_n3A_3673 : vector<16xf32>
    %get3A_3675 = arith.constant 3 : i32
    %get3A_3676 = arith.index_cast %get3A_3675 : i32 to index
    %get3A_3677 = arith.constant 48 : index
    %get3A_3678 = tpu.vector_load %arg14[%get3A_3676, %get3A_3677] {strides = array<i32>} : memref<4x128xf32, #tpu.memory_space<vmem>>, vector<1x16xf32>,
    %get3A_3679 = vector.shape_cast %get3A_3678 : vector<1x16xf32> to vector<16xf32>
    %eq3A_3680 = arith.cmpf oeq, %get3A_3679, %get3A_3679 : vector<16xf32>
    %jit3A_3681 = arith.constant 0.000000e+00 : f32
    %broadcast_in_dim3A_3682 = vector.broadcast %jit3A_3681 : f32 to vector<16xf32>
    %select_n3A_3683 = arith.select %eq3A_3680, %get3A_3640, %broadcast_in_dim3A_3682 : vector<16xi1>, vector<16xf32>
    %get3A_3684 = arith.constant 3 : i32
    %get3A_3685 = arith.index_cast %get3A_3684 : i32 to index
    %get3A_3686 = arith.constant 48 : index
    %get3A_3687 = tpu.vector_load %arg12[%get3A_3685, %get3A_3686] {strides = array<i32>} : memref<4x128xf32, #tpu.memory_space<vmem>>, vector<1x16xf32>,
    %get3A_3688 = vector.shape_cast %get3A_3687 : vector<1x16xf32> to vector<16xf32>
    %mul3A_3689 = arith.mulf %get3A_3688, %select_n3A_3683 : vector<16xf32>
    %mul3A_3690 = arith.mulf %get3A_3679, %select_n3A_3683 : vector<16xf32>
    %sub3A_3691 = arith.subf %mul3A_3689, %mul3A_3690 : vector<16xf32>
    %abs3A_3692 = math.absf %sub3A_3691 : vector<16xf32>
    %mul3A_3693 = arith.constant 3.000000e+00 : f32
    %mul3A_3694 = vector.broadcast %mul3A_3693 : f32 to vector<16xf32>
    %mul3A_3695 = arith.mulf %abs3A_3692, %mul3A_3694 : vector<16xf32>
    %le3A_3696 = arith.constant 0.111111112 : f32
    %le3A_3697 = vector.broadcast %le3A_3696 : f32 to vector<16xf32>
    %le3A_3698 = arith.cmpf ole, %abs3A_3692, %le3A_3697 : vector<16xf32>
    %mul3A_3699 = arith.mulf %mul3A_3695, %mul3A_3695 : vector<16xf32>
    %mul3A_3700 = arith.constant 5.000000e-01 : f32
    %mul3A_3701 = vector.broadcast %mul3A_3700 : f32 to vector<16xf32>
    %mul3A_3702 = arith.mulf %mul3A_3701, %mul3A_3699 : vector<16xf32>
    %sub3A_3703 = arith.constant 0.055555556 : f32
    %sub3A_3704 = vector.broadcast %sub3A_3703 : f32 to vector<16xf32>
    %sub3A_3705 = arith.subf %abs3A_3692, %sub3A_3704 : vector<16xf32>
    %select_n3A_3706 = arith.select %le3A_3698, %mul3A_3702, %sub3A_3705 : vector<16xi1>, vector<16xf32>
    %add3A_3707 = arith.addf %add3A_3635, %select_n3A_3706 : vector<16xf32>
    %get3A_3708 = arith.constant 3 : i32
    %get3A_3709 = arith.index_cast %get3A_3708 : i32 to index
    %get3A_3710 = arith.constant 64 : index
    %get3A_3711 = tpu.vector_load %arg15[%get3A_3709, %get3A_3710] {strides = array<i32>} : memref<4x128xf32, #tpu.memory_space<vmem>>, vector<1x16xf32>,
    %get3A_3712 = vector.shape_cast %get3A_3711 : vector<1x16xf32> to vector<16xf32>
    %add3A_3713 = arith.addf %add3A_3641, %get3A_3712 : vector<16xf32>
    %get3A_3714 = arith.constant 3 : i32
    %get3A_3715 = arith.index_cast %get3A_3714 : i32 to index
    %get3A_3716 = arith.constant 64 : index
    %get3A_3717 = tpu.vector_load %arg13[%get3A_3715, %get3A_3716] {strides = array<i32>} : memref<4x128xf32, #tpu.memory_space<vmem>>, vector<1x16xf32>,
    %get3A_3718 = vector.shape_cast %get3A_3717 : vector<1x16xf32> to vector<16xf32>
    %eq3A_3719 = arith.cmpf oeq, %get3A_3718, %get3A_3718 : vector<16xf32>
    %jit3A_3720 = arith.constant 0.000000e+00 : f32
    %broadcast_in_dim3A_3721 = vector.broadcast %jit3A_3720 : f32 to vector<16xf32>
    %select_n3A_3722 = arith.select %eq3A_3719, %get3A_3712, %broadcast_in_dim3A_3721 : vector<16xi1>, vector<16xf32>
    %get3A_3723 = arith.constant 3 : i32
    %get3A_3724 = arith.index_cast %get3A_3723 : i32 to index
    %get3A_3725 = arith.constant 64 : index
    %get3A_3726 = tpu.vector_load %arg11[%get3A_3724, %get3A_3725] {strides = array<i32>} : memref<4x128xf32, #tpu.memory_space<vmem>>, vector<1x16xf32>,
    %get3A_3727 = vector.shape_cast %get3A_3726 : vector<1x16xf32> to vector<16xf32>
    %mul3A_3728 = arith.mulf %get3A_3727, %select_n3A_3722 : vector<16xf32>
    %mul3A_3729 = arith.mulf %get3A_3718, %select_n3A_3722 : vector<16xf32>
    %sub3A_3730 = arith.subf %mul3A_3728, %mul3A_3729 : vector<16xf32>
    %abs3A_3731 = math.absf %sub3A_3730 : vector<16xf32>
    %mul3A_3732 = arith.constant 3.000000e+00 : f32
    %mul3A_3733 = vector.broadcast %mul3A_3732 : f32 to vector<16xf32>
    %mul3A_3734 = arith.mulf %abs3A_3731, %mul3A_3733 : vector<16xf32>
    %le3A_3735 = arith.constant 0.111111112 : f32
    %le3A_3736 = vector.broadcast %le3A_3735 : f32 to vector<16xf32>
    %le3A_3737 = arith.cmpf ole, %abs3A_3731, %le3A_3736 : vector<16xf32>
    %mul3A_3738 = arith.mulf %mul3A_3734, %mul3A_3734 : vector<16xf32>
    %mul3A_3739 = arith.constant 5.000000e-01 : f32
    %mul3A_3740 = vector.broadcast %mul3A_3739 : f32 to vector<16xf32>
    %mul3A_3741 = arith.mulf %mul3A_3740, %mul3A_3738 : vector<16xf32>
    %sub3A_3742 = arith.constant 0.055555556 : f32
    %sub3A_3743 = vector.broadcast %sub3A_3742 : f32 to vector<16xf32>
    %sub3A_3744 = arith.subf %abs3A_3731, %sub3A_3743 : vector<16xf32>
    %select_n3A_3745 = arith.select %le3A_3737, %mul3A_3741, %sub3A_3744 : vector<16xi1>, vector<16xf32>
    %add3A_3746 = arith.addf %add3A_3674, %select_n3A_3745 : vector<16xf32>
    %get3A_3747 = arith.constant 3 : i32
    %get3A_3748 = arith.index_cast %get3A_3747 : i32 to index
    %get3A_3749 = arith.constant 64 : index
    %get3A_3750 = tpu.vector_load %arg14[%get3A_3748, %get3A_3749] {strides = array<i32>} : memref<4x128xf32, #tpu.memory_space<vmem>>, vector<1x16xf32>,
    %get3A_3751 = vector.shape_cast %get3A_3750 : vector<1x16xf32> to vector<16xf32>
    %eq3A_3752 = arith.cmpf oeq, %get3A_3751, %get3A_3751 : vector<16xf32>
    %jit3A_3753 = arith.constant 0.000000e+00 : f32
    %broadcast_in_dim3A_3754 = vector.broadcast %jit3A_3753 : f32 to vector<16xf32>
    %select_n3A_3755 = arith.select %eq3A_3752, %get3A_3712, %broadcast_in_dim3A_3754 : vector<16xi1>, vector<16xf32>
    %get3A_3756 = arith.constant 3 : i32
    %get3A_3757 = arith.index_cast %get3A_3756 : i32 to index
    %get3A_3758 = arith.constant 64 : index
    %get3A_3759 = tpu.vector_load %arg12[%get3A_3757, %get3A_3758] {strides = array<i32>} : memref<4x128xf32, #tpu.memory_space<vmem>>, vector<1x16xf32>,
    %get3A_3760 = vector.shape_cast %get3A_3759 : vector<1x16xf32> to vector<16xf32>
    %mul3A_3761 = arith.mulf %get3A_3760, %select_n3A_3755 : vector<16xf32>
    %mul3A_3762 = arith.mulf %get3A_3751, %select_n3A_3755 : vector<16xf32>
    %sub3A_3763 = arith.subf %mul3A_3761, %mul3A_3762 : vector<16xf32>
    %abs3A_3764 = math.absf %sub3A_3763 : vector<16xf32>
    %mul3A_3765 = arith.constant 3.000000e+00 : f32
    %mul3A_3766 = vector.broadcast %mul3A_3765 : f32 to vector<16xf32>
    %mul3A_3767 = arith.mulf %abs3A_3764, %mul3A_3766 : vector<16xf32>
    %le3A_3768 = arith.constant 0.111111112 : f32
    %le3A_3769 = vector.broadcast %le3A_3768 : f32 to vector<16xf32>
    %le3A_3770 = arith.cmpf ole, %abs3A_3764, %le3A_3769 : vector<16xf32>
    %mul3A_3771 = arith.mulf %mul3A_3767, %mul3A_3767 : vector<16xf32>
    %mul3A_3772 = arith.constant 5.000000e-01 : f32
    %mul3A_3773 = vector.broadcast %mul3A_3772 : f32 to vector<16xf32>
    %mul3A_3774 = arith.mulf %mul3A_3773, %mul3A_3771 : vector<16xf32>
    %sub3A_3775 = arith.constant 0.055555556 : f32
    %sub3A_3776 = vector.broadcast %sub3A_3775 : f32 to vector<16xf32>
    %sub3A_3777 = arith.subf %abs3A_3764, %sub3A_3776 : vector<16xf32>
    %select_n3A_3778 = arith.select %le3A_3770, %mul3A_3774, %sub3A_3777 : vector<16xi1>, vector<16xf32>
    %add3A_3779 = arith.addf %add3A_3707, %select_n3A_3778 : vector<16xf32>
    %get3A_3780 = arith.constant 3 : i32
    %get3A_3781 = arith.index_cast %get3A_3780 : i32 to index
    %get3A_3782 = arith.constant 80 : index
    %get3A_3783 = tpu.vector_load %arg15[%get3A_3781, %get3A_3782] {strides = array<i32>} : memref<4x128xf32, #tpu.memory_space<vmem>>, vector<1x16xf32>,
    %get3A_3784 = vector.shape_cast %get3A_3783 : vector<1x16xf32> to vector<16xf32>
    %add3A_3785 = arith.addf %add3A_3713, %get3A_3784 : vector<16xf32>
    %get3A_3786 = arith.constant 3 : i32
    %get3A_3787 = arith.index_cast %get3A_3786 : i32 to index
    %get3A_3788 = arith.constant 80 : index
    %get3A_3789 = tpu.vector_load %arg13[%get3A_3787, %get3A_3788] {strides = array<i32>} : memref<4x128xf32, #tpu.memory_space<vmem>>, vector<1x16xf32>,
    %get3A_3790 = vector.shape_cast %get3A_3789 : vector<1x16xf32> to vector<16xf32>
    %eq3A_3791 = arith.cmpf oeq, %get3A_3790, %get3A_3790 : vector<16xf32>
    %jit3A_3792 = arith.constant 0.000000e+00 : f32
    %broadcast_in_dim3A_3793 = vector.broadcast %jit3A_3792 : f32 to vector<16xf32>
    %select_n3A_3794 = arith.select %eq3A_3791, %get3A_3784, %broadcast_in_dim3A_3793 : vector<16xi1>, vector<16xf32>
    %get3A_3795 = arith.constant 3 : i32
    %get3A_3796 = arith.index_cast %get3A_3795 : i32 to index
    %get3A_3797 = arith.constant 80 : index
    %get3A_3798 = tpu.vector_load %arg11[%get3A_3796, %get3A_3797] {strides = array<i32>} : memref<4x128xf32, #tpu.memory_space<vmem>>, vector<1x16xf32>,
    %get3A_3799 = vector.shape_cast %get3A_3798 : vector<1x16xf32> to vector<16xf32>
    %mul3A_3800 = arith.mulf %get3A_3799, %select_n3A_3794 : vector<16xf32>
    %mul3A_3801 = arith.mulf %get3A_3790, %select_n3A_3794 : vector<16xf32>
    %sub3A_3802 = arith.subf %mul3A_3800, %mul3A_3801 : vector<16xf32>
    %abs3A_3803 = math.absf %sub3A_3802 : vector<16xf32>
    %mul3A_3804 = arith.constant 3.000000e+00 : f32
    %mul3A_3805 = vector.broadcast %mul3A_3804 : f32 to vector<16xf32>
    %mul3A_3806 = arith.mulf %abs3A_3803, %mul3A_3805 : vector<16xf32>
    %le3A_3807 = arith.constant 0.111111112 : f32
    %le3A_3808 = vector.broadcast %le3A_3807 : f32 to vector<16xf32>
    %le3A_3809 = arith.cmpf ole, %abs3A_3803, %le3A_3808 : vector<16xf32>
    %mul3A_3810 = arith.mulf %mul3A_3806, %mul3A_3806 : vector<16xf32>
    %mul3A_3811 = arith.constant 5.000000e-01 : f32
    %mul3A_3812 = vector.broadcast %mul3A_3811 : f32 to vector<16xf32>
    %mul3A_3813 = arith.mulf %mul3A_3812, %mul3A_3810 : vector<16xf32>
    %sub3A_3814 = arith.constant 0.055555556 : f32
    %sub3A_3815 = vector.broadcast %sub3A_3814 : f32 to vector<16xf32>
    %sub3A_3816 = arith.subf %abs3A_3803, %sub3A_3815 : vector<16xf32>
    %select_n3A_3817 = arith.select %le3A_3809, %mul3A_3813, %sub3A_3816 : vector<16xi1>, vector<16xf32>
    %add3A_3818 = arith.addf %add3A_3746, %select_n3A_3817 : vector<16xf32>
    %get3A_3819 = arith.constant 3 : i32
    %get3A_3820 = arith.index_cast %get3A_3819 : i32 to index
    %get3A_3821 = arith.constant 80 : index
    %get3A_3822 = tpu.vector_load %arg14[%get3A_3820, %get3A_3821] {strides = array<i32>} : memref<4x128xf32, #tpu.memory_space<vmem>>, vector<1x16xf32>,
    %get3A_3823 = vector.shape_cast %get3A_3822 : vector<1x16xf32> to vector<16xf32>
    %eq3A_3824 = arith.cmpf oeq, %get3A_3823, %get3A_3823 : vector<16xf32>
    %jit3A_3825 = arith.constant 0.000000e+00 : f32
    %broadcast_in_dim3A_3826 = vector.broadcast %jit3A_3825 : f32 to vector<16xf32>
    %select_n3A_3827 = arith.select %eq3A_3824, %get3A_3784, %broadcast_in_dim3A_3826 : vector<16xi1>, vector<16xf32>
    %get3A_3828 = arith.constant 3 : i32
    %get3A_3829 = arith.index_cast %get3A_3828 : i32 to index
    %get3A_3830 = arith.constant 80 : index
    %get3A_3831 = tpu.vector_load %arg12[%get3A_3829, %get3A_3830] {strides = array<i32>} : memref<4x128xf32, #tpu.memory_space<vmem>>, vector<1x16xf32>,
    %get3A_3832 = vector.shape_cast %get3A_3831 : vector<1x16xf32> to vector<16xf32>
    %mul3A_3833 = arith.mulf %get3A_3832, %select_n3A_3827 : vector<16xf32>
    %mul3A_3834 = arith.mulf %get3A_3823, %select_n3A_3827 : vector<16xf32>
    %sub3A_3835 = arith.subf %mul3A_3833, %mul3A_3834 : vector<16xf32>
    %abs3A_3836 = math.absf %sub3A_3835 : vector<16xf32>
    %mul3A_3837 = arith.constant 3.000000e+00 : f32
    %mul3A_3838 = vector.broadcast %mul3A_3837 : f32 to vector<16xf32>
    %mul3A_3839 = arith.mulf %abs3A_3836, %mul3A_3838 : vector<16xf32>
    %le3A_3840 = arith.constant 0.111111112 : f32
    %le3A_3841 = vector.broadcast %le3A_3840 : f32 to vector<16xf32>
    %le3A_3842 = arith.cmpf ole, %abs3A_3836, %le3A_3841 : vector<16xf32>
    %mul3A_3843 = arith.mulf %mul3A_3839, %mul3A_3839 : vector<16xf32>
    %mul3A_3844 = arith.constant 5.000000e-01 : f32
    %mul3A_3845 = vector.broadcast %mul3A_3844 : f32 to vector<16xf32>
    %mul3A_3846 = arith.mulf %mul3A_3845, %mul3A_3843 : vector<16xf32>
    %sub3A_3847 = arith.constant 0.055555556 : f32
    %sub3A_3848 = vector.broadcast %sub3A_3847 : f32 to vector<16xf32>
    %sub3A_3849 = arith.subf %abs3A_3836, %sub3A_3848 : vector<16xf32>
    %select_n3A_3850 = arith.select %le3A_3842, %mul3A_3846, %sub3A_3849 : vector<16xi1>, vector<16xf32>
    %add3A_3851 = arith.addf %add3A_3779, %select_n3A_3850 : vector<16xf32>
    %get3A_3852 = arith.constant 3 : i32
    %get3A_3853 = arith.index_cast %get3A_3852 : i32 to index
    %get3A_3854 = arith.constant 96 : index
    %get3A_3855 = tpu.vector_load %arg15[%get3A_3853, %get3A_3854] {strides = array<i32>} : memref<4x128xf32, #tpu.memory_space<vmem>>, vector<1x16xf32>,
    %get3A_3856 = vector.shape_cast %get3A_3855 : vector<1x16xf32> to vector<16xf32>
    %add3A_3857 = arith.addf %add3A_3785, %get3A_3856 : vector<16xf32>
    %get3A_3858 = arith.constant 3 : i32
    %get3A_3859 = arith.index_cast %get3A_3858 : i32 to index
    %get3A_3860 = arith.constant 96 : index
    %get3A_3861 = tpu.vector_load %arg13[%get3A_3859, %get3A_3860] {strides = array<i32>} : memref<4x128xf32, #tpu.memory_space<vmem>>, vector<1x16xf32>,
    %get3A_3862 = vector.shape_cast %get3A_3861 : vector<1x16xf32> to vector<16xf32>
    %eq3A_3863 = arith.cmpf oeq, %get3A_3862, %get3A_3862 : vector<16xf32>
    %jit3A_3864 = arith.constant 0.000000e+00 : f32
    %broadcast_in_dim3A_3865 = vector.broadcast %jit3A_3864 : f32 to vector<16xf32>
    %select_n3A_3866 = arith.select %eq3A_3863, %get3A_3856, %broadcast_in_dim3A_3865 : vector<16xi1>, vector<16xf32>
    %get3A_3867 = arith.constant 3 : i32
    %get3A_3868 = arith.index_cast %get3A_3867 : i32 to index
    %get3A_3869 = arith.constant 96 : index
    %get3A_3870 = tpu.vector_load %arg11[%get3A_3868, %get3A_3869] {strides = array<i32>} : memref<4x128xf32, #tpu.memory_space<vmem>>, vector<1x16xf32>,
    %get3A_3871 = vector.shape_cast %get3A_3870 : vector<1x16xf32> to vector<16xf32>
    %mul3A_3872 = arith.mulf %get3A_3871, %select_n3A_3866 : vector<16xf32>
    %mul3A_3873 = arith.mulf %get3A_3862, %select_n3A_3866 : vector<16xf32>
    %sub3A_3874 = arith.subf %mul3A_3872, %mul3A_3873 : vector<16xf32>
    %abs3A_3875 = math.absf %sub3A_3874 : vector<16xf32>
    %mul3A_3876 = arith.constant 3.000000e+00 : f32
    %mul3A_3877 = vector.broadcast %mul3A_3876 : f32 to vector<16xf32>
    %mul3A_3878 = arith.mulf %abs3A_3875, %mul3A_3877 : vector<16xf32>
    %le3A_3879 = arith.constant 0.111111112 : f32
    %le3A_3880 = vector.broadcast %le3A_3879 : f32 to vector<16xf32>
    %le3A_3881 = arith.cmpf ole, %abs3A_3875, %le3A_3880 : vector<16xf32>
    %mul3A_3882 = arith.mulf %mul3A_3878, %mul3A_3878 : vector<16xf32>
    %mul3A_3883 = arith.constant 5.000000e-01 : f32
    %mul3A_3884 = vector.broadcast %mul3A_3883 : f32 to vector<16xf32>
    %mul3A_3885 = arith.mulf %mul3A_3884, %mul3A_3882 : vector<16xf32>
    %sub3A_3886 = arith.constant 0.055555556 : f32
    %sub3A_3887 = vector.broadcast %sub3A_3886 : f32 to vector<16xf32>
    %sub3A_3888 = arith.subf %abs3A_3875, %sub3A_3887 : vector<16xf32>
    %select_n3A_3889 = arith.select %le3A_3881, %mul3A_3885, %sub3A_3888 : vector<16xi1>, vector<16xf32>
    %add3A_3890 = arith.addf %add3A_3818, %select_n3A_3889 : vector<16xf32>
    %get3A_3891 = arith.constant 3 : i32
    %get3A_3892 = arith.index_cast %get3A_3891 : i32 to index
    %get3A_3893 = arith.constant 96 : index
    %get3A_3894 = tpu.vector_load %arg14[%get3A_3892, %get3A_3893] {strides = array<i32>} : memref<4x128xf32, #tpu.memory_space<vmem>>, vector<1x16xf32>,
    %get3A_3895 = vector.shape_cast %get3A_3894 : vector<1x16xf32> to vector<16xf32>
    %eq3A_3896 = arith.cmpf oeq, %get3A_3895, %get3A_3895 : vector<16xf32>
    %jit3A_3897 = arith.constant 0.000000e+00 : f32
    %broadcast_in_dim3A_3898 = vector.broadcast %jit3A_3897 : f32 to vector<16xf32>
    %select_n3A_3899 = arith.select %eq3A_3896, %get3A_3856, %broadcast_in_dim3A_3898 : vector<16xi1>, vector<16xf32>
    %get3A_3900 = arith.constant 3 : i32
    %get3A_3901 = arith.index_cast %get3A_3900 : i32 to index
    %get3A_3902 = arith.constant 96 : index
    %get3A_3903 = tpu.vector_load %arg12[%get3A_3901, %get3A_3902] {strides = array<i32>} : memref<4x128xf32, #tpu.memory_space<vmem>>, vector<1x16xf32>,
    %get3A_3904 = vector.shape_cast %get3A_3903 : vector<1x16xf32> to vector<16xf32>
    %mul3A_3905 = arith.mulf %get3A_3904, %select_n3A_3899 : vector<16xf32>
    %mul3A_3906 = arith.mulf %get3A_3895, %select_n3A_3899 : vector<16xf32>
    %sub3A_3907 = arith.subf %mul3A_3905, %mul3A_3906 : vector<16xf32>
    %abs3A_3908 = math.absf %sub3A_3907 : vector<16xf32>
    %mul3A_3909 = arith.constant 3.000000e+00 : f32
    %mul3A_3910 = vector.broadcast %mul3A_3909 : f32 to vector<16xf32>
    %mul3A_3911 = arith.mulf %abs3A_3908, %mul3A_3910 : vector<16xf32>
    %le3A_3912 = arith.constant 0.111111112 : f32
    %le3A_3913 = vector.broadcast %le3A_3912 : f32 to vector<16xf32>
    %le3A_3914 = arith.cmpf ole, %abs3A_3908, %le3A_3913 : vector<16xf32>
    %mul3A_3915 = arith.mulf %mul3A_3911, %mul3A_3911 : vector<16xf32>
    %mul3A_3916 = arith.constant 5.000000e-01 : f32
    %mul3A_3917 = vector.broadcast %mul3A_3916 : f32 to vector<16xf32>
    %mul3A_3918 = arith.mulf %mul3A_3917, %mul3A_3915 : vector<16xf32>
    %sub3A_3919 = arith.constant 0.055555556 : f32
    %sub3A_3920 = vector.broadcast %sub3A_3919 : f32 to vector<16xf32>
    %sub3A_3921 = arith.subf %abs3A_3908, %sub3A_3920 : vector<16xf32>
    %select_n3A_3922 = arith.select %le3A_3914, %mul3A_3918, %sub3A_3921 : vector<16xi1>, vector<16xf32>
    %add3A_3923 = arith.addf %add3A_3851, %select_n3A_3922 : vector<16xf32>
    %get3A_3924 = arith.constant 3 : i32
    %get3A_3925 = arith.index_cast %get3A_3924 : i32 to index
    %get3A_3926 = arith.constant 112 : index
    %get3A_3927 = tpu.vector_load %arg15[%get3A_3925, %get3A_3926] {strides = array<i32>} : memref<4x128xf32, #tpu.memory_space<vmem>>, vector<1x16xf32>,
    %get3A_3928 = vector.shape_cast %get3A_3927 : vector<1x16xf32> to vector<16xf32>
    %add3A_3929 = arith.addf %add3A_3857, %get3A_3928 : vector<16xf32>
    %get3A_3930 = arith.constant 3 : i32
    %get3A_3931 = arith.index_cast %get3A_3930 : i32 to index
    %get3A_3932 = arith.constant 112 : index
    %get3A_3933 = tpu.vector_load %arg13[%get3A_3931, %get3A_3932] {strides = array<i32>} : memref<4x128xf32, #tpu.memory_space<vmem>>, vector<1x16xf32>,
    %get3A_3934 = vector.shape_cast %get3A_3933 : vector<1x16xf32> to vector<16xf32>
    %eq3A_3935 = arith.cmpf oeq, %get3A_3934, %get3A_3934 : vector<16xf32>
    %jit3A_3936 = arith.constant 0.000000e+00 : f32
    %broadcast_in_dim3A_3937 = vector.broadcast %jit3A_3936 : f32 to vector<16xf32>
    %select_n3A_3938 = arith.select %eq3A_3935, %get3A_3928, %broadcast_in_dim3A_3937 : vector<16xi1>, vector<16xf32>
    %get3A_3939 = arith.constant 3 : i32
    %get3A_3940 = arith.index_cast %get3A_3939 : i32 to index
    %get3A_3941 = arith.constant 112 : index
    %get3A_3942 = tpu.vector_load %arg11[%get3A_3940, %get3A_3941] {strides = array<i32>} : memref<4x128xf32, #tpu.memory_space<vmem>>, vector<1x16xf32>,
    %get3A_3943 = vector.shape_cast %get3A_3942 : vector<1x16xf32> to vector<16xf32>
    %mul3A_3944 = arith.mulf %get3A_3943, %select_n3A_3938 : vector<16xf32>
    %mul3A_3945 = arith.mulf %get3A_3934, %select_n3A_3938 : vector<16xf32>
    %sub3A_3946 = arith.subf %mul3A_3944, %mul3A_3945 : vector<16xf32>
    %abs3A_3947 = math.absf %sub3A_3946 : vector<16xf32>
    %mul3A_3948 = arith.constant 3.000000e+00 : f32
    %mul3A_3949 = vector.broadcast %mul3A_3948 : f32 to vector<16xf32>
    %mul3A_3950 = arith.mulf %abs3A_3947, %mul3A_3949 : vector<16xf32>
    %le3A_3951 = arith.constant 0.111111112 : f32
    %le3A_3952 = vector.broadcast %le3A_3951 : f32 to vector<16xf32>
    %le3A_3953 = arith.cmpf ole, %abs3A_3947, %le3A_3952 : vector<16xf32>
    %mul3A_3954 = arith.mulf %mul3A_3950, %mul3A_3950 : vector<16xf32>
    %mul3A_3955 = arith.constant 5.000000e-01 : f32
    %mul3A_3956 = vector.broadcast %mul3A_3955 : f32 to vector<16xf32>
    %mul3A_3957 = arith.mulf %mul3A_3956, %mul3A_3954 : vector<16xf32>
    %sub3A_3958 = arith.constant 0.055555556 : f32
    %sub3A_3959 = vector.broadcast %sub3A_3958 : f32 to vector<16xf32>
    %sub3A_3960 = arith.subf %abs3A_3947, %sub3A_3959 : vector<16xf32>
    %select_n3A_3961 = arith.select %le3A_3953, %mul3A_3957, %sub3A_3960 : vector<16xi1>, vector<16xf32>
    %add3A_3962 = arith.addf %add3A_3890, %select_n3A_3961 : vector<16xf32>
    %get3A_3963 = arith.constant 3 : i32
    %get3A_3964 = arith.index_cast %get3A_3963 : i32 to index
    %get3A_3965 = arith.constant 112 : index
    %get3A_3966 = tpu.vector_load %arg14[%get3A_3964, %get3A_3965] {strides = array<i32>} : memref<4x128xf32, #tpu.memory_space<vmem>>, vector<1x16xf32>,
    %get3A_3967 = vector.shape_cast %get3A_3966 : vector<1x16xf32> to vector<16xf32>
    %eq3A_3968 = arith.cmpf oeq, %get3A_3967, %get3A_3967 : vector<16xf32>
    %jit3A_3969 = arith.constant 0.000000e+00 : f32
    %broadcast_in_dim3A_3970 = vector.broadcast %jit3A_3969 : f32 to vector<16xf32>
    %select_n3A_3971 = arith.select %eq3A_3968, %get3A_3928, %broadcast_in_dim3A_3970 : vector<16xi1>, vector<16xf32>
    %get3A_3972 = arith.constant 3 : i32
    %get3A_3973 = arith.index_cast %get3A_3972 : i32 to index
    %get3A_3974 = arith.constant 112 : index
    %get3A_3975 = tpu.vector_load %arg12[%get3A_3973, %get3A_3974] {strides = array<i32>} : memref<4x128xf32, #tpu.memory_space<vmem>>, vector<1x16xf32>,
    %get3A_3976 = vector.shape_cast %get3A_3975 : vector<1x16xf32> to vector<16xf32>
    %mul3A_3977 = arith.mulf %get3A_3976, %select_n3A_3971 : vector<16xf32>
    %mul3A_3978 = arith.mulf %get3A_3967, %select_n3A_3971 : vector<16xf32>
    %sub3A_3979 = arith.subf %mul3A_3977, %mul3A_3978 : vector<16xf32>
    %abs3A_3980 = math.absf %sub3A_3979 : vector<16xf32>
    %mul3A_3981 = arith.constant 3.000000e+00 : f32
    %mul3A_3982 = vector.broadcast %mul3A_3981 : f32 to vector<16xf32>
    %mul3A_3983 = arith.mulf %abs3A_3980, %mul3A_3982 : vector<16xf32>
    %le3A_3984 = arith.constant 0.111111112 : f32
    %le3A_3985 = vector.broadcast %le3A_3984 : f32 to vector<16xf32>
    %le3A_3986 = arith.cmpf ole, %abs3A_3980, %le3A_3985 : vector<16xf32>
    %mul3A_3987 = arith.mulf %mul3A_3983, %mul3A_3983 : vector<16xf32>
    %mul3A_3988 = arith.constant 5.000000e-01 : f32
    %mul3A_3989 = vector.broadcast %mul3A_3988 : f32 to vector<16xf32>
    %mul3A_3990 = arith.mulf %mul3A_3989, %mul3A_3987 : vector<16xf32>
    %sub3A_3991 = arith.constant 0.055555556 : f32
    %sub3A_3992 = vector.broadcast %sub3A_3991 : f32 to vector<16xf32>
    %sub3A_3993 = arith.subf %abs3A_3980, %sub3A_3992 : vector<16xf32>
    %select_n3A_3994 = arith.select %le3A_3986, %mul3A_3990, %sub3A_3993 : vector<16xi1>, vector<16xf32>
    %add3A_3995 = arith.addf %add3A_3923, %select_n3A_3994 : vector<16xf32>
    %swap3A_3996 = arith.constant 0 : index
    %swap3A_3997 = tpu.vector_load %arg16[%swap3A_3996] {strides = array<i32>} : memref<48xf32, #tpu.memory_space<vmem>>, vector<16xf32>,
    %swap3A_3998 = vector.shape_cast %swap3A_3997 : vector<16xf32> to vector<16xf32>
    %swap3A_3999 = vector.shape_cast %add3A_3962 : vector<16xf32> to vector<16xf32>
    tpu.vector_store %arg16[%swap3A_3996], %swap3A_3999 {strides = array<i32>} : memref<48xf32, #tpu.memory_space<vmem>>, vector<16xf32>,
    %swap3A_4000 = arith.constant 16 : index
    %swap3A_4001 = tpu.vector_load %arg16[%swap3A_4000] {strides = array<i32>} : memref<48xf32, #tpu.memory_space<vmem>>, vector<16xf32>,
    %swap3A_4002 = vector.shape_cast %swap3A_4001 : vector<16xf32> to vector<16xf32>
    %swap3A_4003 = vector.shape_cast %add3A_3995 : vector<16xf32> to vector<16xf32>
    tpu.vector_store %arg16[%swap3A_4000], %swap3A_4003 {strides = array<i32>} : memref<48xf32, #tpu.memory_space<vmem>>, vector<16xf32>,
    %swap3A_4004 = arith.constant 32 : index
    %swap3A_4005 = tpu.vector_load %arg16[%swap3A_4004] {strides = array<i32>} : memref<48xf32, #tpu.memory_space<vmem>>, vector<16xf32>,
    %swap3A_4006 = vector.shape_cast %swap3A_4005 : vector<16xf32> to vector<16xf32>
    %swap3A_4007 = vector.shape_cast %add3A_3929 : vector<16xf32> to vector<16xf32>
    tpu.vector_store %arg16[%swap3A_4004], %swap3A_4007 {strides = array<i32>} : memref<48xf32, #tpu.memory_space<vmem>>, vector<16xf32>,
    "tpu.region"() ({
      %run_scoped3A_4011 = tpu.sem_alloc : memref<!tpu.dma_semaphore, #tpu.memory_space<semaphore_mem>>
      %dma_start3A_4012 = arith.constant 0 : i32
      %dma_start3A_4013 = tpu.memref_slice %arg7[%arg1, %dma_start3A_4012] : memref<16x48xf32, #tpu.memory_space<hbm>> -> memref<1x48xf32, #tpu.memory_space<hbm>>
      %dma_start3A_4014 = tpu.memref_squeeze %dma_start3A_4013 : memref<1x48xf32, #tpu.memory_space<hbm>> -> memref<48xf32, #tpu.memory_space<hbm>>
      %dma_start3A_4015 = arith.constant 0 : i32
      %dma_start3A_4016 = tpu.memref_slice %arg7[%arg1, %dma_start3A_4015] : memref<16x48xf32, #tpu.memory_space<hbm>> -> memref<1x48xf32, #tpu.memory_space<hbm>>
      %dma_start3A_4017 = tpu.memref_squeeze %dma_start3A_4016 : memref<1x48xf32, #tpu.memory_space<hbm>> -> memref<48xf32, #tpu.memory_space<hbm>>
      tpu.enqueue_dma source(%arg16 : memref<48xf32, #tpu.memory_space<vmem>>) target(%dma_start3A_4017 : memref<48xf32, #tpu.memory_space<hbm>>) target_semaphore(%run_scoped3A_4011 : memref<!tpu.dma_semaphore, #tpu.memory_space<semaphore_mem>>)
      %dma_wait3A_4018 = arith.constant 0 : i32
      %dma_wait3A_4019 = tpu.memref_slice %arg7[%arg1, %dma_wait3A_4018] : memref<16x48xf32, #tpu.memory_space<hbm>> -> memref<1x48xf32, #tpu.memory_space<hbm>>
      %dma_wait3A_4020 = tpu.memref_squeeze %dma_wait3A_4019 : memref<1x48xf32, #tpu.memory_space<hbm>> -> memref<48xf32, #tpu.memory_space<hbm>>
      %dma_wait3A_4021 = arith.constant 0 : i32
      %dma_wait3A_4022 = tpu.memref_slice %arg7[%arg1, %dma_wait3A_4021] : memref<16x48xf32, #tpu.memory_space<hbm>> -> memref<1x48xf32, #tpu.memory_space<hbm>>
      %dma_wait3A_4023 = tpu.memref_squeeze %dma_wait3A_4022 : memref<1x48xf32, #tpu.memory_space<hbm>> -> memref<48xf32, #tpu.memory_space<hbm>>
      tpu.wait_dma2 semaphore(%run_scoped3A_4011 : memref<!tpu.dma_semaphore, #tpu.memory_space<semaphore_mem>>) src(%arg16 : memref<48xf32, #tpu.memory_space<vmem>>) dst(%dma_wait3A_4023 : memref<48xf32, #tpu.memory_space<hbm>>)
      tpu.yield
    }) : () -> ()
    %barrier3A = arith.constant 0 : index
    tpu.barrier barrier_id(%barrier3A)
    %eq3A_4008 = arith.constant 0 : i32
    %eq3A_4009 = arith.cmpi eq, %arg1, %eq3A_4008 : i32
    %convert_element_type3A = arith.extui %eq3A_4009 : i1 to i32
    %cond3A = arith.constant 0 : i32
    %cond3A_4010 = arith.cmpi ne, %convert_element_type3A, %cond3A : i32
    scf.if %cond3A_4010 {
      "tpu.region"() ({
        %run_scoped3A_4405 = tpu.sem_alloc : memref<!tpu.dma_semaphore, #tpu.memory_space<semaphore_mem>>
        tpu.enqueue_dma source(%arg7 : memref<16x48xf32, #tpu.memory_space<hbm>>) target(%arg17 : memref<16x48xf32, #tpu.memory_space<vmem>>) target_semaphore(%run_scoped3A_4405 : memref<!tpu.dma_semaphore, #tpu.memory_space<semaphore_mem>>)
        tpu.wait_dma2 semaphore(%run_scoped3A_4405 : memref<!tpu.dma_semaphore, #tpu.memory_space<semaphore_mem>>) src(%arg7 : memref<16x48xf32, #tpu.memory_space<hbm>>) dst(%arg17 : memref<16x48xf32, #tpu.memory_space<vmem>>)
        tpu.yield
      }) : () -> ()
      %broadcast_in_dim3A_4011 = arith.constant 0.000000e+00 : f32
      %broadcast_in_dim3A_4012 = vector.broadcast %broadcast_in_dim3A_4011 : f32 to vector<16xf32>
      %broadcast_in_dim3A_4013 = arith.constant 0.000000e+00 : f32
      %broadcast_in_dim3A_4014 = vector.broadcast %broadcast_in_dim3A_4013 : f32 to vector<16xf32>
      %broadcast_in_dim3A_4015 = arith.constant 0.000000e+00 : f32
      %broadcast_in_dim3A_4016 = vector.broadcast %broadcast_in_dim3A_4015 : f32 to vector<16xf32>
      %get3A_4017 = arith.constant 0 : i32
      %get3A_4018 = arith.index_cast %get3A_4017 : i32 to index
      %get3A_4019 = arith.constant 0 : index
      %get3A_4020 = tpu.vector_load %arg17[%get3A_4018, %get3A_4019] {strides = array<i32>} : memref<16x48xf32, #tpu.memory_space<vmem>>, vector<1x16xf32>,
      %get3A_4021 = vector.shape_cast %get3A_4020 : vector<1x16xf32> to vector<16xf32>
      %add3A_4022 = arith.addf %broadcast_in_dim3A_4012, %get3A_4021 : vector<16xf32>
      %get3A_4023 = arith.constant 0 : i32
      %get3A_4024 = arith.index_cast %get3A_4023 : i32 to index
      %get3A_4025 = arith.constant 16 : index
      %get3A_4026 = tpu.vector_load %arg17[%get3A_4024, %get3A_4025] {strides = array<i32>} : memref<16x48xf32, #tpu.memory_space<vmem>>, vector<1x16xf32>,
      %get3A_4027 = vector.shape_cast %get3A_4026 : vector<1x16xf32> to vector<16xf32>
      %add3A_4028 = arith.addf %broadcast_in_dim3A_4014, %get3A_4027 : vector<16xf32>
      %get3A_4029 = arith.constant 0 : i32
      %get3A_4030 = arith.index_cast %get3A_4029 : i32 to index
      %get3A_4031 = arith.constant 32 : index
      %get3A_4032 = tpu.vector_load %arg17[%get3A_4030, %get3A_4031] {strides = array<i32>} : memref<16x48xf32, #tpu.memory_space<vmem>>, vector<1x16xf32>,
      %get3A_4033 = vector.shape_cast %get3A_4032 : vector<1x16xf32> to vector<16xf32>
      %add3A_4034 = arith.addf %broadcast_in_dim3A_4016, %get3A_4033 : vector<16xf32>
      %get3A_4035 = arith.constant 1 : i32
      %get3A_4036 = arith.index_cast %get3A_4035 : i32 to index
      %get3A_4037 = arith.constant 0 : index
      %get3A_4038 = tpu.vector_load %arg17[%get3A_4036, %get3A_4037] {strides = array<i32>} : memref<16x48xf32, #tpu.memory_space<vmem>>, vector<1x16xf32>,
      %get3A_4039 = vector.shape_cast %get3A_4038 : vector<1x16xf32> to vector<16xf32>
      %add3A_4040 = arith.addf %add3A_4022, %get3A_4039 : vector<16xf32>
      %get3A_4041 = arith.constant 1 : i32
      %get3A_4042 = arith.index_cast %get3A_4041 : i32 to index
      %get3A_4043 = arith.constant 16 : index
      %get3A_4044 = tpu.vector_load %arg17[%get3A_4042, %get3A_4043] {strides = array<i32>} : memref<16x48xf32, #tpu.memory_space<vmem>>, vector<1x16xf32>,
      %get3A_4045 = vector.shape_cast %get3A_4044 : vector<1x16xf32> to vector<16xf32>
      %add3A_4046 = arith.addf %add3A_4028, %get3A_4045 : vector<16xf32>
      %get3A_4047 = arith.constant 1 : i32
      %get3A_4048 = arith.index_cast %get3A_4047 : i32 to index
      %get3A_4049 = arith.constant 32 : index
      %get3A_4050 = tpu.vector_load %arg17[%get3A_4048, %get3A_4049] {strides = array<i32>} : memref<16x48xf32, #tpu.memory_space<vmem>>, vector<1x16xf32>,
      %get3A_4051 = vector.shape_cast %get3A_4050 : vector<1x16xf32> to vector<16xf32>
      %add3A_4052 = arith.addf %add3A_4034, %get3A_4051 : vector<16xf32>
      %get3A_4053 = arith.constant 2 : i32
      %get3A_4054 = arith.index_cast %get3A_4053 : i32 to index
      %get3A_4055 = arith.constant 0 : index
      %get3A_4056 = tpu.vector_load %arg17[%get3A_4054, %get3A_4055] {strides = array<i32>} : memref<16x48xf32, #tpu.memory_space<vmem>>, vector<1x16xf32>,
      %get3A_4057 = vector.shape_cast %get3A_4056 : vector<1x16xf32> to vector<16xf32>
      %add3A_4058 = arith.addf %add3A_4040, %get3A_4057 : vector<16xf32>
      %get3A_4059 = arith.constant 2 : i32
      %get3A_4060 = arith.index_cast %get3A_4059 : i32 to index
      %get3A_4061 = arith.constant 16 : index
      %get3A_4062 = tpu.vector_load %arg17[%get3A_4060, %get3A_4061] {strides = array<i32>} : memref<16x48xf32, #tpu.memory_space<vmem>>, vector<1x16xf32>,
      %get3A_4063 = vector.shape_cast %get3A_4062 : vector<1x16xf32> to vector<16xf32>
      %add3A_4064 = arith.addf %add3A_4046, %get3A_4063 : vector<16xf32>
      %get3A_4065 = arith.constant 2 : i32
      %get3A_4066 = arith.index_cast %get3A_4065 : i32 to index
      %get3A_4067 = arith.constant 32 : index
      %get3A_4068 = tpu.vector_load %arg17[%get3A_4066, %get3A_4067] {strides = array<i32>} : memref<16x48xf32, #tpu.memory_space<vmem>>, vector<1x16xf32>,
      %get3A_4069 = vector.shape_cast %get3A_4068 : vector<1x16xf32> to vector<16xf32>
      %add3A_4070 = arith.addf %add3A_4052, %get3A_4069 : vector<16xf32>
      %get3A_4071 = arith.constant 3 : i32
      %get3A_4072 = arith.index_cast %get3A_4071 : i32 to index
      %get3A_4073 = arith.constant 0 : index
      %get3A_4074 = tpu.vector_load %arg17[%get3A_4072, %get3A_4073] {strides = array<i32>} : memref<16x48xf32, #tpu.memory_space<vmem>>, vector<1x16xf32>,
      %get3A_4075 = vector.shape_cast %get3A_4074 : vector<1x16xf32> to vector<16xf32>
      %add3A_4076 = arith.addf %add3A_4058, %get3A_4075 : vector<16xf32>
      %get3A_4077 = arith.constant 3 : i32
      %get3A_4078 = arith.index_cast %get3A_4077 : i32 to index
      %get3A_4079 = arith.constant 16 : index
      %get3A_4080 = tpu.vector_load %arg17[%get3A_4078, %get3A_4079] {strides = array<i32>} : memref<16x48xf32, #tpu.memory_space<vmem>>, vector<1x16xf32>,
      %get3A_4081 = vector.shape_cast %get3A_4080 : vector<1x16xf32> to vector<16xf32>
      %add3A_4082 = arith.addf %add3A_4064, %get3A_4081 : vector<16xf32>
      %get3A_4083 = arith.constant 3 : i32
      %get3A_4084 = arith.index_cast %get3A_4083 : i32 to index
      %get3A_4085 = arith.constant 32 : index
      %get3A_4086 = tpu.vector_load %arg17[%get3A_4084, %get3A_4085] {strides = array<i32>} : memref<16x48xf32, #tpu.memory_space<vmem>>, vector<1x16xf32>,
      %get3A_4087 = vector.shape_cast %get3A_4086 : vector<1x16xf32> to vector<16xf32>
      %add3A_4088 = arith.addf %add3A_4070, %get3A_4087 : vector<16xf32>
      %get3A_4089 = arith.constant 4 : i32
      %get3A_4090 = arith.index_cast %get3A_4089 : i32 to index
      %get3A_4091 = arith.constant 0 : index
      %get3A_4092 = tpu.vector_load %arg17[%get3A_4090, %get3A_4091] {strides = array<i32>} : memref<16x48xf32, #tpu.memory_space<vmem>>, vector<1x16xf32>,
      %get3A_4093 = vector.shape_cast %get3A_4092 : vector<1x16xf32> to vector<16xf32>
      %add3A_4094 = arith.addf %add3A_4076, %get3A_4093 : vector<16xf32>
      %get3A_4095 = arith.constant 4 : i32
      %get3A_4096 = arith.index_cast %get3A_4095 : i32 to index
      %get3A_4097 = arith.constant 16 : index
      %get3A_4098 = tpu.vector_load %arg17[%get3A_4096, %get3A_4097] {strides = array<i32>} : memref<16x48xf32, #tpu.memory_space<vmem>>, vector<1x16xf32>,
      %get3A_4099 = vector.shape_cast %get3A_4098 : vector<1x16xf32> to vector<16xf32>
      %add3A_4100 = arith.addf %add3A_4082, %get3A_4099 : vector<16xf32>
      %get3A_4101 = arith.constant 4 : i32
      %get3A_4102 = arith.index_cast %get3A_4101 : i32 to index
      %get3A_4103 = arith.constant 32 : index
      %get3A_4104 = tpu.vector_load %arg17[%get3A_4102, %get3A_4103] {strides = array<i32>} : memref<16x48xf32, #tpu.memory_space<vmem>>, vector<1x16xf32>,
      %get3A_4105 = vector.shape_cast %get3A_4104 : vector<1x16xf32> to vector<16xf32>
      %add3A_4106 = arith.addf %add3A_4088, %get3A_4105 : vector<16xf32>
      %get3A_4107 = arith.constant 5 : i32
      %get3A_4108 = arith.index_cast %get3A_4107 : i32 to index
      %get3A_4109 = arith.constant 0 : index
      %get3A_4110 = tpu.vector_load %arg17[%get3A_4108, %get3A_4109] {strides = array<i32>} : memref<16x48xf32, #tpu.memory_space<vmem>>, vector<1x16xf32>,
      %get3A_4111 = vector.shape_cast %get3A_4110 : vector<1x16xf32> to vector<16xf32>
      %add3A_4112 = arith.addf %add3A_4094, %get3A_4111 : vector<16xf32>
      %get3A_4113 = arith.constant 5 : i32
      %get3A_4114 = arith.index_cast %get3A_4113 : i32 to index
      %get3A_4115 = arith.constant 16 : index
      %get3A_4116 = tpu.vector_load %arg17[%get3A_4114, %get3A_4115] {strides = array<i32>} : memref<16x48xf32, #tpu.memory_space<vmem>>, vector<1x16xf32>,
      %get3A_4117 = vector.shape_cast %get3A_4116 : vector<1x16xf32> to vector<16xf32>
      %add3A_4118 = arith.addf %add3A_4100, %get3A_4117 : vector<16xf32>
      %get3A_4119 = arith.constant 5 : i32
      %get3A_4120 = arith.index_cast %get3A_4119 : i32 to index
      %get3A_4121 = arith.constant 32 : index
      %get3A_4122 = tpu.vector_load %arg17[%get3A_4120, %get3A_4121] {strides = array<i32>} : memref<16x48xf32, #tpu.memory_space<vmem>>, vector<1x16xf32>,
      %get3A_4123 = vector.shape_cast %get3A_4122 : vector<1x16xf32> to vector<16xf32>
      %add3A_4124 = arith.addf %add3A_4106, %get3A_4123 : vector<16xf32>
      %get3A_4125 = arith.constant 6 : i32
      %get3A_4126 = arith.index_cast %get3A_4125 : i32 to index
      %get3A_4127 = arith.constant 0 : index
      %get3A_4128 = tpu.vector_load %arg17[%get3A_4126, %get3A_4127] {strides = array<i32>} : memref<16x48xf32, #tpu.memory_space<vmem>>, vector<1x16xf32>,
      %get3A_4129 = vector.shape_cast %get3A_4128 : vector<1x16xf32> to vector<16xf32>
      %add3A_4130 = arith.addf %add3A_4112, %get3A_4129 : vector<16xf32>
      %get3A_4131 = arith.constant 6 : i32
      %get3A_4132 = arith.index_cast %get3A_4131 : i32 to index
      %get3A_4133 = arith.constant 16 : index
      %get3A_4134 = tpu.vector_load %arg17[%get3A_4132, %get3A_4133] {strides = array<i32>} : memref<16x48xf32, #tpu.memory_space<vmem>>, vector<1x16xf32>,
      %get3A_4135 = vector.shape_cast %get3A_4134 : vector<1x16xf32> to vector<16xf32>
      %add3A_4136 = arith.addf %add3A_4118, %get3A_4135 : vector<16xf32>
      %get3A_4137 = arith.constant 6 : i32
      %get3A_4138 = arith.index_cast %get3A_4137 : i32 to index
      %get3A_4139 = arith.constant 32 : index
      %get3A_4140 = tpu.vector_load %arg17[%get3A_4138, %get3A_4139] {strides = array<i32>} : memref<16x48xf32, #tpu.memory_space<vmem>>, vector<1x16xf32>,
      %get3A_4141 = vector.shape_cast %get3A_4140 : vector<1x16xf32> to vector<16xf32>
      %add3A_4142 = arith.addf %add3A_4124, %get3A_4141 : vector<16xf32>
      %get3A_4143 = arith.constant 7 : i32
      %get3A_4144 = arith.index_cast %get3A_4143 : i32 to index
      %get3A_4145 = arith.constant 0 : index
      %get3A_4146 = tpu.vector_load %arg17[%get3A_4144, %get3A_4145] {strides = array<i32>} : memref<16x48xf32, #tpu.memory_space<vmem>>, vector<1x16xf32>,
      %get3A_4147 = vector.shape_cast %get3A_4146 : vector<1x16xf32> to vector<16xf32>
      %add3A_4148 = arith.addf %add3A_4130, %get3A_4147 : vector<16xf32>
      %get3A_4149 = arith.constant 7 : i32
      %get3A_4150 = arith.index_cast %get3A_4149 : i32 to index
      %get3A_4151 = arith.constant 16 : index
      %get3A_4152 = tpu.vector_load %arg17[%get3A_4150, %get3A_4151] {strides = array<i32>} : memref<16x48xf32, #tpu.memory_space<vmem>>, vector<1x16xf32>,
      %get3A_4153 = vector.shape_cast %get3A_4152 : vector<1x16xf32> to vector<16xf32>
      %add3A_4154 = arith.addf %add3A_4136, %get3A_4153 : vector<16xf32>
      %get3A_4155 = arith.constant 7 : i32
      %get3A_4156 = arith.index_cast %get3A_4155 : i32 to index
      %get3A_4157 = arith.constant 32 : index
      %get3A_4158 = tpu.vector_load %arg17[%get3A_4156, %get3A_4157] {strides = array<i32>} : memref<16x48xf32, #tpu.memory_space<vmem>>, vector<1x16xf32>,
      %get3A_4159 = vector.shape_cast %get3A_4158 : vector<1x16xf32> to vector<16xf32>
      %add3A_4160 = arith.addf %add3A_4142, %get3A_4159 : vector<16xf32>
      %get3A_4161 = arith.constant 8 : i32
      %get3A_4162 = arith.index_cast %get3A_4161 : i32 to index
      %get3A_4163 = arith.constant 0 : index
      %get3A_4164 = tpu.vector_load %arg17[%get3A_4162, %get3A_4163] {strides = array<i32>} : memref<16x48xf32, #tpu.memory_space<vmem>>, vector<1x16xf32>,
      %get3A_4165 = vector.shape_cast %get3A_4164 : vector<1x16xf32> to vector<16xf32>
      %add3A_4166 = arith.addf %add3A_4148, %get3A_4165 : vector<16xf32>
      %get3A_4167 = arith.constant 8 : i32
      %get3A_4168 = arith.index_cast %get3A_4167 : i32 to index
      %get3A_4169 = arith.constant 16 : index
      %get3A_4170 = tpu.vector_load %arg17[%get3A_4168, %get3A_4169] {strides = array<i32>} : memref<16x48xf32, #tpu.memory_space<vmem>>, vector<1x16xf32>,
      %get3A_4171 = vector.shape_cast %get3A_4170 : vector<1x16xf32> to vector<16xf32>
      %add3A_4172 = arith.addf %add3A_4154, %get3A_4171 : vector<16xf32>
      %get3A_4173 = arith.constant 8 : i32
      %get3A_4174 = arith.index_cast %get3A_4173 : i32 to index
      %get3A_4175 = arith.constant 32 : index
      %get3A_4176 = tpu.vector_load %arg17[%get3A_4174, %get3A_4175] {strides = array<i32>} : memref<16x48xf32, #tpu.memory_space<vmem>>, vector<1x16xf32>,
      %get3A_4177 = vector.shape_cast %get3A_4176 : vector<1x16xf32> to vector<16xf32>
      %add3A_4178 = arith.addf %add3A_4160, %get3A_4177 : vector<16xf32>
      %get3A_4179 = arith.constant 9 : i32
      %get3A_4180 = arith.index_cast %get3A_4179 : i32 to index
      %get3A_4181 = arith.constant 0 : index
      %get3A_4182 = tpu.vector_load %arg17[%get3A_4180, %get3A_4181] {strides = array<i32>} : memref<16x48xf32, #tpu.memory_space<vmem>>, vector<1x16xf32>,
      %get3A_4183 = vector.shape_cast %get3A_4182 : vector<1x16xf32> to vector<16xf32>
      %add3A_4184 = arith.addf %add3A_4166, %get3A_4183 : vector<16xf32>
      %get3A_4185 = arith.constant 9 : i32
      %get3A_4186 = arith.index_cast %get3A_4185 : i32 to index
      %get3A_4187 = arith.constant 16 : index
      %get3A_4188 = tpu.vector_load %arg17[%get3A_4186, %get3A_4187] {strides = array<i32>} : memref<16x48xf32, #tpu.memory_space<vmem>>, vector<1x16xf32>,
      %get3A_4189 = vector.shape_cast %get3A_4188 : vector<1x16xf32> to vector<16xf32>
      %add3A_4190 = arith.addf %add3A_4172, %get3A_4189 : vector<16xf32>
      %get3A_4191 = arith.constant 9 : i32
      %get3A_4192 = arith.index_cast %get3A_4191 : i32 to index
      %get3A_4193 = arith.constant 32 : index
      %get3A_4194 = tpu.vector_load %arg17[%get3A_4192, %get3A_4193] {strides = array<i32>} : memref<16x48xf32, #tpu.memory_space<vmem>>, vector<1x16xf32>,
      %get3A_4195 = vector.shape_cast %get3A_4194 : vector<1x16xf32> to vector<16xf32>
      %add3A_4196 = arith.addf %add3A_4178, %get3A_4195 : vector<16xf32>
      %get3A_4197 = arith.constant 10 : i32
      %get3A_4198 = arith.index_cast %get3A_4197 : i32 to index
      %get3A_4199 = arith.constant 0 : index
      %get3A_4200 = tpu.vector_load %arg17[%get3A_4198, %get3A_4199] {strides = array<i32>} : memref<16x48xf32, #tpu.memory_space<vmem>>, vector<1x16xf32>,
      %get3A_4201 = vector.shape_cast %get3A_4200 : vector<1x16xf32> to vector<16xf32>
      %add3A_4202 = arith.addf %add3A_4184, %get3A_4201 : vector<16xf32>
      %get3A_4203 = arith.constant 10 : i32
      %get3A_4204 = arith.index_cast %get3A_4203 : i32 to index
      %get3A_4205 = arith.constant 16 : index
      %get3A_4206 = tpu.vector_load %arg17[%get3A_4204, %get3A_4205] {strides = array<i32>} : memref<16x48xf32, #tpu.memory_space<vmem>>, vector<1x16xf32>,
      %get3A_4207 = vector.shape_cast %get3A_4206 : vector<1x16xf32> to vector<16xf32>
      %add3A_4208 = arith.addf %add3A_4190, %get3A_4207 : vector<16xf32>
      %get3A_4209 = arith.constant 10 : i32
      %get3A_4210 = arith.index_cast %get3A_4209 : i32 to index
      %get3A_4211 = arith.constant 32 : index
      %get3A_4212 = tpu.vector_load %arg17[%get3A_4210, %get3A_4211] {strides = array<i32>} : memref<16x48xf32, #tpu.memory_space<vmem>>, vector<1x16xf32>,
      %get3A_4213 = vector.shape_cast %get3A_4212 : vector<1x16xf32> to vector<16xf32>
      %add3A_4214 = arith.addf %add3A_4196, %get3A_4213 : vector<16xf32>
      %get3A_4215 = arith.constant 11 : i32
      %get3A_4216 = arith.index_cast %get3A_4215 : i32 to index
      %get3A_4217 = arith.constant 0 : index
      %get3A_4218 = tpu.vector_load %arg17[%get3A_4216, %get3A_4217] {strides = array<i32>} : memref<16x48xf32, #tpu.memory_space<vmem>>, vector<1x16xf32>,
      %get3A_4219 = vector.shape_cast %get3A_4218 : vector<1x16xf32> to vector<16xf32>
      %add3A_4220 = arith.addf %add3A_4202, %get3A_4219 : vector<16xf32>
      %get3A_4221 = arith.constant 11 : i32
      %get3A_4222 = arith.index_cast %get3A_4221 : i32 to index
      %get3A_4223 = arith.constant 16 : index
      %get3A_4224 = tpu.vector_load %arg17[%get3A_4222, %get3A_4223] {strides = array<i32>} : memref<16x48xf32, #tpu.memory_space<vmem>>, vector<1x16xf32>,
      %get3A_4225 = vector.shape_cast %get3A_4224 : vector<1x16xf32> to vector<16xf32>
      %add3A_4226 = arith.addf %add3A_4208, %get3A_4225 : vector<16xf32>
      %get3A_4227 = arith.constant 11 : i32
      %get3A_4228 = arith.index_cast %get3A_4227 : i32 to index
      %get3A_4229 = arith.constant 32 : index
      %get3A_4230 = tpu.vector_load %arg17[%get3A_4228, %get3A_4229] {strides = array<i32>} : memref<16x48xf32, #tpu.memory_space<vmem>>, vector<1x16xf32>,
      %get3A_4231 = vector.shape_cast %get3A_4230 : vector<1x16xf32> to vector<16xf32>
      %add3A_4232 = arith.addf %add3A_4214, %get3A_4231 : vector<16xf32>
      %get3A_4233 = arith.constant 12 : i32
      %get3A_4234 = arith.index_cast %get3A_4233 : i32 to index
      %get3A_4235 = arith.constant 0 : index
      %get3A_4236 = tpu.vector_load %arg17[%get3A_4234, %get3A_4235] {strides = array<i32>} : memref<16x48xf32, #tpu.memory_space<vmem>>, vector<1x16xf32>,
      %get3A_4237 = vector.shape_cast %get3A_4236 : vector<1x16xf32> to vector<16xf32>
      %add3A_4238 = arith.addf %add3A_4220, %get3A_4237 : vector<16xf32>
      %get3A_4239 = arith.constant 12 : i32
      %get3A_4240 = arith.index_cast %get3A_4239 : i32 to index
      %get3A_4241 = arith.constant 16 : index
      %get3A_4242 = tpu.vector_load %arg17[%get3A_4240, %get3A_4241] {strides = array<i32>} : memref<16x48xf32, #tpu.memory_space<vmem>>, vector<1x16xf32>,
      %get3A_4243 = vector.shape_cast %get3A_4242 : vector<1x16xf32> to vector<16xf32>
      %add3A_4244 = arith.addf %add3A_4226, %get3A_4243 : vector<16xf32>
      %get3A_4245 = arith.constant 12 : i32
      %get3A_4246 = arith.index_cast %get3A_4245 : i32 to index
      %get3A_4247 = arith.constant 32 : index
      %get3A_4248 = tpu.vector_load %arg17[%get3A_4246, %get3A_4247] {strides = array<i32>} : memref<16x48xf32, #tpu.memory_space<vmem>>, vector<1x16xf32>,
      %get3A_4249 = vector.shape_cast %get3A_4248 : vector<1x16xf32> to vector<16xf32>
      %add3A_4250 = arith.addf %add3A_4232, %get3A_4249 : vector<16xf32>
      %get3A_4251 = arith.constant 13 : i32
      %get3A_4252 = arith.index_cast %get3A_4251 : i32 to index
      %get3A_4253 = arith.constant 0 : index
      %get3A_4254 = tpu.vector_load %arg17[%get3A_4252, %get3A_4253] {strides = array<i32>} : memref<16x48xf32, #tpu.memory_space<vmem>>, vector<1x16xf32>,
      %get3A_4255 = vector.shape_cast %get3A_4254 : vector<1x16xf32> to vector<16xf32>
      %add3A_4256 = arith.addf %add3A_4238, %get3A_4255 : vector<16xf32>
      %get3A_4257 = arith.constant 13 : i32
      %get3A_4258 = arith.index_cast %get3A_4257 : i32 to index
      %get3A_4259 = arith.constant 16 : index
      %get3A_4260 = tpu.vector_load %arg17[%get3A_4258, %get3A_4259] {strides = array<i32>} : memref<16x48xf32, #tpu.memory_space<vmem>>, vector<1x16xf32>,
      %get3A_4261 = vector.shape_cast %get3A_4260 : vector<1x16xf32> to vector<16xf32>
      %add3A_4262 = arith.addf %add3A_4244, %get3A_4261 : vector<16xf32>
      %get3A_4263 = arith.constant 13 : i32
      %get3A_4264 = arith.index_cast %get3A_4263 : i32 to index
      %get3A_4265 = arith.constant 32 : index
      %get3A_4266 = tpu.vector_load %arg17[%get3A_4264, %get3A_4265] {strides = array<i32>} : memref<16x48xf32, #tpu.memory_space<vmem>>, vector<1x16xf32>,
      %get3A_4267 = vector.shape_cast %get3A_4266 : vector<1x16xf32> to vector<16xf32>
      %add3A_4268 = arith.addf %add3A_4250, %get3A_4267 : vector<16xf32>
      %get3A_4269 = arith.constant 14 : i32
      %get3A_4270 = arith.index_cast %get3A_4269 : i32 to index
      %get3A_4271 = arith.constant 0 : index
      %get3A_4272 = tpu.vector_load %arg17[%get3A_4270, %get3A_4271] {strides = array<i32>} : memref<16x48xf32, #tpu.memory_space<vmem>>, vector<1x16xf32>,
      %get3A_4273 = vector.shape_cast %get3A_4272 : vector<1x16xf32> to vector<16xf32>
      %add3A_4274 = arith.addf %add3A_4256, %get3A_4273 : vector<16xf32>
      %get3A_4275 = arith.constant 14 : i32
      %get3A_4276 = arith.index_cast %get3A_4275 : i32 to index
      %get3A_4277 = arith.constant 16 : index
      %get3A_4278 = tpu.vector_load %arg17[%get3A_4276, %get3A_4277] {strides = array<i32>} : memref<16x48xf32, #tpu.memory_space<vmem>>, vector<1x16xf32>,
      %get3A_4279 = vector.shape_cast %get3A_4278 : vector<1x16xf32> to vector<16xf32>
      %add3A_4280 = arith.addf %add3A_4262, %get3A_4279 : vector<16xf32>
      %get3A_4281 = arith.constant 14 : i32
      %get3A_4282 = arith.index_cast %get3A_4281 : i32 to index
      %get3A_4283 = arith.constant 32 : index
      %get3A_4284 = tpu.vector_load %arg17[%get3A_4282, %get3A_4283] {strides = array<i32>} : memref<16x48xf32, #tpu.memory_space<vmem>>, vector<1x16xf32>,
      %get3A_4285 = vector.shape_cast %get3A_4284 : vector<1x16xf32> to vector<16xf32>
      %add3A_4286 = arith.addf %add3A_4268, %get3A_4285 : vector<16xf32>
      %get3A_4287 = arith.constant 15 : i32
      %get3A_4288 = arith.index_cast %get3A_4287 : i32 to index
      %get3A_4289 = arith.constant 0 : index
      %get3A_4290 = tpu.vector_load %arg17[%get3A_4288, %get3A_4289] {strides = array<i32>} : memref<16x48xf32, #tpu.memory_space<vmem>>, vector<1x16xf32>,
      %get3A_4291 = vector.shape_cast %get3A_4290 : vector<1x16xf32> to vector<16xf32>
      %add3A_4292 = arith.addf %add3A_4274, %get3A_4291 : vector<16xf32>
      %get3A_4293 = arith.constant 15 : i32
      %get3A_4294 = arith.index_cast %get3A_4293 : i32 to index
      %get3A_4295 = arith.constant 16 : index
      %get3A_4296 = tpu.vector_load %arg17[%get3A_4294, %get3A_4295] {strides = array<i32>} : memref<16x48xf32, #tpu.memory_space<vmem>>, vector<1x16xf32>,
      %get3A_4297 = vector.shape_cast %get3A_4296 : vector<1x16xf32> to vector<16xf32>
      %add3A_4298 = arith.addf %add3A_4280, %get3A_4297 : vector<16xf32>
      %get3A_4299 = arith.constant 15 : i32
      %get3A_4300 = arith.index_cast %get3A_4299 : i32 to index
      %get3A_4301 = arith.constant 32 : index
      %get3A_4302 = tpu.vector_load %arg17[%get3A_4300, %get3A_4301] {strides = array<i32>} : memref<16x48xf32, #tpu.memory_space<vmem>>, vector<1x16xf32>,
      %get3A_4303 = vector.shape_cast %get3A_4302 : vector<1x16xf32> to vector<16xf32>
      %add3A_4304 = arith.addf %add3A_4286, %get3A_4303 : vector<16xf32>
      %iota3A = tpu.iota {dimensions = array<i32: 0>} : vector<16xi32>
      %xor3A = arith.constant 8 : i32
      %xor3A_4305 = vector.broadcast %xor3A : i32 to vector<16xi32>
      %xor3A_4306 = arith.xori %iota3A, %xor3A_4305 : vector<16xi32>
      %broadcast_in_dim3A_4307 = vector.shape_cast %xor3A_4306 : vector<16xi32> to vector<16x1xi32>
      %gather3A = vector.shape_cast %broadcast_in_dim3A_4307 : vector<16x1xi32> to vector<16xi32>
      %gather3A_4308 = tpu.dynamic_gather %add3A_4304[%gather3A] in [0] : vector<16xf32>, vector<16xi32> -> vector<16xf32>
      %add3A_4309 = arith.addf %add3A_4304, %gather3A_4308 : vector<16xf32>
      %xor3A_4310 = arith.constant 4 : i32
      %xor3A_4311 = vector.broadcast %xor3A_4310 : i32 to vector<16xi32>
      %xor3A_4312 = arith.xori %iota3A, %xor3A_4311 : vector<16xi32>
      %broadcast_in_dim3A_4313 = vector.shape_cast %xor3A_4312 : vector<16xi32> to vector<16x1xi32>
      %gather3A_4314 = vector.shape_cast %broadcast_in_dim3A_4313 : vector<16x1xi32> to vector<16xi32>
      %gather3A_4315 = tpu.dynamic_gather %add3A_4309[%gather3A_4314] in [0] : vector<16xf32>, vector<16xi32> -> vector<16xf32>
      %add3A_4316 = arith.addf %add3A_4309, %gather3A_4315 : vector<16xf32>
      %xor3A_4317 = arith.constant 2 : i32
      %xor3A_4318 = vector.broadcast %xor3A_4317 : i32 to vector<16xi32>
      %xor3A_4319 = arith.xori %iota3A, %xor3A_4318 : vector<16xi32>
      %broadcast_in_dim3A_4320 = vector.shape_cast %xor3A_4319 : vector<16xi32> to vector<16x1xi32>
      %gather3A_4321 = vector.shape_cast %broadcast_in_dim3A_4320 : vector<16x1xi32> to vector<16xi32>
      %gather3A_4322 = tpu.dynamic_gather %add3A_4316[%gather3A_4321] in [0] : vector<16xf32>, vector<16xi32> -> vector<16xf32>
      %add3A_4323 = arith.addf %add3A_4316, %gather3A_4322 : vector<16xf32>
      %xor3A_4324 = arith.constant 1 : i32
      %xor3A_4325 = vector.broadcast %xor3A_4324 : i32 to vector<16xi32>
      %xor3A_4326 = arith.xori %iota3A, %xor3A_4325 : vector<16xi32>
      %broadcast_in_dim3A_4327 = vector.shape_cast %xor3A_4326 : vector<16xi32> to vector<16x1xi32>
      %gather3A_4328 = vector.shape_cast %broadcast_in_dim3A_4327 : vector<16x1xi32> to vector<16xi32>
      %gather3A_4329 = tpu.dynamic_gather %add3A_4323[%gather3A_4328] in [0] : vector<16xf32>, vector<16xi32> -> vector<16xf32>
      %add3A_4330 = arith.addf %add3A_4323, %gather3A_4329 : vector<16xf32>
      %add3A_4331 = arith.constant 9.99999974E-5 : f32
      %add3A_4332 = vector.broadcast %add3A_4331 : f32 to vector<16xf32>
      %add3A_4333 = arith.addf %add3A_4330, %add3A_4332 : vector<16xf32>
      %xor3A_4334 = arith.constant 8 : i32
      %xor3A_4335 = vector.broadcast %xor3A_4334 : i32 to vector<16xi32>
      %xor3A_4336 = arith.xori %iota3A, %xor3A_4335 : vector<16xi32>
      %broadcast_in_dim3A_4337 = vector.shape_cast %xor3A_4336 : vector<16xi32> to vector<16x1xi32>
      %gather3A_4338 = vector.shape_cast %broadcast_in_dim3A_4337 : vector<16x1xi32> to vector<16xi32>
      %gather3A_4339 = tpu.dynamic_gather %add3A_4292[%gather3A_4338] in [0] : vector<16xf32>, vector<16xi32> -> vector<16xf32>
      %add3A_4340 = arith.addf %add3A_4292, %gather3A_4339 : vector<16xf32>
      %xor3A_4341 = arith.constant 4 : i32
      %xor3A_4342 = vector.broadcast %xor3A_4341 : i32 to vector<16xi32>
      %xor3A_4343 = arith.xori %iota3A, %xor3A_4342 : vector<16xi32>
      %broadcast_in_dim3A_4344 = vector.shape_cast %xor3A_4343 : vector<16xi32> to vector<16x1xi32>
      %gather3A_4345 = vector.shape_cast %broadcast_in_dim3A_4344 : vector<16x1xi32> to vector<16xi32>
      %gather3A_4346 = tpu.dynamic_gather %add3A_4340[%gather3A_4345] in [0] : vector<16xf32>, vector<16xi32> -> vector<16xf32>
      %add3A_4347 = arith.addf %add3A_4340, %gather3A_4346 : vector<16xf32>
      %xor3A_4348 = arith.constant 2 : i32
      %xor3A_4349 = vector.broadcast %xor3A_4348 : i32 to vector<16xi32>
      %xor3A_4350 = arith.xori %iota3A, %xor3A_4349 : vector<16xi32>
      %broadcast_in_dim3A_4351 = vector.shape_cast %xor3A_4350 : vector<16xi32> to vector<16x1xi32>
      %gather3A_4352 = vector.shape_cast %broadcast_in_dim3A_4351 : vector<16x1xi32> to vector<16xi32>
      %gather3A_4353 = tpu.dynamic_gather %add3A_4347[%gather3A_4352] in [0] : vector<16xf32>, vector<16xi32> -> vector<16xf32>
      %add3A_4354 = arith.addf %add3A_4347, %gather3A_4353 : vector<16xf32>
      %xor3A_4355 = arith.constant 1 : i32
      %xor3A_4356 = vector.broadcast %xor3A_4355 : i32 to vector<16xi32>
      %xor3A_4357 = arith.xori %iota3A, %xor3A_4356 : vector<16xi32>
      %broadcast_in_dim3A_4358 = vector.shape_cast %xor3A_4357 : vector<16xi32> to vector<16x1xi32>
      %gather3A_4359 = vector.shape_cast %broadcast_in_dim3A_4358 : vector<16x1xi32> to vector<16xi32>
      %gather3A_4360 = tpu.dynamic_gather %add3A_4354[%gather3A_4359] in [0] : vector<16xf32>, vector<16xi32> -> vector<16xf32>
      %add3A_4361 = arith.addf %add3A_4354, %gather3A_4360 : vector<16xf32>
      %div3A = arith.divf %add3A_4361, %add3A_4333 : vector<16xf32>
      %xor3A_4362 = arith.constant 8 : i32
      %xor3A_4363 = vector.broadcast %xor3A_4362 : i32 to vector<16xi32>
      %xor3A_4364 = arith.xori %iota3A, %xor3A_4363 : vector<16xi32>
      %broadcast_in_dim3A_4365 = vector.shape_cast %xor3A_4364 : vector<16xi32> to vector<16x1xi32>
      %gather3A_4366 = vector.shape_cast %broadcast_in_dim3A_4365 : vector<16x1xi32> to vector<16xi32>
      %gather3A_4367 = tpu.dynamic_gather %add3A_4298[%gather3A_4366] in [0] : vector<16xf32>, vector<16xi32> -> vector<16xf32>
      %add3A_4368 = arith.addf %add3A_4298, %gather3A_4367 : vector<16xf32>
      %xor3A_4369 = arith.constant 4 : i32
      %xor3A_4370 = vector.broadcast %xor3A_4369 : i32 to vector<16xi32>
      %xor3A_4371 = arith.xori %iota3A, %xor3A_4370 : vector<16xi32>
      %broadcast_in_dim3A_4372 = vector.shape_cast %xor3A_4371 : vector<16xi32> to vector<16x1xi32>
      %gather3A_4373 = vector.shape_cast %broadcast_in_dim3A_4372 : vector<16x1xi32> to vector<16xi32>
      %gather3A_4374 = tpu.dynamic_gather %add3A_4368[%gather3A_4373] in [0] : vector<16xf32>, vector<16xi32> -> vector<16xf32>
      %add3A_4375 = arith.addf %add3A_4368, %gather3A_4374 : vector<16xf32>
      %xor3A_4376 = arith.constant 2 : i32
      %xor3A_4377 = vector.broadcast %xor3A_4376 : i32 to vector<16xi32>
      %xor3A_4378 = arith.xori %iota3A, %xor3A_4377 : vector<16xi32>
      %broadcast_in_dim3A_4379 = vector.shape_cast %xor3A_4378 : vector<16xi32> to vector<16x1xi32>
      %gather3A_4380 = vector.shape_cast %broadcast_in_dim3A_4379 : vector<16x1xi32> to vector<16xi32>
      %gather3A_4381 = tpu.dynamic_gather %add3A_4375[%gather3A_4380] in [0] : vector<16xf32>, vector<16xi32> -> vector<16xf32>
      %add3A_4382 = arith.addf %add3A_4375, %gather3A_4381 : vector<16xf32>
      %xor3A_4383 = arith.constant 1 : i32
      %xor3A_4384 = vector.broadcast %xor3A_4383 : i32 to vector<16xi32>
      %xor3A_4385 = arith.xori %iota3A, %xor3A_4384 : vector<16xi32>
      %broadcast_in_dim3A_4386 = vector.shape_cast %xor3A_4385 : vector<16xi32> to vector<16x1xi32>
      %gather3A_4387 = vector.shape_cast %broadcast_in_dim3A_4386 : vector<16x1xi32> to vector<16xi32>
      %gather3A_4388 = tpu.dynamic_gather %add3A_4382[%gather3A_4387] in [0] : vector<16xf32>, vector<16xi32> -> vector<16xf32>
      %add3A_4389 = arith.addf %add3A_4382, %gather3A_4388 : vector<16xf32>
      %div3A_4390 = arith.divf %add3A_4389, %add3A_4333 : vector<16xf32>
      %eq3A_4391 = arith.constant 0 : i32
      %eq3A_4392 = vector.broadcast %eq3A_4391 : i32 to vector<16xi32>
      %eq3A_4393 = arith.cmpi eq, %iota3A, %eq3A_4392 : vector<16xi32>
      %eq3A_4394 = arith.constant 1 : i32
      %eq3A_4395 = vector.broadcast %eq3A_4394 : i32 to vector<16xi32>
      %eq3A_4396 = arith.cmpi eq, %iota3A, %eq3A_4395 : vector<16xi32>
      %jit3A_4397 = arith.constant 0.000000e+00 : f32
      %broadcast_in_dim3A_4398 = vector.broadcast %jit3A_4397 : f32 to vector<16xf32>
      %select_n3A_4399 = arith.select %eq3A_4396, %div3A_4390, %broadcast_in_dim3A_4398 : vector<16xi1>, vector<16xf32>
      %select_n3A_4400 = arith.select %eq3A_4393, %div3A, %select_n3A_4399 : vector<16xi1>, vector<16xf32>
      %swap3A_4401 = arith.constant 0 : index
      %swap3A_4402 = tpu.vector_load %arg18[%swap3A_4401] {strides = array<i32>} : memref<16xf32, #tpu.memory_space<vmem>>, vector<16xf32>,
      %swap3A_4403 = vector.shape_cast %swap3A_4402 : vector<16xf32> to vector<16xf32>
      %swap3A_4404 = vector.shape_cast %select_n3A_4400 : vector<16xf32> to vector<16xf32>
      tpu.vector_store %arg18[%swap3A_4401], %swap3A_4404 {strides = array<i32>} : memref<16xf32, #tpu.memory_space<vmem>>, vector<16xf32>,
      "tpu.region"() ({
        %run_scoped3A_4405 = tpu.sem_alloc : memref<!tpu.dma_semaphore, #tpu.memory_space<semaphore_mem>>
        tpu.enqueue_dma source(%arg18 : memref<16xf32, #tpu.memory_space<vmem>>) target(%arg6 : memref<16xf32, #tpu.memory_space<hbm>>) target_semaphore(%run_scoped3A_4405 : memref<!tpu.dma_semaphore, #tpu.memory_space<semaphore_mem>>)
        tpu.wait_dma2 semaphore(%run_scoped3A_4405 : memref<!tpu.dma_semaphore, #tpu.memory_space<semaphore_mem>>) src(%arg18 : memref<16xf32, #tpu.memory_space<vmem>>) dst(%arg6 : memref<16xf32, #tpu.memory_space<hbm>>)
        tpu.yield
      }) : () -> ()
    } else {
    }
    return
  }
}

</mosaic_0001>

<sc_bundles>
// kernel: kernel.3.cloned.1.call-start
scs
__scs_entry_jumppad:
0x0: {  	(pc) =	sbr.rel $0x88, $3  }
0x1: {  	(tag) =	ssettag $0x0;
	lr =	simm.s32 $0x1  }
0x2: {  	[smem:$0x3F9C] =	sst lr;
	_ =	strace $0xD0000000  }
0x3: {  	_ = 	snop  }
0x4: {  	_ = 	snop  }
0x5: {  	_ = 	snop  }
0x6: {  	_ = 	snop  }
0x7: {  	_ = 	snop  }
__scs_overlays_trampoline_lowered:
0x8: {  	[smem:$0x3FAB] =	sst s0  }
0x9: {  	[smem:$0x3FAC] =	sst s1  }
0xa: {  	[smem:$0x3FAD] =	sst s2  }
0xb: {  	[smem:$0x3FAE] =	sst s3  }
0xc: {  	[smem:$0x3FAF] =	sst s4  }
0xd: {  	[smem:$0x3FB0] =	sst s5  }
0xe: {  	[smem:$0x3FB1] =	sst s6  }
0xf: {  	[smem:$0x3FB2] =	sst s7  }
0x10: {  	[smem:$0x3FB3] =	sst s8  }
0x11: {  	[smem:$0x3FB4] =	sst s9;
	s0 =	simm.s32 @!p0 $0x0  }
0x12: {  	s1 =	sld [smem:$0x3F9A];
	s0 =	simm.s32 @p0 $0x1  }
0x13: {  	[smem:$0x3FB5] =	sst s0;
	s0 =	simm.s32 @!p1 $0x0  }
0x14: {  	s2 =	sld [smem:$0x3F99];
	s0 =	simm.s32 @p1 $0x1  }
0x15: {  	[smem:$0x3FB6] =	sst s0;
	s0 =	simm.s32 @!p2 $0x0  }
0x16: {  	s3 =	sld [smem:$0x3FDB];
	s0 =	simm.s32 @p2 $0x1  }
0x17: {  	s4 =	simm.s32 $0x1BF5;
	[smem:$0x3FB8] =	sst s0  }
0x18: {  	s0 =	sld [smem:$0x3F9B];
	_ =	swait.ge [sflag:s4], $0x0  }
0x19: {  	s7 =	sld [smem:$0x3F9C]  }
0x1a: {  	s8 =	sadd.s32 $0xFFFFE003, lr  }
0x1b: {  	s9 =	sadd.s32 $0xFFFFFEF7, lr;
	s5 =	simm.s32 $0xFFFFFFFF;
	p2 =	slt.u32 s8, $0xFFFFF086  }
0x1c: {  	p1 =	slt.u32 s9, $0xF7A;
	s5 =	simm.s32 @!p2 $0x0  }
0x1d: {  	s5 =	simm.s32 @p1 $0x1;
	p0 =	seq.s32 s7, s2  }
0x1e: {  	s7 =	smul.u32 @!p0 $0xF7A, s2;
	p2 =	seq.s32 @!p0 s5, $0x0  }
0x1f: {  	s9 =	smul.u32 $0xF7A, s1;
	s8 =	simm.s32 @!p0 $0x1BF5;
	p2 =	por !p2, p0  }
0x20: {  	[sflag:s8] =	ssyncset.s32 @!p0 $0xFFFFF086;
	s6 =	sadd.s32 @!p0 s3, s7;
	s7 =	simm.s32 @!p0 $0x108  }
0x21: {  	s3 =	sadd.s32 s3, s9;
	s6 =	sadd.s32 @!p0 $0x88, s6;
	s7 =	simm.s32 @p2 $0x1082  }
0x22: {  	[simem:s7], [sflag:s8] =	dma.local @!p0 [hbm:s6], $0xF7A  }
0x23: {  	s9 =	sor.u32 $0xD0000000, s2;
	s6 =	simm.s32 $0x108;
	_ =	swait.ge @!p0 [sflag:s8], $0x0  }
0x24: {  	s3 =	sadd.s32 $0x88, s3;
	s6 =	simm.s32 @!p1 $0x1082;
	[sflag:s4] =	ssyncset.s32 $0xFFFFF086  }
0x25: {  	[simem:s6], [sflag:s4] =	dma.local [hbm:s3], $0xF7A  }
0x26: {  	[smem:$0x3F9C] =	sst s1;
	(tag) =	ssettag s2;
	_ =	strace s9  }
0x27: {  	s1 =	sld [smem:$0x3FAC]  }
0x28: {  	s2 =	sld [smem:$0x3FAD]  }
0x29: {  	s4 =	sld [smem:$0x3FAF]  }
0x2a: {  	p0 =	seq.s32 s5, $0x0;
	s5 =	sld [smem:$0x3FB0]  }
0x2b: {  	s6 =	sld [smem:$0x3FB1]  }
0x2c: {  	s7 =	sld [smem:$0x3FB2]  }
0x2d: {  	s3 =	simm.s32 $0x108;
	s8 =	sld [smem:$0x3FB3]  }
0x2e: {  	s3 =	simm.s32 @!p0 $0x1082;
	s9 =	sld [smem:$0x3FB4]  }
0x2f: {  	lr =	sadd.s32 s0, s3;
	s0 =	sld [smem:$0x3FAB]  }
0x30: {  	s3 =	sld [smem:$0x3FAE]  }
0x31: {  	[smem:$0x3FB7] =	sst s10  }
0x32: {  	s10 =	sld [smem:$0x3FB5];
	_ =	sdelay $0x3  }
0x33: {  	p0 =	seq.s32 s10, $0x1;
	s10 =	sld [smem:$0x3FB7];
	_ =	sdelay $0x3  }
0x34: {  	[smem:$0x3FB7] =	sst s10  }
0x35: {  	s10 =	sld [smem:$0x3FB6];
	_ =	sdelay $0x3  }
0x36: {  	p1 =	seq.s32 s10, $0x1;
	s10 =	sld [smem:$0x3FB7];
	_ =	sdelay $0x3  }
0x37: {  	[smem:$0x3FB7] =	sst s10  }
0x38: {  	s10 =	sld [smem:$0x3FB8]  }
0x39: {  	_ = 	snop;
	(pc) =	sbr.ind lr, $3  }
0x3a: {  	_ = 	snop  }
0x3b: {  	_ = 	snop  }
0x3c: {  	p2 =	seq.s32 s10, $0x1;
	s10 =	sld [smem:$0x3FB7]  }
0x3d: {  	_ =	shalt  }
0x3e: {  	_ =	shalt  }
0x3f: {  	_ =	shalt  }
0x40: {  	_ =	shalt  }
0x41: {  	_ =	shalt  }
0x42: {  	_ =	shalt  }
0x43: {  	_ =	shalt  }
0x44: {  	_ =	shalt  }
0x45: {  	_ =	shalt  }
0x46: {  	_ =	shalt  }
0x47: {  	_ =	shalt  }
0x48: {  	_ =	shalt  }
0x49: {  	_ =	shalt  }
0x4a: {  	_ =	shalt  }
0x4b: {  	_ =	shalt  }
0x4c: {  	_ =	shalt  }
0x4d: {  	_ =	shalt  }
0x4e: {  	_ =	shalt  }
0x4f: {  	_ =	shalt  }
0x50: {  	_ =	shalt  }
0x51: {  	_ =	shalt  }
0x52: {  	_ =	shalt  }
0x53: {  	_ =	shalt  }
0x54: {  	_ =	shalt  }
0x55: {  	_ =	shalt  }
0x56: {  	_ =	shalt  }
0x57: {  	_ =	shalt  }
0x58: {  	_ =	shalt  }
0x59: {  	_ =	shalt  }
0x5a: {  	_ =	shalt  }
0x5b: {  	_ =	shalt  }
0x5c: {  	_ =	shalt  }
0x5d: {  	_ =	shalt  }
0x5e: {  	_ =	shalt  }
0x5f: {  	_ =	shalt  }
0x60: {  	_ =	shalt  }
0x61: {  	_ =	shalt  }
0x62: {  	_ =	shalt  }
0x63: {  	_ =	shalt  }
0x64: {  	_ =	shalt  }
0x65: {  	_ =	shalt  }
0x66: {  	_ =	shalt  }
0x67: {  	_ =	shalt  }
0x68: {  	_ =	shalt  }
0x69: {  	_ =	shalt  }
0x6a: {  	_ =	shalt  }
0x6b: {  	_ =	shalt  }
0x6c: {  	_ =	shalt  }
0x6d: {  	_ =	shalt  }
0x6e: {  	_ =	shalt  }
0x6f: {  	_ =	shalt  }
0x70: {  	_ =	shalt  }
0x71: {  	_ =	shalt  }
0x72: {  	_ =	shalt  }
0x73: {  	_ =	shalt  }
0x74: {  	_ =	shalt  }
0x75: {  	_ =	shalt  }
0x76: {  	_ =	shalt  }
0x77: {  	_ =	shalt  }
0x78: {  	_ =	shalt  }
0x79: {  	_ =	shalt  }
0x7a: {  	_ =	shalt  }
0x7b: {  	_ =	shalt  }
0x7c: {  	_ =	shalt  }
0x7d: {  	_ =	shalt  }
0x7e: {  	_ =	shalt  }
0x7f: {  	_ =	shalt  }
0x80: {  	_ =	shalt  }
0x81: {  	_ =	shalt  }
0x82: {  	_ =	shalt  }
0x83: {  	_ =	shalt  }
0x84: {  	_ =	shalt  }
0x85: {  	_ =	shalt  }
0x86: {  	_ =	shalt  }
0x87: {  	_ =	shalt  }
.Lfunc_end0:
.L_simem_size_0:
called_computation_lowered:
.L_overlay_start_0:
0x88: {  	s0 =	sld [smem:$0x3FD9]  }
0x89: {  	s1 =	sld [smem:$0x3FFE];
	_ =	sdelay $0x3  }
0x8a: {  	s0 =	sadd.s32 s1, s0  }
0x8b: {  	[smem:$0x3FC3] =	sst s0  }
0x8c: {  	_ = 	snop  }
0x8d: {  	s0 =	sld [smem:$0x3FC9];
	(tm) =	ssettm $0x1  }
0x8e: {  	s16 =	sld [smem:$0x3FFB];
	_ =	sdelay $0x3  }
0x8f: {  	_ =	strace s16  }
0x90: {  	s1 =	sld [smem:$0x3FFC];
	_ =	sdelay $0x3  }
0x91: {  	_ =	strace s1  }
0x92: {  	s1 =	sld [smem:$0x3FFD];
	_ =	sdelay $0x3  }
0x93: {  	_ =	strace s1  }
0x94: {  	_ =	strace $0x8FFFFFFF  }
0x95: {  	s17 =	sld [smem:$0x3FDB];
	_ =	sdelay $0x1  }
0x96: {  	s2 =	simm.s32 $_scs_section_size  }
0x97: {  	s3 =	simm.s32 $_size__tile_overlayer_lowered;
	s4 =	simm.s32 $_tile_overlayer_lowered  }
0x98: {  	s20 =	simm.s32 $0x1BFF;
	s19 =	sshll.u32 s4, $0x1;
	s1 =	sadd.s32 s2, s17  }
0x99: {  	s5 =	simm.s32 $0x0;
	s18 =	sshll.u32 s3, $0x1;
	s3 =	sadd.s32 s19, s1  }
0x9a: {  	[timem:s5], [sflag:s20] =	dma.local [hbm:s3], s18  }
0x9b: {  	_ =	swait.ge [sflag:s20], s18  }
0x9c: {  	s2 =	ssub.s32 $0x0, s18;
	[sflag:s20] =	ssyncset.done $0x0  }
0x9d: {  	[sflag:s20] =	ssyncadd.s32 s2;
	_ =	sdelay $0x1  }
0x9e: {  	s21 =	simm.s32 $0x1B8B  }
0x9f: {  	_ =	swait.ge [sflag:s21], $0x1  }
0xa0: {  	[sflag:s21] =	ssyncset.done $0x0  }
0xa1: {  	s23 =	simm.s32 $0x1B8E;
	s22 =	sld [smem:$0x3FFE];
	[sflag:s21] =	ssyncadd.s32 $0xFFFFFFFF  }
0xa2: {  	s24 =	simm.s32 $execute0_lowered;
	[smem:$0x3FD2] =	sst s23  }
0xa3: {  	s3 =	sshll.u32 s24, $0x1;
	_ =	strace $0x80000046;
	[dreg:$0x1] =	wrdreg $0xFFFFFFFF  }
0xa4: {  	s25 =	simm.s32 $_size_execute0_lowered;
	s1 =	sadd.s32 s1, s3;
	[dreg:$0x0] =	wrdreg $0x0  }
0xa5: {  	s3 =	sshll.u32 s25, $0x1;
	[dreg:$0x2] =	wrdreg s1  }
0xa6: {  	[dreg:$0x3] =	wrdreg s3  }
0xa7: {  	[dreg:$0x4] =	wrdreg $0xC0  }
0xa8: {  	_ =	task [dreg:s5], $0x5FFFF  }
0xa9: {  	[dreg:$0x1] =	wrdreg $0xFFFFFFFF  }
0xaa: {  	[dreg:$0x0] =	wrdreg $0x60  }
0xab: {  	[dreg:$0x2] =	wrdreg s0  }
0xac: {  	[dreg:$0x3] =	wrdreg s22  }
0xad: {  	[dreg:$0x4] =	wrdreg $0x9  }
0xae: {  	_ =	task.clear_ibuf [dreg:s5], $0x5FFFF;
	_ =	strace $0x90000046  }
0xaf: {  	s26 =	simm.s32 $0x9;
	_ =	strace $0x80000048  }
0xb0: {  	_ =	swait.ge [sflag:s26], $0x1  }
0xb1: {  	[sflag:s26] =	ssyncadd.s32 $0xFFFFFFFF  }
0xb2: {  	_ =	strace $0x90000048  }
0xb3: {  	_ =	sfence  }
0xb4: {  	s28 =	sld [smem:$0x0];
	_ =	sdelay $0x1  }
0xb5: {  	s29 =	srdreg.scid  }
0xb6: {  	s30 =	sshll.u32 s29, $0xD;
	s31 =	sshrl.u32 s29, $0x2  }
0xb7: {  	s2 =	sand.u32 $0x4000, s30;
	s1 =	sand.u32 $0x1, s29;
	s0 =	sadd.s32 s31, s28  }
0xb8: {  	s1 =	sor.u32 s2, s1;
	s0 =	sshll.u32 s0, $0x11  }
0xb9: {  	s0 =	sor.u32 s0, s1  }
0xba: {  	s0 =	sadd.s32 $0x8F2B, s0  }
0xbb: {  	[sflag:s0] =	ssyncadd.remote.s32 $0x1  }
0xbc: {  	_ =	sfence.sel $0xFFFF  }
0xbd: {  	[dreg:$0x0] =	wrdreg $0xFFFFFFFF;
	(pc) =	sbr.abs _section_cstart, $3  }
0xbe: {  	[dreg:$0x1] =	wrdreg $0xFFFFFFFF  }
0xbf: {  	_ =	task.clear_ibuf [dreg:s5], $0x2FFFF;
	_ =	strace $0x9FFFFFFF  }
0xc0: {  	(tm) =	ssettm $0x7FFFFFFF  }
0xc1: {  	_ =	shalt  }
tec
execute0_lowered:
.L_overlay_start_1:
0x0: {  	(tag) =	ssettag $0x1  }
0x1: {  	s5 =	rddreg [dreg:$0x0];
	s4 =	stileid.u32  }
0x2: {  	s1 =	rddreg [dreg:$0x1];
	s2 =	simm.s32 $0x0;
	s3 =	sshll.u32 s4, $0x6  }
0x3: {  	[smem:$0x7FF] =	sst s2;
	s6 =	sadd.s32 s3, s1  }
0x4: {  	s0 =	rddreg [dreg:$0x2];
	_ =	strace $0x80000047;
	s3 =	sadd.s32 $0x1000, s6  }
0x5: {  	[tilespmem:s2], [sflag:$0x2] =	stream.linear.gather [hbm4b:s3+s2], $0x200, $0x38;
	[tilespmem:$0x1900] =	vst v63  }
0x6: {  	s3 =	simm.s32 $0x2  }
0x7: {  	s7 =	sshll.u32 s4, $0x7;
	_ =	swait.ge [sflag:s3], $0x200  }
0x8: {  	s7 =	sadd.s32 s7, s1;
	[sflag:s3] =	ssyncset.done $0x0  }
0x9: {  	s9 =	simm.s32 $0xA00;
	s8 =	sadd.s32 $0x800, s7;
	[sflag:s3] =	ssyncadd.s32 $0xFFFFFE00  }
0xa: {  	[tilespmem:s9], [sflag:$0x2] =	stream.linear.gather [hbm4b:s8+s2], $0x200, $0x38;
	[tilespmem:$0x1900] =	vst v63  }
0xb: {  	_ =	swait.ge [sflag:s3], $0x200  }
0xc: {  	[sflag:s3] =	ssyncset.done $0x0  }
0xd: {  	s31 =	simm.s32 $0xC00;
	s7 =	sadd.s32 $0x840, s7;
	[sflag:s3] =	ssyncadd.s32 $0xFFFFFE00  }
0xe: {  	[tilespmem:s31], [sflag:$0x2] =	stream.linear.gather [hbm4b:s7+s2], $0x200, $0x38;
	[tilespmem:$0x1900] =	vst v63  }
0xf: {  	_ =	swait.ge [sflag:s3], $0x200  }
0x10: {  	[sflag:s3] =	ssyncset.done $0x0  }
0x11: {  	s6 =	sadd.s32 $0x1400, s6;
	s8 =	simm.s32 $0xE00;
	[sflag:s3] =	ssyncadd.s32 $0xFFFFFE00  }
0x12: {  	[tilespmem:s8], [sflag:$0x2] =	stream.linear.gather [hbm4b:s6+s2], $0x200, $0x38;
	[tilespmem:$0x1900] =	vst v63  }
0x13: {  	_ =	swait.ge [sflag:s3], $0x200  }
0x14: {  	[sflag:s3] =	ssyncset.done $0x0  }
0x15: {  	[sflag:s3] =	ssyncadd.s32 $0xFFFFFE00  }
0x16: {  	v0 =	vld [tilespmem:$0x0]  }
0x17: {  	v1 =	vld [tilespmem:$0x10]  }
0x18: {  	v4 =	vld [tilespmem:$0x20]  }
0x19: {  	v5 =	vld [tilespmem:$0x30]  }
0x1a: {  	v7 =	vld [tilespmem:$0x40]  }
0x1b: {  	v9 =	vld [tilespmem:$0x50];
	v2 =	vshll.u32 v0, $0x3;
	v3 =	vshrl.u32 v0, $0x2  }
0x1c: {  	v11 =	vld [tilespmem:$0x60];
	v0 =	vand.u32 $0xFFFFF07F, v0;
	v15 =	vshll.u32 v1, $0x3;
	v16 =	vshrl.u32 v1, $0x2  }
0x1d: {  	v13 =	vld [tilespmem:$0x70];
	v1 =	vand.u32 $0xFFFFF07F, v1;
	v17 =	vshll.u32 v4, $0x3;
	v18 =	vshrl.u32 v4, $0x2  }
0x1e: {  	v43 =	vld [tilespmem:$0xE0];
	v4 =	vand.u32 $0xFFFFF07F, v4;
	v19 =	vshll.u32 v5, $0x3;
	v20 =	vshrl.u32 v5, $0x2  }
0x1f: {  	v50 =	vld [tilespmem:$0xF0];
	v5 =	vand.u32 $0xFFFFF07F, v5;
	v21 =	vshll.u32 v7, $0x3;
	v22 =	vshrl.u32 v7, $0x2  }
0x20: {  	v7 =	vand.u32 $0xFFFFF07F, v7;
	v23 =	vshll.u32 v9, $0x3;
	v24 =	vshrl.u32 v9, $0x2  }
0x21: {  	v9 =	vand.u32 $0xFFFFF07F, v9;
	v25 =	vshll.u32 v11, $0x3;
	v26 =	vshrl.u32 v11, $0x2  }
0x22: {  	v11 =	vand.u32 $0xFFFFF07F, v11;
	v27 =	vshll.u32 v13, $0x3;
	v28 =	vshrl.u32 v13, $0x2  }
0x23: {  	v13 =	vand.u32 $0xFFFFF07F, v13;
	v53 =	vshll.u32 v43, $0x3;
	v55 =	vshrl.u32 v43, $0x2  }
0x24: {  	v56 =	vand.u32 $0xFFFFF07F, v43;
	v59 =	vshll.u32 v50, $0x3;
	v60 =	vshrl.u32 v50, $0x2  }
0x25: {  	v61 =	vand.u32 $0xFFFFF07F, v50;
	v2 =	vand.u32 $0xC00, v2;
	v3 =	vand.u32 $0x380, v3  }
0x26: {  	s9 =	sshll.u32 s4, $0x13;
	v54 =	vand.u32 $0xC00, v53;
	v0 =	vor.u32 v2, v0;
	v2 =	vand.u32 $0xC00, v15  }
0x27: {  	s10 =	sor.u32 $0x40000, s9;
	v0 =	vor.u32 v3, v0;
	v3 =	vand.u32 $0x380, v16;
	v1 =	vor.u32 v2, v1  }
0x28: {  	v15 =	vld [tilespmem:$0x80];
	v2 =	vand.u32 $0xC00, v17;
	v6 =	vadd.s32 s9, v0;
	v0 =	vadd.s32 s10, v0  }
0x29: {  	v1 =	vor.u32 v3, v1;
	v3 =	vand.u32 $0x380, v18;
	v2 =	vor.u32 v2, v4  }
0x2a: {  	v4 =	vand.u32 $0x380, v20;
	v8 =	vadd.s32 s9, v1;
	v2 =	vor.u32 v3, v2  }
0x2b: {  	v17 =	vld [tilespmem:$0x90];
	v1 =	vadd.s32 s10, v1;
	v3 =	vand.u32 $0xC00, v19;
	v10 =	vadd.s32 s9, v2  }
0x2c: {  	v3 =	vor.u32 v3, v5;
	v2 =	vadd.s32 s10, v2;
	v5 =	vand.u32 $0x380, v22  }
0x2d: {  	v3 =	vor.u32 v4, v3;
	v4 =	vand.u32 $0xC00, v21;
	v29 =	vshll.u32 v15, $0x3  }
0x2e: {  	v19 =	vld [tilespmem:$0xA0];
	v30 =	vshrl.u32 v15, $0x2;
	v15 =	vand.u32 $0xFFFFF07F, v15;
	v12 =	vadd.s32 s9, v3  }
0x2f: {  	v4 =	vor.u32 v4, v7;
	v3 =	vadd.s32 s10, v3;
	v7 =	vand.u32 $0x380, v24  }
0x30: {  	v57 =	vld [tilespmem:$0x100];
	v31 =	vshll.u32 v17, $0x3;
	v32 =	vshrl.u32 v17, $0x2;
	v17 =	vand.u32 $0xFFFFF07F, v17  }
0x31: {  	v4 =	vor.u32 v5, v4;
	v5 =	vand.u32 $0xC00, v23;
	[tilespmem:$0x430] =	vst v3;
	v3 =	vor.u32 v54, v56  }
0x32: {  	v50 =	vld [tilespmem:$0x160];
	[tilespmem:$0x230] =	vst v12;
	v12 =	vand.u32 $0x380, v55;
	v14 =	vadd.s32 s9, v4;
	v5 =	vor.u32 v5, v9  }
0x33: {  	v4 =	vadd.s32 s10, v4;
	v9 =	vand.u32 $0x380, v26;
	v33 =	vshll.u32 v19, $0x3  }
0x34: {  	v21 =	vld [tilespmem:$0xB0];
	v34 =	vshrl.u32 v19, $0x2;
	v19 =	vand.u32 $0xFFFFF07F, v19;
	v3 =	vor.u32 v12, v3  }
0x35: {  	v12 =	vand.u32 $0x380, v60;
	v26 =	vand.u32 $0xFFFFF07F, v57;
	v5 =	vor.u32 v7, v5  }
0x36: {  	v7 =	vand.u32 $0xC00, v25;
	[tilespmem:$0x440] =	vst v4;
	v4 =	vand.u32 $0xC00, v59;
	v63 =	vadd.s32 s9, v3  }
0x37: {  	v62 =	vld [tilespmem:$0x110];
	v3 =	vadd.s32 s10, v3;
	v59 =	vshll.u32 v50, $0x3;
	v16 =	vadd.s32 s9, v5  }
0x38: {  	v23 =	vld [tilespmem:$0xC0];
	v7 =	vor.u32 v7, v11;
	v5 =	vadd.s32 s10, v5;
	v11 =	vand.u32 $0x380, v28  }
0x39: {  	v35 =	vshll.u32 v21, $0x3;
	v36 =	vshrl.u32 v21, $0x2;
	v21 =	vand.u32 $0xFFFFF07F, v21  }
0x3a: {  	v4 =	vor.u32 v4, v61;
	v60 =	vand.u32 $0xC00, v59;
	v61 =	vshrl.u32 v50, $0x2  }
0x3b: {  	v7 =	vor.u32 v9, v7;
	v9 =	vand.u32 $0xC00, v27;
	v4 =	vor.u32 v12, v4  }
0x3c: {  	[tilespmem:$0x250] =	vst v16;
	v16 =	vand.u32 $0xFFFFF07F, v62;
	v18 =	vadd.s32 s9, v7;
	v9 =	vor.u32 v9, v13  }
0x3d: {  	v7 =	vadd.s32 s10, v7;
	v13 =	vand.u32 $0x380, v30;
	v39 =	vshll.u32 v23, $0x3  }
0x3e: {  	v25 =	vld [tilespmem:$0xD0];
	v41 =	vshrl.u32 v23, $0x2;
	v42 =	vand.u32 $0xFFFFF07F, v23;
	v28 =	vadd.s32 s9, v4  }
0x3f: {  	v4 =	vadd.s32 s10, v4;
	v30 =	vshrl.u32 v62, $0x2;
	v9 =	vor.u32 v11, v9  }
0x40: {  	v11 =	vand.u32 $0xC00, v29;
	v40 =	vand.u32 $0xC00, v39;
	v29 =	vshll.u32 v62, $0x3  }
0x41: {  	[tilespmem:$0x2E0] =	vst v63;
	v63 =	vld [tilespmem:$0x180];
	v62 =	vand.u32 $0xFFFFF07F, v50;
	v20 =	vadd.s32 s9, v9;
	v11 =	vor.u32 v11, v15  }
0x42: {  	[tilespmem:$0x400] =	vst v0;
	v9 =	vadd.s32 s10, v9;
	v15 =	vand.u32 $0x380, v32;
	v0 =	vor.u32 v40, v42  }
0x43: {  	v27 =	vld [tilespmem:$0x120];
	v46 =	vshll.u32 v25, $0x3;
	v48 =	vshrl.u32 v25, $0x2;
	v49 =	vand.u32 $0xFFFFF07F, v25  }
0x44: {  	[tilespmem:$0x4F0] =	vst v4;
	v25 =	vshrl.u32 v57, $0x2;
	v4 =	vor.u32 v60, v62;
	v11 =	vor.u32 v13, v11  }
0x45: {  	[tilespmem:$0x200] =	vst v6;
	v13 =	vand.u32 $0xC00, v31;
	v47 =	vand.u32 $0xC00, v46;
	v12 =	vand.u32 $0x380, v25  }
0x46: {  	[tilespmem:$0x470] =	vst v9;
	v9 =	vand.u32 $0xC00, v29;
	v25 =	vshll.u32 v63, $0x3;
	v22 =	vadd.s32 s9, v11  }
0x47: {  	[tilespmem:$0x210] =	vst v8;
	v13 =	vor.u32 v13, v17;
	v11 =	vadd.s32 s10, v11;
	v17 =	vand.u32 $0x380, v34  }
0x48: {  	[tilespmem:$0x410] =	vst v1;
	v51 =	vor.u32 v47, v49;
	v9 =	vor.u32 v9, v16;
	v34 =	vshrl.u32 v27, $0x2  }
0x49: {  	[tilespmem:$0x220] =	vst v10;
	v31 =	vld [tilespmem:$0x130];
	v13 =	vor.u32 v15, v13;
	v15 =	vand.u32 $0xC00, v33;
	v33 =	vshll.u32 v27, $0x3  }
0x4a: {  	[tilespmem:$0x420] =	vst v2;
	v24 =	vadd.s32 s9, v13;
	v15 =	vor.u32 v15, v19;
	v13 =	vadd.s32 s10, v13  }
0x4b: {  	[tilespmem:$0x2F0] =	vst v28;
	v19 =	vand.u32 $0x380, v36;
	v15 =	vor.u32 v17, v15;
	v17 =	vand.u32 $0xC00, v35  }
0x4c: {  	v28 =	vld [tilespmem:$0x1A0];
	[tilespmem:$0x490] =	vst v13;
	v35 =	vand.u32 $0xFFFFF07F, v27;
	v13 =	vand.u32 $0x380, v34;
	v27 =	vand.u32 $0xFFFFF07F, v63  }
0x4d: {  	[tilespmem:$0x240] =	vst v14;
	v17 =	vor.u32 v17, v21;
	v37 =	vadd.s32 s9, v15;
	v6 =	vadd.s32 s10, v15  }
0x4e: {  	[tilespmem:$0x4E0] =	vst v3;
	v15 =	vand.u32 $0x380, v48;
	v40 =	vshll.u32 v31, $0x3;
	v42 =	vshrl.u32 v31, $0x2  }
0x4f: {  	[tilespmem:$0x450] =	vst v5;
	v43 =	vand.u32 $0xFFFFF07F, v31;
	v38 =	vor.u32 v19, v17;
	v17 =	vand.u32 $0x380, v41  }
0x50: {  	[tilespmem:$0x260] =	vst v18;
	v36 =	vld [tilespmem:$0x140];
	v2 =	vor.u32 v15, v51;
	v19 =	vshll.u32 v57, $0x3;
	v41 =	vand.u32 $0xC00, v40  }
0x51: {  	[tilespmem:$0x460] =	vst v7;
	v40 =	vshrl.u32 v28, $0x2;
	v44 =	vadd.s32 s9, v38;
	v45 =	vadd.s32 s10, v38  }
0x52: {  	[tilespmem:$0x270] =	vst v20;
	v0 =	vor.u32 v17, v0;
	v58 =	vadd.s32 s9, v2;
	v2 =	vadd.s32 s10, v2  }
0x53: {  	[tilespmem:$0x280] =	vst v22;
	v23 =	vand.u32 $0xC00, v19;
	v8 =	vor.u32 v41, v43;
	v41 =	vand.u32 $0xFFFFF07F, v28  }
0x54: {  	[tilespmem:$0x480] =	vst v11;
	v21 =	vld [tilespmem:$0x190];
	v52 =	vadd.s32 s9, v0;
	v0 =	vadd.s32 s10, v0;
	v7 =	vor.u32 v23, v26  }
0x55: {  	[tilespmem:$0x290] =	vst v24;
	v46 =	vshll.u32 v36, $0x3;
	v48 =	vshrl.u32 v36, $0x2;
	v49 =	vand.u32 $0xFFFFF07F, v36  }
0x56: {  	[tilespmem:$0x2A0] =	vst v37;
	v57 =	vld [tilespmem:$0x170];
	v26 =	vshrl.u32 v63, $0x2;
	v7 =	vor.u32 v12, v7;
	v12 =	vand.u32 $0x380, v30  }
0x57: {  	[tilespmem:$0x4A0] =	vst v6;
	v47 =	vand.u32 $0xC00, v46;
	v10 =	vand.u32 $0x380, v48;
	v32 =	vadd.s32 s9, v7  }
0x58: {  	[tilespmem:$0x2B0] =	vst v44;
	v7 =	vadd.s32 s10, v7;
	v9 =	vor.u32 v12, v9;
	v12 =	vand.u32 $0xC00, v33  }
0x59: {  	[tilespmem:$0x4C0] =	vst v0;
	v0 =	vor.u32 v47, v49;
	v34 =	vshrl.u32 v21, $0x2;
	v12 =	vor.u32 v12, v35  }
0x5a: {  	[tilespmem:$0x4B0] =	vst v45;
	v37 =	vadd.s32 s9, v9;
	v38 =	vadd.s32 s10, v9;
	v0 =	vor.u32 v10, v0  }
0x5b: {  	v44 =	vld [tilespmem:$0x150];
	[tilespmem:$0x2D0] =	vst v58;
	v18 =	vshll.u32 v57, $0x3;
	v19 =	vshrl.u32 v57, $0x2;
	v20 =	vand.u32 $0xFFFFF07F, v57  }
0x5c: {  	[tilespmem:$0x300] =	vst v32;
	v32 =	vshll.u32 v21, $0x3;
	v35 =	vand.u32 $0xFFFFF07F, v21;
	v39 =	vor.u32 v13, v12  }
0x5d: {  	v36 =	vld [tilespmem:$0x1B0];
	[tilespmem:$0x500] =	vst v7;
	v12 =	vand.u32 $0x380, v42;
	v58 =	vadd.s32 s9, v0;
	v0 =	vadd.s32 s10, v0  }
0x5e: {  	v7 =	vand.u32 $0xC00, v18;
	[tilespmem:$0x510] =	vst v38;
	v33 =	vand.u32 $0xC00, v32;
	v38 =	vshll.u32 v28, $0x3  }
0x5f: {  	[tilespmem:$0x4D0] =	vst v2;
	v49 =	vld [tilespmem:$0x1D0];
	v45 =	vadd.s32 s9, v39;
	v9 =	vadd.s32 s10, v39;
	v8 =	vor.u32 v12, v8  }
0x60: {  	[tilespmem:$0x2C0] =	vst v52;
	v53 =	vshll.u32 v44, $0x3;
	v55 =	vshrl.u32 v44, $0x2;
	v56 =	vand.u32 $0xFFFFF07F, v44  }
0x61: {  	v57 =	vld [tilespmem:$0x1E0];
	[tilespmem:$0x310] =	vst v37;
	v7 =	vor.u32 v7, v20;
	v3 =	vor.u32 v33, v35;
	v39 =	vand.u32 $0xC00, v38  }
0x62: {  	v10 =	vld [tilespmem:$0x1F0];
	[tilespmem:$0x340] =	vst v58;
	v46 =	vshll.u32 v36, $0x3;
	v47 =	vshrl.u32 v36, $0x2;
	v48 =	vand.u32 $0xFFFFF07F, v36  }
0x63: {  	[tilespmem:$0x540] =	vst v0;
	v51 =	vadd.s32 s9, v8;
	v52 =	vadd.s32 s10, v8;
	v54 =	vand.u32 $0xC00, v53  }
0x64: {  	v42 =	vld [tilespmem:$0x1C0];
	v8 =	vand.u32 $0x380, v55;
	[tilespmem:$0x320] =	vst v45;
	v5 =	vor.u32 v54, v56;
	v63 =	vshrl.u32 v49, $0x2  }
0x65: {  	[tilespmem:$0x520] =	vst v9;
	v9 =	vand.u32 $0xFFFFF07F, v49;
	v5 =	vor.u32 v8, v5;
	v8 =	vand.u32 $0x380, v61  }
0x66: {  	[tilespmem:$0x330] =	vst v51;
	v61 =	vshll.u32 v49, $0x3;
	v12 =	vshll.u32 v57, $0x3;
	v14 =	vshrl.u32 v57, $0x2  }
0x67: {  	[tilespmem:$0x530] =	vst v52;
	v15 =	vand.u32 $0xFFFFF07F, v57;
	v20 =	vand.u32 $0xFFFFF07F, v10;
	v17 =	vadd.s32 s9, v5  }
0x68: {  	v5 =	vadd.s32 s10, v5;
	v4 =	vor.u32 v8, v4;
	v8 =	vand.u32 $0x380, v19;
	[tilespmem:$0x350] =	vst v17  }
0x69: {  	v53 =	vshll.u32 v42, $0x3;
	v55 =	vshrl.u32 v42, $0x2;
	v22 =	vadd.s32 s9, v4;
	[tilespmem:$0x550] =	vst v5  }
0x6a: {  	v23 =	vadd.s32 s10, v4;
	v24 =	vor.u32 v8, v7;
	v7 =	vand.u32 $0xC00, v25;
	[tilespmem:$0x360] =	vst v22  }
0x6b: {  	v8 =	vand.u32 $0x380, v26;
	v29 =	vadd.s32 s9, v24;
	v7 =	vor.u32 v7, v27;
	[tilespmem:$0x560] =	vst v23  }
0x6c: {  	v56 =	vand.u32 $0xFFFFF07F, v42;
	v30 =	vadd.s32 s10, v24;
	v31 =	vor.u32 v8, v7;
	[tilespmem:$0x370] =	vst v29  }
0x6d: {  	v62 =	vand.u32 $0xC00, v61;
	v7 =	vand.u32 $0x380, v34;
	[tilespmem:$0x570] =	vst v30;
	v37 =	vadd.s32 s9, v31  }
0x6e: {  	v13 =	vand.u32 $0xC00, v12;
	v4 =	vadd.s32 s10, v31;
	v3 =	vor.u32 v7, v3;
	[tilespmem:$0x380] =	vst v37  }
0x6f: {  	v5 =	vor.u32 v39, v41;
	v7 =	vand.u32 $0x380, v40;
	v43 =	vadd.s32 s9, v3;
	[tilespmem:$0x580] =	vst v4  }
0x70: {  	v44 =	vadd.s32 s10, v3;
	v45 =	vor.u32 v7, v5;
	v5 =	vand.u32 $0xC00, v46;
	[tilespmem:$0x390] =	vst v43  }
0x71: {  	v7 =	vand.u32 $0x380, v47;
	v50 =	vadd.s32 s9, v45;
	v5 =	vor.u32 v5, v48;
	[tilespmem:$0x590] =	vst v44  }
0x72: {  	v54 =	vand.u32 $0xC00, v53;
	v51 =	vadd.s32 s10, v45;
	v52 =	vor.u32 v7, v5;
	[tilespmem:$0x3A0] =	vst v50  }
0x73: {  	v4 =	vor.u32 v54, v56;
	v5 =	vand.u32 $0x380, v55;
	[tilespmem:$0x5A0] =	vst v51;
	v58 =	vadd.s32 s9, v52  }
0x74: {  	v19 =	vshrl.u32 v10, $0x2;
	v59 =	vadd.s32 s10, v52;
	v60 =	vor.u32 v5, v4;
	[tilespmem:$0x3B0] =	vst v58  }
0x75: {  	v2 =	vor.u32 v62, v9;
	v4 =	vand.u32 $0x380, v63;
	v11 =	vadd.s32 s9, v60;
	[tilespmem:$0x5B0] =	vst v59  }
0x76: {  	v1 =	vor.u32 v13, v15;
	v3 =	vadd.s32 s10, v60;
	v2 =	vor.u32 v4, v2;
	[tilespmem:$0x3C0] =	vst v11  }
0x77: {  	v17 =	vshll.u32 v10, $0x3;
	v4 =	vand.u32 $0x380, v14;
	v16 =	vadd.s32 s9, v2;
	[tilespmem:$0x5C0] =	vst v3  }
0x78: {  	v18 =	vand.u32 $0xC00, v17;
	v2 =	vadd.s32 s10, v2;
	v1 =	vor.u32 v4, v1;
	[tilespmem:$0x3D0] =	vst v16  }
0x79: {  	v0 =	vor.u32 v18, v20;
	v3 =	vand.u32 $0x380, v19;
	[tilespmem:$0x5D0] =	vst v2;
	v21 =	vadd.s32 s9, v1  }
0x7a: {  	v1 =	vadd.s32 s10, v1;
	v0 =	vor.u32 v3, v0;
	[tilespmem:$0x3E0] =	vst v21  }
0x7b: {  	[tilespmem:$0x5E0] =	vst v1;
	v22 =	vadd.s32 s9, v0  }
0x7c: {  	v0 =	vadd.s32 s10, v0;
	[tilespmem:$0x3F0] =	vst v22  }
0x7d: {  	s11 =	simm.s32 $0x80;
	s12 =	simm.s32 $0x200;
	s13 =	simm.s32 $0x600;
	[tilespmem:$0x5F0] =	vst v0  }
0x7e: {  	[tilespmem:s13], [sflag:$0x1] =	stream.indirect.gather [hbm4b:s5+s11], $0x1, s12, s11, $0xb8;
	[tilespmem:$0x1900] =	vst v63  }
0x7f: {  	s14 =	simm.s32 $0x400;
	s15 =	simm.s32 $0x800  }
0x80: {  	[tilespmem:s15], [sflag:$0x1] =	stream.indirect.gather [hbm4b:s5+s11], $0x1, s14, s11, $0xb8;
	[tilespmem:$0x1900] =	vst v63  }
0x81: {  	s16 =	simm.s32 $0x280;
	s17 =	simm.s32 $0x680  }
0x82: {  	[tilespmem:s17], [sflag:$0x1] =	stream.indirect.gather [hbm4b:s5+s11], $0x1, s16, s11, $0xb8;
	[tilespmem:$0x1900] =	vst v63  }
0x83: {  	s18 =	simm.s32 $0x480;
	s19 =	simm.s32 $0x880  }
0x84: {  	[tilespmem:s19], [sflag:$0x1] =	stream.indirect.gather [hbm4b:s5+s11], $0x1, s18, s11, $0xb8;
	[tilespmem:$0x1900] =	vst v63  }
0x85: {  	s20 =	simm.s32 $0x300;
	s21 =	simm.s32 $0x700  }
0x86: {  	[tilespmem:s21], [sflag:$0x1] =	stream.indirect.gather [hbm4b:s5+s11], $0x1, s20, s11, $0xb8;
	[tilespmem:$0x1900] =	vst v63  }
0x87: {  	s22 =	simm.s32 $0x500;
	s23 =	simm.s32 $0x900  }
0x88: {  	[tilespmem:s23], [sflag:$0x1] =	stream.indirect.gather [hbm4b:s5+s11], $0x1, s22, s11, $0xb8;
	[tilespmem:$0x1900] =	vst v63  }
0x89: {  	s24 =	simm.s32 $0x380;
	s25 =	simm.s32 $0x780  }
0x8a: {  	[tilespmem:s25], [sflag:$0x1] =	stream.indirect.gather [hbm4b:s5+s11], $0x1, s24, s11, $0xb8;
	[tilespmem:$0x1900] =	vst v63  }
0x8b: {  	s26 =	simm.s32 $0x580;
	s28 =	simm.s32 $0x980;
	s29 =	simm.s32 $0x1  }
0x8c: {  	[tilespmem:s28], [sflag:$0x1] =	stream.indirect.gather [hbm4b:s5+s11], $0x1, s26, s11, $0xb8;
	[tilespmem:$0x1900] =	vst v63  }
0x8d: {  	_ =	swait.ge [sflag:s29], $0x80  }
0x8e: {  	[sflag:s29] =	ssyncset.done $0x0  }
0x8f: {  	[sflag:s29] =	ssyncadd.s32 $0xFFFFFF80  }
0x90: {  	_ =	swait.ge [sflag:s29], $0x80  }
0x91: {  	[sflag:s29] =	ssyncset.done $0x0  }
0x92: {  	[sflag:s29] =	ssyncadd.s32 $0xFFFFFF80  }
0x93: {  	_ =	swait.ge [sflag:s29], $0x80  }
0x94: {  	[sflag:s29] =	ssyncset.done $0x0  }
0x95: {  	[sflag:s29] =	ssyncadd.s32 $0xFFFFFF80  }
0x96: {  	_ =	swait.ge [sflag:s29], $0x80  }
0x97: {  	[sflag:s29] =	ssyncset.done $0x0  }
0x98: {  	[sflag:s29] =	ssyncadd.s32 $0xFFFFFF80  }
0x99: {  	_ =	swait.ge [sflag:s29], $0x80  }
0x9a: {  	[sflag:s29] =	ssyncset.done $0x0  }
0x9b: {  	[sflag:s29] =	ssyncadd.s32 $0xFFFFFF80  }
0x9c: {  	_ =	swait.ge [sflag:s29], $0x80  }
0x9d: {  	[sflag:s29] =	ssyncset.done $0x0  }
0x9e: {  	[sflag:s29] =	ssyncadd.s32 $0xFFFFFF80  }
0x9f: {  	_ =	swait.ge [sflag:s29], $0x80  }
0xa0: {  	[sflag:s29] =	ssyncset.done $0x0  }
0xa1: {  	[sflag:s29] =	ssyncadd.s32 $0xFFFFFF80  }
0xa2: {  	_ =	swait.ge [sflag:s29], $0x80  }
0xa3: {  	[sflag:s29] =	ssyncset.done $0x0  }
0xa4: {  	[sflag:s29] =	ssyncadd.s32 $0xFFFFFF80  }
0xa5: {  	v23 =	vld [tilespmem:$0xE00]  }
0xa6: {  	v24 =	vld [tilespmem:$0xA00]  }
0xa7: {  	v25 =	vld [tilespmem:$0xC00]  }
0xa8: {  	v26 =	vld [tilespmem:$0x600]  }
0xa9: {  	v28 =	vld [tilespmem:$0xA10]  }
0xaa: {  	v38 =	vld [tilespmem:$0xC10]  }
0xab: {  	v40 =	vld [tilespmem:$0xA20]  }
0xac: {  	v47 =	vld [tilespmem:$0xC20]  }
0xad: {  	v50 =	vld [tilespmem:$0xA30]  }
0xae: {  	v53 =	vld [tilespmem:$0xC30]  }
0xaf: {  	v29 =	vld [tilespmem:$0xE10]  }
0xb0: {  	vm0 =	vmmov $0xffff;
	v63 =	vld [tilespmem:$0xA40];
	vm1 =	veq.f32 v24, v24;
	vm2 =	veq.f32 v25, v25  }
0xb1: {  	v27 =	vld [tilespmem:$0x800];
	vm10 =	veq.f32 v28, v28;
	vm13 =	veq.f32 v38, v38;
	vm15 =	veq.f32 v40, v40  }
0xb2: {  	v31 =	vld [tilespmem:$0x610];
	v0 =	vadd.f32 $0.0e+00, v23;
	vm4 =	veq.f32 v47, v47;
	vm5 =	veq.f32 v50, v50  }
0xb3: {  	v45 =	vld [tilespmem:$0xE20];
	vm6 =	veq.f32 v53, v53;
	vm1 =	vmand vm1, vm0;
	vm9 =	vmand vm2, vm0  }
0xb4: {  	v30 =	vnsel vm1, $0x0, v23;
	v32 =	vnsel vm9, $0x0, v23;
	vm1 =	vmand vm10, vm0  }
0xb5: {  	v43 =	vld [tilespmem:$0x810];
	v0 =	vadd.f32 v29, v0;
	vm9 =	veq.f32 v63, v63;
	v3 =	vmul.f32 v30, v26  }
0xb6: {  	v46 =	vld [tilespmem:$0x620];
	v1 =	vmul.f32 v30, v24;
	v4 =	vmul.f32 v32, v27;
	v33 =	vnsel vm1, $0x0, v29  }
0xb7: {  	v52 =	vld [tilespmem:$0xE30];
	v2 =	vmul.f32 v32, v25;
	vm1 =	vmand vm13, vm0;
	v34 =	vmul.f32 v33, v31  }
0xb8: {  	v48 =	vnsel vm1, $0x0, v29;
	vm1 =	vmand vm15, vm0;
	v0 =	vadd.f32 v45, v0  }
0xb9: {  	v49 =	vld [tilespmem:$0x820];
	v1 =	vsub.f32 v3, v1;
	v2 =	vsub.f32 v4, v2;
	v3 =	vmul.f32 v33, v28  }
0xba: {  	v12 =	vmul.f32 v48, v43;
	v51 =	vnsel vm1, $0x0, v45;
	vm1 =	vmand vm4, vm0  }
0xbb: {  	v5 =	vmul.f32 v48, v38;
	v8 =	vmul.f32 v51, v46;
	v55 =	vnsel vm1, $0x0, v45  }
0xbc: {  	v57 =	vld [tilespmem:$0x630];
	vm1 =	vmand vm5, vm0;
	v0 =	vadd.f32 v52, v0;
	v1 =	vand.u32 $0x7FFFFFFF, v1  }
0xbd: {  	v23 =	vld [tilespmem:$0xE40];
	v2 =	vand.u32 $0x7FFFFFFF, v2;
	v3 =	vsub.f32 v34, v3;
	v5 =	vsub.f32 v12, v5  }
0xbe: {  	v56 =	vmul.f32 v55, v49;
	v6 =	vmul.f32 v55, v47;
	v58 =	vnsel vm1, $0x0, v52  }
0xbf: {  	v60 =	vld [tilespmem:$0x830];
	vm1 =	vmand vm6, vm0;
	v35 =	vmul.f32 $3.000000000e+00, v1;
	v36 =	vmul.f32 $3.000000000e+00, v2  }
0xc0: {  	v31 =	vld [tilespmem:$0xC40];
	v41 =	vadd.f32 $-5.555555600e-02, v1;
	v42 =	vadd.f32 $-5.555555600e-02, v2;
	vm11 =	vle.f32 v1, $1.111111120e-01  }
0xc1: {  	vm12 =	vle.f32 v2, $1.111111120e-01;
	v61 =	vnsel vm1, $0x0, v52;
	v12 =	vmul.f32 v58, v57  }
0xc2: {  	v10 =	vmul.f32 v58, v50;
	vm1 =	vmand vm9, vm0;
	v0 =	vadd.f32 v23, v0  }
0xc3: {  	v38 =	vld [tilespmem:$0xE50];
	v3 =	vand.u32 $0x7FFFFFFF, v3;
	v54 =	vand.u32 $0x7FFFFFFF, v5;
	v6 =	vsub.f32 v56, v6  }
0xc4: {  	v22 =	vmul.f32 v61, v60;
	v9 =	vmul.f32 v61, v53;
	v29 =	vnsel vm1, $0x0, v23  }
0xc5: {  	v45 =	vld [tilespmem:$0xA60];
	vm13 =	veq.f32 v31, v31;
	v37 =	vmul.f32 v35, v35;
	v7 =	vmul.f32 v36, v36  }
0xc6: {  	v39 =	vmul.f32 $3.000000000e+00, v3;
	vm14 =	vle.f32 v3, $1.111111120e-01;
	v3 =	vadd.f32 $-5.555555600e-02, v3  }
0xc7: {  	v49 =	vld [tilespmem:$0xE60];
	v5 =	vmul.f32 $3.000000000e+00, v54;
	vm7 =	vle.f32 v54, $1.111111120e-01;
	v10 =	vsub.f32 v12, v10  }
0xc8: {  	v30 =	vmul.f32 v29, v63;
	vm1 =	vmand vm13, vm0;
	v0 =	vadd.f32 v38, v0  }
0xc9: {  	v6 =	vand.u32 $0x7FFFFFFF, v6;
	v9 =	vsub.f32 v22, v9;
	v4 =	vmul.f32 $5.000000000e-01, v37  }
0xca: {  	vm5 =	veq.f32 v45, v45;
	v7 =	vmul.f32 $5.000000000e-01, v7;
	v44 =	vmul.f32 v39, v39  }
0xcb: {  	v5 =	vmul.f32 v5, v5;
	v21 =	vmul.f32 $3.000000000e+00, v6;
	v10 =	vand.u32 $0x7FFFFFFF, v10  }
0xcc: {  	v34 =	vld [tilespmem:$0x840];
	v27 =	vadd.f32 $-5.555555600e-02, v6;
	vm10 =	vle.f32 v6, $1.111111120e-01;
	v0 =	vadd.f32 v49, v0  }
0xcd: {  	v63 =	vld [tilespmem:$0xE70];
	v26 =	vmul.f32 $3.000000000e+00, v10;
	v9 =	vand.u32 $0x7FFFFFFF, v9;
	v33 =	vadd.f32 $-5.555555600e-02, v10  }
0xce: {  	v36 =	vld [tilespmem:$0xA50];
	v4 =	vsel vm11, v4, v41;
	v1 =	vmul.f32 $5.000000000e-01, v44;
	v5 =	vmul.f32 $5.000000000e-01, v5  }
0xcf: {  	v7 =	vsel vm12, v7, v42;
	v24 =	vmul.f32 v21, v21;
	v28 =	vmul.f32 $3.000000000e+00, v9  }
0xd0: {  	v25 =	vld [tilespmem:$0x640];
	vm11 =	vle.f32 v10, $1.111111120e-01;
	v35 =	vadd.f32 $-5.555555600e-02, v9;
	v41 =	vnsel vm1, $0x0, v23  }
0xd1: {  	v39 =	vld [tilespmem:$0x650];
	vm12 =	vle.f32 v9, $1.111111120e-01;
	v12 =	vmul.f32 v26, v26;
	v6 =	vmul.f32 v41, v34  }
0xd2: {  	v42 =	vld [tilespmem:$0xC50];
	v0 =	vadd.f32 v63, v0;
	v1 =	vsel vm14, v1, v3;
	v3 =	vmul.f32 v51, v40  }
0xd3: {  	vm14 =	veq.f32 v36, v36;
	v1 =	vadd.f32 v1, v4;
	v4 =	vadd.f32 $-5.555555600e-02, v54  }
0xd4: {  	v32 =	vmul.f32 v28, v28;
	v12 =	vmul.f32 $5.000000000e-01, v12;
	vm1 =	vmand vm14, vm0  }
0xd5: {  	v3 =	vsub.f32 v8, v3;
	v43 =	vnsel vm1, $0x0, v38;
	v4 =	vsel vm7, v5, v4  }
0xd6: {  	v5 =	vmul.f32 v29, v25;
	v12 =	vsel vm11, v12, v33;
	v2 =	vmul.f32 v43, v39  }
0xd7: {  	vm4 =	veq.f32 v42, v42;
	v3 =	vand.u32 $0x7FFFFFFF, v3;
	v4 =	vadd.f32 v4, v7  }
0xd8: {  	v7 =	vmul.f32 $5.000000000e-01, v32;
	vm1 =	vmand vm4, vm0;
	v59 =	vmul.f32 $3.000000000e+00, v3  }
0xd9: {  	v56 =	vld [tilespmem:$0xC60];
	v20 =	vadd.f32 $-5.555555600e-02, v3;
	vm8 =	vle.f32 v3, $1.111111120e-01;
	v3 =	vmul.f32 $5.000000000e-01, v24  }
0xda: {  	v29 =	vld [tilespmem:$0xC70];
	v5 =	vsub.f32 v5, v30;
	v53 =	vnsel vm1, $0x0, v38;
	vm1 =	vmand vm5, vm0  }
0xdb: {  	v51 =	vld [tilespmem:$0x660];
	v7 =	vsel vm12, v7, v35;
	v9 =	vmul.f32 v53, v42;
	v55 =	vnsel vm1, $0x0, v49  }
0xdc: {  	v35 =	vld [tilespmem:$0xE80];
	v62 =	vmul.f32 v59, v59;
	v3 =	vsel vm10, v3, v27;
	v5 =	vand.u32 $0x7FFFFFFF, v5  }
0xdd: {  	v58 =	vmul.f32 v55, v45;
	v59 =	vld [tilespmem:$0xA70];
	v37 =	vmul.f32 $3.000000000e+00, v5;
	v3 =	vadd.f32 v3, v4  }
0xde: {  	v44 =	vadd.f32 $-5.555555600e-02, v5;
	vm15 =	vle.f32 v5, $1.111111120e-01;
	v8 =	vmul.f32 $5.000000000e-01, v62  }
0xdf: {  	vm12 =	veq.f32 v29, v29;
	v40 =	vmul.f32 v37, v37;
	v3 =	vadd.f32 v7, v3  }
0xe0: {  	v61 =	vld [tilespmem:$0x860];
	v7 =	vmul.f32 v55, v51;
	v8 =	vsel vm8, v8, v20;
	vm8 =	veq.f32 v56, v56  }
0xe1: {  	v18 =	vld [tilespmem:$0xCA0];
	v0 =	vadd.f32 v35, v0;
	v1 =	vadd.f32 v8, v1;
	v8 =	vmul.f32 v41, v31  }
0xe2: {  	v22 =	vld [tilespmem:$0x670];
	v4 =	vmul.f32 $5.000000000e-01, v40;
	vm1 =	vmand vm8, vm0;
	vm9 =	veq.f32 v59, v59  }
0xe3: {  	v7 =	vsub.f32 v7, v58;
	v24 =	vnsel vm1, $0x0, v49;
	vm1 =	vmand vm9, vm0  }
0xe4: {  	v55 =	vld [tilespmem:$0xAA0];
	v1 =	vadd.f32 v12, v1;
	v6 =	vsub.f32 v6, v8;
	v8 =	vmul.f32 v43, v36  }
0xe5: {  	v47 =	vld [tilespmem:$0x850];
	v4 =	vsel vm15, v4, v44;
	v21 =	vand.u32 $0x7FFFFFFF, v7;
	v13 =	vmul.f32 v24, v61  }
0xe6: {  	v14 =	vmul.f32 v24, v56;
	v26 =	vnsel vm1, $0x0, v63;
	vm1 =	vmand vm12, vm0  }
0xe7: {  	v33 =	vld [tilespmem:$0x870];
	vm12 =	veq.f32 v18, v18;
	v23 =	vmul.f32 $3.000000000e+00, v21;
	v7 =	vmul.f32 v26, v22  }
0xe8: {  	v31 =	vld [tilespmem:$0xA80];
	v11 =	vmul.f32 v26, v59;
	v30 =	vadd.f32 $-5.555555600e-02, v21;
	vm11 =	vle.f32 v21, $1.111111120e-01  }
0xe9: {  	v41 =	vld [tilespmem:$0xC80];
	v38 =	vnsel vm1, $0x0, v63;
	vm9 =	veq.f32 v55, v55;
	v46 =	vand.u32 $0x7FFFFFFF, v6  }
0xea: {  	v2 =	vsub.f32 v2, v8;
	v1 =	vadd.f32 v4, v1;
	v6 =	vmul.f32 v53, v47  }
0xeb: {  	v28 =	vsub.f32 v13, v14;
	v13 =	vmul.f32 v38, v29;
	v48 =	vmul.f32 $3.000000000e+00, v46  }
0xec: {  	v54 =	vadd.f32 $-5.555555600e-02, v46;
	vm6 =	vle.f32 v46, $1.111111120e-01;
	v27 =	vmul.f32 v23, v23  }
0xed: {  	v7 =	vsub.f32 v7, v11;
	vm13 =	veq.f32 v31, v31;
	v11 =	vmul.f32 v38, v33  }
0xee: {  	v44 =	vld [tilespmem:$0xA90];
	vm4 =	veq.f32 v41, v41;
	v2 =	vand.u32 $0x7FFFFFFF, v2;
	v6 =	vsub.f32 v6, v9  }
0xef: {  	v36 =	vld [tilespmem:$0x680];
	v12 =	vand.u32 $0x7FFFFFFF, v28;
	vm1 =	vmand vm13, vm0;
	v50 =	vmul.f32 v48, v48  }
0xf0: {  	v52 =	vmul.f32 $3.000000000e+00, v2;
	v60 =	vadd.f32 $-5.555555600e-02, v2;
	vm7 =	vle.f32 v2, $1.111111120e-01  }
0xf1: {  	v32 =	vmul.f32 $3.000000000e+00, v12;
	v7 =	vand.u32 $0x7FFFFFFF, v7;
	v39 =	vadd.f32 $-5.555555600e-02, v12  }
0xf2: {  	v40 =	vnsel vm1, $0x0, v35;
	vm14 =	vle.f32 v12, $1.111111120e-01;
	v45 =	vsub.f32 v11, v13  }
0xf3: {  	v29 =	vld [tilespmem:$0xCB0];
	vm1 =	vmand vm4, vm0;
	vm5 =	veq.f32 v44, v44;
	v37 =	vmul.f32 $3.000000000e+00, v7  }
0xf4: {  	v46 =	vld [tilespmem:$0xE90];
	v6 =	vand.u32 $0x7FFFFFFF, v6;
	v10 =	vmul.f32 v40, v36;
	v42 =	vmul.f32 v40, v31  }
0xf5: {  	v43 =	vadd.f32 $-5.555555600e-02, v7;
	vm15 =	vle.f32 v7, $1.111111120e-01;
	v51 =	vnsel vm1, $0x0, v35  }
0xf6: {  	vm1 =	vmand vm5, vm0;
	v4 =	vmul.f32 $5.000000000e-01, v50;
	v57 =	vmul.f32 v52, v52  }
0xf7: {  	v62 =	vmul.f32 $3.000000000e+00, v6;
	v25 =	vadd.f32 $-5.555555600e-02, v6;
	vm10 =	vle.f32 v6, $1.111111120e-01  }
0xf8: {  	v58 =	vld [tilespmem:$0xEA0];
	v6 =	vmul.f32 $5.000000000e-01, v27;
	v7 =	vand.u32 $0x7FFFFFFF, v45;
	vm4 =	veq.f32 v29, v29  }
0xf9: {  	v10 =	vsub.f32 v10, v42;
	v48 =	vmul.f32 $3.000000000e+00, v7;
	v53 =	vnsel vm1, $0x0, v46  }
0xfa: {  	v50 =	vld [tilespmem:$0x880];
	v0 =	vadd.f32 v46, v0;
	v4 =	vsel vm6, v4, v54;
	v5 =	vmul.f32 $5.000000000e-01, v57  }
0xfb: {  	v52 =	vld [tilespmem:$0x690];
	v2 =	vmul.f32 v62, v62;
	v34 =	vsel vm11, v6, v30;
	vm6 =	vle.f32 v7, $1.111111120e-01  }
0xfc: {  	v27 =	vld [tilespmem:$0xEB0];
	v7 =	vadd.f32 $-5.555555600e-02, v7;
	v3 =	vadd.f32 v4, v3;
	v47 =	vand.u32 $0x7FFFFFFF, v10  }
0xfd: {  	v10 =	vmul.f32 v48, v48;
	v0 =	vadd.f32 v58, v0;
	v2 =	vmul.f32 $5.000000000e-01, v2  }
0xfe: {  	v54 =	vld [tilespmem:$0xC90];
	v20 =	vsel vm7, v5, v60;
	v5 =	vmul.f32 v32, v32;
	v49 =	vmul.f32 $3.000000000e+00, v47  }
0xff: {  	v38 =	vld [tilespmem:$0xEC0];
	v56 =	vadd.f32 $-5.555555600e-02, v47;
	vm7 =	vle.f32 v47, $1.111111120e-01;
	v10 =	vmul.f32 $5.000000000e-01, v10  }
0x100: {  	v1 =	vadd.f32 v20, v1;
	v12 =	vmul.f32 v51, v50;
	v13 =	vmul.f32 v53, v52  }
0x101: {  	v0 =	vadd.f32 v27, v0;
	v2 =	vsel vm10, v2, v25;
	v5 =	vmul.f32 $5.000000000e-01, v5  }
0x102: {  	v57 =	vld [tilespmem:$0x890];
	v11 =	vmul.f32 v49, v49;
	v2 =	vadd.f32 v2, v3;
	v3 =	vmul.f32 v37, v37  }
0x103: {  	v1 =	vadd.f32 v34, v1;
	v7 =	vsel vm6, v10, v7;
	vm8 =	veq.f32 v54, v54  }
0x104: {  	v60 =	vld [tilespmem:$0x6A0];
	v0 =	vadd.f32 v38, v0;
	v5 =	vsel vm14, v5, v39;
	v11 =	vmul.f32 $5.000000000e-01, v11  }
0x105: {  	v24 =	vld [tilespmem:$0xAB0];
	vm1 =	vmand vm8, vm0;
	v3 =	vmul.f32 $5.000000000e-01, v3;
	v2 =	vadd.f32 v5, v2  }
0x106: {  	v5 =	vmul.f32 v51, v41;
	v61 =	vnsel vm1, $0x0, v46;
	vm1 =	vmand vm9, vm0  }
0x107: {  	v34 =	vld [tilespmem:$0xAC0];
	v59 =	vsel vm7, v11, v56;
	v15 =	vmul.f32 v61, v57;
	v9 =	vmul.f32 v61, v54  }
0x108: {  	v21 =	vld [tilespmem:$0x8A0];
	v17 =	vnsel vm1, $0x0, v58;
	vm1 =	vmand vm12, vm0;
	v3 =	vsel vm15, v3, v43  }
0x109: {  	v5 =	vsub.f32 v12, v5;
	v2 =	vadd.f32 v7, v2;
	v7 =	vmul.f32 v17, v60  }
0x10a: {  	v11 =	vmul.f32 v17, v55;
	v26 =	vnsel vm1, $0x0, v58;
	vm15 =	veq.f32 v24, v24  }
0x10b: {  	v32 =	vld [tilespmem:$0x6B0];
	v1 =	vadd.f32 v3, v1;
	v3 =	vmul.f32 v53, v44;
	v9 =	vsub.f32 v15, v9  }
0x10c: {  	vm1 =	vmand vm15, vm0;
	vm5 =	veq.f32 v34, v34;
	v5 =	vand.u32 $0x7FFFFFFF, v5  }
0x10d: {  	v36 =	vld [tilespmem:$0x8B0];
	v7 =	vsub.f32 v7, v11;
	v11 =	vmul.f32 v26, v21;
	v40 =	vnsel vm1, $0x0, v27  }
0x10e: {  	v41 =	vld [tilespmem:$0x6C0];
	vm1 =	vmand vm4, vm0;
	v3 =	vsub.f32 v13, v3;
	v62 =	vmul.f32 $3.000000000e+00, v5  }
0x10f: {  	vm10 =	vle.f32 v5, $1.111111120e-01;
	v5 =	vadd.f32 $-5.555555600e-02, v5;
	v9 =	vand.u32 $0x7FFFFFFF, v9  }
0x110: {  	v58 =	vld [tilespmem:$0xED0];
	v1 =	vadd.f32 v59, v1;
	v16 =	vmul.f32 v40, v32;
	v42 =	vnsel vm1, $0x0, v27  }
0x111: {  	vm1 =	vmand vm5, vm0;
	v20 =	vmul.f32 $3.000000000e+00, v9;
	v7 =	vand.u32 $0x7FFFFFFF, v7  }
0x112: {  	v44 =	vld [tilespmem:$0xCC0];
	v28 =	vadd.f32 $-5.555555600e-02, v9;
	vm13 =	vle.f32 v9, $1.111111120e-01;
	v9 =	vmul.f32 v42, v36  }
0x113: {  	v59 =	vld [tilespmem:$0xCD0];
	v43 =	vnsel vm1, $0x0, v38;
	v3 =	vand.u32 $0x7FFFFFFF, v3;
	v12 =	vmul.f32 v62, v62  }
0x114: {  	v27 =	vld [tilespmem:$0xAF0];
	v23 =	vmul.f32 $3.000000000e+00, v7;
	v31 =	vadd.f32 $-5.555555600e-02, v7;
	vm14 =	vle.f32 v7, $1.111111120e-01  }
0x115: {  	v15 =	vmul.f32 v43, v41;
	v0 =	vadd.f32 v58, v0;
	v63 =	vmul.f32 $3.000000000e+00, v3  }
0x116: {  	v19 =	vadd.f32 $-5.555555600e-02, v3;
	vm11 =	vle.f32 v3, $1.111111120e-01;
	v3 =	vmul.f32 v20, v20  }
0x117: {  	vm7 =	veq.f32 v44, v44;
	v12 =	vmul.f32 $5.000000000e-01, v12;
	v25 =	vmul.f32 v23, v23  }
0x118: {  	v20 =	vld [tilespmem:$0xAE0];
	vm1 =	vmand vm7, vm0;
	v13 =	vmul.f32 v63, v63;
	v3 =	vmul.f32 $5.000000000e-01, v3  }
0x119: {  	v57 =	vld [tilespmem:$0xAD0];
	v54 =	vnsel vm1, $0x0, v38;
	vm12 =	veq.f32 v59, v59;
	vm4 =	veq.f32 v27, v27  }
0x11a: {  	v23 =	vld [tilespmem:$0xCE0];
	v5 =	vsel vm10, v12, v5;
	v12 =	vmul.f32 v26, v18;
	v30 =	vmul.f32 $5.000000000e-01, v25  }
0x11b: {  	v14 =	vmul.f32 v54, v44;
	v13 =	vmul.f32 $5.000000000e-01, v13;
	v2 =	vadd.f32 v5, v2  }
0x11c: {  	v38 =	vld [tilespmem:$0xCF0];
	v3 =	vsel vm13, v3, v28;
	v5 =	vmul.f32 v40, v24;
	v33 =	vsub.f32 v11, v12  }
0x11d: {  	v35 =	vsel vm14, v30, v31;
	v11 =	vmul.f32 v43, v34;
	vm14 =	veq.f32 v20, v20  }
0x11e: {  	v22 =	vsel vm11, v13, v19;
	v2 =	vadd.f32 v3, v2;
	v5 =	vsub.f32 v16, v5  }
0x11f: {  	v3 =	vmul.f32 v42, v29;
	vm11 =	veq.f32 v57, v57;
	vm15 =	veq.f32 v23, v23  }
0x120: {  	v61 =	vld [tilespmem:$0x6D0];
	v1 =	vadd.f32 v22, v1;
	v37 =	vand.u32 $0x7FFFFFFF, v33;
	v47 =	vsub.f32 v15, v11  }
0x121: {  	vm1 =	vmand vm11, vm0;
	vm7 =	veq.f32 v38, v38;
	v39 =	vmul.f32 $3.000000000e+00, v37  }
0x122: {  	v5 =	vand.u32 $0x7FFFFFFF, v5;
	v45 =	vadd.f32 $-5.555555600e-02, v37;
	vm6 =	vle.f32 v37, $1.111111120e-01  }
0x123: {  	v3 =	vsub.f32 v9, v3;
	v19 =	vnsel vm1, $0x0, v58;
	vm1 =	vmand vm12, vm0  }
0x124: {  	v46 =	vmul.f32 $3.000000000e+00, v5;
	v6 =	vand.u32 $0x7FFFFFFF, v47;
	v53 =	vadd.f32 $-5.555555600e-02, v5  }
0x125: {  	v22 =	vld [tilespmem:$0xEE0];
	vm8 =	vle.f32 v5, $1.111111120e-01;
	v1 =	vadd.f32 v35, v1;
	v4 =	vmul.f32 v19, v61  }
0x126: {  	v21 =	vnsel vm1, $0x0, v58;
	vm1 =	vmand vm14, vm0;
	v10 =	vmul.f32 v39, v39  }
0x127: {  	v25 =	vld [tilespmem:$0x6E0];
	v3 =	vand.u32 $0x7FFFFFFF, v3;
	v52 =	vmul.f32 $3.000000000e+00, v6;
	v60 =	vadd.f32 $-5.555555600e-02, v6  }
0x128: {  	v50 =	vld [tilespmem:$0x8C0];
	vm10 =	vle.f32 v6, $1.111111120e-01;
	v24 =	vmul.f32 v21, v59;
	v49 =	vmul.f32 v46, v46  }
0x129: {  	v30 =	vld [tilespmem:$0xEF0];
	v51 =	vmul.f32 $3.000000000e+00, v3;
	vm9 =	vle.f32 v3, $1.111111120e-01;
	v3 =	vadd.f32 $-5.555555600e-02, v3  }
0x12a: {  	v61 =	vld [tilespmem:$0xB10];
	v10 =	vmul.f32 $5.000000000e-01, v10;
	v56 =	vmul.f32 v52, v52;
	v31 =	vnsel vm1, $0x0, v22  }
0x12b: {  	vm1 =	vmand vm15, vm0;
	v0 =	vadd.f32 v22, v0;
	v9 =	vmul.f32 $5.000000000e-01, v49  }
0x12c: {  	v55 =	vmul.f32 v51, v51;
	v12 =	vmul.f32 v31, v25;
	v34 =	vnsel vm1, $0x0, v22  }
0x12d: {  	vm1 =	vmand vm4, vm0;
	v48 =	vsel vm6, v10, v45;
	v10 =	vmul.f32 v54, v50  }
0x12e: {  	v36 =	vld [tilespmem:$0x6F0];
	v11 =	vmul.f32 $5.000000000e-01, v56;
	v37 =	vnsel vm1, $0x0, v30;
	vm1 =	vmand vm7, vm0  }
0x12f: {  	v18 =	vld [tilespmem:$0x8D0];
	vm14 =	veq.f32 v61, v61;
	v0 =	vadd.f32 v30, v0;
	v9 =	vsel vm8, v9, v53  }
0x130: {  	v32 =	vld [tilespmem:$0x8E0];
	v5 =	vmul.f32 $5.000000000e-01, v55;
	v2 =	vadd.f32 v48, v2;
	v46 =	vnsel vm1, $0x0, v30  }
0x131: {  	v25 =	vld [tilespmem:$0xB20];
	v10 =	vsub.f32 v10, v14;
	v62 =	vsel vm10, v11, v60;
	v11 =	vmul.f32 v19, v57  }
0x132: {  	v50 =	vld [tilespmem:$0xF00];
	v1 =	vadd.f32 v9, v1;
	v9 =	vmul.f32 v31, v20;
	v47 =	vmul.f32 v46, v38  }
0x133: {  	v48 =	vld [tilespmem:$0xB00];
	v3 =	vsel vm9, v5, v3;
	v5 =	vmul.f32 v37, v36;
	v63 =	vand.u32 $0x7FFFFFFF, v10  }
0x134: {  	v55 =	vld [tilespmem:$0xD00];
	v4 =	vsub.f32 v4, v11;
	v10 =	vmul.f32 v21, v18;
	v2 =	vadd.f32 v3, v2  }
0x135: {  	v1 =	vadd.f32 v62, v1;
	v9 =	vsub.f32 v12, v9;
	v11 =	vmul.f32 v34, v32  }
0x136: {  	vm4 =	veq.f32 v25, v25;
	v17 =	vmul.f32 $3.000000000e+00, v63;
	vm13 =	vle.f32 v63, $1.111111120e-01  }
0x137: {  	v6 =	vadd.f32 $-5.555555600e-02, v63;
	v0 =	vadd.f32 v50, v0;
	v4 =	vand.u32 $0x7FFFFFFF, v4  }
0x138: {  	v28 =	vsub.f32 v10, v24;
	v10 =	vmul.f32 v34, v23;
	v9 =	vand.u32 $0x7FFFFFFF, v9  }
0x139: {  	vm11 =	veq.f32 v48, v48;
	vm12 =	veq.f32 v55, v55;
	v8 =	vmul.f32 v17, v17  }
0x13a: {  	v42 =	vld [tilespmem:$0x8F0];
	v29 =	vmul.f32 $3.000000000e+00, v4;
	vm5 =	vle.f32 v4, $1.111111120e-01;
	v4 =	vadd.f32 $-5.555555600e-02, v4  }
0x13b: {  	v52 =	vld [tilespmem:$0x700];
	v39 =	vmul.f32 $3.000000000e+00, v9;
	v44 =	vadd.f32 $-5.555555600e-02, v9;
	vm8 =	vle.f32 v9, $1.111111120e-01  }
0x13c: {  	v63 =	vld [tilespmem:$0xF10];
	vm1 =	vmand vm11, vm0;
	v7 =	vand.u32 $0x7FFFFFFF, v28;
	v10 =	vsub.f32 v11, v10  }
0x13d: {  	v60 =	vnsel vm1, $0x0, v50;
	vm1 =	vmand vm12, vm0;
	v8 =	vmul.f32 $5.000000000e-01, v8  }
0x13e: {  	v33 =	vmul.f32 $3.000000000e+00, v7;
	v35 =	vmul.f32 v29, v29;
	v40 =	vadd.f32 $-5.555555600e-02, v7  }
0x13f: {  	v21 =	vld [tilespmem:$0x710];
	vm6 =	vle.f32 v7, $1.111111120e-01;
	v41 =	vmul.f32 v39, v39;
	v7 =	vmul.f32 v46, v42  }
0x140: {  	v23 =	vld [tilespmem:$0xD10];
	v9 =	vmul.f32 v60, v52;
	v20 =	vnsel vm1, $0x0, v50;
	vm1 =	vmand vm14, vm0  }
0x141: {  	v10 =	vand.u32 $0x7FFFFFFF, v10;
	v22 =	vmul.f32 v20, v55;
	v28 =	vnsel vm1, $0x0, v63  }
0x142: {  	v0 =	vadd.f32 v63, v0;
	v16 =	vmul.f32 v33, v33;
	v3 =	vmul.f32 $5.000000000e-01, v35  }
0x143: {  	v26 =	vsel vm13, v8, v6;
	v6 =	vmul.f32 v37, v27;
	v43 =	vmul.f32 $3.000000000e+00, v10  }
0x144: {  	v59 =	vld [tilespmem:$0x900];
	v51 =	vadd.f32 $-5.555555600e-02, v10;
	v7 =	vsub.f32 v7, v47;
	vm9 =	vle.f32 v10, $1.111111120e-01  }
0x145: {  	v29 =	vld [tilespmem:$0xF20];
	v14 =	vmul.f32 v28, v21;
	vm15 =	veq.f32 v23, v23;
	v2 =	vadd.f32 v26, v2  }
0x146: {  	v52 =	vld [tilespmem:$0xD30];
	vm1 =	vmand vm15, vm0;
	v16 =	vmul.f32 $5.000000000e-01, v16;
	v3 =	vsel vm5, v3, v4  }
0x147: {  	v31 =	vld [tilespmem:$0x720];
	v5 =	vsub.f32 v5, v6;
	v4 =	vmul.f32 $5.000000000e-01, v41;
	v6 =	vmul.f32 v43, v43  }
0x148: {  	v39 =	vld [tilespmem:$0xD20];
	v56 =	vand.u32 $0x7FFFFFFF, v7;
	v32 =	vnsel vm1, $0x0, v63;
	vm1 =	vmand vm4, vm0  }
0x149: {  	v58 =	vmul.f32 $3.000000000e+00, v56;
	v1 =	vadd.f32 v3, v1;
	v19 =	vadd.f32 $-5.555555600e-02, v56  }
0x14a: {  	vm13 =	vle.f32 v56, $1.111111120e-01;
	v3 =	vmul.f32 v20, v59;
	v34 =	vnsel vm1, $0x0, v29  }
0x14b: {  	v35 =	vmul.f32 v32, v23;
	vm12 =	veq.f32 v52, v52;
	v0 =	vadd.f32 v29, v0  }
0x14c: {  	v21 =	vld [tilespmem:$0xD40];
	v11 =	vsel vm6, v16, v40;
	v5 =	vand.u32 $0x7FFFFFFF, v5;
	v4 =	vsel vm8, v4, v44  }
0x14d: {  	v26 =	vld [tilespmem:$0x910];
	v6 =	vmul.f32 $5.000000000e-01, v6;
	v37 =	vmul.f32 v34, v31;
	vm8 =	veq.f32 v39, v39  }
0x14e: {  	v45 =	vmul.f32 $3.000000000e+00, v5;
	v54 =	vadd.f32 $-5.555555600e-02, v5;
	vm10 =	vle.f32 v5, $1.111111120e-01  }
0x14f: {  	v2 =	vadd.f32 v11, v2;
	v10 =	vmul.f32 v58, v58;
	v11 =	vmul.f32 v60, v48  }
0x150: {  	v1 =	vadd.f32 v4, v1;
	v3 =	vsub.f32 v3, v22;
	v5 =	vmul.f32 v34, v25  }
0x151: {  	vm1 =	vmand vm8, vm0;
	vm4 =	veq.f32 v21, v21;
	v6 =	vsel vm9, v6, v51  }
0x152: {  	v59 =	vld [tilespmem:$0xB40];
	v7 =	vmul.f32 v32, v26;
	v50 =	vnsel vm1, $0x0, v29;
	v49 =	vmul.f32 v45, v45  }
0x153: {  	v62 =	vmul.f32 $5.000000000e-01, v10;
	v9 =	vsub.f32 v9, v11;
	v3 =	vand.u32 $0x7FFFFFFF, v3  }
0x154: {  	v2 =	vadd.f32 v6, v2;
	v5 =	vsub.f32 v37, v5;
	v30 =	vmul.f32 $3.000000000e+00, v3  }
0x155: {  	v38 =	vadd.f32 $-5.555555600e-02, v3;
	vm6 =	vle.f32 v3, $1.111111120e-01;
	v40 =	vsub.f32 v7, v35  }
0x156: {  	v53 =	vmul.f32 $5.000000000e-01, v49;
	v4 =	vsel vm13, v62, v19;
	v24 =	vand.u32 $0x7FFFFFFF, v9  }
0x157: {  	v51 =	vld [tilespmem:$0xF30];
	v5 =	vand.u32 $0x7FFFFFFF, v5;
	vm13 =	veq.f32 v59, v59;
	v9 =	vmul.f32 $3.000000000e+00, v24  }
0x158: {  	v33 =	vadd.f32 $-5.555555600e-02, v24;
	v12 =	vmul.f32 v30, v30;
	vm5 =	vle.f32 v24, $1.111111120e-01  }
0x159: {  	v63 =	vld [tilespmem:$0xF40];
	v2 =	vadd.f32 v4, v2;
	v3 =	vand.u32 $0x7FFFFFFF, v40;
	v45 =	vmul.f32 $3.000000000e+00, v5  }
0x15a: {  	v46 =	vld [tilespmem:$0x920];
	v57 =	vsel vm10, v53, v54;
	v44 =	vmul.f32 $3.000000000e+00, v3;
	vm9 =	vle.f32 v3, $1.111111120e-01  }
0x15b: {  	v49 =	vld [tilespmem:$0xB30];
	v3 =	vadd.f32 $-5.555555600e-02, v3;
	v53 =	vadd.f32 $-5.555555600e-02, v5;
	vm10 =	vle.f32 v5, $1.111111120e-01  }
0x15c: {  	v30 =	vld [tilespmem:$0xF50];
	v0 =	vadd.f32 v51, v0;
	v27 =	vmul.f32 v9, v9;
	v9 =	vmul.f32 v28, v61  }
0x15d: {  	v1 =	vadd.f32 v57, v1;
	v12 =	vmul.f32 $5.000000000e-01, v12;
	v48 =	vmul.f32 v45, v45  }
0x15e: {  	v47 =	vmul.f32 v44, v44;
	v0 =	vadd.f32 v63, v0;
	v8 =	vmul.f32 $5.000000000e-01, v27  }
0x15f: {  	v9 =	vsub.f32 v14, v9;
	v41 =	vsel vm6, v12, v38;
	v12 =	vmul.f32 v50, v46  }
0x160: {  	v54 =	vld [tilespmem:$0x730];
	vm11 =	veq.f32 v49, v49;
	v7 =	vmul.f32 $5.000000000e-01, v47;
	v2 =	vadd.f32 v41, v2  }
0x161: {  	v28 =	vld [tilespmem:$0xB50];
	vm1 =	vmand vm11, vm0;
	v0 =	vadd.f32 v30, v0;
	v9 =	vand.u32 $0x7FFFFFFF, v9  }
0x162: {  	v57 =	vld [tilespmem:$0x930];
	v8 =	vsel vm5, v8, v33;
	v58 =	vnsel vm1, $0x0, v51;
	vm1 =	vmand vm12, vm0  }
0x163: {  	v36 =	vmul.f32 $3.000000000e+00, v9;
	v43 =	vadd.f32 $-5.555555600e-02, v9;
	vm7 =	vle.f32 v9, $1.111111120e-01  }
0x164: {  	v17 =	vld [tilespmem:$0x740];
	v1 =	vadd.f32 v8, v1;
	v9 =	vmul.f32 $5.000000000e-01, v48;
	v8 =	vmul.f32 v50, v39  }
0x165: {  	v38 =	vld [tilespmem:$0xD50];
	v3 =	vsel vm9, v7, v3;
	v60 =	vmul.f32 v58, v54;
	v62 =	vnsel vm1, $0x0, v51  }
0x166: {  	v26 =	vld [tilespmem:$0x940];
	vm1 =	vmand vm13, vm0;
	vm6 =	veq.f32 v28, v28;
	v2 =	vadd.f32 v3, v2  }
0x167: {  	v47 =	vld [tilespmem:$0xF60];
	v7 =	vmul.f32 v62, v57;
	v16 =	vmul.f32 v62, v52;
	v20 =	vnsel vm1, $0x0, v63  }
0x168: {  	vm1 =	vmand vm4, vm0;
	v11 =	vmul.f32 v36, v36;
	v55 =	vsel vm10, v9, v53  }
0x169: {  	v56 =	vsub.f32 v12, v8;
	v4 =	vmul.f32 v20, v17;
	v8 =	vmul.f32 v20, v59  }
0x16a: {  	v51 =	vld [tilespmem:$0xD60];
	v33 =	vnsel vm1, $0x0, v63;
	vm1 =	vmand vm6, vm0;
	vm8 =	veq.f32 v38, v38  }
0x16b: {  	v7 =	vsub.f32 v7, v16;
	v35 =	vmul.f32 v33, v26;
	v36 =	vmul.f32 v33, v21  }
0x16c: {  	v0 =	vadd.f32 v47, v0;
	v42 =	vmul.f32 $5.000000000e-01, v11;
	v5 =	vand.u32 $0x7FFFFFFF, v56  }
0x16d: {  	v34 =	vld [tilespmem:$0x750];
	v4 =	vsub.f32 v4, v8;
	v61 =	vmul.f32 $3.000000000e+00, v5;
	v19 =	vadd.f32 $-5.555555600e-02, v5  }
0x16e: {  	v45 =	vld [tilespmem:$0x950];
	v7 =	vand.u32 $0x7FFFFFFF, v7;
	vm14 =	vle.f32 v5, $1.111111120e-01;
	v39 =	vsub.f32 v35, v36  }
0x16f: {  	v63 =	vld [tilespmem:$0xF70];
	vm11 =	veq.f32 v51, v51;
	v6 =	vsel vm7, v42, v43;
	v23 =	vmul.f32 $3.000000000e+00, v7  }
0x170: {  	v4 =	vand.u32 $0x7FFFFFFF, v4;
	v31 =	vadd.f32 $-5.555555600e-02, v7;
	vm5 =	vle.f32 v7, $1.111111120e-01  }
0x171: {  	v26 =	vld [tilespmem:$0xB80];
	v42 =	vnsel vm1, $0x0, v30;
	v1 =	vadd.f32 v6, v1;
	v6 =	vmul.f32 v58, v49  }
0x172: {  	vm1 =	vmand vm8, vm0;
	v3 =	vmul.f32 v61, v61;
	v32 =	vmul.f32 $3.000000000e+00, v4  }
0x173: {  	v41 =	vadd.f32 $-5.555555600e-02, v4;
	v44 =	vmul.f32 v42, v34;
	v8 =	vmul.f32 v42, v28  }
0x174: {  	vm7 =	vle.f32 v4, $1.111111120e-01;
	v49 =	vnsel vm1, $0x0, v30;
	v27 =	vmul.f32 v23, v23  }
0x175: {  	v43 =	vld [tilespmem:$0xB60];
	v0 =	vadd.f32 v63, v0;
	v10 =	vmul.f32 v49, v45;
	v11 =	vmul.f32 v49, v38  }
0x176: {  	vm6 =	veq.f32 v26, v26;
	v6 =	vsub.f32 v60, v6;
	v1 =	vadd.f32 v55, v1  }
0x177: {  	v3 =	vmul.f32 $5.000000000e-01, v3;
	v37 =	vmul.f32 v32, v32;
	v8 =	vsub.f32 v44, v8  }
0x178: {  	v28 =	vld [tilespmem:$0xF80];
	v29 =	vmul.f32 $5.000000000e-01, v27;
	v10 =	vsub.f32 v10, v11;
	v6 =	vand.u32 $0x7FFFFFFF, v6  }
0x179: {  	v3 =	vsel vm14, v3, v19;
	v40 =	vmul.f32 $5.000000000e-01, v37;
	v8 =	vand.u32 $0x7FFFFFFF, v8  }
0x17a: {  	v48 =	vld [tilespmem:$0x760];
	vm9 =	veq.f32 v43, v43;
	v18 =	vmul.f32 $3.000000000e+00, v6;
	v2 =	vadd.f32 v3, v2  }
0x17b: {  	v25 =	vadd.f32 $-5.555555600e-02, v6;
	vm15 =	vle.f32 v6, $1.111111120e-01;
	v5 =	vsel vm5, v29, v31  }
0x17c: {  	v50 =	vmul.f32 $3.000000000e+00, v8;
	vm1 =	vmand vm9, vm0;
	v56 =	vand.u32 $0x7FFFFFFF, v10  }
0x17d: {  	v32 =	vld [tilespmem:$0xD80];
	v59 =	vadd.f32 $-5.555555600e-02, v8;
	vm12 =	vle.f32 v8, $1.111111120e-01;
	v0 =	vadd.f32 v28, v0  }
0x17e: {  	v7 =	vsel vm7, v40, v41;
	v52 =	vnsel vm1, $0x0, v47;
	v10 =	vmul.f32 $3.000000000e+00, v56  }
0x17f: {  	v61 =	vld [tilespmem:$0xB70];
	vm1 =	vmand vm11, vm0;
	v22 =	vmul.f32 v18, v18;
	v9 =	vmul.f32 v52, v48  }
0x180: {  	vm13 =	vle.f32 v56, $1.111111120e-01;
	v12 =	vmul.f32 v52, v43;
	v54 =	vmul.f32 v50, v50  }
0x181: {  	v2 =	vadd.f32 v5, v2;
	v18 =	vld [tilespmem:$0xD70];
	v60 =	vmul.f32 v10, v10;
	v24 =	vmul.f32 $5.000000000e-01, v22  }
0x182: {  	v58 =	vnsel vm1, $0x0, v47;
	vm7 =	veq.f32 v32, v32;
	v43 =	vld [tilespmem:$0xF90];
	v9 =	vsub.f32 v9, v12  }
0x183: {  	v12 =	vmul.f32 v58, v51;
	v6 =	vmul.f32 $5.000000000e-01, v60;
	v3 =	vsel vm15, v24, v25  }
0x184: {  	v55 =	vld [tilespmem:$0x960];
	v9 =	vand.u32 $0x7FFFFFFF, v9;
	vm15 =	veq.f32 v61, v61;
	v1 =	vadd.f32 v3, v1  }
0x185: {  	v21 =	vld [tilespmem:$0x770];
	v3 =	vand.u32 $0x7FFFFFFF, v39;
	v57 =	vmul.f32 $3.000000000e+00, v9;
	v19 =	vadd.f32 $-5.555555600e-02, v9  }
0x186: {  	vm14 =	vle.f32 v9, $1.111111120e-01;
	vm1 =	vmand vm15, vm0;
	vm4 =	veq.f32 v18, v18  }
0x187: {  	v23 =	vld [tilespmem:$0x970];
	v0 =	vadd.f32 v43, v0;
	v46 =	vmul.f32 $3.000000000e+00, v3;
	v53 =	vadd.f32 $-5.555555600e-02, v3  }
0x188: {  	v50 =	vld [tilespmem:$0xD90];
	vm10 =	vle.f32 v3, $1.111111120e-01;
	v3 =	vmul.f32 $5.000000000e-01, v54;
	v25 =	vnsel vm1, $0x0, v63  }
0x189: {  	v1 =	vadd.f32 v7, v1;
	v7 =	vmul.f32 v58, v55;
	v62 =	vmul.f32 v57, v57  }
0x18a: {  	v30 =	vld [tilespmem:$0x780];
	vm1 =	vmand vm4, vm0;
	v9 =	vmul.f32 v25, v21;
	v5 =	vmul.f32 v25, v61  }
0x18b: {  	v38 =	vld [tilespmem:$0x980];
	v29 =	vnsel vm1, $0x0, v63;
	vm1 =	vmand vm6, vm0;
	v4 =	vmul.f32 v46, v46  }
0x18c: {  	v3 =	vsel vm12, v3, v59;
	v31 =	vmul.f32 v29, v23;
	v8 =	vmul.f32 v29, v18  }
0x18d: {  	v37 =	vnsel vm1, $0x0, v28;
	vm1 =	vmand vm7, vm0;
	vm12 =	veq.f32 v50, v50  }
0x18e: {  	v42 =	vld [tilespmem:$0xB90];
	v7 =	vsub.f32 v7, v12;
	v10 =	vmul.f32 $5.000000000e-01, v62;
	v1 =	vadd.f32 v3, v1  }
0x18f: {  	v58 =	vld [tilespmem:$0xFA0];
	v34 =	vsub.f32 v9, v5;
	v39 =	vmul.f32 v37, v30;
	v41 =	vnsel vm1, $0x0, v28  }
0x190: {  	v4 =	vmul.f32 $5.000000000e-01, v4;
	v35 =	vsub.f32 v31, v8;
	v8 =	vmul.f32 v41, v38  }
0x191: {  	v7 =	vand.u32 $0x7FFFFFFF, v7;
	v22 =	vsel vm14, v10, v19;
	v10 =	vmul.f32 v41, v32  }
0x192: {  	v62 =	vld [tilespmem:$0xDA0];
	v4 =	vsel vm10, v4, v53;
	v20 =	vmul.f32 $3.000000000e+00, v7;
	v27 =	vadd.f32 $-5.555555600e-02, v7  }
0x193: {  	v30 =	vld [tilespmem:$0xBB0];
	vm5 =	vle.f32 v7, $1.111111120e-01;
	v1 =	vadd.f32 v22, v1;
	v3 =	vand.u32 $0x7FFFFFFF, v35  }
0x194: {  	vm10 =	veq.f32 v42, v42;
	v0 =	vadd.f32 v58, v0;
	v2 =	vadd.f32 v4, v2  }
0x195: {  	v46 =	vld [tilespmem:$0x790];
	v4 =	vadd.f32 $-5.555555600e-02, v56;
	v40 =	vmul.f32 $3.000000000e+00, v3;
	v44 =	vadd.f32 $-5.555555600e-02, v3  }
0x196: {  	v54 =	vld [tilespmem:$0xBA0];
	vm9 =	vle.f32 v3, $1.111111120e-01;
	v47 =	vsub.f32 v8, v10;
	vm1 =	vmand vm10, vm0  }
0x197: {  	v24 =	vmul.f32 v20, v20;
	v53 =	vnsel vm1, $0x0, v43;
	vm1 =	vmand vm12, vm0  }
0x198: {  	v32 =	vld [tilespmem:$0xFB0];
	vm15 =	veq.f32 v62, v62;
	vm7 =	veq.f32 v30, v30;
	v4 =	vsel vm13, v6, v4  }
0x199: {  	v6 =	vmul.f32 v37, v26;
	v7 =	vmul.f32 v40, v40;
	v3 =	vand.u32 $0x7FFFFFFF, v47  }
0x19a: {  	v15 =	vmul.f32 v53, v46;
	v9 =	vmul.f32 v53, v42;
	v61 =	vnsel vm1, $0x0, v43  }
0x19b: {  	v56 =	vld [tilespmem:$0x990];
	vm13 =	veq.f32 v54, v54;
	v2 =	vadd.f32 v4, v2;
	v4 =	vmul.f32 $5.000000000e-01, v24  }
0x19c: {  	v60 =	vld [tilespmem:$0x7A0];
	v52 =	vmul.f32 $3.000000000e+00, v3;
	v8 =	vmul.f32 v61, v50;
	vm1 =	vmand vm13, vm0  }
0x19d: {  	v63 =	vadd.f32 $-5.555555600e-02, v3;
	vm14 =	vle.f32 v3, $1.111111120e-01;
	v0 =	vadd.f32 v32, v0  }
0x19e: {  	v6 =	vsub.f32 v39, v6;
	v7 =	vmul.f32 $5.000000000e-01, v7;
	v59 =	vsub.f32 v15, v9  }
0x19f: {  	v21 =	vnsel vm1, $0x0, v58;
	vm1 =	vmand vm15, vm0;
	v33 =	vsel vm5, v4, v27  }
0x1a0: {  	v4 =	vand.u32 $0x7FFFFFFF, v34;
	v57 =	vmul.f32 v52, v52;
	v10 =	vmul.f32 v61, v56  }
0x1a1: {  	v40 =	vld [tilespmem:$0xBC0];
	v9 =	vmul.f32 v21, v60;
	v22 =	vmul.f32 v21, v54;
	v28 =	vnsel vm1, $0x0, v58  }
0x1a2: {  	v42 =	vld [tilespmem:$0xFC0];
	vm1 =	vmand vm7, vm0;
	v2 =	vadd.f32 v33, v2;
	v36 =	vmul.f32 $3.000000000e+00, v4  }
0x1a3: {  	vm8 =	vle.f32 v4, $1.111111120e-01;
	v4 =	vadd.f32 $-5.555555600e-02, v4;
	v6 =	vand.u32 $0x7FFFFFFF, v6  }
0x1a4: {  	v50 =	vld [tilespmem:$0xBD0];
	v48 =	vsel vm9, v7, v44;
	v7 =	vand.u32 $0x7FFFFFFF, v59;
	v29 =	vmul.f32 v28, v62  }
0x1a5: {  	v39 =	vnsel vm1, $0x0, v32;
	v45 =	vmul.f32 $3.000000000e+00, v6;
	v55 =	vadd.f32 $-5.555555600e-02, v6  }
0x1a6: {  	v53 =	vld [tilespmem:$0xFD0];
	vm11 =	vle.f32 v6, $1.111111120e-01;
	v20 =	vmul.f32 $3.000000000e+00, v7;
	v8 =	vsub.f32 v10, v8  }
0x1a7: {  	v9 =	vsub.f32 v9, v22;
	v26 =	vadd.f32 $-5.555555600e-02, v7;
	vm4 =	vle.f32 v7, $1.111111120e-01  }
0x1a8: {  	v34 =	vld [tilespmem:$0x7B0];
	vm10 =	veq.f32 v40, v40;
	v0 =	vadd.f32 v42, v0;
	v5 =	vmul.f32 v36, v36  }
0x1a9: {  	v2 =	vadd.f32 v48, v2;
	vm12 =	veq.f32 v50, v50;
	v49 =	vmul.f32 v45, v45  }
0x1aa: {  	v23 =	vmul.f32 v20, v20;
	v8 =	vand.u32 $0x7FFFFFFF, v8;
	v9 =	vand.u32 $0x7FFFFFFF, v9  }
0x1ab: {  	v0 =	vadd.f32 v53, v0;
	v5 =	vmul.f32 $5.000000000e-01, v5;
	v25 =	vmul.f32 $3.000000000e+00, v8  }
0x1ac: {  	v36 =	vld [tilespmem:$0xDB0];
	v27 =	vmul.f32 $3.000000000e+00, v9;
	v33 =	vadd.f32 $-5.555555600e-02, v8;
	v35 =	vadd.f32 $-5.555555600e-02, v9  }
0x1ad: {  	v47 =	vld [tilespmem:$0xDC0];
	vm6 =	vle.f32 v9, $1.111111120e-01;
	v7 =	vmul.f32 v39, v34;
	v9 =	vmul.f32 v39, v30  }
0x1ae: {  	vm5 =	vle.f32 v8, $1.111111120e-01;
	v51 =	vmul.f32 $5.000000000e-01, v49;
	v3 =	vmul.f32 $5.000000000e-01, v23  }
0x1af: {  	v24 =	vld [tilespmem:$0x9A0];
	v4 =	vsel vm8, v5, v4;
	v5 =	vmul.f32 $5.000000000e-01, v57;
	v10 =	vmul.f32 v25, v25  }
0x1b0: {  	v31 =	vmul.f32 v27, v27;
	v7 =	vsub.f32 v7, v9;
	v1 =	vadd.f32 v4, v1  }
0x1b1: {  	v30 =	vld [tilespmem:$0xFE0];
	v4 =	vsel vm11, v51, v55;
	v3 =	vsel vm4, v3, v26;
	vm8 =	veq.f32 v36, v36  }
0x1b2: {  	vm11 =	veq.f32 v47, v47;
	v5 =	vsel vm14, v5, v63;
	v10 =	vmul.f32 $5.000000000e-01, v10  }
0x1b3: {  	vm1 =	vmand vm8, vm0;
	v49 =	vand.u32 $0x7FFFFFFF, v7;
	v1 =	vadd.f32 v4, v1  }
0x1b4: {  	v38 =	vld [tilespmem:$0x9B0];
	v4 =	vmul.f32 v28, v24;
	v2 =	vadd.f32 v5, v2;
	v5 =	vmul.f32 $5.000000000e-01, v31  }
0x1b5: {  	v44 =	vnsel vm1, $0x0, v32;
	v7 =	vmul.f32 $3.000000000e+00, v49;
	vm1 =	vmand vm10, vm0  }
0x1b6: {  	v45 =	vld [tilespmem:$0x7C0];
	v57 =	vadd.f32 $-5.555555600e-02, v49;
	vm13 =	vle.f32 v49, $1.111111120e-01;
	v0 =	vadd.f32 v30, v0  }
0x1b7: {  	v51 =	vld [tilespmem:$0x9C0];
	v10 =	vsel vm5, v10, v33;
	v46 =	vmul.f32 v44, v36;
	v52 =	vnsel vm1, $0x0, v42  }
0x1b8: {  	v55 =	vld [tilespmem:$0x7D0];
	vm1 =	vmand vm11, vm0;
	v4 =	vsub.f32 v4, v29;
	v5 =	vsel vm6, v5, v35  }
0x1b9: {  	v63 =	vld [tilespmem:$0xDD0];
	v1 =	vadd.f32 v3, v1;
	v2 =	vadd.f32 v10, v2;
	v3 =	vmul.f32 v44, v38  }
0x1ba: {  	v7 =	vmul.f32 v7, v7;
	v56 =	vnsel vm1, $0x0, v42;
	vm1 =	vmand vm12, vm0  }
0x1bb: {  	v28 =	vld [tilespmem:$0xBE0];
	v13 =	vmul.f32 v52, v45;
	v10 =	vmul.f32 v52, v40;
	v58 =	vnsel vm1, $0x0, v53  }
0x1bc: {  	v31 =	vld [tilespmem:$0xDE0];
	v59 =	vmul.f32 v56, v47;
	v4 =	vand.u32 $0x7FFFFFFF, v4;
	v1 =	vadd.f32 v5, v1  }
0x1bd: {  	v3 =	vsub.f32 v3, v46;
	v7 =	vmul.f32 $5.000000000e-01, v7;
	v10 =	vsub.f32 v13, v10  }
0x1be: {  	v5 =	vmul.f32 v56, v51;
	v61 =	vmul.f32 v58, v55;
	vm4 =	veq.f32 v63, v63  }
0x1bf: {  	v37 =	vmul.f32 $3.000000000e+00, v4;
	v43 =	vadd.f32 $-5.555555600e-02, v4;
	vm9 =	vle.f32 v4, $1.111111120e-01  }
0x1c0: {  	v33 =	vld [tilespmem:$0x7E0];
	v4 =	vmul.f32 v58, v50;
	vm1 =	vmand vm4, vm0;
	vm7 =	veq.f32 v28, v28  }
0x1c1: {  	v38 =	vld [tilespmem:$0xFF0];
	vm8 =	veq.f32 v31, v31;
	v3 =	vand.u32 $0x7FFFFFFF, v3;
	v10 =	vand.u32 $0x7FFFFFFF, v10  }
0x1c2: {  	v40 =	vld [tilespmem:$0xDF0];
	v7 =	vsel vm13, v7, v57;
	v18 =	vsub.f32 v5, v59;
	v29 =	vnsel vm1, $0x0, v53  }
0x1c3: {  	vm1 =	vmand vm7, vm0;
	v8 =	vmul.f32 v37, v37;
	v54 =	vmul.f32 $3.000000000e+00, v3  }
0x1c4: {  	v60 =	vmul.f32 $3.000000000e+00, v10;
	v62 =	vadd.f32 $-5.555555600e-02, v3;
	v4 =	vsub.f32 v61, v4  }
0x1c5: {  	vm14 =	vle.f32 v3, $1.111111120e-01;
	v1 =	vadd.f32 v7, v1;
	v21 =	vadd.f32 $-5.555555600e-02, v10  }
0x1c6: {  	vm15 =	vle.f32 v10, $1.111111120e-01;
	v39 =	vnsel vm1, $0x0, v30;
	vm1 =	vmand vm8, vm0  }
0x1c7: {  	vm10 =	veq.f32 v40, v40;
	v0 =	vadd.f32 v38, v0;
	v42 =	vmul.f32 v39, v33  }
0x1c8: {  	v3 =	vand.u32 $0x7FFFFFFF, v18;
	v41 =	vmul.f32 $5.000000000e-01, v8;
	v11 =	vmul.f32 v54, v54  }
0x1c9: {  	v34 =	vld [tilespmem:$0x9E0];
	v9 =	vmul.f32 v60, v60;
	v4 =	vand.u32 $0x7FFFFFFF, v4;
	v22 =	vmul.f32 $3.000000000e+00, v3  }
0x1ca: {  	v37 =	vld [tilespmem:$0xBF0];
	vm5 =	vle.f32 v3, $1.111111120e-01;
	v3 =	vadd.f32 $-5.555555600e-02, v3;
	v8 =	vmul.f32 v29, v63  }
0x1cb: {  	v24 =	vld [tilespmem:$0x9D0];
	v23 =	vmul.f32 $3.000000000e+00, v4;
	v32 =	vadd.f32 $-5.555555600e-02, v4;
	vm6 =	vle.f32 v4, $1.111111120e-01  }
0x1cc: {  	v48 =	vsel vm9, v41, v43;
	v11 =	vmul.f32 $5.000000000e-01, v11;
	v20 =	vmul.f32 $5.000000000e-01, v9  }
0x1cd: {  	v26 =	vmul.f32 v22, v22;
	v43 =	vnsel vm1, $0x0, v30;
	v27 =	vmul.f32 v23, v23  }
0x1ce: {  	v44 =	vld [tilespmem:$0x7F0];
	v2 =	vadd.f32 v48, v2;
	v4 =	vmul.f32 v43, v34;
	v9 =	vmul.f32 v43, v31  }
0x1cf: {  	v45 =	vld [tilespmem:$0x9F0];
	vm9 =	veq.f32 v37, v37;
	v19 =	vsel vm14, v11, v62;
	v25 =	vsel vm15, v20, v21  }
0x1d0: {  	v6 =	vmul.f32 $5.000000000e-01, v26;
	v11 =	vmul.f32 v29, v24;
	vm1 =	vmand vm9, vm0  }
0x1d1: {  	vm0 =	vmand vm10, vm0;
	v2 =	vadd.f32 v19, v2;
	v7 =	vmul.f32 $5.000000000e-01, v27  }
0x1d2: {  	v1 =	vadd.f32 v25, v1;
	v46 =	vnsel vm1, $0x0, v38;
	v36 =	vsub.f32 v11, v8  }
0x1d3: {  	v49 =	vnsel vm0, $0x0, v38;
	v3 =	vsel vm5, v6, v3;
	v8 =	vmul.f32 v39, v28  }
0x1d4: {  	v47 =	vmul.f32 v46, v44;
	v50 =	vmul.f32 v49, v45;
	v6 =	vand.u32 $0x7FFFFFFF, v36  }
0x1d5: {  	v4 =	vsub.f32 v4, v9;
	v11 =	vmul.f32 v49, v40;
	v41 =	vmul.f32 $3.000000000e+00, v6  }
0x1d6: {  	v35 =	vsel vm6, v7, v32;
	v2 =	vadd.f32 v3, v2;
	v7 =	vmul.f32 v46, v37  }
0x1d7: {  	v4 =	vand.u32 $0x7FFFFFFF, v4;
	v1 =	vadd.f32 v35, v1;
	v5 =	vmul.f32 v41, v41  }
0x1d8: {  	v8 =	vsub.f32 v42, v8;
	v51 =	vmul.f32 $3.000000000e+00, v4;
	v57 =	vadd.f32 $-5.555555600e-02, v4  }
0x1d9: {  	vm11 =	vle.f32 v6, $1.111111120e-01;
	v6 =	vadd.f32 $-5.555555600e-02, v6;
	v5 =	vmul.f32 $5.000000000e-01, v5  }
0x1da: {  	vm13 =	vle.f32 v4, $1.111111120e-01;
	v7 =	vsub.f32 v47, v7;
	v8 =	vand.u32 $0x7FFFFFFF, v8  }
0x1db: {  	v48 =	vmul.f32 $3.000000000e+00, v8;
	v5 =	vsel vm11, v5, v6;
	v6 =	vsub.f32 v50, v11  }
0x1dc: {  	v52 =	vmul.f32 v51, v51;
	vm12 =	vle.f32 v8, $1.111111120e-01;
	v7 =	vand.u32 $0x7FFFFFFF, v7  }
0x1dd: {  	v53 =	vmul.f32 $3.000000000e+00, v7;
	v9 =	vmul.f32 v48, v48;
	v6 =	vand.u32 $0x7FFFFFFF, v6  }
0x1de: {  	v8 =	vadd.f32 $-5.555555600e-02, v8;
	v56 =	vmul.f32 $5.000000000e-01, v52;
	v55 =	vmul.f32 $3.000000000e+00, v6  }
0x1df: {  	v61 =	vadd.f32 $-5.555555600e-02, v7;
	v12 =	vmul.f32 v53, v53;
	v9 =	vmul.f32 $5.000000000e-01, v9  }
0x1e0: {  	vm14 =	vle.f32 v7, $1.111111120e-01;
	v59 =	vsel vm13, v56, v57;
	v58 =	vmul.f32 v55, v55  }
0x1e1: {  	v2 =	vadd.f32 v5, v2;
	v60 =	vmul.f32 $5.000000000e-01, v12;
	v54 =	vsel vm12, v9, v8  }
0x1e2: {  	v1 =	vadd.f32 v54, v1;
	v62 =	vadd.f32 $-5.555555600e-02, v6;
	v4 =	vmul.f32 $5.000000000e-01, v58  }
0x1e3: {  	v2 =	vadd.f32 v59, v2;
	v63 =	vsel vm14, v60, v61;
	vm15 =	vle.f32 v6, $1.111111120e-01  }
0x1e4: {  	v1 =	vadd.f32 v63, v1;
	v4 =	vsel vm15, v4, v62  }
0x1e5: {  	[tilespmem:$0x1020] =	vst v0;
	v2 =	vadd.f32 v4, v2  }
0x1e6: {  	s30 =	sshll.u32 s4, $0x4;
	s5 =	sadd.s32 $0x1800, s1;
	[tilespmem:$0x1000] =	vst v1  }
0x1e7: {  	s31 =	simm.s32 $0x1000;
	s6 =	sadd.s32 s5, s30;
	[tilespmem:$0x1010] =	vst v2  }
0x1e8: {  	[hbm4b:s6+s2] =	stream.linear.scatter [tilespmem:s31], [sflag:$0x2], $0x80, $0x38;
	[tilespmem:$0x1900] =	vst v63  }
0x1e9: {  	_ =	swait.ge [sflag:s3], $0x80  }
0x1ea: {  	[sflag:s3] =	ssyncset.done $0x0  }
0x1eb: {  	[sflag:s3] =	ssyncadd.s32 $0xFFFFFF80  }
0x1ec: {  	p0 =	sne.s32 s4, $0x0;
	[bflag:$0x0] =	sbarrier.arrive $0xFFFF  }
0x1ed: {  	_ =	sfence.sel @p0 $0x180000  }
0x1ee: {  	[bflag:$0x0] =	sbarrier.arrive @p0 $0xFFFF  }
0x1ef: {  	_ =	strace @p0 $0x90000047  }
0x1f0: {  	[bflag:$0x2] =	sbarrier.arrive @p0 $0xFFFF  }
0x1f1: {  	_ =	shalt @p0  }
.LBB2_1:
0x1f2: {  	s4 =	simm.s32 $0x1080  }
0x1f3: {  	[tilespmem:s4], [sflag:$0x2] =	stream.linear.gather [hbm4b:s5+s2], $0x800, $0x38;
	[tilespmem:$0x1900] =	vst v63  }
0x1f4: {  	_ =	swait.ge [sflag:s3], $0x800  }
0x1f5: {  	[sflag:s3] =	ssyncset.done $0x0  }
0x1f6: {  	[sflag:s3] =	ssyncadd.s32 $0xFFFFF800  }
0x1f7: {  	v0 =	vld [tilespmem:$0x1080]  }
0x1f8: {  	v1 =	vld [tilespmem:$0x1090]  }
0x1f9: {  	v2 =	vld [tilespmem:$0x10A0]  }
0x1fa: {  	v3 =	vld [tilespmem:$0x1100]  }
0x1fb: {  	v4 =	vld [tilespmem:$0x1110]  }
0x1fc: {  	v5 =	vld [tilespmem:$0x1120]  }
0x1fd: {  	v6 =	vld [tilespmem:$0x1180]  }
0x1fe: {  	v7 =	vld [tilespmem:$0x1190]  }
0x1ff: {  	v8 =	vld [tilespmem:$0x11A0]  }
0x200: {  	v9 =	vld [tilespmem:$0x1200];
	v2 =	vadd.f32 $0.0e+00, v2  }
0x201: {  	v11 =	vld [tilespmem:$0x1220]  }
0x202: {  	v10 =	vld [tilespmem:$0x1210];
	v2 =	vadd.f32 v5, v2  }
0x203: {  	v14 =	vld [tilespmem:$0x12A0]  }
0x204: {  	v12 =	vld [tilespmem:$0x1280];
	v2 =	vadd.f32 v8, v2  }
0x205: {  	v54 =	vld [tilespmem:$0x1320]  }
0x206: {  	v13 =	vld [tilespmem:$0x1290];
	v2 =	vadd.f32 v11, v2  }
0x207: {  	v18 =	vld [tilespmem:$0x13A0]  }
0x208: {  	v15 =	vld [tilespmem:$0x1300];
	v2 =	vadd.f32 v14, v2  }
0x209: {  	v58 =	vld [tilespmem:$0x1420]  }
0x20a: {  	v16 =	vld [tilespmem:$0x1310];
	v2 =	vadd.f32 v54, v2  }
0x20b: {  	v61 =	vld [tilespmem:$0x14A0]  }
0x20c: {  	v17 =	vld [tilespmem:$0x1380];
	v1 =	vadd.f32 $0.0e+00, v1;
	v2 =	vadd.f32 v18, v2  }
0x20d: {  	v63 =	vld [tilespmem:$0x1520];
	v0 =	vadd.f32 $0.0e+00, v0  }
0x20e: {  	v55 =	vld [tilespmem:$0x1390];
	v1 =	vadd.f32 v4, v1;
	v2 =	vadd.f32 v58, v2  }
0x20f: {  	v19 =	vld [tilespmem:$0x15A0];
	v0 =	vadd.f32 v3, v0  }
0x210: {  	v56 =	vld [tilespmem:$0x1400];
	v1 =	vadd.f32 v7, v1;
	v2 =	vadd.f32 v61, v2  }
0x211: {  	v21 =	vld [tilespmem:$0x1620];
	v0 =	vadd.f32 v6, v0  }
0x212: {  	v57 =	vld [tilespmem:$0x1410];
	v1 =	vadd.f32 v10, v1;
	v2 =	vadd.f32 v63, v2  }
0x213: {  	v23 =	vld [tilespmem:$0x16A0];
	v0 =	vadd.f32 v9, v0  }
0x214: {  	v29 =	vimm.s32 $0xFEDCBA98;
	v59 =	vld [tilespmem:$0x1480];
	v1 =	vadd.f32 v13, v1;
	v2 =	vadd.f32 v19, v2  }
0x215: {  	v31 =	vimm.s32 $0x76543210;
	v35 =	vimm.s32 $0xBA98FEDC;
	v25 =	vld [tilespmem:$0x1720];
	v0 =	vadd.f32 v12, v0  }
0x216: {  	v36 =	vimm.s32 $0x32107654;
	v60 =	vld [tilespmem:$0x1490];
	v1 =	vadd.f32 v16, v1;
	v2 =	vadd.f32 v21, v2  }
0x217: {  	v41 =	vimm.s32 $0xDCFE98BA;
	v42 =	vimm.s32 $0x54761032;
	v27 =	vld [tilespmem:$0x17A0];
	v0 =	vadd.f32 v15, v0  }
0x218: {  	v49 =	vimm.s32 $0xEFCDAB89;
	v30 =	vld [tilespmem:$0x1820];
	v1 =	vadd.f32 v55, v1;
	v2 =	vadd.f32 v23, v2  }
0x219: {  	v7 =	vunpack.c.l.s4.s8 v29;
	v8 =	vunpack.c.l.s4.s8 v31;
	v18 =	vld [tilespmem:$0x1510];
	v0 =	vadd.f32 v17, v0  }
0x21a: {  	v50 =	vimm.s32 $0x67452301;
	v62 =	vld [tilespmem:$0x1500];
	v1 =	vadd.f32 v57, v1;
	v2 =	vadd.f32 v25, v2  }
0x21b: {  	v22 =	vld [tilespmem:$0x1590];
	v33 =	vunpack.c.0.s8.s32 v7;
	v34 =	vunpack.c.0.s8.s32 v8;
	v0 =	vadd.f32 v56, v0  }
0x21c: {  	v20 =	vld [tilespmem:$0x1580];
	v7 =	vunpack.c.l.s4.s8 v35;
	v1 =	vadd.f32 v60, v1;
	v2 =	vadd.f32 v27, v2  }
0x21d: {  	v26 =	vld [tilespmem:$0x1610];
	v8 =	vunpack.c.l.s4.s8 v36;
	v4 =	vand.u32 $0xF, v33;
	v0 =	vadd.f32 v59, v0  }
0x21e: {  	v24 =	vld [tilespmem:$0x1600];
	v38 =	vcombine.low v4, v34;
	v1 =	vadd.f32 v18, v1;
	v2 =	vadd.f32 v30, v2  }
0x21f: {  	v32 =	vld [tilespmem:$0x1690];
	v39 =	vunpack.c.0.s8.s32 v7;
	v40 =	vunpack.c.0.s8.s32 v8;
	v0 =	vadd.f32 v62, v0  }
0x220: {  	v44 =	vunpack.c.l.s4.s8 v41;
	v28 =	vld [tilespmem:$0x1680];
	v1 =	vadd.f32 v22, v1;
	v6 =	vperm.xlane v2, v38  }
0x221: {  	v45 =	vunpack.c.l.s4.s8 v42;
	v43 =	vld [tilespmem:$0x1710];
	v4 =	vcombine.low v40, v39;
	v0 =	vadd.f32 v20, v0  }
0x222: {  	v37 =	vld [tilespmem:$0x1700];
	v5 =	vunpack.c.0.s8.s32 v44;
	v1 =	vadd.f32 v26, v1;
	v2 =	vadd.f32 v6, v2  }
0x223: {  	v46 =	vld [tilespmem:$0x1790];
	v7 =	vunpack.c.0.s8.s32 v45;
	v4 =	vand.u32 $0xF, v4;
	v0 =	vadd.f32 v24, v0  }
0x224: {  	v47 =	vld [tilespmem:$0x1780];
	v11 =	vunpack.c.l.s4.s8 v49;
	v1 =	vadd.f32 v32, v1;
	v48 =	vperm.xlane v2, v4  }
0x225: {  	v51 =	vld [tilespmem:$0x1810];
	v12 =	vunpack.c.l.s4.s8 v50;
	v5 =	vcombine.low v7, v5;
	v0 =	vadd.f32 v28, v0  }
0x226: {  	v52 =	vld [tilespmem:$0x1800];
	v53 =	vunpack.c.0.s8.s32 v11;
	v1 =	vadd.f32 v43, v1;
	v2 =	vadd.f32 v48, v2  }
0x227: {  	v54 =	vunpack.c.0.s8.s32 v12;
	v5 =	vand.u32 $0xF, v5;
	v0 =	vadd.f32 v37, v0  }
0x228: {  	v1 =	vadd.f32 v46, v1;
	v55 =	vperm.xlane v2, v5  }
0x229: {  	v56 =	vcombine.low v54, v53;
	v0 =	vadd.f32 v47, v0  }
0x22a: {  	v1 =	vadd.f32 v51, v1;
	v2 =	vadd.f32 v55, v2  }
0x22b: {  	v57 =	vand.u32 $0xF, v56;
	v0 =	vadd.f32 v52, v0  }
0x22c: {  	v59 =	vperm.xlane v1, v38;
	v58 =	vperm.xlane v2, v57  }
0x22d: {  	v3 =	vperm.xlane v0, v38  }
0x22e: {  	v1 =	vadd.f32 v59, v1;
	v2 =	vadd.f32 v58, v2  }
0x22f: {  	v0 =	vadd.f32 v3, v0  }
0x230: {  	v60 =	vperm.xlane v1, v4;
	v2 =	vadd.f32 $9.999999740e-05, v2  }
0x231: {  	v4 =	vperm.xlane v0, v4  }
0x232: {  	v1 =	vadd.f32 v60, v1;
	(erf) = vrcp.f32 v2  }
0x233: {  	v0 =	vadd.f32 v4, v0  }
0x234: {  	v61 =	vperm.xlane v1, v5  }
0x235: {  	v62 =	vperm.xlane v0, v5  }
0x236: {  	v1 =	vadd.f32 v61, v1  }
0x237: {  	v0 =	vadd.f32 v62, v0  }
0x238: {  	v2 =	vperm.xlane v1, v57  }
0x239: {  	v3 =	vperm.xlane v0, v57  }
0x23a: {  	v1 =	vadd.f32 v2, v1  }
0x23b: {  	v0 =	vadd.f32 v3, v0;
	v63 =	vpop (erf)  }
0x23c: {  	v1 =	vmul.f32 v1, v63  }
0x23d: {  	vm0 =	vcmask $0x3F08;
	v0 =	vmul.f32 v0, v63  }
0x23e: {  	vm15 =	vmmov $0x1;
	v1 =	vsel vm0, $0x0, v1  }
0x23f: {  	v0 =	vsel vm15, v0, v1  }
0x240: {  	s1 =	sadd.s32 $0x1A00, s1;
	s31 =	simm.s32 $0x1880;
	[tilespmem:$0x1880] =	vst v0  }
0x241: {  	[hbm4b:s1+s2] =	stream.linear.scatter [tilespmem:s31], [sflag:$0x2], $0x80, $0x38;
	[tilespmem:$0x1900] =	vst v63  }
0x242: {  	_ =	swait.ge [sflag:s3], $0x80  }
0x243: {  	[sflag:s3] =	ssyncset.done $0x0  }
0x244: {  	[sflag:s3] =	ssyncadd.s32 $0xFFFFFF80  }
0x245: {  	_ =	sfence.sel $0x180000  }
0x246: {  	[bflag:$0x0] =	sbarrier.arrive $0xFFFF  }
0x247: {  	_ =	strace $0x90000047  }
0x248: {  	s0 =	sadd.s32 $0x100000, s0;
	[bflag:$0x2] =	sbarrier.arrive $0xFFFF  }
0x249: {  	[sflag:s0] =	ssyncadd.tile.s32 $0x1;
	_ =	shalt  }
.Lfunc_end2:
_tile_overlayer_lowered:
.L_overlay_start_2:
0x24a: {  	(tag) =	ssettag $0x2  }
0x24b: {  	s0 =	rddreg [dreg:$0x0];
	s2 =	stileid.u32  }
0x24c: {  	s1 =	rddreg [dreg:$0x1];
	p0 =	sne.s32 s2, $0x0  }
0x24d: {  	s3 =	rddreg [dreg:$0x2];
	[bflag:$0x3] =	sbarrier.arrive $0xFFFF;
	s2 =	simm.s32 @!p0 $0x1C02  }
0x24e: {  	[timem:s3], [sflag:s2] =	dma.local @!p0 [hbm:s0], s1  }
0x24f: {  	s0 =	simm.s32 @!p0 $0x2  }
0x250: {  	_ =	swait.ge @!p0 [sflag:s0], s1  }
0x251: {  	s1 =	ssub.s32 @!p0 $0x0, s1;
	[sflag:s0] =	ssyncset.done @!p0 $0x0  }
0x252: {  	[sflag:s0] =	ssyncadd.s32 @!p0 s1  }
0x253: {  	[bflag:$0x3] =	sbarrier.arrive $0xFFFF  }
0x254: {  	_ =	shalt  }

</sc_bundles>
